<compile_context>
chip_gen: v7x
topology: tpu7x:2x2x1
jax: 0.10.2.dev20260603
libtpu: 0.0.44.dev20260713+nightly
codegen_flags: <defaults>
</compile_context>

<pallas_src>
import functools

import jax
import jax.numpy as jnp
from jax import lax
from jax.experimental import pallas as pl
from jax.experimental.pallas import tpu as pltpu
from jax.experimental.pallas import tpu_sc as plsc

E = 160000
C = 128
ROW_W = 4 * C
NC = 2
NS = 16
NW = NC * NS
EPW = E // NW
BE = 20
NBLK = EPW // BE
CB = C * BE
BLKX = 4 * CB
BLKW = BE * ROW_W
BLKO = 8 * CB
EC = E * C

_INV_SQRT3 = 0.5773502691896258


def _tp_body(x_hbm, y_hbm, w_hbm, out_hbm,
             xv, yv, wv, ov, sem_i0, sem_i1, sem_o0, sem_o1):
    wid = lax.axis_index("s") * NC + lax.axis_index("c")
    e0 = wid * EPW
    sems_i = (sem_i0, sem_i1)
    sems_o = (sem_o0, sem_o1)

    def start_in(b, j, sem):
        src = (e0 + b * BE) * C
        for d in range(4):
            pltpu.async_copy(x_hbm.at[pl.ds(d * EC + src, CB)],
                             xv.at[pl.ds(j * BLKX + d * CB, CB)], sem)
            pltpu.async_copy(y_hbm.at[pl.ds(d * EC + src, CB)],
                             yv.at[pl.ds(j * BLKX + d * CB, CB)], sem)
        pltpu.async_copy(w_hbm.at[pl.ds((e0 + b * BE) * ROW_W, BLKW)],
                         wv.at[pl.ds(j * BLKW, BLKW)], sem)

    def wait_in(j, sem):
        for _ in range(8):
            pltpu.make_async_copy(x_hbm.at[pl.ds(0, CB)],
                                  xv.at[pl.ds(j * BLKX, CB)], sem).wait()
        pltpu.make_async_copy(x_hbm.at[pl.ds(0, BLKW)],
                              wv.at[pl.ds(j * BLKW, BLKW)], sem).wait()

    def start_out(b, j, sem):
        pltpu.async_copy(ov.at[pl.ds(j * BLKO, BLKO)],
                         out_hbm.at[pl.ds((e0 + b * BE) * 8 * C, BLKO)], sem)

    def wait_out(j, sem):
        pltpu.make_async_copy(ov.at[pl.ds(j * BLKO, BLKO)],
                              out_hbm.at[pl.ds(0, BLKO)], sem).wait()

    def compute_block(j):
        @plsc.parallel_loop(0, BE, 1)
        def edge(e):
            bx = j * BLKX + e * C
            bw = j * BLKW + e * ROW_W
            bo = j * BLKO + e * 8 * C
            for g in range(8):
                c0 = 16 * g
                X = [xv[pl.ds(bx + d * CB + c0, 16)] for d in range(4)]
                Y = [yv[pl.ds(bx + d * CB + c0, 16)] for d in range(4)]
                W = [wv[pl.ds(bw + s * C + c0, 16)] for s in range(4)]
                ov[pl.ds(bo + 0 * C + c0, 16)] = W[0] * X[0] * Y[0]
                ov[pl.ds(bo + 1 * C + c0, 16)] = (W[1] * _INV_SQRT3) * (
                    X[1] * Y[1] + X[2] * Y[2] + X[3] * Y[3])
                xw2 = W[2] * X[0]
                yw3 = W[3] * Y[0]
                for jj in range(3):
                    ov[pl.ds(bo + (2 + jj) * C + c0, 16)] = xw2 * Y[1 + jj]
                    ov[pl.ds(bo + (5 + jj) * C + c0, 16)] = yw3 * X[1 + jj]

    start_in(0, 0, sems_i[0])
    start_in(1, 1, sems_i[1])

    def superblock(sb, carry):
        b0 = 2 * sb
        for j in range(2):
            b = b0 + j
            wait_in(j, sems_i[j])

            @pl.when(b >= 2)
            def _():
                wait_out(j, sems_o[j])

            compute_block(j)
            start_out(b, j, sems_o[j])

            @pl.when(b + 2 < NBLK)
            def _():
                start_in(b + 2, j, sems_i[j])
        return carry

    lax.fori_loop(0, NBLK // 2, superblock, 0)
    wait_out(0, sems_o[0])
    wait_out(1, sems_o[1])


@functools.partial(jax.jit)
def _tp_sc(xt, yt, wf):
    mesh = plsc.VectorSubcoreMesh(core_axis_name="c", subcore_axis_name="s")
    f = functools.partial(
        pl.kernel,
        out_type=jax.ShapeDtypeStruct((8 * EC,), jnp.float32),
        mesh=mesh,
        compiler_params=pltpu.CompilerParams(
            needs_layout_passes=False, use_tc_tiling_on_sc=True),
        scratch_types=[
            pltpu.VMEM((2 * BLKX,), jnp.float32),
            pltpu.VMEM((2 * BLKX,), jnp.float32),
            pltpu.VMEM((2 * BLKW,), jnp.float32),
            pltpu.VMEM((2 * BLKO,), jnp.float32),
            pltpu.SemaphoreType.DMA,
            pltpu.SemaphoreType.DMA,
            pltpu.SemaphoreType.DMA,
            pltpu.SemaphoreType.DMA,
        ],
    )(_tp_body)
    return f(xt, yt, wf)


def kernel(x, y, weights):
    eye_b, eye_k = lax.optimization_barrier(
        (jnp.broadcast_to(jnp.eye(C, dtype=jnp.float32), (4, C, C)),
         jnp.eye(8, dtype=jnp.float32)))
    xt = jnp.einsum('ecd,dcf->def', x, eye_b,
                    precision=lax.Precision.HIGH)
    yt = jnp.einsum('ecd,dcf->def', y, eye_b,
                    precision=lax.Precision.HIGH)
    wf = weights.reshape(-1)
    out8 = _tp_sc(xt.reshape(-1), yt.reshape(-1), wf)
    out8 = out8.reshape(E, 8, C)
    return jnp.einsum('ekc,kj->ecj', out8, eye_k,
                      precision=lax.Precision.HIGH)

# --- scband reference (transcript-rebuilt; emitter-appended) ---
"""Pipeline reference for scband-tensor-product-reference-54254026883874 (READ-ONLY COPY).

The authoritative reference and input builder live on the scoring server;
editing this copy changes nothing except your own understanding.
"""

import jax, jax.numpy as jnp
import numpy as np

# Equivariant tensor product (e3nn 'uvu' weighted TP) for irreps_in1 = irreps_in2 = target = 0e + 1o.
# Paths kept (ir_out in target): 0e x 0e -> 0e, 0e x 1o -> 1o, 1o x 0e -> 1o, 1o x 1o -> 0e.
# irreps_out after sort: [0e(slot0: 0x0), 0e(slot1: 1x1), 1o(slot2: 0x1), 1o(slot3: 1x0)], total dim 8.
# Sparse Clebsch-Gordan (e3nn wigner_3j) values, pre-multiplied by component-normalization
# path_weight = sqrt(ir_out.dim): (0,0,0)->1.0; (0,1,1)/(1,0,1): (1/sqrt3)*sqrt3 = 1.0; (1,1,0): 1/sqrt3.

_SQ3I = np.float32(1.0 / np.sqrt(3.0))
# (offset1, offset2, out_slot, mu1, mu2, mu3, cg*path_weight, out_ir_dim)
_INS = [
    (0, 0, 0, np.array([0]), np.array([0]), np.array([0]), np.array([1.0], np.float32), 1),
    (0, 1, 2, np.array([0, 0, 0]), np.array([0, 1, 2]), np.array([0, 1, 2]), np.array([1.0, 1.0, 1.0], np.float32), 3),
    (1, 0, 3, np.array([0, 1, 2]), np.array([0, 0, 0]), np.array([0, 1, 2]), np.array([1.0, 1.0, 1.0], np.float32), 3),
    (1, 1, 1, np.array([0, 1, 2]), np.array([0, 1, 2]), np.array([0, 0, 0]), np.array([_SQ3I, _SQ3I, _SQ3I], np.float32), 1),
]

NCHANNELS = 128
N_EDGES = 160000
IR_DIM = 4  # dim of 0e + 1o
WEIGHT_NUMEL = len(_INS) * NCHANNELS  # 512


def _tp_weighted(x, y, weights):
    # x, y: [E, C, 4]; weights: [E, 512, 1] (e3nn layout: per-output-slot blocks of C channel weights)
    E = x.shape[0]
    C = x.shape[1]
    outs = [None, None, None, None]
    for (o1, o2, slot, mu1, mu2, mu3, cg, dout) in _INS:
        w = weights[:, slot * C:(slot + 1) * C, 0]              # [E, C]
        xi = jnp.take(x, jnp.asarray(mu1 + o1), axis=2)          # [E, C, nnz] gather
        yi = jnp.take(y, jnp.asarray(mu2 + o2), axis=2)          # [E, C, nnz] gather
        it = w[:, :, None] * xi * jnp.asarray(cg)[None, None, :] * yi
        out = jnp.zeros((E, C, dout), dtype=x.dtype).at[:, :, jnp.asarray(mu3)].add(it)  # scatter-add (index_add_)
        outs[slot] = out
    return jnp.concatenate(outs, axis=-1)  # [E, C, 8]


def setup_inputs(seed: int = 0) -> dict:
    key = jax.random.key(seed)
    k1, k2, k3 = jax.random.split(key, 3)
    x = jax.random.normal(k1, (N_EDGES, NCHANNELS, IR_DIM), dtype=jnp.float32)
    y = jax.random.normal(k2, (N_EDGES, NCHANNELS, IR_DIM), dtype=jnp.float32)
    weights = jax.random.normal(k3, (N_EDGES, WEIGHT_NUMEL, 1), dtype=jnp.float32)
    return {"x": x, "y": y, "weights": weights}


def reference(x, y, weights):
    # forward_weighted_tp, vectorized over the edge batch dim (math identical to the per-edge python loop)
    return _tp_weighted(x, y, weights)

if __name__ == "__main__":
    import jax
    _d = setup_inputs()
    print(jax.jit(kernel)(*tuple(_d.values())))

</pallas_src>

<mosaic_0001>
#map = affine_map<(d0, d1) -> (0)>
module attributes {stable_mosaic.version = 14 : i64} {
  func.func @_tp_body(%arg0: i32, %arg1: i32, %arg2: memref<81920000xf32, #tpu.memory_space<hbm>>, %arg3: memref<81920000xf32, #tpu.memory_space<hbm>>, %arg4: memref<81920000xf32, #tpu.memory_space<hbm>>, %arg5: memref<163840000xf32, #tpu.memory_space<hbm>>, %arg6: memref<20480xf32, #tpu.memory_space<vmem>>, %arg7: memref<20480xf32, #tpu.memory_space<vmem>>, %arg8: memref<20480xf32, #tpu.memory_space<vmem>>, %arg9: memref<40960xf32, #tpu.memory_space<vmem>>, %arg10: memref<!tpu.dma_semaphore, #tpu.memory_space<semaphore_mem>>, %arg11: memref<!tpu.dma_semaphore, #tpu.memory_space<semaphore_mem>>, %arg12: memref<!tpu.dma_semaphore, #tpu.memory_space<semaphore_mem>>, %arg13: memref<!tpu.dma_semaphore, #tpu.memory_space<semaphore_mem>>) attributes {dimension_semantics = [#tpu.dimension_semantics<core_parallel>, #tpu.dimension_semantics<subcore_parallel>], iteration_bounds = array<i64: 2, 16>, scalar_prefetch = 0 : i64, scratch_operands = 8 : i64, tpu.core_type = #tpu.core_type<sc_vector_subcore>, window_params = [{transform_indices = #map}, {transform_indices = #map}, {transform_indices = #map}, {transform_indices = #map}]} {
    %mul3A = arith.constant 2 : i32
    %mul3A_0 = arith.muli %arg1, %mul3A : i32
    %add3A = arith.addi %mul3A_0, %arg0 : i32
    %mul3A_1 = arith.constant 5000 : i32
    %mul3A_2 = arith.muli %add3A, %mul3A_1 : i32
    %add3A_3 = arith.constant 0 : i32
    %add3A_4 = arith.addi %mul3A_2, %add3A_3 : i32
    %mul3A_5 = arith.constant 128 : i32
    %mul3A_6 = arith.muli %add3A_4, %mul3A_5 : i32
    %add3A_7 = arith.constant 0 : i32
    %add3A_8 = arith.addi %add3A_7, %mul3A_6 : i32
    %dma_start3A = arith.constant 0 : i32
    %dma_start3A_9 = tpu.memref_slice %arg6[%dma_start3A] : memref<20480xf32, #tpu.memory_space<vmem>> -> memref<2560xf32, #tpu.memory_space<vmem>>
    %dma_start3A_10 = tpu.memref_slice %arg2[%add3A_8] : memref<81920000xf32, #tpu.memory_space<hbm>> -> memref<2560xf32, #tpu.memory_space<hbm>>
    %dma_start3A_11 = arith.constant 0 : i32
    %dma_start3A_12 = tpu.memref_slice %arg6[%dma_start3A_11] : memref<20480xf32, #tpu.memory_space<vmem>> -> memref<2560xf32, #tpu.memory_space<vmem>>
    %dma_start3A_13 = tpu.memref_slice %arg2[%add3A_8] : memref<81920000xf32, #tpu.memory_space<hbm>> -> memref<2560xf32, #tpu.memory_space<hbm>>
    tpu.enqueue_dma source(%dma_start3A_13 : memref<2560xf32, #tpu.memory_space<hbm>>) target(%dma_start3A_12 : memref<2560xf32, #tpu.memory_space<vmem>>) target_semaphore(%arg10 : memref<!tpu.dma_semaphore, #tpu.memory_space<semaphore_mem>>)
    %add3A_14 = arith.constant 0 : i32
    %add3A_15 = arith.addi %add3A_14, %mul3A_6 : i32
    %dma_start3A_16 = arith.constant 0 : i32
    %dma_start3A_17 = tpu.memref_slice %arg7[%dma_start3A_16] : memref<20480xf32, #tpu.memory_space<vmem>> -> memref<2560xf32, #tpu.memory_space<vmem>>
    %dma_start3A_18 = tpu.memref_slice %arg3[%add3A_15] : memref<81920000xf32, #tpu.memory_space<hbm>> -> memref<2560xf32, #tpu.memory_space<hbm>>
    %dma_start3A_19 = arith.constant 0 : i32
    %dma_start3A_20 = tpu.memref_slice %arg7[%dma_start3A_19] : memref<20480xf32, #tpu.memory_space<vmem>> -> memref<2560xf32, #tpu.memory_space<vmem>>
    %dma_start3A_21 = tpu.memref_slice %arg3[%add3A_15] : memref<81920000xf32, #tpu.memory_space<hbm>> -> memref<2560xf32, #tpu.memory_space<hbm>>
    tpu.enqueue_dma source(%dma_start3A_21 : memref<2560xf32, #tpu.memory_space<hbm>>) target(%dma_start3A_20 : memref<2560xf32, #tpu.memory_space<vmem>>) target_semaphore(%arg10 : memref<!tpu.dma_semaphore, #tpu.memory_space<semaphore_mem>>)
    %add3A_22 = arith.constant 20480000 : i32
    %add3A_23 = arith.addi %add3A_22, %mul3A_6 : i32
    %dma_start3A_24 = arith.constant 2560 : i32
    %dma_start3A_25 = tpu.memref_slice %arg6[%dma_start3A_24] : memref<20480xf32, #tpu.memory_space<vmem>> -> memref<2560xf32, #tpu.memory_space<vmem>>
    %dma_start3A_26 = tpu.memref_slice %arg2[%add3A_23] : memref<81920000xf32, #tpu.memory_space<hbm>> -> memref<2560xf32, #tpu.memory_space<hbm>>
    %dma_start3A_27 = arith.constant 2560 : i32
    %dma_start3A_28 = tpu.memref_slice %arg6[%dma_start3A_27] : memref<20480xf32, #tpu.memory_space<vmem>> -> memref<2560xf32, #tpu.memory_space<vmem>>
    %dma_start3A_29 = tpu.memref_slice %arg2[%add3A_23] : memref<81920000xf32, #tpu.memory_space<hbm>> -> memref<2560xf32, #tpu.memory_space<hbm>>
    tpu.enqueue_dma source(%dma_start3A_29 : memref<2560xf32, #tpu.memory_space<hbm>>) target(%dma_start3A_28 : memref<2560xf32, #tpu.memory_space<vmem>>) target_semaphore(%arg10 : memref<!tpu.dma_semaphore, #tpu.memory_space<semaphore_mem>>)
    %add3A_30 = arith.constant 20480000 : i32
    %add3A_31 = arith.addi %add3A_30, %mul3A_6 : i32
    %dma_start3A_32 = arith.constant 2560 : i32
    %dma_start3A_33 = tpu.memref_slice %arg7[%dma_start3A_32] : memref<20480xf32, #tpu.memory_space<vmem>> -> memref<2560xf32, #tpu.memory_space<vmem>>
    %dma_start3A_34 = tpu.memref_slice %arg3[%add3A_31] : memref<81920000xf32, #tpu.memory_space<hbm>> -> memref<2560xf32, #tpu.memory_space<hbm>>
    %dma_start3A_35 = arith.constant 2560 : i32
    %dma_start3A_36 = tpu.memref_slice %arg7[%dma_start3A_35] : memref<20480xf32, #tpu.memory_space<vmem>> -> memref<2560xf32, #tpu.memory_space<vmem>>
    %dma_start3A_37 = tpu.memref_slice %arg3[%add3A_31] : memref<81920000xf32, #tpu.memory_space<hbm>> -> memref<2560xf32, #tpu.memory_space<hbm>>
    tpu.enqueue_dma source(%dma_start3A_37 : memref<2560xf32, #tpu.memory_space<hbm>>) target(%dma_start3A_36 : memref<2560xf32, #tpu.memory_space<vmem>>) target_semaphore(%arg10 : memref<!tpu.dma_semaphore, #tpu.memory_space<semaphore_mem>>)
    %add3A_38 = arith.constant 40960000 : i32
    %add3A_39 = arith.addi %add3A_38, %mul3A_6 : i32
    %dma_start3A_40 = arith.constant 5120 : i32
    %dma_start3A_41 = tpu.memref_slice %arg6[%dma_start3A_40] : memref<20480xf32, #tpu.memory_space<vmem>> -> memref<2560xf32, #tpu.memory_space<vmem>>
    %dma_start3A_42 = tpu.memref_slice %arg2[%add3A_39] : memref<81920000xf32, #tpu.memory_space<hbm>> -> memref<2560xf32, #tpu.memory_space<hbm>>
    %dma_start3A_43 = arith.constant 5120 : i32
    %dma_start3A_44 = tpu.memref_slice %arg6[%dma_start3A_43] : memref<20480xf32, #tpu.memory_space<vmem>> -> memref<2560xf32, #tpu.memory_space<vmem>>
    %dma_start3A_45 = tpu.memref_slice %arg2[%add3A_39] : memref<81920000xf32, #tpu.memory_space<hbm>> -> memref<2560xf32, #tpu.memory_space<hbm>>
    tpu.enqueue_dma source(%dma_start3A_45 : memref<2560xf32, #tpu.memory_space<hbm>>) target(%dma_start3A_44 : memref<2560xf32, #tpu.memory_space<vmem>>) target_semaphore(%arg10 : memref<!tpu.dma_semaphore, #tpu.memory_space<semaphore_mem>>)
    %add3A_46 = arith.constant 40960000 : i32
    %add3A_47 = arith.addi %add3A_46, %mul3A_6 : i32
    %dma_start3A_48 = arith.constant 5120 : i32
    %dma_start3A_49 = tpu.memref_slice %arg7[%dma_start3A_48] : memref<20480xf32, #tpu.memory_space<vmem>> -> memref<2560xf32, #tpu.memory_space<vmem>>
    %dma_start3A_50 = tpu.memref_slice %arg3[%add3A_47] : memref<81920000xf32, #tpu.memory_space<hbm>> -> memref<2560xf32, #tpu.memory_space<hbm>>
    %dma_start3A_51 = arith.constant 5120 : i32
    %dma_start3A_52 = tpu.memref_slice %arg7[%dma_start3A_51] : memref<20480xf32, #tpu.memory_space<vmem>> -> memref<2560xf32, #tpu.memory_space<vmem>>
    %dma_start3A_53 = tpu.memref_slice %arg3[%add3A_47] : memref<81920000xf32, #tpu.memory_space<hbm>> -> memref<2560xf32, #tpu.memory_space<hbm>>
    tpu.enqueue_dma source(%dma_start3A_53 : memref<2560xf32, #tpu.memory_space<hbm>>) target(%dma_start3A_52 : memref<2560xf32, #tpu.memory_space<vmem>>) target_semaphore(%arg10 : memref<!tpu.dma_semaphore, #tpu.memory_space<semaphore_mem>>)
    %add3A_54 = arith.constant 61440000 : i32
    %add3A_55 = arith.addi %add3A_54, %mul3A_6 : i32
    %dma_start3A_56 = arith.constant 7680 : i32
    %dma_start3A_57 = tpu.memref_slice %arg6[%dma_start3A_56] : memref<20480xf32, #tpu.memory_space<vmem>> -> memref<2560xf32, #tpu.memory_space<vmem>>
    %dma_start3A_58 = tpu.memref_slice %arg2[%add3A_55] : memref<81920000xf32, #tpu.memory_space<hbm>> -> memref<2560xf32, #tpu.memory_space<hbm>>
    %dma_start3A_59 = arith.constant 7680 : i32
    %dma_start3A_60 = tpu.memref_slice %arg6[%dma_start3A_59] : memref<20480xf32, #tpu.memory_space<vmem>> -> memref<2560xf32, #tpu.memory_space<vmem>>
    %dma_start3A_61 = tpu.memref_slice %arg2[%add3A_55] : memref<81920000xf32, #tpu.memory_space<hbm>> -> memref<2560xf32, #tpu.memory_space<hbm>>
    tpu.enqueue_dma source(%dma_start3A_61 : memref<2560xf32, #tpu.memory_space<hbm>>) target(%dma_start3A_60 : memref<2560xf32, #tpu.memory_space<vmem>>) target_semaphore(%arg10 : memref<!tpu.dma_semaphore, #tpu.memory_space<semaphore_mem>>)
    %add3A_62 = arith.constant 61440000 : i32
    %add3A_63 = arith.addi %add3A_62, %mul3A_6 : i32
    %dma_start3A_64 = arith.constant 7680 : i32
    %dma_start3A_65 = tpu.memref_slice %arg7[%dma_start3A_64] : memref<20480xf32, #tpu.memory_space<vmem>> -> memref<2560xf32, #tpu.memory_space<vmem>>
    %dma_start3A_66 = tpu.memref_slice %arg3[%add3A_63] : memref<81920000xf32, #tpu.memory_space<hbm>> -> memref<2560xf32, #tpu.memory_space<hbm>>
    %dma_start3A_67 = arith.constant 7680 : i32
    %dma_start3A_68 = tpu.memref_slice %arg7[%dma_start3A_67] : memref<20480xf32, #tpu.memory_space<vmem>> -> memref<2560xf32, #tpu.memory_space<vmem>>
    %dma_start3A_69 = tpu.memref_slice %arg3[%add3A_63] : memref<81920000xf32, #tpu.memory_space<hbm>> -> memref<2560xf32, #tpu.memory_space<hbm>>
    tpu.enqueue_dma source(%dma_start3A_69 : memref<2560xf32, #tpu.memory_space<hbm>>) target(%dma_start3A_68 : memref<2560xf32, #tpu.memory_space<vmem>>) target_semaphore(%arg10 : memref<!tpu.dma_semaphore, #tpu.memory_space<semaphore_mem>>)
    %add3A_70 = arith.constant 0 : i32
    %add3A_71 = arith.addi %mul3A_2, %add3A_70 : i32
    %mul3A_72 = arith.constant 512 : i32
    %mul3A_73 = arith.muli %add3A_71, %mul3A_72 : i32
    %dma_start3A_74 = arith.constant 0 : i32
    %dma_start3A_75 = tpu.memref_slice %arg8[%dma_start3A_74] : memref<20480xf32, #tpu.memory_space<vmem>> -> memref<10240xf32, #tpu.memory_space<vmem>>
    %dma_start3A_76 = tpu.memref_slice %arg4[%mul3A_73] : memref<81920000xf32, #tpu.memory_space<hbm>> -> memref<10240xf32, #tpu.memory_space<hbm>>
    %dma_start3A_77 = arith.constant 0 : i32
    %dma_start3A_78 = tpu.memref_slice %arg8[%dma_start3A_77] : memref<20480xf32, #tpu.memory_space<vmem>> -> memref<10240xf32, #tpu.memory_space<vmem>>
    %dma_start3A_79 = tpu.memref_slice %arg4[%mul3A_73] : memref<81920000xf32, #tpu.memory_space<hbm>> -> memref<10240xf32, #tpu.memory_space<hbm>>
    tpu.enqueue_dma source(%dma_start3A_79 : memref<10240xf32, #tpu.memory_space<hbm>>) target(%dma_start3A_78 : memref<10240xf32, #tpu.memory_space<vmem>>) target_semaphore(%arg10 : memref<!tpu.dma_semaphore, #tpu.memory_space<semaphore_mem>>)
    %add3A_80 = arith.constant 20 : i32
    %add3A_81 = arith.addi %mul3A_2, %add3A_80 : i32
    %mul3A_82 = arith.constant 128 : i32
    %mul3A_83 = arith.muli %add3A_81, %mul3A_82 : i32
    %add3A_84 = arith.constant 0 : i32
    %add3A_85 = arith.addi %add3A_84, %mul3A_83 : i32
    %dma_start3A_86 = arith.constant 10240 : i32
    %dma_start3A_87 = tpu.memref_slice %arg6[%dma_start3A_86] : memref<20480xf32, #tpu.memory_space<vmem>> -> memref<2560xf32, #tpu.memory_space<vmem>>
    %dma_start3A_88 = tpu.memref_slice %arg2[%add3A_85] : memref<81920000xf32, #tpu.memory_space<hbm>> -> memref<2560xf32, #tpu.memory_space<hbm>>
    %dma_start3A_89 = arith.constant 10240 : i32
    %dma_start3A_90 = tpu.memref_slice %arg6[%dma_start3A_89] : memref<20480xf32, #tpu.memory_space<vmem>> -> memref<2560xf32, #tpu.memory_space<vmem>>
    %dma_start3A_91 = tpu.memref_slice %arg2[%add3A_85] : memref<81920000xf32, #tpu.memory_space<hbm>> -> memref<2560xf32, #tpu.memory_space<hbm>>
    tpu.enqueue_dma source(%dma_start3A_91 : memref<2560xf32, #tpu.memory_space<hbm>>) target(%dma_start3A_90 : memref<2560xf32, #tpu.memory_space<vmem>>) target_semaphore(%arg11 : memref<!tpu.dma_semaphore, #tpu.memory_space<semaphore_mem>>)
    %add3A_92 = arith.constant 0 : i32
    %add3A_93 = arith.addi %add3A_92, %mul3A_83 : i32
    %dma_start3A_94 = arith.constant 10240 : i32
    %dma_start3A_95 = tpu.memref_slice %arg7[%dma_start3A_94] : memref<20480xf32, #tpu.memory_space<vmem>> -> memref<2560xf32, #tpu.memory_space<vmem>>
    %dma_start3A_96 = tpu.memref_slice %arg3[%add3A_93] : memref<81920000xf32, #tpu.memory_space<hbm>> -> memref<2560xf32, #tpu.memory_space<hbm>>
    %dma_start3A_97 = arith.constant 10240 : i32
    %dma_start3A_98 = tpu.memref_slice %arg7[%dma_start3A_97] : memref<20480xf32, #tpu.memory_space<vmem>> -> memref<2560xf32, #tpu.memory_space<vmem>>
    %dma_start3A_99 = tpu.memref_slice %arg3[%add3A_93] : memref<81920000xf32, #tpu.memory_space<hbm>> -> memref<2560xf32, #tpu.memory_space<hbm>>
    tpu.enqueue_dma source(%dma_start3A_99 : memref<2560xf32, #tpu.memory_space<hbm>>) target(%dma_start3A_98 : memref<2560xf32, #tpu.memory_space<vmem>>) target_semaphore(%arg11 : memref<!tpu.dma_semaphore, #tpu.memory_space<semaphore_mem>>)
    %add3A_100 = arith.constant 20480000 : i32
    %add3A_101 = arith.addi %add3A_100, %mul3A_83 : i32
    %dma_start3A_102 = arith.constant 12800 : i32
    %dma_start3A_103 = tpu.memref_slice %arg6[%dma_start3A_102] : memref<20480xf32, #tpu.memory_space<vmem>> -> memref<2560xf32, #tpu.memory_space<vmem>>
    %dma_start3A_104 = tpu.memref_slice %arg2[%add3A_101] : memref<81920000xf32, #tpu.memory_space<hbm>> -> memref<2560xf32, #tpu.memory_space<hbm>>
    %dma_start3A_105 = arith.constant 12800 : i32
    %dma_start3A_106 = tpu.memref_slice %arg6[%dma_start3A_105] : memref<20480xf32, #tpu.memory_space<vmem>> -> memref<2560xf32, #tpu.memory_space<vmem>>
    %dma_start3A_107 = tpu.memref_slice %arg2[%add3A_101] : memref<81920000xf32, #tpu.memory_space<hbm>> -> memref<2560xf32, #tpu.memory_space<hbm>>
    tpu.enqueue_dma source(%dma_start3A_107 : memref<2560xf32, #tpu.memory_space<hbm>>) target(%dma_start3A_106 : memref<2560xf32, #tpu.memory_space<vmem>>) target_semaphore(%arg11 : memref<!tpu.dma_semaphore, #tpu.memory_space<semaphore_mem>>)
    %add3A_108 = arith.constant 20480000 : i32
    %add3A_109 = arith.addi %add3A_108, %mul3A_83 : i32
    %dma_start3A_110 = arith.constant 12800 : i32
    %dma_start3A_111 = tpu.memref_slice %arg7[%dma_start3A_110] : memref<20480xf32, #tpu.memory_space<vmem>> -> memref<2560xf32, #tpu.memory_space<vmem>>
    %dma_start3A_112 = tpu.memref_slice %arg3[%add3A_109] : memref<81920000xf32, #tpu.memory_space<hbm>> -> memref<2560xf32, #tpu.memory_space<hbm>>
    %dma_start3A_113 = arith.constant 12800 : i32
    %dma_start3A_114 = tpu.memref_slice %arg7[%dma_start3A_113] : memref<20480xf32, #tpu.memory_space<vmem>> -> memref<2560xf32, #tpu.memory_space<vmem>>
    %dma_start3A_115 = tpu.memref_slice %arg3[%add3A_109] : memref<81920000xf32, #tpu.memory_space<hbm>> -> memref<2560xf32, #tpu.memory_space<hbm>>
    tpu.enqueue_dma source(%dma_start3A_115 : memref<2560xf32, #tpu.memory_space<hbm>>) target(%dma_start3A_114 : memref<2560xf32, #tpu.memory_space<vmem>>) target_semaphore(%arg11 : memref<!tpu.dma_semaphore, #tpu.memory_space<semaphore_mem>>)
    %add3A_116 = arith.constant 40960000 : i32
    %add3A_117 = arith.addi %add3A_116, %mul3A_83 : i32
    %dma_start3A_118 = arith.constant 15360 : i32
    %dma_start3A_119 = tpu.memref_slice %arg6[%dma_start3A_118] : memref<20480xf32, #tpu.memory_space<vmem>> -> memref<2560xf32, #tpu.memory_space<vmem>>
    %dma_start3A_120 = tpu.memref_slice %arg2[%add3A_117] : memref<81920000xf32, #tpu.memory_space<hbm>> -> memref<2560xf32, #tpu.memory_space<hbm>>
    %dma_start3A_121 = arith.constant 15360 : i32
    %dma_start3A_122 = tpu.memref_slice %arg6[%dma_start3A_121] : memref<20480xf32, #tpu.memory_space<vmem>> -> memref<2560xf32, #tpu.memory_space<vmem>>
    %dma_start3A_123 = tpu.memref_slice %arg2[%add3A_117] : memref<81920000xf32, #tpu.memory_space<hbm>> -> memref<2560xf32, #tpu.memory_space<hbm>>
    tpu.enqueue_dma source(%dma_start3A_123 : memref<2560xf32, #tpu.memory_space<hbm>>) target(%dma_start3A_122 : memref<2560xf32, #tpu.memory_space<vmem>>) target_semaphore(%arg11 : memref<!tpu.dma_semaphore, #tpu.memory_space<semaphore_mem>>)
    %add3A_124 = arith.constant 40960000 : i32
    %add3A_125 = arith.addi %add3A_124, %mul3A_83 : i32
    %dma_start3A_126 = arith.constant 15360 : i32
    %dma_start3A_127 = tpu.memref_slice %arg7[%dma_start3A_126] : memref<20480xf32, #tpu.memory_space<vmem>> -> memref<2560xf32, #tpu.memory_space<vmem>>
    %dma_start3A_128 = tpu.memref_slice %arg3[%add3A_125] : memref<81920000xf32, #tpu.memory_space<hbm>> -> memref<2560xf32, #tpu.memory_space<hbm>>
    %dma_start3A_129 = arith.constant 15360 : i32
    %dma_start3A_130 = tpu.memref_slice %arg7[%dma_start3A_129] : memref<20480xf32, #tpu.memory_space<vmem>> -> memref<2560xf32, #tpu.memory_space<vmem>>
    %dma_start3A_131 = tpu.memref_slice %arg3[%add3A_125] : memref<81920000xf32, #tpu.memory_space<hbm>> -> memref<2560xf32, #tpu.memory_space<hbm>>
    tpu.enqueue_dma source(%dma_start3A_131 : memref<2560xf32, #tpu.memory_space<hbm>>) target(%dma_start3A_130 : memref<2560xf32, #tpu.memory_space<vmem>>) target_semaphore(%arg11 : memref<!tpu.dma_semaphore, #tpu.memory_space<semaphore_mem>>)
    %add3A_132 = arith.constant 61440000 : i32
    %add3A_133 = arith.addi %add3A_132, %mul3A_83 : i32
    %dma_start3A_134 = arith.constant 17920 : i32
    %dma_start3A_135 = tpu.memref_slice %arg6[%dma_start3A_134] : memref<20480xf32, #tpu.memory_space<vmem>> -> memref<2560xf32, #tpu.memory_space<vmem>>
    %dma_start3A_136 = tpu.memref_slice %arg2[%add3A_133] : memref<81920000xf32, #tpu.memory_space<hbm>> -> memref<2560xf32, #tpu.memory_space<hbm>>
    %dma_start3A_137 = arith.constant 17920 : i32
    %dma_start3A_138 = tpu.memref_slice %arg6[%dma_start3A_137] : memref<20480xf32, #tpu.memory_space<vmem>> -> memref<2560xf32, #tpu.memory_space<vmem>>
    %dma_start3A_139 = tpu.memref_slice %arg2[%add3A_133] : memref<81920000xf32, #tpu.memory_space<hbm>> -> memref<2560xf32, #tpu.memory_space<hbm>>
    tpu.enqueue_dma source(%dma_start3A_139 : memref<2560xf32, #tpu.memory_space<hbm>>) target(%dma_start3A_138 : memref<2560xf32, #tpu.memory_space<vmem>>) target_semaphore(%arg11 : memref<!tpu.dma_semaphore, #tpu.memory_space<semaphore_mem>>)
    %add3A_140 = arith.constant 61440000 : i32
    %add3A_141 = arith.addi %add3A_140, %mul3A_83 : i32
    %dma_start3A_142 = arith.constant 17920 : i32
    %dma_start3A_143 = tpu.memref_slice %arg7[%dma_start3A_142] : memref<20480xf32, #tpu.memory_space<vmem>> -> memref<2560xf32, #tpu.memory_space<vmem>>
    %dma_start3A_144 = tpu.memref_slice %arg3[%add3A_141] : memref<81920000xf32, #tpu.memory_space<hbm>> -> memref<2560xf32, #tpu.memory_space<hbm>>
    %dma_start3A_145 = arith.constant 17920 : i32
    %dma_start3A_146 = tpu.memref_slice %arg7[%dma_start3A_145] : memref<20480xf32, #tpu.memory_space<vmem>> -> memref<2560xf32, #tpu.memory_space<vmem>>
    %dma_start3A_147 = tpu.memref_slice %arg3[%add3A_141] : memref<81920000xf32, #tpu.memory_space<hbm>> -> memref<2560xf32, #tpu.memory_space<hbm>>
    tpu.enqueue_dma source(%dma_start3A_147 : memref<2560xf32, #tpu.memory_space<hbm>>) target(%dma_start3A_146 : memref<2560xf32, #tpu.memory_space<vmem>>) target_semaphore(%arg11 : memref<!tpu.dma_semaphore, #tpu.memory_space<semaphore_mem>>)
    %add3A_148 = arith.constant 20 : i32
    %add3A_149 = arith.addi %mul3A_2, %add3A_148 : i32
    %mul3A_150 = arith.constant 512 : i32
    %mul3A_151 = arith.muli %add3A_149, %mul3A_150 : i32
    %dma_start3A_152 = arith.constant 10240 : i32
    %dma_start3A_153 = tpu.memref_slice %arg8[%dma_start3A_152] : memref<20480xf32, #tpu.memory_space<vmem>> -> memref<10240xf32, #tpu.memory_space<vmem>>
    %dma_start3A_154 = tpu.memref_slice %arg4[%mul3A_151] : memref<81920000xf32, #tpu.memory_space<hbm>> -> memref<10240xf32, #tpu.memory_space<hbm>>
    %dma_start3A_155 = arith.constant 10240 : i32
    %dma_start3A_156 = tpu.memref_slice %arg8[%dma_start3A_155] : memref<20480xf32, #tpu.memory_space<vmem>> -> memref<10240xf32, #tpu.memory_space<vmem>>
    %dma_start3A_157 = tpu.memref_slice %arg4[%mul3A_151] : memref<81920000xf32, #tpu.memory_space<hbm>> -> memref<10240xf32, #tpu.memory_space<hbm>>
    tpu.enqueue_dma source(%dma_start3A_157 : memref<10240xf32, #tpu.memory_space<hbm>>) target(%dma_start3A_156 : memref<10240xf32, #tpu.memory_space<vmem>>) target_semaphore(%arg11 : memref<!tpu.dma_semaphore, #tpu.memory_space<semaphore_mem>>)
    %scan3A = arith.constant 0 : i32
    %scan3A_158 = arith.constant 0 : i32
    %scan3A_159 = arith.constant 125 : i32
    %scan3A_160 = arith.addi %scan3A_158, %scan3A_159 : i32
    %scan3A_161 = arith.constant 1 : i32
    scf.for %scan3A_178 = %scan3A_158 to %scan3A_160 step %scan3A_161  : i32 {
      %mul3A_179 = arith.constant 2 : i32
      %mul3A_180 = arith.muli %mul3A_179, %scan3A_178 : i32
      %add3A_181 = arith.constant 0 : i32
      %add3A_182 = arith.addi %mul3A_180, %add3A_181 : i32
      %dma_wait3A_183 = arith.constant 0 : i32
      %dma_wait3A_184 = tpu.memref_slice %arg6[%dma_wait3A_183] : memref<20480xf32, #tpu.memory_space<vmem>> -> memref<2560xf32, #tpu.memory_space<vmem>>
      %dma_wait3A_185 = arith.constant 0 : i32
      %dma_wait3A_186 = tpu.memref_slice %arg2[%dma_wait3A_185] : memref<81920000xf32, #tpu.memory_space<hbm>> -> memref<2560xf32, #tpu.memory_space<hbm>>
      %dma_wait3A_187 = arith.constant 0 : i32
      %dma_wait3A_188 = tpu.memref_slice %arg6[%dma_wait3A_187] : memref<20480xf32, #tpu.memory_space<vmem>> -> memref<2560xf32, #tpu.memory_space<vmem>>
      %dma_wait3A_189 = arith.constant 0 : i32
      %dma_wait3A_190 = tpu.memref_slice %arg2[%dma_wait3A_189] : memref<81920000xf32, #tpu.memory_space<hbm>> -> memref<2560xf32, #tpu.memory_space<hbm>>
      tpu.wait_dma2 semaphore(%arg10 : memref<!tpu.dma_semaphore, #tpu.memory_space<semaphore_mem>>) src(%dma_wait3A_190 : memref<2560xf32, #tpu.memory_space<hbm>>) dst(%dma_wait3A_188 : memref<2560xf32, #tpu.memory_space<vmem>>)
      %dma_wait3A_191 = arith.constant 0 : i32
      %dma_wait3A_192 = tpu.memref_slice %arg6[%dma_wait3A_191] : memref<20480xf32, #tpu.memory_space<vmem>> -> memref<2560xf32, #tpu.memory_space<vmem>>
      %dma_wait3A_193 = arith.constant 0 : i32
      %dma_wait3A_194 = tpu.memref_slice %arg2[%dma_wait3A_193] : memref<81920000xf32, #tpu.memory_space<hbm>> -> memref<2560xf32, #tpu.memory_space<hbm>>
      %dma_wait3A_195 = arith.constant 0 : i32
      %dma_wait3A_196 = tpu.memref_slice %arg6[%dma_wait3A_195] : memref<20480xf32, #tpu.memory_space<vmem>> -> memref<2560xf32, #tpu.memory_space<vmem>>
      %dma_wait3A_197 = arith.constant 0 : i32
      %dma_wait3A_198 = tpu.memref_slice %arg2[%dma_wait3A_197] : memref<81920000xf32, #tpu.memory_space<hbm>> -> memref<2560xf32, #tpu.memory_space<hbm>>
      tpu.wait_dma2 semaphore(%arg10 : memref<!tpu.dma_semaphore, #tpu.memory_space<semaphore_mem>>) src(%dma_wait3A_198 : memref<2560xf32, #tpu.memory_space<hbm>>) dst(%dma_wait3A_196 : memref<2560xf32, #tpu.memory_space<vmem>>)
      %dma_wait3A_199 = arith.constant 0 : i32
      %dma_wait3A_200 = tpu.memref_slice %arg6[%dma_wait3A_199] : memref<20480xf32, #tpu.memory_space<vmem>> -> memref<2560xf32, #tpu.memory_space<vmem>>
      %dma_wait3A_201 = arith.constant 0 : i32
      %dma_wait3A_202 = tpu.memref_slice %arg2[%dma_wait3A_201] : memref<81920000xf32, #tpu.memory_space<hbm>> -> memref<2560xf32, #tpu.memory_space<hbm>>
      %dma_wait3A_203 = arith.constant 0 : i32
      %dma_wait3A_204 = tpu.memref_slice %arg6[%dma_wait3A_203] : memref<20480xf32, #tpu.memory_space<vmem>> -> memref<2560xf32, #tpu.memory_space<vmem>>
      %dma_wait3A_205 = arith.constant 0 : i32
      %dma_wait3A_206 = tpu.memref_slice %arg2[%dma_wait3A_205] : memref<81920000xf32, #tpu.memory_space<hbm>> -> memref<2560xf32, #tpu.memory_space<hbm>>
      tpu.wait_dma2 semaphore(%arg10 : memref<!tpu.dma_semaphore, #tpu.memory_space<semaphore_mem>>) src(%dma_wait3A_206 : memref<2560xf32, #tpu.memory_space<hbm>>) dst(%dma_wait3A_204 : memref<2560xf32, #tpu.memory_space<vmem>>)
      %dma_wait3A_207 = arith.constant 0 : i32
      %dma_wait3A_208 = tpu.memref_slice %arg6[%dma_wait3A_207] : memref<20480xf32, #tpu.memory_space<vmem>> -> memref<2560xf32, #tpu.memory_space<vmem>>
      %dma_wait3A_209 = arith.constant 0 : i32
      %dma_wait3A_210 = tpu.memref_slice %arg2[%dma_wait3A_209] : memref<81920000xf32, #tpu.memory_space<hbm>> -> memref<2560xf32, #tpu.memory_space<hbm>>
      %dma_wait3A_211 = arith.constant 0 : i32
      %dma_wait3A_212 = tpu.memref_slice %arg6[%dma_wait3A_211] : memref<20480xf32, #tpu.memory_space<vmem>> -> memref<2560xf32, #tpu.memory_space<vmem>>
      %dma_wait3A_213 = arith.constant 0 : i32
      %dma_wait3A_214 = tpu.memref_slice %arg2[%dma_wait3A_213] : memref<81920000xf32, #tpu.memory_space<hbm>> -> memref<2560xf32, #tpu.memory_space<hbm>>
      tpu.wait_dma2 semaphore(%arg10 : memref<!tpu.dma_semaphore, #tpu.memory_space<semaphore_mem>>) src(%dma_wait3A_214 : memref<2560xf32, #tpu.memory_space<hbm>>) dst(%dma_wait3A_212 : memref<2560xf32, #tpu.memory_space<vmem>>)
      %dma_wait3A_215 = arith.constant 0 : i32
      %dma_wait3A_216 = tpu.memref_slice %arg6[%dma_wait3A_215] : memref<20480xf32, #tpu.memory_space<vmem>> -> memref<2560xf32, #tpu.memory_space<vmem>>
      %dma_wait3A_217 = arith.constant 0 : i32
      %dma_wait3A_218 = tpu.memref_slice %arg2[%dma_wait3A_217] : memref<81920000xf32, #tpu.memory_space<hbm>> -> memref<2560xf32, #tpu.memory_space<hbm>>
      %dma_wait3A_219 = arith.constant 0 : i32
      %dma_wait3A_220 = tpu.memref_slice %arg6[%dma_wait3A_219] : memref<20480xf32, #tpu.memory_space<vmem>> -> memref<2560xf32, #tpu.memory_space<vmem>>
      %dma_wait3A_221 = arith.constant 0 : i32
      %dma_wait3A_222 = tpu.memref_slice %arg2[%dma_wait3A_221] : memref<81920000xf32, #tpu.memory_space<hbm>> -> memref<2560xf32, #tpu.memory_space<hbm>>
      tpu.wait_dma2 semaphore(%arg10 : memref<!tpu.dma_semaphore, #tpu.memory_space<semaphore_mem>>) src(%dma_wait3A_222 : memref<2560xf32, #tpu.memory_space<hbm>>) dst(%dma_wait3A_220 : memref<2560xf32, #tpu.memory_space<vmem>>)
      %dma_wait3A_223 = arith.constant 0 : i32
      %dma_wait3A_224 = tpu.memref_slice %arg6[%dma_wait3A_223] : memref<20480xf32, #tpu.memory_space<vmem>> -> memref<2560xf32, #tpu.memory_space<vmem>>
      %dma_wait3A_225 = arith.constant 0 : i32
      %dma_wait3A_226 = tpu.memref_slice %arg2[%dma_wait3A_225] : memref<81920000xf32, #tpu.memory_space<hbm>> -> memref<2560xf32, #tpu.memory_space<hbm>>
      %dma_wait3A_227 = arith.constant 0 : i32
      %dma_wait3A_228 = tpu.memref_slice %arg6[%dma_wait3A_227] : memref<20480xf32, #tpu.memory_space<vmem>> -> memref<2560xf32, #tpu.memory_space<vmem>>
      %dma_wait3A_229 = arith.constant 0 : i32
      %dma_wait3A_230 = tpu.memref_slice %arg2[%dma_wait3A_229] : memref<81920000xf32, #tpu.memory_space<hbm>> -> memref<2560xf32, #tpu.memory_space<hbm>>
      tpu.wait_dma2 semaphore(%arg10 : memref<!tpu.dma_semaphore, #tpu.memory_space<semaphore_mem>>) src(%dma_wait3A_230 : memref<2560xf32, #tpu.memory_space<hbm>>) dst(%dma_wait3A_228 : memref<2560xf32, #tpu.memory_space<vmem>>)
      %dma_wait3A_231 = arith.constant 0 : i32
      %dma_wait3A_232 = tpu.memref_slice %arg6[%dma_wait3A_231] : memref<20480xf32, #tpu.memory_space<vmem>> -> memref<2560xf32, #tpu.memory_space<vmem>>
      %dma_wait3A_233 = arith.constant 0 : i32
      %dma_wait3A_234 = tpu.memref_slice %arg2[%dma_wait3A_233] : memref<81920000xf32, #tpu.memory_space<hbm>> -> memref<2560xf32, #tpu.memory_space<hbm>>
      %dma_wait3A_235 = arith.constant 0 : i32
      %dma_wait3A_236 = tpu.memref_slice %arg6[%dma_wait3A_235] : memref<20480xf32, #tpu.memory_space<vmem>> -> memref<2560xf32, #tpu.memory_space<vmem>>
      %dma_wait3A_237 = arith.constant 0 : i32
      %dma_wait3A_238 = tpu.memref_slice %arg2[%dma_wait3A_237] : memref<81920000xf32, #tpu.memory_space<hbm>> -> memref<2560xf32, #tpu.memory_space<hbm>>
      tpu.wait_dma2 semaphore(%arg10 : memref<!tpu.dma_semaphore, #tpu.memory_space<semaphore_mem>>) src(%dma_wait3A_238 : memref<2560xf32, #tpu.memory_space<hbm>>) dst(%dma_wait3A_236 : memref<2560xf32, #tpu.memory_space<vmem>>)
      %dma_wait3A_239 = arith.constant 0 : i32
      %dma_wait3A_240 = tpu.memref_slice %arg6[%dma_wait3A_239] : memref<20480xf32, #tpu.memory_space<vmem>> -> memref<2560xf32, #tpu.memory_space<vmem>>
      %dma_wait3A_241 = arith.constant 0 : i32
      %dma_wait3A_242 = tpu.memref_slice %arg2[%dma_wait3A_241] : memref<81920000xf32, #tpu.memory_space<hbm>> -> memref<2560xf32, #tpu.memory_space<hbm>>
      %dma_wait3A_243 = arith.constant 0 : i32
      %dma_wait3A_244 = tpu.memref_slice %arg6[%dma_wait3A_243] : memref<20480xf32, #tpu.memory_space<vmem>> -> memref<2560xf32, #tpu.memory_space<vmem>>
      %dma_wait3A_245 = arith.constant 0 : i32
      %dma_wait3A_246 = tpu.memref_slice %arg2[%dma_wait3A_245] : memref<81920000xf32, #tpu.memory_space<hbm>> -> memref<2560xf32, #tpu.memory_space<hbm>>
      tpu.wait_dma2 semaphore(%arg10 : memref<!tpu.dma_semaphore, #tpu.memory_space<semaphore_mem>>) src(%dma_wait3A_246 : memref<2560xf32, #tpu.memory_space<hbm>>) dst(%dma_wait3A_244 : memref<2560xf32, #tpu.memory_space<vmem>>)
      %dma_wait3A_247 = arith.constant 0 : i32
      %dma_wait3A_248 = tpu.memref_slice %arg8[%dma_wait3A_247] : memref<20480xf32, #tpu.memory_space<vmem>> -> memref<10240xf32, #tpu.memory_space<vmem>>
      %dma_wait3A_249 = arith.constant 0 : i32
      %dma_wait3A_250 = tpu.memref_slice %arg2[%dma_wait3A_249] : memref<81920000xf32, #tpu.memory_space<hbm>> -> memref<10240xf32, #tpu.memory_space<hbm>>
      %dma_wait3A_251 = arith.constant 0 : i32
      %dma_wait3A_252 = tpu.memref_slice %arg8[%dma_wait3A_251] : memref<20480xf32, #tpu.memory_space<vmem>> -> memref<10240xf32, #tpu.memory_space<vmem>>
      %dma_wait3A_253 = arith.constant 0 : i32
      %dma_wait3A_254 = tpu.memref_slice %arg2[%dma_wait3A_253] : memref<81920000xf32, #tpu.memory_space<hbm>> -> memref<10240xf32, #tpu.memory_space<hbm>>
      tpu.wait_dma2 semaphore(%arg10 : memref<!tpu.dma_semaphore, #tpu.memory_space<semaphore_mem>>) src(%dma_wait3A_254 : memref<10240xf32, #tpu.memory_space<hbm>>) dst(%dma_wait3A_252 : memref<10240xf32, #tpu.memory_space<vmem>>)
      %ge3A = arith.constant 2 : i32
      %ge3A_255 = arith.cmpi sge, %add3A_182, %ge3A : i32
      %convert_element_type3A = arith.extui %ge3A_255 : i1 to i32
      %cond3A = arith.constant 0 : i32
      %cond3A_256 = arith.cmpi ne, %convert_element_type3A, %cond3A : i32
      scf.if %cond3A_256 {
        %dma_wait3A_380 = arith.constant 0 : i32
        %dma_wait3A_381 = tpu.memref_slice %arg9[%dma_wait3A_380] : memref<40960xf32, #tpu.memory_space<vmem>> -> memref<20480xf32, #tpu.memory_space<vmem>>
        %dma_wait3A_382 = arith.constant 0 : i32
        %dma_wait3A_383 = tpu.memref_slice %arg5[%dma_wait3A_382] : memref<163840000xf32, #tpu.memory_space<hbm>> -> memref<20480xf32, #tpu.memory_space<hbm>>
        %dma_wait3A_384 = arith.constant 0 : i32
        %dma_wait3A_385 = tpu.memref_slice %arg5[%dma_wait3A_384] : memref<163840000xf32, #tpu.memory_space<hbm>> -> memref<20480xf32, #tpu.memory_space<hbm>>
        %dma_wait3A_386 = arith.constant 0 : i32
        %dma_wait3A_387 = tpu.memref_slice %arg9[%dma_wait3A_386] : memref<40960xf32, #tpu.memory_space<vmem>> -> memref<20480xf32, #tpu.memory_space<vmem>>
        tpu.wait_dma2 semaphore(%arg12 : memref<!tpu.dma_semaphore, #tpu.memory_space<semaphore_mem>>) src(%dma_wait3A_387 : memref<20480xf32, #tpu.memory_space<vmem>>) dst(%dma_wait3A_385 : memref<20480xf32, #tpu.memory_space<hbm>>)
      } else {
      }
      %parallel_loop3A = arith.constant 0 : i32
      %parallel_loop3A_257 = arith.constant 20 : i32
      %parallel_loop3A_258 = arith.constant 1 : i32
      scf.for %parallel_loop3A_380 = %parallel_loop3A to %parallel_loop3A_257 step %parallel_loop3A_258  : i32 {
        %parallel_loop3A_381 = arith.constant 128 : i32
        %parallel_loop3A_382 = arith.muli %parallel_loop3A_380, %parallel_loop3A_381 : i32
        %parallel_loop3A_383 = arith.constant 0 : i32
        %parallel_loop3A_384 = arith.addi %parallel_loop3A_383, %parallel_loop3A_382 : i32
        %parallel_loop3A_385 = arith.constant 512 : i32
        %parallel_loop3A_386 = arith.muli %parallel_loop3A_380, %parallel_loop3A_385 : i32
        %parallel_loop3A_387 = arith.constant 0 : i32
        %parallel_loop3A_388 = arith.addi %parallel_loop3A_387, %parallel_loop3A_386 : i32
        %parallel_loop3A_389 = arith.constant 8 : i32
        %parallel_loop3A_390 = arith.muli %parallel_loop3A_380, %parallel_loop3A_389 : i32
        %parallel_loop3A_391 = arith.constant 128 : i32
        %parallel_loop3A_392 = arith.muli %parallel_loop3A_390, %parallel_loop3A_391 : i32
        %parallel_loop3A_393 = arith.constant 0 : i32
        %parallel_loop3A_394 = arith.addi %parallel_loop3A_393, %parallel_loop3A_392 : i32
        %parallel_loop3A_395 = arith.constant 0 : i32
        %parallel_loop3A_396 = arith.addi %parallel_loop3A_384, %parallel_loop3A_395 : i32
        %parallel_loop3A_397 = arith.constant 0 : i32
        %parallel_loop3A_398 = arith.addi %parallel_loop3A_396, %parallel_loop3A_397 : i32
        %parallel_loop3A_399 = arith.index_cast %parallel_loop3A_398 : i32 to index
        %parallel_loop3A_400 = tpu.vector_load %arg6[%parallel_loop3A_399] {strides = array<i32>} : memref<20480xf32, #tpu.memory_space<vmem>>, vector<16xf32>,
        %parallel_loop3A_401 = arith.constant 2560 : i32
        %parallel_loop3A_402 = arith.addi %parallel_loop3A_384, %parallel_loop3A_401 : i32
        %parallel_loop3A_403 = arith.constant 0 : i32
        %parallel_loop3A_404 = arith.addi %parallel_loop3A_402, %parallel_loop3A_403 : i32
        %parallel_loop3A_405 = arith.index_cast %parallel_loop3A_404 : i32 to index
        %parallel_loop3A_406 = tpu.vector_load %arg6[%parallel_loop3A_405] {strides = array<i32>} : memref<20480xf32, #tpu.memory_space<vmem>>, vector<16xf32>,
        %parallel_loop3A_407 = arith.constant 5120 : i32
        %parallel_loop3A_408 = arith.addi %parallel_loop3A_384, %parallel_loop3A_407 : i32
        %parallel_loop3A_409 = arith.constant 0 : i32
        %parallel_loop3A_410 = arith.addi %parallel_loop3A_408, %parallel_loop3A_409 : i32
        %parallel_loop3A_411 = arith.index_cast %parallel_loop3A_410 : i32 to index
        %parallel_loop3A_412 = tpu.vector_load %arg6[%parallel_loop3A_411] {strides = array<i32>} : memref<20480xf32, #tpu.memory_space<vmem>>, vector<16xf32>,
        %parallel_loop3A_413 = arith.constant 7680 : i32
        %parallel_loop3A_414 = arith.addi %parallel_loop3A_384, %parallel_loop3A_413 : i32
        %parallel_loop3A_415 = arith.constant 0 : i32
        %parallel_loop3A_416 = arith.addi %parallel_loop3A_414, %parallel_loop3A_415 : i32
        %parallel_loop3A_417 = arith.index_cast %parallel_loop3A_416 : i32 to index
        %parallel_loop3A_418 = tpu.vector_load %arg6[%parallel_loop3A_417] {strides = array<i32>} : memref<20480xf32, #tpu.memory_space<vmem>>, vector<16xf32>,
        %parallel_loop3A_419 = arith.constant 0 : i32
        %parallel_loop3A_420 = arith.addi %parallel_loop3A_384, %parallel_loop3A_419 : i32
        %parallel_loop3A_421 = arith.constant 0 : i32
        %parallel_loop3A_422 = arith.addi %parallel_loop3A_420, %parallel_loop3A_421 : i32
        %parallel_loop3A_423 = arith.index_cast %parallel_loop3A_422 : i32 to index
        %parallel_loop3A_424 = tpu.vector_load %arg7[%parallel_loop3A_423] {strides = array<i32>} : memref<20480xf32, #tpu.memory_space<vmem>>, vector<16xf32>,
        %parallel_loop3A_425 = arith.constant 2560 : i32
        %parallel_loop3A_426 = arith.addi %parallel_loop3A_384, %parallel_loop3A_425 : i32
        %parallel_loop3A_427 = arith.constant 0 : i32
        %parallel_loop3A_428 = arith.addi %parallel_loop3A_426, %parallel_loop3A_427 : i32
        %parallel_loop3A_429 = arith.index_cast %parallel_loop3A_428 : i32 to index
        %parallel_loop3A_430 = tpu.vector_load %arg7[%parallel_loop3A_429] {strides = array<i32>} : memref<20480xf32, #tpu.memory_space<vmem>>, vector<16xf32>,
        %parallel_loop3A_431 = arith.constant 5120 : i32
        %parallel_loop3A_432 = arith.addi %parallel_loop3A_384, %parallel_loop3A_431 : i32
        %parallel_loop3A_433 = arith.constant 0 : i32
        %parallel_loop3A_434 = arith.addi %parallel_loop3A_432, %parallel_loop3A_433 : i32
        %parallel_loop3A_435 = arith.index_cast %parallel_loop3A_434 : i32 to index
        %parallel_loop3A_436 = tpu.vector_load %arg7[%parallel_loop3A_435] {strides = array<i32>} : memref<20480xf32, #tpu.memory_space<vmem>>, vector<16xf32>,
        %parallel_loop3A_437 = arith.constant 7680 : i32
        %parallel_loop3A_438 = arith.addi %parallel_loop3A_384, %parallel_loop3A_437 : i32
        %parallel_loop3A_439 = arith.constant 0 : i32
        %parallel_loop3A_440 = arith.addi %parallel_loop3A_438, %parallel_loop3A_439 : i32
        %parallel_loop3A_441 = arith.index_cast %parallel_loop3A_440 : i32 to index
        %parallel_loop3A_442 = tpu.vector_load %arg7[%parallel_loop3A_441] {strides = array<i32>} : memref<20480xf32, #tpu.memory_space<vmem>>, vector<16xf32>,
        %parallel_loop3A_443 = arith.constant 0 : i32
        %parallel_loop3A_444 = arith.addi %parallel_loop3A_388, %parallel_loop3A_443 : i32
        %parallel_loop3A_445 = arith.constant 0 : i32
        %parallel_loop3A_446 = arith.addi %parallel_loop3A_444, %parallel_loop3A_445 : i32
        %parallel_loop3A_447 = arith.index_cast %parallel_loop3A_446 : i32 to index
        %parallel_loop3A_448 = tpu.vector_load %arg8[%parallel_loop3A_447] {strides = array<i32>} : memref<20480xf32, #tpu.memory_space<vmem>>, vector<16xf32>,
        %parallel_loop3A_449 = arith.constant 128 : i32
        %parallel_loop3A_450 = arith.addi %parallel_loop3A_388, %parallel_loop3A_449 : i32
        %parallel_loop3A_451 = arith.constant 0 : i32
        %parallel_loop3A_452 = arith.addi %parallel_loop3A_450, %parallel_loop3A_451 : i32
        %parallel_loop3A_453 = arith.index_cast %parallel_loop3A_452 : i32 to index
        %parallel_loop3A_454 = tpu.vector_load %arg8[%parallel_loop3A_453] {strides = array<i32>} : memref<20480xf32, #tpu.memory_space<vmem>>, vector<16xf32>,
        %parallel_loop3A_455 = arith.constant 256 : i32
        %parallel_loop3A_456 = arith.addi %parallel_loop3A_388, %parallel_loop3A_455 : i32
        %parallel_loop3A_457 = arith.constant 0 : i32
        %parallel_loop3A_458 = arith.addi %parallel_loop3A_456, %parallel_loop3A_457 : i32
        %parallel_loop3A_459 = arith.index_cast %parallel_loop3A_458 : i32 to index
        %parallel_loop3A_460 = tpu.vector_load %arg8[%parallel_loop3A_459] {strides = array<i32>} : memref<20480xf32, #tpu.memory_space<vmem>>, vector<16xf32>,
        %parallel_loop3A_461 = arith.constant 384 : i32
        %parallel_loop3A_462 = arith.addi %parallel_loop3A_388, %parallel_loop3A_461 : i32
        %parallel_loop3A_463 = arith.constant 0 : i32
        %parallel_loop3A_464 = arith.addi %parallel_loop3A_462, %parallel_loop3A_463 : i32
        %parallel_loop3A_465 = arith.index_cast %parallel_loop3A_464 : i32 to index
        %parallel_loop3A_466 = tpu.vector_load %arg8[%parallel_loop3A_465] {strides = array<i32>} : memref<20480xf32, #tpu.memory_space<vmem>>, vector<16xf32>,
        %parallel_loop3A_467 = arith.mulf %parallel_loop3A_448, %parallel_loop3A_400 : vector<16xf32>
        %parallel_loop3A_468 = arith.mulf %parallel_loop3A_467, %parallel_loop3A_424 : vector<16xf32>
        %parallel_loop3A_469 = arith.constant 0 : i32
        %parallel_loop3A_470 = arith.addi %parallel_loop3A_394, %parallel_loop3A_469 : i32
        %parallel_loop3A_471 = arith.constant 0 : i32
        %parallel_loop3A_472 = arith.addi %parallel_loop3A_470, %parallel_loop3A_471 : i32
        %parallel_loop3A_473 = arith.index_cast %parallel_loop3A_472 : i32 to index
        %parallel_loop3A_474 = tpu.vector_load %arg9[%parallel_loop3A_473] {strides = array<i32>} : memref<40960xf32, #tpu.memory_space<vmem>>, vector<16xf32>,
        tpu.vector_store %arg9[%parallel_loop3A_473], %parallel_loop3A_468 {strides = array<i32>} : memref<40960xf32, #tpu.memory_space<vmem>>, vector<16xf32>,
        %parallel_loop3A_475 = arith.constant 0.577350259 : f32
        %parallel_loop3A_476 = vector.broadcast %parallel_loop3A_475 : f32 to vector<16xf32>
        %parallel_loop3A_477 = arith.mulf %parallel_loop3A_454, %parallel_loop3A_476 : vector<16xf32>
        %parallel_loop3A_478 = arith.mulf %parallel_loop3A_406, %parallel_loop3A_430 : vector<16xf32>
        %parallel_loop3A_479 = arith.mulf %parallel_loop3A_412, %parallel_loop3A_436 : vector<16xf32>
        %parallel_loop3A_480 = arith.addf %parallel_loop3A_478, %parallel_loop3A_479 : vector<16xf32>
        %parallel_loop3A_481 = arith.mulf %parallel_loop3A_418, %parallel_loop3A_442 : vector<16xf32>
        %parallel_loop3A_482 = arith.addf %parallel_loop3A_480, %parallel_loop3A_481 : vector<16xf32>
        %parallel_loop3A_483 = arith.mulf %parallel_loop3A_477, %parallel_loop3A_482 : vector<16xf32>
        %parallel_loop3A_484 = arith.constant 128 : i32
        %parallel_loop3A_485 = arith.addi %parallel_loop3A_394, %parallel_loop3A_484 : i32
        %parallel_loop3A_486 = arith.constant 0 : i32
        %parallel_loop3A_487 = arith.addi %parallel_loop3A_485, %parallel_loop3A_486 : i32
        %parallel_loop3A_488 = arith.index_cast %parallel_loop3A_487 : i32 to index
        %parallel_loop3A_489 = tpu.vector_load %arg9[%parallel_loop3A_488] {strides = array<i32>} : memref<40960xf32, #tpu.memory_space<vmem>>, vector<16xf32>,
        tpu.vector_store %arg9[%parallel_loop3A_488], %parallel_loop3A_483 {strides = array<i32>} : memref<40960xf32, #tpu.memory_space<vmem>>, vector<16xf32>,
        %parallel_loop3A_490 = arith.mulf %parallel_loop3A_460, %parallel_loop3A_400 : vector<16xf32>
        %parallel_loop3A_491 = arith.mulf %parallel_loop3A_466, %parallel_loop3A_424 : vector<16xf32>
        %parallel_loop3A_492 = arith.mulf %parallel_loop3A_490, %parallel_loop3A_430 : vector<16xf32>
        %parallel_loop3A_493 = arith.constant 256 : i32
        %parallel_loop3A_494 = arith.addi %parallel_loop3A_394, %parallel_loop3A_493 : i32
        %parallel_loop3A_495 = arith.constant 0 : i32
        %parallel_loop3A_496 = arith.addi %parallel_loop3A_494, %parallel_loop3A_495 : i32
        %parallel_loop3A_497 = arith.index_cast %parallel_loop3A_496 : i32 to index
        %parallel_loop3A_498 = tpu.vector_load %arg9[%parallel_loop3A_497] {strides = array<i32>} : memref<40960xf32, #tpu.memory_space<vmem>>, vector<16xf32>,
        tpu.vector_store %arg9[%parallel_loop3A_497], %parallel_loop3A_492 {strides = array<i32>} : memref<40960xf32, #tpu.memory_space<vmem>>, vector<16xf32>,
        %parallel_loop3A_499 = arith.mulf %parallel_loop3A_491, %parallel_loop3A_406 : vector<16xf32>
        %parallel_loop3A_500 = arith.constant 640 : i32
        %parallel_loop3A_501 = arith.addi %parallel_loop3A_394, %parallel_loop3A_500 : i32
        %parallel_loop3A_502 = arith.constant 0 : i32
        %parallel_loop3A_503 = arith.addi %parallel_loop3A_501, %parallel_loop3A_502 : i32
        %parallel_loop3A_504 = arith.index_cast %parallel_loop3A_503 : i32 to index
        %parallel_loop3A_505 = tpu.vector_load %arg9[%parallel_loop3A_504] {strides = array<i32>} : memref<40960xf32, #tpu.memory_space<vmem>>, vector<16xf32>,
        tpu.vector_store %arg9[%parallel_loop3A_504], %parallel_loop3A_499 {strides = array<i32>} : memref<40960xf32, #tpu.memory_space<vmem>>, vector<16xf32>,
        %parallel_loop3A_506 = arith.mulf %parallel_loop3A_490, %parallel_loop3A_436 : vector<16xf32>
        %parallel_loop3A_507 = arith.constant 384 : i32
        %parallel_loop3A_508 = arith.addi %parallel_loop3A_394, %parallel_loop3A_507 : i32
        %parallel_loop3A_509 = arith.constant 0 : i32
        %parallel_loop3A_510 = arith.addi %parallel_loop3A_508, %parallel_loop3A_509 : i32
        %parallel_loop3A_511 = arith.index_cast %parallel_loop3A_510 : i32 to index
        %parallel_loop3A_512 = tpu.vector_load %arg9[%parallel_loop3A_511] {strides = array<i32>} : memref<40960xf32, #tpu.memory_space<vmem>>, vector<16xf32>,
        tpu.vector_store %arg9[%parallel_loop3A_511], %parallel_loop3A_506 {strides = array<i32>} : memref<40960xf32, #tpu.memory_space<vmem>>, vector<16xf32>,
        %parallel_loop3A_513 = arith.mulf %parallel_loop3A_491, %parallel_loop3A_412 : vector<16xf32>
        %parallel_loop3A_514 = arith.constant 768 : i32
        %parallel_loop3A_515 = arith.addi %parallel_loop3A_394, %parallel_loop3A_514 : i32
        %parallel_loop3A_516 = arith.constant 0 : i32
        %parallel_loop3A_517 = arith.addi %parallel_loop3A_515, %parallel_loop3A_516 : i32
        %parallel_loop3A_518 = arith.index_cast %parallel_loop3A_517 : i32 to index
        %parallel_loop3A_519 = tpu.vector_load %arg9[%parallel_loop3A_518] {strides = array<i32>} : memref<40960xf32, #tpu.memory_space<vmem>>, vector<16xf32>,
        tpu.vector_store %arg9[%parallel_loop3A_518], %parallel_loop3A_513 {strides = array<i32>} : memref<40960xf32, #tpu.memory_space<vmem>>, vector<16xf32>,
        %parallel_loop3A_520 = arith.mulf %parallel_loop3A_490, %parallel_loop3A_442 : vector<16xf32>
        %parallel_loop3A_521 = arith.constant 512 : i32
        %parallel_loop3A_522 = arith.addi %parallel_loop3A_394, %parallel_loop3A_521 : i32
        %parallel_loop3A_523 = arith.constant 0 : i32
        %parallel_loop3A_524 = arith.addi %parallel_loop3A_522, %parallel_loop3A_523 : i32
        %parallel_loop3A_525 = arith.index_cast %parallel_loop3A_524 : i32 to index
        %parallel_loop3A_526 = tpu.vector_load %arg9[%parallel_loop3A_525] {strides = array<i32>} : memref<40960xf32, #tpu.memory_space<vmem>>, vector<16xf32>,
        tpu.vector_store %arg9[%parallel_loop3A_525], %parallel_loop3A_520 {strides = array<i32>} : memref<40960xf32, #tpu.memory_space<vmem>>, vector<16xf32>,
        %parallel_loop3A_527 = arith.mulf %parallel_loop3A_491, %parallel_loop3A_418 : vector<16xf32>
        %parallel_loop3A_528 = arith.constant 896 : i32
        %parallel_loop3A_529 = arith.addi %parallel_loop3A_394, %parallel_loop3A_528 : i32
        %parallel_loop3A_530 = arith.constant 0 : i32
        %parallel_loop3A_531 = arith.addi %parallel_loop3A_529, %parallel_loop3A_530 : i32
        %parallel_loop3A_532 = arith.index_cast %parallel_loop3A_531 : i32 to index
        %parallel_loop3A_533 = tpu.vector_load %arg9[%parallel_loop3A_532] {strides = array<i32>} : memref<40960xf32, #tpu.memory_space<vmem>>, vector<16xf32>,
        tpu.vector_store %arg9[%parallel_loop3A_532], %parallel_loop3A_527 {strides = array<i32>} : memref<40960xf32, #tpu.memory_space<vmem>>, vector<16xf32>,
        %parallel_loop3A_534 = arith.constant 0 : i32
        %parallel_loop3A_535 = arith.addi %parallel_loop3A_384, %parallel_loop3A_534 : i32
        %parallel_loop3A_536 = arith.constant 16 : i32
        %parallel_loop3A_537 = arith.addi %parallel_loop3A_535, %parallel_loop3A_536 : i32
        %parallel_loop3A_538 = arith.index_cast %parallel_loop3A_537 : i32 to index
        %parallel_loop3A_539 = tpu.vector_load %arg6[%parallel_loop3A_538] {strides = array<i32>} : memref<20480xf32, #tpu.memory_space<vmem>>, vector<16xf32>,
        %parallel_loop3A_540 = arith.constant 2560 : i32
        %parallel_loop3A_541 = arith.addi %parallel_loop3A_384, %parallel_loop3A_540 : i32
        %parallel_loop3A_542 = arith.constant 16 : i32
        %parallel_loop3A_543 = arith.addi %parallel_loop3A_541, %parallel_loop3A_542 : i32
        %parallel_loop3A_544 = arith.index_cast %parallel_loop3A_543 : i32 to index
        %parallel_loop3A_545 = tpu.vector_load %arg6[%parallel_loop3A_544] {strides = array<i32>} : memref<20480xf32, #tpu.memory_space<vmem>>, vector<16xf32>,
        %parallel_loop3A_546 = arith.constant 5120 : i32
        %parallel_loop3A_547 = arith.addi %parallel_loop3A_384, %parallel_loop3A_546 : i32
        %parallel_loop3A_548 = arith.constant 16 : i32
        %parallel_loop3A_549 = arith.addi %parallel_loop3A_547, %parallel_loop3A_548 : i32
        %parallel_loop3A_550 = arith.index_cast %parallel_loop3A_549 : i32 to index
        %parallel_loop3A_551 = tpu.vector_load %arg6[%parallel_loop3A_550] {strides = array<i32>} : memref<20480xf32, #tpu.memory_space<vmem>>, vector<16xf32>,
        %parallel_loop3A_552 = arith.constant 7680 : i32
        %parallel_loop3A_553 = arith.addi %parallel_loop3A_384, %parallel_loop3A_552 : i32
        %parallel_loop3A_554 = arith.constant 16 : i32
        %parallel_loop3A_555 = arith.addi %parallel_loop3A_553, %parallel_loop3A_554 : i32
        %parallel_loop3A_556 = arith.index_cast %parallel_loop3A_555 : i32 to index
        %parallel_loop3A_557 = tpu.vector_load %arg6[%parallel_loop3A_556] {strides = array<i32>} : memref<20480xf32, #tpu.memory_space<vmem>>, vector<16xf32>,
        %parallel_loop3A_558 = arith.constant 0 : i32
        %parallel_loop3A_559 = arith.addi %parallel_loop3A_384, %parallel_loop3A_558 : i32
        %parallel_loop3A_560 = arith.constant 16 : i32
        %parallel_loop3A_561 = arith.addi %parallel_loop3A_559, %parallel_loop3A_560 : i32
        %parallel_loop3A_562 = arith.index_cast %parallel_loop3A_561 : i32 to index
        %parallel_loop3A_563 = tpu.vector_load %arg7[%parallel_loop3A_562] {strides = array<i32>} : memref<20480xf32, #tpu.memory_space<vmem>>, vector<16xf32>,
        %parallel_loop3A_564 = arith.constant 2560 : i32
        %parallel_loop3A_565 = arith.addi %parallel_loop3A_384, %parallel_loop3A_564 : i32
        %parallel_loop3A_566 = arith.constant 16 : i32
        %parallel_loop3A_567 = arith.addi %parallel_loop3A_565, %parallel_loop3A_566 : i32
        %parallel_loop3A_568 = arith.index_cast %parallel_loop3A_567 : i32 to index
        %parallel_loop3A_569 = tpu.vector_load %arg7[%parallel_loop3A_568] {strides = array<i32>} : memref<20480xf32, #tpu.memory_space<vmem>>, vector<16xf32>,
        %parallel_loop3A_570 = arith.constant 5120 : i32
        %parallel_loop3A_571 = arith.addi %parallel_loop3A_384, %parallel_loop3A_570 : i32
        %parallel_loop3A_572 = arith.constant 16 : i32
        %parallel_loop3A_573 = arith.addi %parallel_loop3A_571, %parallel_loop3A_572 : i32
        %parallel_loop3A_574 = arith.index_cast %parallel_loop3A_573 : i32 to index
        %parallel_loop3A_575 = tpu.vector_load %arg7[%parallel_loop3A_574] {strides = array<i32>} : memref<20480xf32, #tpu.memory_space<vmem>>, vector<16xf32>,
        %parallel_loop3A_576 = arith.constant 7680 : i32
        %parallel_loop3A_577 = arith.addi %parallel_loop3A_384, %parallel_loop3A_576 : i32
        %parallel_loop3A_578 = arith.constant 16 : i32
        %parallel_loop3A_579 = arith.addi %parallel_loop3A_577, %parallel_loop3A_578 : i32
        %parallel_loop3A_580 = arith.index_cast %parallel_loop3A_579 : i32 to index
        %parallel_loop3A_581 = tpu.vector_load %arg7[%parallel_loop3A_580] {strides = array<i32>} : memref<20480xf32, #tpu.memory_space<vmem>>, vector<16xf32>,
        %parallel_loop3A_582 = arith.constant 0 : i32
        %parallel_loop3A_583 = arith.addi %parallel_loop3A_388, %parallel_loop3A_582 : i32
        %parallel_loop3A_584 = arith.constant 16 : i32
        %parallel_loop3A_585 = arith.addi %parallel_loop3A_583, %parallel_loop3A_584 : i32
        %parallel_loop3A_586 = arith.index_cast %parallel_loop3A_585 : i32 to index
        %parallel_loop3A_587 = tpu.vector_load %arg8[%parallel_loop3A_586] {strides = array<i32>} : memref<20480xf32, #tpu.memory_space<vmem>>, vector<16xf32>,
        %parallel_loop3A_588 = arith.constant 128 : i32
        %parallel_loop3A_589 = arith.addi %parallel_loop3A_388, %parallel_loop3A_588 : i32
        %parallel_loop3A_590 = arith.constant 16 : i32
        %parallel_loop3A_591 = arith.addi %parallel_loop3A_589, %parallel_loop3A_590 : i32
        %parallel_loop3A_592 = arith.index_cast %parallel_loop3A_591 : i32 to index
        %parallel_loop3A_593 = tpu.vector_load %arg8[%parallel_loop3A_592] {strides = array<i32>} : memref<20480xf32, #tpu.memory_space<vmem>>, vector<16xf32>,
        %parallel_loop3A_594 = arith.constant 256 : i32
        %parallel_loop3A_595 = arith.addi %parallel_loop3A_388, %parallel_loop3A_594 : i32
        %parallel_loop3A_596 = arith.constant 16 : i32
        %parallel_loop3A_597 = arith.addi %parallel_loop3A_595, %parallel_loop3A_596 : i32
        %parallel_loop3A_598 = arith.index_cast %parallel_loop3A_597 : i32 to index
        %parallel_loop3A_599 = tpu.vector_load %arg8[%parallel_loop3A_598] {strides = array<i32>} : memref<20480xf32, #tpu.memory_space<vmem>>, vector<16xf32>,
        %parallel_loop3A_600 = arith.constant 384 : i32
        %parallel_loop3A_601 = arith.addi %parallel_loop3A_388, %parallel_loop3A_600 : i32
        %parallel_loop3A_602 = arith.constant 16 : i32
        %parallel_loop3A_603 = arith.addi %parallel_loop3A_601, %parallel_loop3A_602 : i32
        %parallel_loop3A_604 = arith.index_cast %parallel_loop3A_603 : i32 to index
        %parallel_loop3A_605 = tpu.vector_load %arg8[%parallel_loop3A_604] {strides = array<i32>} : memref<20480xf32, #tpu.memory_space<vmem>>, vector<16xf32>,
        %parallel_loop3A_606 = arith.mulf %parallel_loop3A_587, %parallel_loop3A_539 : vector<16xf32>
        %parallel_loop3A_607 = arith.mulf %parallel_loop3A_606, %parallel_loop3A_563 : vector<16xf32>
        %parallel_loop3A_608 = arith.constant 0 : i32
        %parallel_loop3A_609 = arith.addi %parallel_loop3A_394, %parallel_loop3A_608 : i32
        %parallel_loop3A_610 = arith.constant 16 : i32
        %parallel_loop3A_611 = arith.addi %parallel_loop3A_609, %parallel_loop3A_610 : i32
        %parallel_loop3A_612 = arith.index_cast %parallel_loop3A_611 : i32 to index
        %parallel_loop3A_613 = tpu.vector_load %arg9[%parallel_loop3A_612] {strides = array<i32>} : memref<40960xf32, #tpu.memory_space<vmem>>, vector<16xf32>,
        tpu.vector_store %arg9[%parallel_loop3A_612], %parallel_loop3A_607 {strides = array<i32>} : memref<40960xf32, #tpu.memory_space<vmem>>, vector<16xf32>,
        %parallel_loop3A_614 = arith.constant 0.577350259 : f32
        %parallel_loop3A_615 = vector.broadcast %parallel_loop3A_614 : f32 to vector<16xf32>
        %parallel_loop3A_616 = arith.mulf %parallel_loop3A_593, %parallel_loop3A_615 : vector<16xf32>
        %parallel_loop3A_617 = arith.mulf %parallel_loop3A_545, %parallel_loop3A_569 : vector<16xf32>
        %parallel_loop3A_618 = arith.mulf %parallel_loop3A_551, %parallel_loop3A_575 : vector<16xf32>
        %parallel_loop3A_619 = arith.addf %parallel_loop3A_617, %parallel_loop3A_618 : vector<16xf32>
        %parallel_loop3A_620 = arith.mulf %parallel_loop3A_557, %parallel_loop3A_581 : vector<16xf32>
        %parallel_loop3A_621 = arith.addf %parallel_loop3A_619, %parallel_loop3A_620 : vector<16xf32>
        %parallel_loop3A_622 = arith.mulf %parallel_loop3A_616, %parallel_loop3A_621 : vector<16xf32>
        %parallel_loop3A_623 = arith.constant 128 : i32
        %parallel_loop3A_624 = arith.addi %parallel_loop3A_394, %parallel_loop3A_623 : i32
        %parallel_loop3A_625 = arith.constant 16 : i32
        %parallel_loop3A_626 = arith.addi %parallel_loop3A_624, %parallel_loop3A_625 : i32
        %parallel_loop3A_627 = arith.index_cast %parallel_loop3A_626 : i32 to index
        %parallel_loop3A_628 = tpu.vector_load %arg9[%parallel_loop3A_627] {strides = array<i32>} : memref<40960xf32, #tpu.memory_space<vmem>>, vector<16xf32>,
        tpu.vector_store %arg9[%parallel_loop3A_627], %parallel_loop3A_622 {strides = array<i32>} : memref<40960xf32, #tpu.memory_space<vmem>>, vector<16xf32>,
        %parallel_loop3A_629 = arith.mulf %parallel_loop3A_599, %parallel_loop3A_539 : vector<16xf32>
        %parallel_loop3A_630 = arith.mulf %parallel_loop3A_605, %parallel_loop3A_563 : vector<16xf32>
        %parallel_loop3A_631 = arith.mulf %parallel_loop3A_629, %parallel_loop3A_569 : vector<16xf32>
        %parallel_loop3A_632 = arith.constant 256 : i32
        %parallel_loop3A_633 = arith.addi %parallel_loop3A_394, %parallel_loop3A_632 : i32
        %parallel_loop3A_634 = arith.constant 16 : i32
        %parallel_loop3A_635 = arith.addi %parallel_loop3A_633, %parallel_loop3A_634 : i32
        %parallel_loop3A_636 = arith.index_cast %parallel_loop3A_635 : i32 to index
        %parallel_loop3A_637 = tpu.vector_load %arg9[%parallel_loop3A_636] {strides = array<i32>} : memref<40960xf32, #tpu.memory_space<vmem>>, vector<16xf32>,
        tpu.vector_store %arg9[%parallel_loop3A_636], %parallel_loop3A_631 {strides = array<i32>} : memref<40960xf32, #tpu.memory_space<vmem>>, vector<16xf32>,
        %parallel_loop3A_638 = arith.mulf %parallel_loop3A_630, %parallel_loop3A_545 : vector<16xf32>
        %parallel_loop3A_639 = arith.constant 640 : i32
        %parallel_loop3A_640 = arith.addi %parallel_loop3A_394, %parallel_loop3A_639 : i32
        %parallel_loop3A_641 = arith.constant 16 : i32
        %parallel_loop3A_642 = arith.addi %parallel_loop3A_640, %parallel_loop3A_641 : i32
        %parallel_loop3A_643 = arith.index_cast %parallel_loop3A_642 : i32 to index
        %parallel_loop3A_644 = tpu.vector_load %arg9[%parallel_loop3A_643] {strides = array<i32>} : memref<40960xf32, #tpu.memory_space<vmem>>, vector<16xf32>,
        tpu.vector_store %arg9[%parallel_loop3A_643], %parallel_loop3A_638 {strides = array<i32>} : memref<40960xf32, #tpu.memory_space<vmem>>, vector<16xf32>,
        %parallel_loop3A_645 = arith.mulf %parallel_loop3A_629, %parallel_loop3A_575 : vector<16xf32>
        %parallel_loop3A_646 = arith.constant 384 : i32
        %parallel_loop3A_647 = arith.addi %parallel_loop3A_394, %parallel_loop3A_646 : i32
        %parallel_loop3A_648 = arith.constant 16 : i32
        %parallel_loop3A_649 = arith.addi %parallel_loop3A_647, %parallel_loop3A_648 : i32
        %parallel_loop3A_650 = arith.index_cast %parallel_loop3A_649 : i32 to index
        %parallel_loop3A_651 = tpu.vector_load %arg9[%parallel_loop3A_650] {strides = array<i32>} : memref<40960xf32, #tpu.memory_space<vmem>>, vector<16xf32>,
        tpu.vector_store %arg9[%parallel_loop3A_650], %parallel_loop3A_645 {strides = array<i32>} : memref<40960xf32, #tpu.memory_space<vmem>>, vector<16xf32>,
        %parallel_loop3A_652 = arith.mulf %parallel_loop3A_630, %parallel_loop3A_551 : vector<16xf32>
        %parallel_loop3A_653 = arith.constant 768 : i32
        %parallel_loop3A_654 = arith.addi %parallel_loop3A_394, %parallel_loop3A_653 : i32
        %parallel_loop3A_655 = arith.constant 16 : i32
        %parallel_loop3A_656 = arith.addi %parallel_loop3A_654, %parallel_loop3A_655 : i32
        %parallel_loop3A_657 = arith.index_cast %parallel_loop3A_656 : i32 to index
        %parallel_loop3A_658 = tpu.vector_load %arg9[%parallel_loop3A_657] {strides = array<i32>} : memref<40960xf32, #tpu.memory_space<vmem>>, vector<16xf32>,
        tpu.vector_store %arg9[%parallel_loop3A_657], %parallel_loop3A_652 {strides = array<i32>} : memref<40960xf32, #tpu.memory_space<vmem>>, vector<16xf32>,
        %parallel_loop3A_659 = arith.mulf %parallel_loop3A_629, %parallel_loop3A_581 : vector<16xf32>
        %parallel_loop3A_660 = arith.constant 512 : i32
        %parallel_loop3A_661 = arith.addi %parallel_loop3A_394, %parallel_loop3A_660 : i32
        %parallel_loop3A_662 = arith.constant 16 : i32
        %parallel_loop3A_663 = arith.addi %parallel_loop3A_661, %parallel_loop3A_662 : i32
        %parallel_loop3A_664 = arith.index_cast %parallel_loop3A_663 : i32 to index
        %parallel_loop3A_665 = tpu.vector_load %arg9[%parallel_loop3A_664] {strides = array<i32>} : memref<40960xf32, #tpu.memory_space<vmem>>, vector<16xf32>,
        tpu.vector_store %arg9[%parallel_loop3A_664], %parallel_loop3A_659 {strides = array<i32>} : memref<40960xf32, #tpu.memory_space<vmem>>, vector<16xf32>,
        %parallel_loop3A_666 = arith.mulf %parallel_loop3A_630, %parallel_loop3A_557 : vector<16xf32>
        %parallel_loop3A_667 = arith.constant 896 : i32
        %parallel_loop3A_668 = arith.addi %parallel_loop3A_394, %parallel_loop3A_667 : i32
        %parallel_loop3A_669 = arith.constant 16 : i32
        %parallel_loop3A_670 = arith.addi %parallel_loop3A_668, %parallel_loop3A_669 : i32
        %parallel_loop3A_671 = arith.index_cast %parallel_loop3A_670 : i32 to index
        %parallel_loop3A_672 = tpu.vector_load %arg9[%parallel_loop3A_671] {strides = array<i32>} : memref<40960xf32, #tpu.memory_space<vmem>>, vector<16xf32>,
        tpu.vector_store %arg9[%parallel_loop3A_671], %parallel_loop3A_666 {strides = array<i32>} : memref<40960xf32, #tpu.memory_space<vmem>>, vector<16xf32>,
        %parallel_loop3A_673 = arith.constant 0 : i32
        %parallel_loop3A_674 = arith.addi %parallel_loop3A_384, %parallel_loop3A_673 : i32
        %parallel_loop3A_675 = arith.constant 32 : i32
        %parallel_loop3A_676 = arith.addi %parallel_loop3A_674, %parallel_loop3A_675 : i32
        %parallel_loop3A_677 = arith.index_cast %parallel_loop3A_676 : i32 to index
        %parallel_loop3A_678 = tpu.vector_load %arg6[%parallel_loop3A_677] {strides = array<i32>} : memref<20480xf32, #tpu.memory_space<vmem>>, vector<16xf32>,
        %parallel_loop3A_679 = arith.constant 2560 : i32
        %parallel_loop3A_680 = arith.addi %parallel_loop3A_384, %parallel_loop3A_679 : i32
        %parallel_loop3A_681 = arith.constant 32 : i32
        %parallel_loop3A_682 = arith.addi %parallel_loop3A_680, %parallel_loop3A_681 : i32
        %parallel_loop3A_683 = arith.index_cast %parallel_loop3A_682 : i32 to index
        %parallel_loop3A_684 = tpu.vector_load %arg6[%parallel_loop3A_683] {strides = array<i32>} : memref<20480xf32, #tpu.memory_space<vmem>>, vector<16xf32>,
        %parallel_loop3A_685 = arith.constant 5120 : i32
        %parallel_loop3A_686 = arith.addi %parallel_loop3A_384, %parallel_loop3A_685 : i32
        %parallel_loop3A_687 = arith.constant 32 : i32
        %parallel_loop3A_688 = arith.addi %parallel_loop3A_686, %parallel_loop3A_687 : i32
        %parallel_loop3A_689 = arith.index_cast %parallel_loop3A_688 : i32 to index
        %parallel_loop3A_690 = tpu.vector_load %arg6[%parallel_loop3A_689] {strides = array<i32>} : memref<20480xf32, #tpu.memory_space<vmem>>, vector<16xf32>,
        %parallel_loop3A_691 = arith.constant 7680 : i32
        %parallel_loop3A_692 = arith.addi %parallel_loop3A_384, %parallel_loop3A_691 : i32
        %parallel_loop3A_693 = arith.constant 32 : i32
        %parallel_loop3A_694 = arith.addi %parallel_loop3A_692, %parallel_loop3A_693 : i32
        %parallel_loop3A_695 = arith.index_cast %parallel_loop3A_694 : i32 to index
        %parallel_loop3A_696 = tpu.vector_load %arg6[%parallel_loop3A_695] {strides = array<i32>} : memref<20480xf32, #tpu.memory_space<vmem>>, vector<16xf32>,
        %parallel_loop3A_697 = arith.constant 0 : i32
        %parallel_loop3A_698 = arith.addi %parallel_loop3A_384, %parallel_loop3A_697 : i32
        %parallel_loop3A_699 = arith.constant 32 : i32
        %parallel_loop3A_700 = arith.addi %parallel_loop3A_698, %parallel_loop3A_699 : i32
        %parallel_loop3A_701 = arith.index_cast %parallel_loop3A_700 : i32 to index
        %parallel_loop3A_702 = tpu.vector_load %arg7[%parallel_loop3A_701] {strides = array<i32>} : memref<20480xf32, #tpu.memory_space<vmem>>, vector<16xf32>,
        %parallel_loop3A_703 = arith.constant 2560 : i32
        %parallel_loop3A_704 = arith.addi %parallel_loop3A_384, %parallel_loop3A_703 : i32
        %parallel_loop3A_705 = arith.constant 32 : i32
        %parallel_loop3A_706 = arith.addi %parallel_loop3A_704, %parallel_loop3A_705 : i32
        %parallel_loop3A_707 = arith.index_cast %parallel_loop3A_706 : i32 to index
        %parallel_loop3A_708 = tpu.vector_load %arg7[%parallel_loop3A_707] {strides = array<i32>} : memref<20480xf32, #tpu.memory_space<vmem>>, vector<16xf32>,
        %parallel_loop3A_709 = arith.constant 5120 : i32
        %parallel_loop3A_710 = arith.addi %parallel_loop3A_384, %parallel_loop3A_709 : i32
        %parallel_loop3A_711 = arith.constant 32 : i32
        %parallel_loop3A_712 = arith.addi %parallel_loop3A_710, %parallel_loop3A_711 : i32
        %parallel_loop3A_713 = arith.index_cast %parallel_loop3A_712 : i32 to index
        %parallel_loop3A_714 = tpu.vector_load %arg7[%parallel_loop3A_713] {strides = array<i32>} : memref<20480xf32, #tpu.memory_space<vmem>>, vector<16xf32>,
        %parallel_loop3A_715 = arith.constant 7680 : i32
        %parallel_loop3A_716 = arith.addi %parallel_loop3A_384, %parallel_loop3A_715 : i32
        %parallel_loop3A_717 = arith.constant 32 : i32
        %parallel_loop3A_718 = arith.addi %parallel_loop3A_716, %parallel_loop3A_717 : i32
        %parallel_loop3A_719 = arith.index_cast %parallel_loop3A_718 : i32 to index
        %parallel_loop3A_720 = tpu.vector_load %arg7[%parallel_loop3A_719] {strides = array<i32>} : memref<20480xf32, #tpu.memory_space<vmem>>, vector<16xf32>,
        %parallel_loop3A_721 = arith.constant 0 : i32
        %parallel_loop3A_722 = arith.addi %parallel_loop3A_388, %parallel_loop3A_721 : i32
        %parallel_loop3A_723 = arith.constant 32 : i32
        %parallel_loop3A_724 = arith.addi %parallel_loop3A_722, %parallel_loop3A_723 : i32
        %parallel_loop3A_725 = arith.index_cast %parallel_loop3A_724 : i32 to index
        %parallel_loop3A_726 = tpu.vector_load %arg8[%parallel_loop3A_725] {strides = array<i32>} : memref<20480xf32, #tpu.memory_space<vmem>>, vector<16xf32>,
        %parallel_loop3A_727 = arith.constant 128 : i32
        %parallel_loop3A_728 = arith.addi %parallel_loop3A_388, %parallel_loop3A_727 : i32
        %parallel_loop3A_729 = arith.constant 32 : i32
        %parallel_loop3A_730 = arith.addi %parallel_loop3A_728, %parallel_loop3A_729 : i32
        %parallel_loop3A_731 = arith.index_cast %parallel_loop3A_730 : i32 to index
        %parallel_loop3A_732 = tpu.vector_load %arg8[%parallel_loop3A_731] {strides = array<i32>} : memref<20480xf32, #tpu.memory_space<vmem>>, vector<16xf32>,
        %parallel_loop3A_733 = arith.constant 256 : i32
        %parallel_loop3A_734 = arith.addi %parallel_loop3A_388, %parallel_loop3A_733 : i32
        %parallel_loop3A_735 = arith.constant 32 : i32
        %parallel_loop3A_736 = arith.addi %parallel_loop3A_734, %parallel_loop3A_735 : i32
        %parallel_loop3A_737 = arith.index_cast %parallel_loop3A_736 : i32 to index
        %parallel_loop3A_738 = tpu.vector_load %arg8[%parallel_loop3A_737] {strides = array<i32>} : memref<20480xf32, #tpu.memory_space<vmem>>, vector<16xf32>,
        %parallel_loop3A_739 = arith.constant 384 : i32
        %parallel_loop3A_740 = arith.addi %parallel_loop3A_388, %parallel_loop3A_739 : i32
        %parallel_loop3A_741 = arith.constant 32 : i32
        %parallel_loop3A_742 = arith.addi %parallel_loop3A_740, %parallel_loop3A_741 : i32
        %parallel_loop3A_743 = arith.index_cast %parallel_loop3A_742 : i32 to index
        %parallel_loop3A_744 = tpu.vector_load %arg8[%parallel_loop3A_743] {strides = array<i32>} : memref<20480xf32, #tpu.memory_space<vmem>>, vector<16xf32>,
        %parallel_loop3A_745 = arith.mulf %parallel_loop3A_726, %parallel_loop3A_678 : vector<16xf32>
        %parallel_loop3A_746 = arith.mulf %parallel_loop3A_745, %parallel_loop3A_702 : vector<16xf32>
        %parallel_loop3A_747 = arith.constant 0 : i32
        %parallel_loop3A_748 = arith.addi %parallel_loop3A_394, %parallel_loop3A_747 : i32
        %parallel_loop3A_749 = arith.constant 32 : i32
        %parallel_loop3A_750 = arith.addi %parallel_loop3A_748, %parallel_loop3A_749 : i32
        %parallel_loop3A_751 = arith.index_cast %parallel_loop3A_750 : i32 to index
        %parallel_loop3A_752 = tpu.vector_load %arg9[%parallel_loop3A_751] {strides = array<i32>} : memref<40960xf32, #tpu.memory_space<vmem>>, vector<16xf32>,
        tpu.vector_store %arg9[%parallel_loop3A_751], %parallel_loop3A_746 {strides = array<i32>} : memref<40960xf32, #tpu.memory_space<vmem>>, vector<16xf32>,
        %parallel_loop3A_753 = arith.constant 0.577350259 : f32
        %parallel_loop3A_754 = vector.broadcast %parallel_loop3A_753 : f32 to vector<16xf32>
        %parallel_loop3A_755 = arith.mulf %parallel_loop3A_732, %parallel_loop3A_754 : vector<16xf32>
        %parallel_loop3A_756 = arith.mulf %parallel_loop3A_684, %parallel_loop3A_708 : vector<16xf32>
        %parallel_loop3A_757 = arith.mulf %parallel_loop3A_690, %parallel_loop3A_714 : vector<16xf32>
        %parallel_loop3A_758 = arith.addf %parallel_loop3A_756, %parallel_loop3A_757 : vector<16xf32>
        %parallel_loop3A_759 = arith.mulf %parallel_loop3A_696, %parallel_loop3A_720 : vector<16xf32>
        %parallel_loop3A_760 = arith.addf %parallel_loop3A_758, %parallel_loop3A_759 : vector<16xf32>
        %parallel_loop3A_761 = arith.mulf %parallel_loop3A_755, %parallel_loop3A_760 : vector<16xf32>
        %parallel_loop3A_762 = arith.constant 128 : i32
        %parallel_loop3A_763 = arith.addi %parallel_loop3A_394, %parallel_loop3A_762 : i32
        %parallel_loop3A_764 = arith.constant 32 : i32
        %parallel_loop3A_765 = arith.addi %parallel_loop3A_763, %parallel_loop3A_764 : i32
        %parallel_loop3A_766 = arith.index_cast %parallel_loop3A_765 : i32 to index
        %parallel_loop3A_767 = tpu.vector_load %arg9[%parallel_loop3A_766] {strides = array<i32>} : memref<40960xf32, #tpu.memory_space<vmem>>, vector<16xf32>,
        tpu.vector_store %arg9[%parallel_loop3A_766], %parallel_loop3A_761 {strides = array<i32>} : memref<40960xf32, #tpu.memory_space<vmem>>, vector<16xf32>,
        %parallel_loop3A_768 = arith.mulf %parallel_loop3A_738, %parallel_loop3A_678 : vector<16xf32>
        %parallel_loop3A_769 = arith.mulf %parallel_loop3A_744, %parallel_loop3A_702 : vector<16xf32>
        %parallel_loop3A_770 = arith.mulf %parallel_loop3A_768, %parallel_loop3A_708 : vector<16xf32>
        %parallel_loop3A_771 = arith.constant 256 : i32
        %parallel_loop3A_772 = arith.addi %parallel_loop3A_394, %parallel_loop3A_771 : i32
        %parallel_loop3A_773 = arith.constant 32 : i32
        %parallel_loop3A_774 = arith.addi %parallel_loop3A_772, %parallel_loop3A_773 : i32
        %parallel_loop3A_775 = arith.index_cast %parallel_loop3A_774 : i32 to index
        %parallel_loop3A_776 = tpu.vector_load %arg9[%parallel_loop3A_775] {strides = array<i32>} : memref<40960xf32, #tpu.memory_space<vmem>>, vector<16xf32>,
        tpu.vector_store %arg9[%parallel_loop3A_775], %parallel_loop3A_770 {strides = array<i32>} : memref<40960xf32, #tpu.memory_space<vmem>>, vector<16xf32>,
        %parallel_loop3A_777 = arith.mulf %parallel_loop3A_769, %parallel_loop3A_684 : vector<16xf32>
        %parallel_loop3A_778 = arith.constant 640 : i32
        %parallel_loop3A_779 = arith.addi %parallel_loop3A_394, %parallel_loop3A_778 : i32
        %parallel_loop3A_780 = arith.constant 32 : i32
        %parallel_loop3A_781 = arith.addi %parallel_loop3A_779, %parallel_loop3A_780 : i32
        %parallel_loop3A_782 = arith.index_cast %parallel_loop3A_781 : i32 to index
        %parallel_loop3A_783 = tpu.vector_load %arg9[%parallel_loop3A_782] {strides = array<i32>} : memref<40960xf32, #tpu.memory_space<vmem>>, vector<16xf32>,
        tpu.vector_store %arg9[%parallel_loop3A_782], %parallel_loop3A_777 {strides = array<i32>} : memref<40960xf32, #tpu.memory_space<vmem>>, vector<16xf32>,
        %parallel_loop3A_784 = arith.mulf %parallel_loop3A_768, %parallel_loop3A_714 : vector<16xf32>
        %parallel_loop3A_785 = arith.constant 384 : i32
        %parallel_loop3A_786 = arith.addi %parallel_loop3A_394, %parallel_loop3A_785 : i32
        %parallel_loop3A_787 = arith.constant 32 : i32
        %parallel_loop3A_788 = arith.addi %parallel_loop3A_786, %parallel_loop3A_787 : i32
        %parallel_loop3A_789 = arith.index_cast %parallel_loop3A_788 : i32 to index
        %parallel_loop3A_790 = tpu.vector_load %arg9[%parallel_loop3A_789] {strides = array<i32>} : memref<40960xf32, #tpu.memory_space<vmem>>, vector<16xf32>,
        tpu.vector_store %arg9[%parallel_loop3A_789], %parallel_loop3A_784 {strides = array<i32>} : memref<40960xf32, #tpu.memory_space<vmem>>, vector<16xf32>,
        %parallel_loop3A_791 = arith.mulf %parallel_loop3A_769, %parallel_loop3A_690 : vector<16xf32>
        %parallel_loop3A_792 = arith.constant 768 : i32
        %parallel_loop3A_793 = arith.addi %parallel_loop3A_394, %parallel_loop3A_792 : i32
        %parallel_loop3A_794 = arith.constant 32 : i32
        %parallel_loop3A_795 = arith.addi %parallel_loop3A_793, %parallel_loop3A_794 : i32
        %parallel_loop3A_796 = arith.index_cast %parallel_loop3A_795 : i32 to index
        %parallel_loop3A_797 = tpu.vector_load %arg9[%parallel_loop3A_796] {strides = array<i32>} : memref<40960xf32, #tpu.memory_space<vmem>>, vector<16xf32>,
        tpu.vector_store %arg9[%parallel_loop3A_796], %parallel_loop3A_791 {strides = array<i32>} : memref<40960xf32, #tpu.memory_space<vmem>>, vector<16xf32>,
        %parallel_loop3A_798 = arith.mulf %parallel_loop3A_768, %parallel_loop3A_720 : vector<16xf32>
        %parallel_loop3A_799 = arith.constant 512 : i32
        %parallel_loop3A_800 = arith.addi %parallel_loop3A_394, %parallel_loop3A_799 : i32
        %parallel_loop3A_801 = arith.constant 32 : i32
        %parallel_loop3A_802 = arith.addi %parallel_loop3A_800, %parallel_loop3A_801 : i32
        %parallel_loop3A_803 = arith.index_cast %parallel_loop3A_802 : i32 to index
        %parallel_loop3A_804 = tpu.vector_load %arg9[%parallel_loop3A_803] {strides = array<i32>} : memref<40960xf32, #tpu.memory_space<vmem>>, vector<16xf32>,
        tpu.vector_store %arg9[%parallel_loop3A_803], %parallel_loop3A_798 {strides = array<i32>} : memref<40960xf32, #tpu.memory_space<vmem>>, vector<16xf32>,
        %parallel_loop3A_805 = arith.mulf %parallel_loop3A_769, %parallel_loop3A_696 : vector<16xf32>
        %parallel_loop3A_806 = arith.constant 896 : i32
        %parallel_loop3A_807 = arith.addi %parallel_loop3A_394, %parallel_loop3A_806 : i32
        %parallel_loop3A_808 = arith.constant 32 : i32
        %parallel_loop3A_809 = arith.addi %parallel_loop3A_807, %parallel_loop3A_808 : i32
        %parallel_loop3A_810 = arith.index_cast %parallel_loop3A_809 : i32 to index
        %parallel_loop3A_811 = tpu.vector_load %arg9[%parallel_loop3A_810] {strides = array<i32>} : memref<40960xf32, #tpu.memory_space<vmem>>, vector<16xf32>,
        tpu.vector_store %arg9[%parallel_loop3A_810], %parallel_loop3A_805 {strides = array<i32>} : memref<40960xf32, #tpu.memory_space<vmem>>, vector<16xf32>,
        %parallel_loop3A_812 = arith.constant 0 : i32
        %parallel_loop3A_813 = arith.addi %parallel_loop3A_384, %parallel_loop3A_812 : i32
        %parallel_loop3A_814 = arith.constant 48 : i32
        %parallel_loop3A_815 = arith.addi %parallel_loop3A_813, %parallel_loop3A_814 : i32
        %parallel_loop3A_816 = arith.index_cast %parallel_loop3A_815 : i32 to index
        %parallel_loop3A_817 = tpu.vector_load %arg6[%parallel_loop3A_816] {strides = array<i32>} : memref<20480xf32, #tpu.memory_space<vmem>>, vector<16xf32>,
        %parallel_loop3A_818 = arith.constant 2560 : i32
        %parallel_loop3A_819 = arith.addi %parallel_loop3A_384, %parallel_loop3A_818 : i32
        %parallel_loop3A_820 = arith.constant 48 : i32
        %parallel_loop3A_821 = arith.addi %parallel_loop3A_819, %parallel_loop3A_820 : i32
        %parallel_loop3A_822 = arith.index_cast %parallel_loop3A_821 : i32 to index
        %parallel_loop3A_823 = tpu.vector_load %arg6[%parallel_loop3A_822] {strides = array<i32>} : memref<20480xf32, #tpu.memory_space<vmem>>, vector<16xf32>,
        %parallel_loop3A_824 = arith.constant 5120 : i32
        %parallel_loop3A_825 = arith.addi %parallel_loop3A_384, %parallel_loop3A_824 : i32
        %parallel_loop3A_826 = arith.constant 48 : i32
        %parallel_loop3A_827 = arith.addi %parallel_loop3A_825, %parallel_loop3A_826 : i32
        %parallel_loop3A_828 = arith.index_cast %parallel_loop3A_827 : i32 to index
        %parallel_loop3A_829 = tpu.vector_load %arg6[%parallel_loop3A_828] {strides = array<i32>} : memref<20480xf32, #tpu.memory_space<vmem>>, vector<16xf32>,
        %parallel_loop3A_830 = arith.constant 7680 : i32
        %parallel_loop3A_831 = arith.addi %parallel_loop3A_384, %parallel_loop3A_830 : i32
        %parallel_loop3A_832 = arith.constant 48 : i32
        %parallel_loop3A_833 = arith.addi %parallel_loop3A_831, %parallel_loop3A_832 : i32
        %parallel_loop3A_834 = arith.index_cast %parallel_loop3A_833 : i32 to index
        %parallel_loop3A_835 = tpu.vector_load %arg6[%parallel_loop3A_834] {strides = array<i32>} : memref<20480xf32, #tpu.memory_space<vmem>>, vector<16xf32>,
        %parallel_loop3A_836 = arith.constant 0 : i32
        %parallel_loop3A_837 = arith.addi %parallel_loop3A_384, %parallel_loop3A_836 : i32
        %parallel_loop3A_838 = arith.constant 48 : i32
        %parallel_loop3A_839 = arith.addi %parallel_loop3A_837, %parallel_loop3A_838 : i32
        %parallel_loop3A_840 = arith.index_cast %parallel_loop3A_839 : i32 to index
        %parallel_loop3A_841 = tpu.vector_load %arg7[%parallel_loop3A_840] {strides = array<i32>} : memref<20480xf32, #tpu.memory_space<vmem>>, vector<16xf32>,
        %parallel_loop3A_842 = arith.constant 2560 : i32
        %parallel_loop3A_843 = arith.addi %parallel_loop3A_384, %parallel_loop3A_842 : i32
        %parallel_loop3A_844 = arith.constant 48 : i32
        %parallel_loop3A_845 = arith.addi %parallel_loop3A_843, %parallel_loop3A_844 : i32
        %parallel_loop3A_846 = arith.index_cast %parallel_loop3A_845 : i32 to index
        %parallel_loop3A_847 = tpu.vector_load %arg7[%parallel_loop3A_846] {strides = array<i32>} : memref<20480xf32, #tpu.memory_space<vmem>>, vector<16xf32>,
        %parallel_loop3A_848 = arith.constant 5120 : i32
        %parallel_loop3A_849 = arith.addi %parallel_loop3A_384, %parallel_loop3A_848 : i32
        %parallel_loop3A_850 = arith.constant 48 : i32
        %parallel_loop3A_851 = arith.addi %parallel_loop3A_849, %parallel_loop3A_850 : i32
        %parallel_loop3A_852 = arith.index_cast %parallel_loop3A_851 : i32 to index
        %parallel_loop3A_853 = tpu.vector_load %arg7[%parallel_loop3A_852] {strides = array<i32>} : memref<20480xf32, #tpu.memory_space<vmem>>, vector<16xf32>,
        %parallel_loop3A_854 = arith.constant 7680 : i32
        %parallel_loop3A_855 = arith.addi %parallel_loop3A_384, %parallel_loop3A_854 : i32
        %parallel_loop3A_856 = arith.constant 48 : i32
        %parallel_loop3A_857 = arith.addi %parallel_loop3A_855, %parallel_loop3A_856 : i32
        %parallel_loop3A_858 = arith.index_cast %parallel_loop3A_857 : i32 to index
        %parallel_loop3A_859 = tpu.vector_load %arg7[%parallel_loop3A_858] {strides = array<i32>} : memref<20480xf32, #tpu.memory_space<vmem>>, vector<16xf32>,
        %parallel_loop3A_860 = arith.constant 0 : i32
        %parallel_loop3A_861 = arith.addi %parallel_loop3A_388, %parallel_loop3A_860 : i32
        %parallel_loop3A_862 = arith.constant 48 : i32
        %parallel_loop3A_863 = arith.addi %parallel_loop3A_861, %parallel_loop3A_862 : i32
        %parallel_loop3A_864 = arith.index_cast %parallel_loop3A_863 : i32 to index
        %parallel_loop3A_865 = tpu.vector_load %arg8[%parallel_loop3A_864] {strides = array<i32>} : memref<20480xf32, #tpu.memory_space<vmem>>, vector<16xf32>,
        %parallel_loop3A_866 = arith.constant 128 : i32
        %parallel_loop3A_867 = arith.addi %parallel_loop3A_388, %parallel_loop3A_866 : i32
        %parallel_loop3A_868 = arith.constant 48 : i32
        %parallel_loop3A_869 = arith.addi %parallel_loop3A_867, %parallel_loop3A_868 : i32
        %parallel_loop3A_870 = arith.index_cast %parallel_loop3A_869 : i32 to index
        %parallel_loop3A_871 = tpu.vector_load %arg8[%parallel_loop3A_870] {strides = array<i32>} : memref<20480xf32, #tpu.memory_space<vmem>>, vector<16xf32>,
        %parallel_loop3A_872 = arith.constant 256 : i32
        %parallel_loop3A_873 = arith.addi %parallel_loop3A_388, %parallel_loop3A_872 : i32
        %parallel_loop3A_874 = arith.constant 48 : i32
        %parallel_loop3A_875 = arith.addi %parallel_loop3A_873, %parallel_loop3A_874 : i32
        %parallel_loop3A_876 = arith.index_cast %parallel_loop3A_875 : i32 to index
        %parallel_loop3A_877 = tpu.vector_load %arg8[%parallel_loop3A_876] {strides = array<i32>} : memref<20480xf32, #tpu.memory_space<vmem>>, vector<16xf32>,
        %parallel_loop3A_878 = arith.constant 384 : i32
        %parallel_loop3A_879 = arith.addi %parallel_loop3A_388, %parallel_loop3A_878 : i32
        %parallel_loop3A_880 = arith.constant 48 : i32
        %parallel_loop3A_881 = arith.addi %parallel_loop3A_879, %parallel_loop3A_880 : i32
        %parallel_loop3A_882 = arith.index_cast %parallel_loop3A_881 : i32 to index
        %parallel_loop3A_883 = tpu.vector_load %arg8[%parallel_loop3A_882] {strides = array<i32>} : memref<20480xf32, #tpu.memory_space<vmem>>, vector<16xf32>,
        %parallel_loop3A_884 = arith.mulf %parallel_loop3A_865, %parallel_loop3A_817 : vector<16xf32>
        %parallel_loop3A_885 = arith.mulf %parallel_loop3A_884, %parallel_loop3A_841 : vector<16xf32>
        %parallel_loop3A_886 = arith.constant 0 : i32
        %parallel_loop3A_887 = arith.addi %parallel_loop3A_394, %parallel_loop3A_886 : i32
        %parallel_loop3A_888 = arith.constant 48 : i32
        %parallel_loop3A_889 = arith.addi %parallel_loop3A_887, %parallel_loop3A_888 : i32
        %parallel_loop3A_890 = arith.index_cast %parallel_loop3A_889 : i32 to index
        %parallel_loop3A_891 = tpu.vector_load %arg9[%parallel_loop3A_890] {strides = array<i32>} : memref<40960xf32, #tpu.memory_space<vmem>>, vector<16xf32>,
        tpu.vector_store %arg9[%parallel_loop3A_890], %parallel_loop3A_885 {strides = array<i32>} : memref<40960xf32, #tpu.memory_space<vmem>>, vector<16xf32>,
        %parallel_loop3A_892 = arith.constant 0.577350259 : f32
        %parallel_loop3A_893 = vector.broadcast %parallel_loop3A_892 : f32 to vector<16xf32>
        %parallel_loop3A_894 = arith.mulf %parallel_loop3A_871, %parallel_loop3A_893 : vector<16xf32>
        %parallel_loop3A_895 = arith.mulf %parallel_loop3A_823, %parallel_loop3A_847 : vector<16xf32>
        %parallel_loop3A_896 = arith.mulf %parallel_loop3A_829, %parallel_loop3A_853 : vector<16xf32>
        %parallel_loop3A_897 = arith.addf %parallel_loop3A_895, %parallel_loop3A_896 : vector<16xf32>
        %parallel_loop3A_898 = arith.mulf %parallel_loop3A_835, %parallel_loop3A_859 : vector<16xf32>
        %parallel_loop3A_899 = arith.addf %parallel_loop3A_897, %parallel_loop3A_898 : vector<16xf32>
        %parallel_loop3A_900 = arith.mulf %parallel_loop3A_894, %parallel_loop3A_899 : vector<16xf32>
        %parallel_loop3A_901 = arith.constant 128 : i32
        %parallel_loop3A_902 = arith.addi %parallel_loop3A_394, %parallel_loop3A_901 : i32
        %parallel_loop3A_903 = arith.constant 48 : i32
        %parallel_loop3A_904 = arith.addi %parallel_loop3A_902, %parallel_loop3A_903 : i32
        %parallel_loop3A_905 = arith.index_cast %parallel_loop3A_904 : i32 to index
        %parallel_loop3A_906 = tpu.vector_load %arg9[%parallel_loop3A_905] {strides = array<i32>} : memref<40960xf32, #tpu.memory_space<vmem>>, vector<16xf32>,
        tpu.vector_store %arg9[%parallel_loop3A_905], %parallel_loop3A_900 {strides = array<i32>} : memref<40960xf32, #tpu.memory_space<vmem>>, vector<16xf32>,
        %parallel_loop3A_907 = arith.mulf %parallel_loop3A_877, %parallel_loop3A_817 : vector<16xf32>
        %parallel_loop3A_908 = arith.mulf %parallel_loop3A_883, %parallel_loop3A_841 : vector<16xf32>
        %parallel_loop3A_909 = arith.mulf %parallel_loop3A_907, %parallel_loop3A_847 : vector<16xf32>
        %parallel_loop3A_910 = arith.constant 256 : i32
        %parallel_loop3A_911 = arith.addi %parallel_loop3A_394, %parallel_loop3A_910 : i32
        %parallel_loop3A_912 = arith.constant 48 : i32
        %parallel_loop3A_913 = arith.addi %parallel_loop3A_911, %parallel_loop3A_912 : i32
        %parallel_loop3A_914 = arith.index_cast %parallel_loop3A_913 : i32 to index
        %parallel_loop3A_915 = tpu.vector_load %arg9[%parallel_loop3A_914] {strides = array<i32>} : memref<40960xf32, #tpu.memory_space<vmem>>, vector<16xf32>,
        tpu.vector_store %arg9[%parallel_loop3A_914], %parallel_loop3A_909 {strides = array<i32>} : memref<40960xf32, #tpu.memory_space<vmem>>, vector<16xf32>,
        %parallel_loop3A_916 = arith.mulf %parallel_loop3A_908, %parallel_loop3A_823 : vector<16xf32>
        %parallel_loop3A_917 = arith.constant 640 : i32
        %parallel_loop3A_918 = arith.addi %parallel_loop3A_394, %parallel_loop3A_917 : i32
        %parallel_loop3A_919 = arith.constant 48 : i32
        %parallel_loop3A_920 = arith.addi %parallel_loop3A_918, %parallel_loop3A_919 : i32
        %parallel_loop3A_921 = arith.index_cast %parallel_loop3A_920 : i32 to index
        %parallel_loop3A_922 = tpu.vector_load %arg9[%parallel_loop3A_921] {strides = array<i32>} : memref<40960xf32, #tpu.memory_space<vmem>>, vector<16xf32>,
        tpu.vector_store %arg9[%parallel_loop3A_921], %parallel_loop3A_916 {strides = array<i32>} : memref<40960xf32, #tpu.memory_space<vmem>>, vector<16xf32>,
        %parallel_loop3A_923 = arith.mulf %parallel_loop3A_907, %parallel_loop3A_853 : vector<16xf32>
        %parallel_loop3A_924 = arith.constant 384 : i32
        %parallel_loop3A_925 = arith.addi %parallel_loop3A_394, %parallel_loop3A_924 : i32
        %parallel_loop3A_926 = arith.constant 48 : i32
        %parallel_loop3A_927 = arith.addi %parallel_loop3A_925, %parallel_loop3A_926 : i32
        %parallel_loop3A_928 = arith.index_cast %parallel_loop3A_927 : i32 to index
        %parallel_loop3A_929 = tpu.vector_load %arg9[%parallel_loop3A_928] {strides = array<i32>} : memref<40960xf32, #tpu.memory_space<vmem>>, vector<16xf32>,
        tpu.vector_store %arg9[%parallel_loop3A_928], %parallel_loop3A_923 {strides = array<i32>} : memref<40960xf32, #tpu.memory_space<vmem>>, vector<16xf32>,
        %parallel_loop3A_930 = arith.mulf %parallel_loop3A_908, %parallel_loop3A_829 : vector<16xf32>
        %parallel_loop3A_931 = arith.constant 768 : i32
        %parallel_loop3A_932 = arith.addi %parallel_loop3A_394, %parallel_loop3A_931 : i32
        %parallel_loop3A_933 = arith.constant 48 : i32
        %parallel_loop3A_934 = arith.addi %parallel_loop3A_932, %parallel_loop3A_933 : i32
        %parallel_loop3A_935 = arith.index_cast %parallel_loop3A_934 : i32 to index
        %parallel_loop3A_936 = tpu.vector_load %arg9[%parallel_loop3A_935] {strides = array<i32>} : memref<40960xf32, #tpu.memory_space<vmem>>, vector<16xf32>,
        tpu.vector_store %arg9[%parallel_loop3A_935], %parallel_loop3A_930 {strides = array<i32>} : memref<40960xf32, #tpu.memory_space<vmem>>, vector<16xf32>,
        %parallel_loop3A_937 = arith.mulf %parallel_loop3A_907, %parallel_loop3A_859 : vector<16xf32>
        %parallel_loop3A_938 = arith.constant 512 : i32
        %parallel_loop3A_939 = arith.addi %parallel_loop3A_394, %parallel_loop3A_938 : i32
        %parallel_loop3A_940 = arith.constant 48 : i32
        %parallel_loop3A_941 = arith.addi %parallel_loop3A_939, %parallel_loop3A_940 : i32
        %parallel_loop3A_942 = arith.index_cast %parallel_loop3A_941 : i32 to index
        %parallel_loop3A_943 = tpu.vector_load %arg9[%parallel_loop3A_942] {strides = array<i32>} : memref<40960xf32, #tpu.memory_space<vmem>>, vector<16xf32>,
        tpu.vector_store %arg9[%parallel_loop3A_942], %parallel_loop3A_937 {strides = array<i32>} : memref<40960xf32, #tpu.memory_space<vmem>>, vector<16xf32>,
        %parallel_loop3A_944 = arith.mulf %parallel_loop3A_908, %parallel_loop3A_835 : vector<16xf32>
        %parallel_loop3A_945 = arith.constant 896 : i32
        %parallel_loop3A_946 = arith.addi %parallel_loop3A_394, %parallel_loop3A_945 : i32
        %parallel_loop3A_947 = arith.constant 48 : i32
        %parallel_loop3A_948 = arith.addi %parallel_loop3A_946, %parallel_loop3A_947 : i32
        %parallel_loop3A_949 = arith.index_cast %parallel_loop3A_948 : i32 to index
        %parallel_loop3A_950 = tpu.vector_load %arg9[%parallel_loop3A_949] {strides = array<i32>} : memref<40960xf32, #tpu.memory_space<vmem>>, vector<16xf32>,
        tpu.vector_store %arg9[%parallel_loop3A_949], %parallel_loop3A_944 {strides = array<i32>} : memref<40960xf32, #tpu.memory_space<vmem>>, vector<16xf32>,
        %parallel_loop3A_951 = arith.constant 0 : i32
        %parallel_loop3A_952 = arith.addi %parallel_loop3A_384, %parallel_loop3A_951 : i32
        %parallel_loop3A_953 = arith.constant 64 : i32
        %parallel_loop3A_954 = arith.addi %parallel_loop3A_952, %parallel_loop3A_953 : i32
        %parallel_loop3A_955 = arith.index_cast %parallel_loop3A_954 : i32 to index
        %parallel_loop3A_956 = tpu.vector_load %arg6[%parallel_loop3A_955] {strides = array<i32>} : memref<20480xf32, #tpu.memory_space<vmem>>, vector<16xf32>,
        %parallel_loop3A_957 = arith.constant 2560 : i32
        %parallel_loop3A_958 = arith.addi %parallel_loop3A_384, %parallel_loop3A_957 : i32
        %parallel_loop3A_959 = arith.constant 64 : i32
        %parallel_loop3A_960 = arith.addi %parallel_loop3A_958, %parallel_loop3A_959 : i32
        %parallel_loop3A_961 = arith.index_cast %parallel_loop3A_960 : i32 to index
        %parallel_loop3A_962 = tpu.vector_load %arg6[%parallel_loop3A_961] {strides = array<i32>} : memref<20480xf32, #tpu.memory_space<vmem>>, vector<16xf32>,
        %parallel_loop3A_963 = arith.constant 5120 : i32
        %parallel_loop3A_964 = arith.addi %parallel_loop3A_384, %parallel_loop3A_963 : i32
        %parallel_loop3A_965 = arith.constant 64 : i32
        %parallel_loop3A_966 = arith.addi %parallel_loop3A_964, %parallel_loop3A_965 : i32
        %parallel_loop3A_967 = arith.index_cast %parallel_loop3A_966 : i32 to index
        %parallel_loop3A_968 = tpu.vector_load %arg6[%parallel_loop3A_967] {strides = array<i32>} : memref<20480xf32, #tpu.memory_space<vmem>>, vector<16xf32>,
        %parallel_loop3A_969 = arith.constant 7680 : i32
        %parallel_loop3A_970 = arith.addi %parallel_loop3A_384, %parallel_loop3A_969 : i32
        %parallel_loop3A_971 = arith.constant 64 : i32
        %parallel_loop3A_972 = arith.addi %parallel_loop3A_970, %parallel_loop3A_971 : i32
        %parallel_loop3A_973 = arith.index_cast %parallel_loop3A_972 : i32 to index
        %parallel_loop3A_974 = tpu.vector_load %arg6[%parallel_loop3A_973] {strides = array<i32>} : memref<20480xf32, #tpu.memory_space<vmem>>, vector<16xf32>,
        %parallel_loop3A_975 = arith.constant 0 : i32
        %parallel_loop3A_976 = arith.addi %parallel_loop3A_384, %parallel_loop3A_975 : i32
        %parallel_loop3A_977 = arith.constant 64 : i32
        %parallel_loop3A_978 = arith.addi %parallel_loop3A_976, %parallel_loop3A_977 : i32
        %parallel_loop3A_979 = arith.index_cast %parallel_loop3A_978 : i32 to index
        %parallel_loop3A_980 = tpu.vector_load %arg7[%parallel_loop3A_979] {strides = array<i32>} : memref<20480xf32, #tpu.memory_space<vmem>>, vector<16xf32>,
        %parallel_loop3A_981 = arith.constant 2560 : i32
        %parallel_loop3A_982 = arith.addi %parallel_loop3A_384, %parallel_loop3A_981 : i32
        %parallel_loop3A_983 = arith.constant 64 : i32
        %parallel_loop3A_984 = arith.addi %parallel_loop3A_982, %parallel_loop3A_983 : i32
        %parallel_loop3A_985 = arith.index_cast %parallel_loop3A_984 : i32 to index
        %parallel_loop3A_986 = tpu.vector_load %arg7[%parallel_loop3A_985] {strides = array<i32>} : memref<20480xf32, #tpu.memory_space<vmem>>, vector<16xf32>,
        %parallel_loop3A_987 = arith.constant 5120 : i32
        %parallel_loop3A_988 = arith.addi %parallel_loop3A_384, %parallel_loop3A_987 : i32
        %parallel_loop3A_989 = arith.constant 64 : i32
        %parallel_loop3A_990 = arith.addi %parallel_loop3A_988, %parallel_loop3A_989 : i32
        %parallel_loop3A_991 = arith.index_cast %parallel_loop3A_990 : i32 to index
        %parallel_loop3A_992 = tpu.vector_load %arg7[%parallel_loop3A_991] {strides = array<i32>} : memref<20480xf32, #tpu.memory_space<vmem>>, vector<16xf32>,
        %parallel_loop3A_993 = arith.constant 7680 : i32
        %parallel_loop3A_994 = arith.addi %parallel_loop3A_384, %parallel_loop3A_993 : i32
        %parallel_loop3A_995 = arith.constant 64 : i32
        %parallel_loop3A_996 = arith.addi %parallel_loop3A_994, %parallel_loop3A_995 : i32
        %parallel_loop3A_997 = arith.index_cast %parallel_loop3A_996 : i32 to index
        %parallel_loop3A_998 = tpu.vector_load %arg7[%parallel_loop3A_997] {strides = array<i32>} : memref<20480xf32, #tpu.memory_space<vmem>>, vector<16xf32>,
        %parallel_loop3A_999 = arith.constant 0 : i32
        %parallel_loop3A_1000 = arith.addi %parallel_loop3A_388, %parallel_loop3A_999 : i32
        %parallel_loop3A_1001 = arith.constant 64 : i32
        %parallel_loop3A_1002 = arith.addi %parallel_loop3A_1000, %parallel_loop3A_1001 : i32
        %parallel_loop3A_1003 = arith.index_cast %parallel_loop3A_1002 : i32 to index
        %parallel_loop3A_1004 = tpu.vector_load %arg8[%parallel_loop3A_1003] {strides = array<i32>} : memref<20480xf32, #tpu.memory_space<vmem>>, vector<16xf32>,
        %parallel_loop3A_1005 = arith.constant 128 : i32
        %parallel_loop3A_1006 = arith.addi %parallel_loop3A_388, %parallel_loop3A_1005 : i32
        %parallel_loop3A_1007 = arith.constant 64 : i32
        %parallel_loop3A_1008 = arith.addi %parallel_loop3A_1006, %parallel_loop3A_1007 : i32
        %parallel_loop3A_1009 = arith.index_cast %parallel_loop3A_1008 : i32 to index
        %parallel_loop3A_1010 = tpu.vector_load %arg8[%parallel_loop3A_1009] {strides = array<i32>} : memref<20480xf32, #tpu.memory_space<vmem>>, vector<16xf32>,
        %parallel_loop3A_1011 = arith.constant 256 : i32
        %parallel_loop3A_1012 = arith.addi %parallel_loop3A_388, %parallel_loop3A_1011 : i32
        %parallel_loop3A_1013 = arith.constant 64 : i32
        %parallel_loop3A_1014 = arith.addi %parallel_loop3A_1012, %parallel_loop3A_1013 : i32
        %parallel_loop3A_1015 = arith.index_cast %parallel_loop3A_1014 : i32 to index
        %parallel_loop3A_1016 = tpu.vector_load %arg8[%parallel_loop3A_1015] {strides = array<i32>} : memref<20480xf32, #tpu.memory_space<vmem>>, vector<16xf32>,
        %parallel_loop3A_1017 = arith.constant 384 : i32
        %parallel_loop3A_1018 = arith.addi %parallel_loop3A_388, %parallel_loop3A_1017 : i32
        %parallel_loop3A_1019 = arith.constant 64 : i32
        %parallel_loop3A_1020 = arith.addi %parallel_loop3A_1018, %parallel_loop3A_1019 : i32
        %parallel_loop3A_1021 = arith.index_cast %parallel_loop3A_1020 : i32 to index
        %parallel_loop3A_1022 = tpu.vector_load %arg8[%parallel_loop3A_1021] {strides = array<i32>} : memref<20480xf32, #tpu.memory_space<vmem>>, vector<16xf32>,
        %parallel_loop3A_1023 = arith.mulf %parallel_loop3A_1004, %parallel_loop3A_956 : vector<16xf32>
        %parallel_loop3A_1024 = arith.mulf %parallel_loop3A_1023, %parallel_loop3A_980 : vector<16xf32>
        %parallel_loop3A_1025 = arith.constant 0 : i32
        %parallel_loop3A_1026 = arith.addi %parallel_loop3A_394, %parallel_loop3A_1025 : i32
        %parallel_loop3A_1027 = arith.constant 64 : i32
        %parallel_loop3A_1028 = arith.addi %parallel_loop3A_1026, %parallel_loop3A_1027 : i32
        %parallel_loop3A_1029 = arith.index_cast %parallel_loop3A_1028 : i32 to index
        %parallel_loop3A_1030 = tpu.vector_load %arg9[%parallel_loop3A_1029] {strides = array<i32>} : memref<40960xf32, #tpu.memory_space<vmem>>, vector<16xf32>,
        tpu.vector_store %arg9[%parallel_loop3A_1029], %parallel_loop3A_1024 {strides = array<i32>} : memref<40960xf32, #tpu.memory_space<vmem>>, vector<16xf32>,
        %parallel_loop3A_1031 = arith.constant 0.577350259 : f32
        %parallel_loop3A_1032 = vector.broadcast %parallel_loop3A_1031 : f32 to vector<16xf32>
        %parallel_loop3A_1033 = arith.mulf %parallel_loop3A_1010, %parallel_loop3A_1032 : vector<16xf32>
        %parallel_loop3A_1034 = arith.mulf %parallel_loop3A_962, %parallel_loop3A_986 : vector<16xf32>
        %parallel_loop3A_1035 = arith.mulf %parallel_loop3A_968, %parallel_loop3A_992 : vector<16xf32>
        %parallel_loop3A_1036 = arith.addf %parallel_loop3A_1034, %parallel_loop3A_1035 : vector<16xf32>
        %parallel_loop3A_1037 = arith.mulf %parallel_loop3A_974, %parallel_loop3A_998 : vector<16xf32>
        %parallel_loop3A_1038 = arith.addf %parallel_loop3A_1036, %parallel_loop3A_1037 : vector<16xf32>
        %parallel_loop3A_1039 = arith.mulf %parallel_loop3A_1033, %parallel_loop3A_1038 : vector<16xf32>
        %parallel_loop3A_1040 = arith.constant 128 : i32
        %parallel_loop3A_1041 = arith.addi %parallel_loop3A_394, %parallel_loop3A_1040 : i32
        %parallel_loop3A_1042 = arith.constant 64 : i32
        %parallel_loop3A_1043 = arith.addi %parallel_loop3A_1041, %parallel_loop3A_1042 : i32
        %parallel_loop3A_1044 = arith.index_cast %parallel_loop3A_1043 : i32 to index
        %parallel_loop3A_1045 = tpu.vector_load %arg9[%parallel_loop3A_1044] {strides = array<i32>} : memref<40960xf32, #tpu.memory_space<vmem>>, vector<16xf32>,
        tpu.vector_store %arg9[%parallel_loop3A_1044], %parallel_loop3A_1039 {strides = array<i32>} : memref<40960xf32, #tpu.memory_space<vmem>>, vector<16xf32>,
        %parallel_loop3A_1046 = arith.mulf %parallel_loop3A_1016, %parallel_loop3A_956 : vector<16xf32>
        %parallel_loop3A_1047 = arith.mulf %parallel_loop3A_1022, %parallel_loop3A_980 : vector<16xf32>
        %parallel_loop3A_1048 = arith.mulf %parallel_loop3A_1046, %parallel_loop3A_986 : vector<16xf32>
        %parallel_loop3A_1049 = arith.constant 256 : i32
        %parallel_loop3A_1050 = arith.addi %parallel_loop3A_394, %parallel_loop3A_1049 : i32
        %parallel_loop3A_1051 = arith.constant 64 : i32
        %parallel_loop3A_1052 = arith.addi %parallel_loop3A_1050, %parallel_loop3A_1051 : i32
        %parallel_loop3A_1053 = arith.index_cast %parallel_loop3A_1052 : i32 to index
        %parallel_loop3A_1054 = tpu.vector_load %arg9[%parallel_loop3A_1053] {strides = array<i32>} : memref<40960xf32, #tpu.memory_space<vmem>>, vector<16xf32>,
        tpu.vector_store %arg9[%parallel_loop3A_1053], %parallel_loop3A_1048 {strides = array<i32>} : memref<40960xf32, #tpu.memory_space<vmem>>, vector<16xf32>,
        %parallel_loop3A_1055 = arith.mulf %parallel_loop3A_1047, %parallel_loop3A_962 : vector<16xf32>
        %parallel_loop3A_1056 = arith.constant 640 : i32
        %parallel_loop3A_1057 = arith.addi %parallel_loop3A_394, %parallel_loop3A_1056 : i32
        %parallel_loop3A_1058 = arith.constant 64 : i32
        %parallel_loop3A_1059 = arith.addi %parallel_loop3A_1057, %parallel_loop3A_1058 : i32
        %parallel_loop3A_1060 = arith.index_cast %parallel_loop3A_1059 : i32 to index
        %parallel_loop3A_1061 = tpu.vector_load %arg9[%parallel_loop3A_1060] {strides = array<i32>} : memref<40960xf32, #tpu.memory_space<vmem>>, vector<16xf32>,
        tpu.vector_store %arg9[%parallel_loop3A_1060], %parallel_loop3A_1055 {strides = array<i32>} : memref<40960xf32, #tpu.memory_space<vmem>>, vector<16xf32>,
        %parallel_loop3A_1062 = arith.mulf %parallel_loop3A_1046, %parallel_loop3A_992 : vector<16xf32>
        %parallel_loop3A_1063 = arith.constant 384 : i32
        %parallel_loop3A_1064 = arith.addi %parallel_loop3A_394, %parallel_loop3A_1063 : i32
        %parallel_loop3A_1065 = arith.constant 64 : i32
        %parallel_loop3A_1066 = arith.addi %parallel_loop3A_1064, %parallel_loop3A_1065 : i32
        %parallel_loop3A_1067 = arith.index_cast %parallel_loop3A_1066 : i32 to index
        %parallel_loop3A_1068 = tpu.vector_load %arg9[%parallel_loop3A_1067] {strides = array<i32>} : memref<40960xf32, #tpu.memory_space<vmem>>, vector<16xf32>,
        tpu.vector_store %arg9[%parallel_loop3A_1067], %parallel_loop3A_1062 {strides = array<i32>} : memref<40960xf32, #tpu.memory_space<vmem>>, vector<16xf32>,
        %parallel_loop3A_1069 = arith.mulf %parallel_loop3A_1047, %parallel_loop3A_968 : vector<16xf32>
        %parallel_loop3A_1070 = arith.constant 768 : i32
        %parallel_loop3A_1071 = arith.addi %parallel_loop3A_394, %parallel_loop3A_1070 : i32
        %parallel_loop3A_1072 = arith.constant 64 : i32
        %parallel_loop3A_1073 = arith.addi %parallel_loop3A_1071, %parallel_loop3A_1072 : i32
        %parallel_loop3A_1074 = arith.index_cast %parallel_loop3A_1073 : i32 to index
        %parallel_loop3A_1075 = tpu.vector_load %arg9[%parallel_loop3A_1074] {strides = array<i32>} : memref<40960xf32, #tpu.memory_space<vmem>>, vector<16xf32>,
        tpu.vector_store %arg9[%parallel_loop3A_1074], %parallel_loop3A_1069 {strides = array<i32>} : memref<40960xf32, #tpu.memory_space<vmem>>, vector<16xf32>,
        %parallel_loop3A_1076 = arith.mulf %parallel_loop3A_1046, %parallel_loop3A_998 : vector<16xf32>
        %parallel_loop3A_1077 = arith.constant 512 : i32
        %parallel_loop3A_1078 = arith.addi %parallel_loop3A_394, %parallel_loop3A_1077 : i32
        %parallel_loop3A_1079 = arith.constant 64 : i32
        %parallel_loop3A_1080 = arith.addi %parallel_loop3A_1078, %parallel_loop3A_1079 : i32
        %parallel_loop3A_1081 = arith.index_cast %parallel_loop3A_1080 : i32 to index
        %parallel_loop3A_1082 = tpu.vector_load %arg9[%parallel_loop3A_1081] {strides = array<i32>} : memref<40960xf32, #tpu.memory_space<vmem>>, vector<16xf32>,
        tpu.vector_store %arg9[%parallel_loop3A_1081], %parallel_loop3A_1076 {strides = array<i32>} : memref<40960xf32, #tpu.memory_space<vmem>>, vector<16xf32>,
        %parallel_loop3A_1083 = arith.mulf %parallel_loop3A_1047, %parallel_loop3A_974 : vector<16xf32>
        %parallel_loop3A_1084 = arith.constant 896 : i32
        %parallel_loop3A_1085 = arith.addi %parallel_loop3A_394, %parallel_loop3A_1084 : i32
        %parallel_loop3A_1086 = arith.constant 64 : i32
        %parallel_loop3A_1087 = arith.addi %parallel_loop3A_1085, %parallel_loop3A_1086 : i32
        %parallel_loop3A_1088 = arith.index_cast %parallel_loop3A_1087 : i32 to index
        %parallel_loop3A_1089 = tpu.vector_load %arg9[%parallel_loop3A_1088] {strides = array<i32>} : memref<40960xf32, #tpu.memory_space<vmem>>, vector<16xf32>,
        tpu.vector_store %arg9[%parallel_loop3A_1088], %parallel_loop3A_1083 {strides = array<i32>} : memref<40960xf32, #tpu.memory_space<vmem>>, vector<16xf32>,
        %parallel_loop3A_1090 = arith.constant 0 : i32
        %parallel_loop3A_1091 = arith.addi %parallel_loop3A_384, %parallel_loop3A_1090 : i32
        %parallel_loop3A_1092 = arith.constant 80 : i32
        %parallel_loop3A_1093 = arith.addi %parallel_loop3A_1091, %parallel_loop3A_1092 : i32
        %parallel_loop3A_1094 = arith.index_cast %parallel_loop3A_1093 : i32 to index
        %parallel_loop3A_1095 = tpu.vector_load %arg6[%parallel_loop3A_1094] {strides = array<i32>} : memref<20480xf32, #tpu.memory_space<vmem>>, vector<16xf32>,
        %parallel_loop3A_1096 = arith.constant 2560 : i32
        %parallel_loop3A_1097 = arith.addi %parallel_loop3A_384, %parallel_loop3A_1096 : i32
        %parallel_loop3A_1098 = arith.constant 80 : i32
        %parallel_loop3A_1099 = arith.addi %parallel_loop3A_1097, %parallel_loop3A_1098 : i32
        %parallel_loop3A_1100 = arith.index_cast %parallel_loop3A_1099 : i32 to index
        %parallel_loop3A_1101 = tpu.vector_load %arg6[%parallel_loop3A_1100] {strides = array<i32>} : memref<20480xf32, #tpu.memory_space<vmem>>, vector<16xf32>,
        %parallel_loop3A_1102 = arith.constant 5120 : i32
        %parallel_loop3A_1103 = arith.addi %parallel_loop3A_384, %parallel_loop3A_1102 : i32
        %parallel_loop3A_1104 = arith.constant 80 : i32
        %parallel_loop3A_1105 = arith.addi %parallel_loop3A_1103, %parallel_loop3A_1104 : i32
        %parallel_loop3A_1106 = arith.index_cast %parallel_loop3A_1105 : i32 to index
        %parallel_loop3A_1107 = tpu.vector_load %arg6[%parallel_loop3A_1106] {strides = array<i32>} : memref<20480xf32, #tpu.memory_space<vmem>>, vector<16xf32>,
        %parallel_loop3A_1108 = arith.constant 7680 : i32
        %parallel_loop3A_1109 = arith.addi %parallel_loop3A_384, %parallel_loop3A_1108 : i32
        %parallel_loop3A_1110 = arith.constant 80 : i32
        %parallel_loop3A_1111 = arith.addi %parallel_loop3A_1109, %parallel_loop3A_1110 : i32
        %parallel_loop3A_1112 = arith.index_cast %parallel_loop3A_1111 : i32 to index
        %parallel_loop3A_1113 = tpu.vector_load %arg6[%parallel_loop3A_1112] {strides = array<i32>} : memref<20480xf32, #tpu.memory_space<vmem>>, vector<16xf32>,
        %parallel_loop3A_1114 = arith.constant 0 : i32
        %parallel_loop3A_1115 = arith.addi %parallel_loop3A_384, %parallel_loop3A_1114 : i32
        %parallel_loop3A_1116 = arith.constant 80 : i32
        %parallel_loop3A_1117 = arith.addi %parallel_loop3A_1115, %parallel_loop3A_1116 : i32
        %parallel_loop3A_1118 = arith.index_cast %parallel_loop3A_1117 : i32 to index
        %parallel_loop3A_1119 = tpu.vector_load %arg7[%parallel_loop3A_1118] {strides = array<i32>} : memref<20480xf32, #tpu.memory_space<vmem>>, vector<16xf32>,
        %parallel_loop3A_1120 = arith.constant 2560 : i32
        %parallel_loop3A_1121 = arith.addi %parallel_loop3A_384, %parallel_loop3A_1120 : i32
        %parallel_loop3A_1122 = arith.constant 80 : i32
        %parallel_loop3A_1123 = arith.addi %parallel_loop3A_1121, %parallel_loop3A_1122 : i32
        %parallel_loop3A_1124 = arith.index_cast %parallel_loop3A_1123 : i32 to index
        %parallel_loop3A_1125 = tpu.vector_load %arg7[%parallel_loop3A_1124] {strides = array<i32>} : memref<20480xf32, #tpu.memory_space<vmem>>, vector<16xf32>,
        %parallel_loop3A_1126 = arith.constant 5120 : i32
        %parallel_loop3A_1127 = arith.addi %parallel_loop3A_384, %parallel_loop3A_1126 : i32
        %parallel_loop3A_1128 = arith.constant 80 : i32
        %parallel_loop3A_1129 = arith.addi %parallel_loop3A_1127, %parallel_loop3A_1128 : i32
        %parallel_loop3A_1130 = arith.index_cast %parallel_loop3A_1129 : i32 to index
        %parallel_loop3A_1131 = tpu.vector_load %arg7[%parallel_loop3A_1130] {strides = array<i32>} : memref<20480xf32, #tpu.memory_space<vmem>>, vector<16xf32>,
        %parallel_loop3A_1132 = arith.constant 7680 : i32
        %parallel_loop3A_1133 = arith.addi %parallel_loop3A_384, %parallel_loop3A_1132 : i32
        %parallel_loop3A_1134 = arith.constant 80 : i32
        %parallel_loop3A_1135 = arith.addi %parallel_loop3A_1133, %parallel_loop3A_1134 : i32
        %parallel_loop3A_1136 = arith.index_cast %parallel_loop3A_1135 : i32 to index
        %parallel_loop3A_1137 = tpu.vector_load %arg7[%parallel_loop3A_1136] {strides = array<i32>} : memref<20480xf32, #tpu.memory_space<vmem>>, vector<16xf32>,
        %parallel_loop3A_1138 = arith.constant 0 : i32
        %parallel_loop3A_1139 = arith.addi %parallel_loop3A_388, %parallel_loop3A_1138 : i32
        %parallel_loop3A_1140 = arith.constant 80 : i32
        %parallel_loop3A_1141 = arith.addi %parallel_loop3A_1139, %parallel_loop3A_1140 : i32
        %parallel_loop3A_1142 = arith.index_cast %parallel_loop3A_1141 : i32 to index
        %parallel_loop3A_1143 = tpu.vector_load %arg8[%parallel_loop3A_1142] {strides = array<i32>} : memref<20480xf32, #tpu.memory_space<vmem>>, vector<16xf32>,
        %parallel_loop3A_1144 = arith.constant 128 : i32
        %parallel_loop3A_1145 = arith.addi %parallel_loop3A_388, %parallel_loop3A_1144 : i32
        %parallel_loop3A_1146 = arith.constant 80 : i32
        %parallel_loop3A_1147 = arith.addi %parallel_loop3A_1145, %parallel_loop3A_1146 : i32
        %parallel_loop3A_1148 = arith.index_cast %parallel_loop3A_1147 : i32 to index
        %parallel_loop3A_1149 = tpu.vector_load %arg8[%parallel_loop3A_1148] {strides = array<i32>} : memref<20480xf32, #tpu.memory_space<vmem>>, vector<16xf32>,
        %parallel_loop3A_1150 = arith.constant 256 : i32
        %parallel_loop3A_1151 = arith.addi %parallel_loop3A_388, %parallel_loop3A_1150 : i32
        %parallel_loop3A_1152 = arith.constant 80 : i32
        %parallel_loop3A_1153 = arith.addi %parallel_loop3A_1151, %parallel_loop3A_1152 : i32
        %parallel_loop3A_1154 = arith.index_cast %parallel_loop3A_1153 : i32 to index
        %parallel_loop3A_1155 = tpu.vector_load %arg8[%parallel_loop3A_1154] {strides = array<i32>} : memref<20480xf32, #tpu.memory_space<vmem>>, vector<16xf32>,
        %parallel_loop3A_1156 = arith.constant 384 : i32
        %parallel_loop3A_1157 = arith.addi %parallel_loop3A_388, %parallel_loop3A_1156 : i32
        %parallel_loop3A_1158 = arith.constant 80 : i32
        %parallel_loop3A_1159 = arith.addi %parallel_loop3A_1157, %parallel_loop3A_1158 : i32
        %parallel_loop3A_1160 = arith.index_cast %parallel_loop3A_1159 : i32 to index
        %parallel_loop3A_1161 = tpu.vector_load %arg8[%parallel_loop3A_1160] {strides = array<i32>} : memref<20480xf32, #tpu.memory_space<vmem>>, vector<16xf32>,
        %parallel_loop3A_1162 = arith.mulf %parallel_loop3A_1143, %parallel_loop3A_1095 : vector<16xf32>
        %parallel_loop3A_1163 = arith.mulf %parallel_loop3A_1162, %parallel_loop3A_1119 : vector<16xf32>
        %parallel_loop3A_1164 = arith.constant 0 : i32
        %parallel_loop3A_1165 = arith.addi %parallel_loop3A_394, %parallel_loop3A_1164 : i32
        %parallel_loop3A_1166 = arith.constant 80 : i32
        %parallel_loop3A_1167 = arith.addi %parallel_loop3A_1165, %parallel_loop3A_1166 : i32
        %parallel_loop3A_1168 = arith.index_cast %parallel_loop3A_1167 : i32 to index
        %parallel_loop3A_1169 = tpu.vector_load %arg9[%parallel_loop3A_1168] {strides = array<i32>} : memref<40960xf32, #tpu.memory_space<vmem>>, vector<16xf32>,
        tpu.vector_store %arg9[%parallel_loop3A_1168], %parallel_loop3A_1163 {strides = array<i32>} : memref<40960xf32, #tpu.memory_space<vmem>>, vector<16xf32>,
        %parallel_loop3A_1170 = arith.constant 0.577350259 : f32
        %parallel_loop3A_1171 = vector.broadcast %parallel_loop3A_1170 : f32 to vector<16xf32>
        %parallel_loop3A_1172 = arith.mulf %parallel_loop3A_1149, %parallel_loop3A_1171 : vector<16xf32>
        %parallel_loop3A_1173 = arith.mulf %parallel_loop3A_1101, %parallel_loop3A_1125 : vector<16xf32>
        %parallel_loop3A_1174 = arith.mulf %parallel_loop3A_1107, %parallel_loop3A_1131 : vector<16xf32>
        %parallel_loop3A_1175 = arith.addf %parallel_loop3A_1173, %parallel_loop3A_1174 : vector<16xf32>
        %parallel_loop3A_1176 = arith.mulf %parallel_loop3A_1113, %parallel_loop3A_1137 : vector<16xf32>
        %parallel_loop3A_1177 = arith.addf %parallel_loop3A_1175, %parallel_loop3A_1176 : vector<16xf32>
        %parallel_loop3A_1178 = arith.mulf %parallel_loop3A_1172, %parallel_loop3A_1177 : vector<16xf32>
        %parallel_loop3A_1179 = arith.constant 128 : i32
        %parallel_loop3A_1180 = arith.addi %parallel_loop3A_394, %parallel_loop3A_1179 : i32
        %parallel_loop3A_1181 = arith.constant 80 : i32
        %parallel_loop3A_1182 = arith.addi %parallel_loop3A_1180, %parallel_loop3A_1181 : i32
        %parallel_loop3A_1183 = arith.index_cast %parallel_loop3A_1182 : i32 to index
        %parallel_loop3A_1184 = tpu.vector_load %arg9[%parallel_loop3A_1183] {strides = array<i32>} : memref<40960xf32, #tpu.memory_space<vmem>>, vector<16xf32>,
        tpu.vector_store %arg9[%parallel_loop3A_1183], %parallel_loop3A_1178 {strides = array<i32>} : memref<40960xf32, #tpu.memory_space<vmem>>, vector<16xf32>,
        %parallel_loop3A_1185 = arith.mulf %parallel_loop3A_1155, %parallel_loop3A_1095 : vector<16xf32>
        %parallel_loop3A_1186 = arith.mulf %parallel_loop3A_1161, %parallel_loop3A_1119 : vector<16xf32>
        %parallel_loop3A_1187 = arith.mulf %parallel_loop3A_1185, %parallel_loop3A_1125 : vector<16xf32>
        %parallel_loop3A_1188 = arith.constant 256 : i32
        %parallel_loop3A_1189 = arith.addi %parallel_loop3A_394, %parallel_loop3A_1188 : i32
        %parallel_loop3A_1190 = arith.constant 80 : i32
        %parallel_loop3A_1191 = arith.addi %parallel_loop3A_1189, %parallel_loop3A_1190 : i32
        %parallel_loop3A_1192 = arith.index_cast %parallel_loop3A_1191 : i32 to index
        %parallel_loop3A_1193 = tpu.vector_load %arg9[%parallel_loop3A_1192] {strides = array<i32>} : memref<40960xf32, #tpu.memory_space<vmem>>, vector<16xf32>,
        tpu.vector_store %arg9[%parallel_loop3A_1192], %parallel_loop3A_1187 {strides = array<i32>} : memref<40960xf32, #tpu.memory_space<vmem>>, vector<16xf32>,
        %parallel_loop3A_1194 = arith.mulf %parallel_loop3A_1186, %parallel_loop3A_1101 : vector<16xf32>
        %parallel_loop3A_1195 = arith.constant 640 : i32
        %parallel_loop3A_1196 = arith.addi %parallel_loop3A_394, %parallel_loop3A_1195 : i32
        %parallel_loop3A_1197 = arith.constant 80 : i32
        %parallel_loop3A_1198 = arith.addi %parallel_loop3A_1196, %parallel_loop3A_1197 : i32
        %parallel_loop3A_1199 = arith.index_cast %parallel_loop3A_1198 : i32 to index
        %parallel_loop3A_1200 = tpu.vector_load %arg9[%parallel_loop3A_1199] {strides = array<i32>} : memref<40960xf32, #tpu.memory_space<vmem>>, vector<16xf32>,
        tpu.vector_store %arg9[%parallel_loop3A_1199], %parallel_loop3A_1194 {strides = array<i32>} : memref<40960xf32, #tpu.memory_space<vmem>>, vector<16xf32>,
        %parallel_loop3A_1201 = arith.mulf %parallel_loop3A_1185, %parallel_loop3A_1131 : vector<16xf32>
        %parallel_loop3A_1202 = arith.constant 384 : i32
        %parallel_loop3A_1203 = arith.addi %parallel_loop3A_394, %parallel_loop3A_1202 : i32
        %parallel_loop3A_1204 = arith.constant 80 : i32
        %parallel_loop3A_1205 = arith.addi %parallel_loop3A_1203, %parallel_loop3A_1204 : i32
        %parallel_loop3A_1206 = arith.index_cast %parallel_loop3A_1205 : i32 to index
        %parallel_loop3A_1207 = tpu.vector_load %arg9[%parallel_loop3A_1206] {strides = array<i32>} : memref<40960xf32, #tpu.memory_space<vmem>>, vector<16xf32>,
        tpu.vector_store %arg9[%parallel_loop3A_1206], %parallel_loop3A_1201 {strides = array<i32>} : memref<40960xf32, #tpu.memory_space<vmem>>, vector<16xf32>,
        %parallel_loop3A_1208 = arith.mulf %parallel_loop3A_1186, %parallel_loop3A_1107 : vector<16xf32>
        %parallel_loop3A_1209 = arith.constant 768 : i32
        %parallel_loop3A_1210 = arith.addi %parallel_loop3A_394, %parallel_loop3A_1209 : i32
        %parallel_loop3A_1211 = arith.constant 80 : i32
        %parallel_loop3A_1212 = arith.addi %parallel_loop3A_1210, %parallel_loop3A_1211 : i32
        %parallel_loop3A_1213 = arith.index_cast %parallel_loop3A_1212 : i32 to index
        %parallel_loop3A_1214 = tpu.vector_load %arg9[%parallel_loop3A_1213] {strides = array<i32>} : memref<40960xf32, #tpu.memory_space<vmem>>, vector<16xf32>,
        tpu.vector_store %arg9[%parallel_loop3A_1213], %parallel_loop3A_1208 {strides = array<i32>} : memref<40960xf32, #tpu.memory_space<vmem>>, vector<16xf32>,
        %parallel_loop3A_1215 = arith.mulf %parallel_loop3A_1185, %parallel_loop3A_1137 : vector<16xf32>
        %parallel_loop3A_1216 = arith.constant 512 : i32
        %parallel_loop3A_1217 = arith.addi %parallel_loop3A_394, %parallel_loop3A_1216 : i32
        %parallel_loop3A_1218 = arith.constant 80 : i32
        %parallel_loop3A_1219 = arith.addi %parallel_loop3A_1217, %parallel_loop3A_1218 : i32
        %parallel_loop3A_1220 = arith.index_cast %parallel_loop3A_1219 : i32 to index
        %parallel_loop3A_1221 = tpu.vector_load %arg9[%parallel_loop3A_1220] {strides = array<i32>} : memref<40960xf32, #tpu.memory_space<vmem>>, vector<16xf32>,
        tpu.vector_store %arg9[%parallel_loop3A_1220], %parallel_loop3A_1215 {strides = array<i32>} : memref<40960xf32, #tpu.memory_space<vmem>>, vector<16xf32>,
        %parallel_loop3A_1222 = arith.mulf %parallel_loop3A_1186, %parallel_loop3A_1113 : vector<16xf32>
        %parallel_loop3A_1223 = arith.constant 896 : i32
        %parallel_loop3A_1224 = arith.addi %parallel_loop3A_394, %parallel_loop3A_1223 : i32
        %parallel_loop3A_1225 = arith.constant 80 : i32
        %parallel_loop3A_1226 = arith.addi %parallel_loop3A_1224, %parallel_loop3A_1225 : i32
        %parallel_loop3A_1227 = arith.index_cast %parallel_loop3A_1226 : i32 to index
        %parallel_loop3A_1228 = tpu.vector_load %arg9[%parallel_loop3A_1227] {strides = array<i32>} : memref<40960xf32, #tpu.memory_space<vmem>>, vector<16xf32>,
        tpu.vector_store %arg9[%parallel_loop3A_1227], %parallel_loop3A_1222 {strides = array<i32>} : memref<40960xf32, #tpu.memory_space<vmem>>, vector<16xf32>,
        %parallel_loop3A_1229 = arith.constant 0 : i32
        %parallel_loop3A_1230 = arith.addi %parallel_loop3A_384, %parallel_loop3A_1229 : i32
        %parallel_loop3A_1231 = arith.constant 96 : i32
        %parallel_loop3A_1232 = arith.addi %parallel_loop3A_1230, %parallel_loop3A_1231 : i32
        %parallel_loop3A_1233 = arith.index_cast %parallel_loop3A_1232 : i32 to index
        %parallel_loop3A_1234 = tpu.vector_load %arg6[%parallel_loop3A_1233] {strides = array<i32>} : memref<20480xf32, #tpu.memory_space<vmem>>, vector<16xf32>,
        %parallel_loop3A_1235 = arith.constant 2560 : i32
        %parallel_loop3A_1236 = arith.addi %parallel_loop3A_384, %parallel_loop3A_1235 : i32
        %parallel_loop3A_1237 = arith.constant 96 : i32
        %parallel_loop3A_1238 = arith.addi %parallel_loop3A_1236, %parallel_loop3A_1237 : i32
        %parallel_loop3A_1239 = arith.index_cast %parallel_loop3A_1238 : i32 to index
        %parallel_loop3A_1240 = tpu.vector_load %arg6[%parallel_loop3A_1239] {strides = array<i32>} : memref<20480xf32, #tpu.memory_space<vmem>>, vector<16xf32>,
        %parallel_loop3A_1241 = arith.constant 5120 : i32
        %parallel_loop3A_1242 = arith.addi %parallel_loop3A_384, %parallel_loop3A_1241 : i32
        %parallel_loop3A_1243 = arith.constant 96 : i32
        %parallel_loop3A_1244 = arith.addi %parallel_loop3A_1242, %parallel_loop3A_1243 : i32
        %parallel_loop3A_1245 = arith.index_cast %parallel_loop3A_1244 : i32 to index
        %parallel_loop3A_1246 = tpu.vector_load %arg6[%parallel_loop3A_1245] {strides = array<i32>} : memref<20480xf32, #tpu.memory_space<vmem>>, vector<16xf32>,
        %parallel_loop3A_1247 = arith.constant 7680 : i32
        %parallel_loop3A_1248 = arith.addi %parallel_loop3A_384, %parallel_loop3A_1247 : i32
        %parallel_loop3A_1249 = arith.constant 96 : i32
        %parallel_loop3A_1250 = arith.addi %parallel_loop3A_1248, %parallel_loop3A_1249 : i32
        %parallel_loop3A_1251 = arith.index_cast %parallel_loop3A_1250 : i32 to index
        %parallel_loop3A_1252 = tpu.vector_load %arg6[%parallel_loop3A_1251] {strides = array<i32>} : memref<20480xf32, #tpu.memory_space<vmem>>, vector<16xf32>,
        %parallel_loop3A_1253 = arith.constant 0 : i32
        %parallel_loop3A_1254 = arith.addi %parallel_loop3A_384, %parallel_loop3A_1253 : i32
        %parallel_loop3A_1255 = arith.constant 96 : i32
        %parallel_loop3A_1256 = arith.addi %parallel_loop3A_1254, %parallel_loop3A_1255 : i32
        %parallel_loop3A_1257 = arith.index_cast %parallel_loop3A_1256 : i32 to index
        %parallel_loop3A_1258 = tpu.vector_load %arg7[%parallel_loop3A_1257] {strides = array<i32>} : memref<20480xf32, #tpu.memory_space<vmem>>, vector<16xf32>,
        %parallel_loop3A_1259 = arith.constant 2560 : i32
        %parallel_loop3A_1260 = arith.addi %parallel_loop3A_384, %parallel_loop3A_1259 : i32
        %parallel_loop3A_1261 = arith.constant 96 : i32
        %parallel_loop3A_1262 = arith.addi %parallel_loop3A_1260, %parallel_loop3A_1261 : i32
        %parallel_loop3A_1263 = arith.index_cast %parallel_loop3A_1262 : i32 to index
        %parallel_loop3A_1264 = tpu.vector_load %arg7[%parallel_loop3A_1263] {strides = array<i32>} : memref<20480xf32, #tpu.memory_space<vmem>>, vector<16xf32>,
        %parallel_loop3A_1265 = arith.constant 5120 : i32
        %parallel_loop3A_1266 = arith.addi %parallel_loop3A_384, %parallel_loop3A_1265 : i32
        %parallel_loop3A_1267 = arith.constant 96 : i32
        %parallel_loop3A_1268 = arith.addi %parallel_loop3A_1266, %parallel_loop3A_1267 : i32
        %parallel_loop3A_1269 = arith.index_cast %parallel_loop3A_1268 : i32 to index
        %parallel_loop3A_1270 = tpu.vector_load %arg7[%parallel_loop3A_1269] {strides = array<i32>} : memref<20480xf32, #tpu.memory_space<vmem>>, vector<16xf32>,
        %parallel_loop3A_1271 = arith.constant 7680 : i32
        %parallel_loop3A_1272 = arith.addi %parallel_loop3A_384, %parallel_loop3A_1271 : i32
        %parallel_loop3A_1273 = arith.constant 96 : i32
        %parallel_loop3A_1274 = arith.addi %parallel_loop3A_1272, %parallel_loop3A_1273 : i32
        %parallel_loop3A_1275 = arith.index_cast %parallel_loop3A_1274 : i32 to index
        %parallel_loop3A_1276 = tpu.vector_load %arg7[%parallel_loop3A_1275] {strides = array<i32>} : memref<20480xf32, #tpu.memory_space<vmem>>, vector<16xf32>,
        %parallel_loop3A_1277 = arith.constant 0 : i32
        %parallel_loop3A_1278 = arith.addi %parallel_loop3A_388, %parallel_loop3A_1277 : i32
        %parallel_loop3A_1279 = arith.constant 96 : i32
        %parallel_loop3A_1280 = arith.addi %parallel_loop3A_1278, %parallel_loop3A_1279 : i32
        %parallel_loop3A_1281 = arith.index_cast %parallel_loop3A_1280 : i32 to index
        %parallel_loop3A_1282 = tpu.vector_load %arg8[%parallel_loop3A_1281] {strides = array<i32>} : memref<20480xf32, #tpu.memory_space<vmem>>, vector<16xf32>,
        %parallel_loop3A_1283 = arith.constant 128 : i32
        %parallel_loop3A_1284 = arith.addi %parallel_loop3A_388, %parallel_loop3A_1283 : i32
        %parallel_loop3A_1285 = arith.constant 96 : i32
        %parallel_loop3A_1286 = arith.addi %parallel_loop3A_1284, %parallel_loop3A_1285 : i32
        %parallel_loop3A_1287 = arith.index_cast %parallel_loop3A_1286 : i32 to index
        %parallel_loop3A_1288 = tpu.vector_load %arg8[%parallel_loop3A_1287] {strides = array<i32>} : memref<20480xf32, #tpu.memory_space<vmem>>, vector<16xf32>,
        %parallel_loop3A_1289 = arith.constant 256 : i32
        %parallel_loop3A_1290 = arith.addi %parallel_loop3A_388, %parallel_loop3A_1289 : i32
        %parallel_loop3A_1291 = arith.constant 96 : i32
        %parallel_loop3A_1292 = arith.addi %parallel_loop3A_1290, %parallel_loop3A_1291 : i32
        %parallel_loop3A_1293 = arith.index_cast %parallel_loop3A_1292 : i32 to index
        %parallel_loop3A_1294 = tpu.vector_load %arg8[%parallel_loop3A_1293] {strides = array<i32>} : memref<20480xf32, #tpu.memory_space<vmem>>, vector<16xf32>,
        %parallel_loop3A_1295 = arith.constant 384 : i32
        %parallel_loop3A_1296 = arith.addi %parallel_loop3A_388, %parallel_loop3A_1295 : i32
        %parallel_loop3A_1297 = arith.constant 96 : i32
        %parallel_loop3A_1298 = arith.addi %parallel_loop3A_1296, %parallel_loop3A_1297 : i32
        %parallel_loop3A_1299 = arith.index_cast %parallel_loop3A_1298 : i32 to index
        %parallel_loop3A_1300 = tpu.vector_load %arg8[%parallel_loop3A_1299] {strides = array<i32>} : memref<20480xf32, #tpu.memory_space<vmem>>, vector<16xf32>,
        %parallel_loop3A_1301 = arith.mulf %parallel_loop3A_1282, %parallel_loop3A_1234 : vector<16xf32>
        %parallel_loop3A_1302 = arith.mulf %parallel_loop3A_1301, %parallel_loop3A_1258 : vector<16xf32>
        %parallel_loop3A_1303 = arith.constant 0 : i32
        %parallel_loop3A_1304 = arith.addi %parallel_loop3A_394, %parallel_loop3A_1303 : i32
        %parallel_loop3A_1305 = arith.constant 96 : i32
        %parallel_loop3A_1306 = arith.addi %parallel_loop3A_1304, %parallel_loop3A_1305 : i32
        %parallel_loop3A_1307 = arith.index_cast %parallel_loop3A_1306 : i32 to index
        %parallel_loop3A_1308 = tpu.vector_load %arg9[%parallel_loop3A_1307] {strides = array<i32>} : memref<40960xf32, #tpu.memory_space<vmem>>, vector<16xf32>,
        tpu.vector_store %arg9[%parallel_loop3A_1307], %parallel_loop3A_1302 {strides = array<i32>} : memref<40960xf32, #tpu.memory_space<vmem>>, vector<16xf32>,
        %parallel_loop3A_1309 = arith.constant 0.577350259 : f32
        %parallel_loop3A_1310 = vector.broadcast %parallel_loop3A_1309 : f32 to vector<16xf32>
        %parallel_loop3A_1311 = arith.mulf %parallel_loop3A_1288, %parallel_loop3A_1310 : vector<16xf32>
        %parallel_loop3A_1312 = arith.mulf %parallel_loop3A_1240, %parallel_loop3A_1264 : vector<16xf32>
        %parallel_loop3A_1313 = arith.mulf %parallel_loop3A_1246, %parallel_loop3A_1270 : vector<16xf32>
        %parallel_loop3A_1314 = arith.addf %parallel_loop3A_1312, %parallel_loop3A_1313 : vector<16xf32>
        %parallel_loop3A_1315 = arith.mulf %parallel_loop3A_1252, %parallel_loop3A_1276 : vector<16xf32>
        %parallel_loop3A_1316 = arith.addf %parallel_loop3A_1314, %parallel_loop3A_1315 : vector<16xf32>
        %parallel_loop3A_1317 = arith.mulf %parallel_loop3A_1311, %parallel_loop3A_1316 : vector<16xf32>
        %parallel_loop3A_1318 = arith.constant 128 : i32
        %parallel_loop3A_1319 = arith.addi %parallel_loop3A_394, %parallel_loop3A_1318 : i32
        %parallel_loop3A_1320 = arith.constant 96 : i32
        %parallel_loop3A_1321 = arith.addi %parallel_loop3A_1319, %parallel_loop3A_1320 : i32
        %parallel_loop3A_1322 = arith.index_cast %parallel_loop3A_1321 : i32 to index
        %parallel_loop3A_1323 = tpu.vector_load %arg9[%parallel_loop3A_1322] {strides = array<i32>} : memref<40960xf32, #tpu.memory_space<vmem>>, vector<16xf32>,
        tpu.vector_store %arg9[%parallel_loop3A_1322], %parallel_loop3A_1317 {strides = array<i32>} : memref<40960xf32, #tpu.memory_space<vmem>>, vector<16xf32>,
        %parallel_loop3A_1324 = arith.mulf %parallel_loop3A_1294, %parallel_loop3A_1234 : vector<16xf32>
        %parallel_loop3A_1325 = arith.mulf %parallel_loop3A_1300, %parallel_loop3A_1258 : vector<16xf32>
        %parallel_loop3A_1326 = arith.mulf %parallel_loop3A_1324, %parallel_loop3A_1264 : vector<16xf32>
        %parallel_loop3A_1327 = arith.constant 256 : i32
        %parallel_loop3A_1328 = arith.addi %parallel_loop3A_394, %parallel_loop3A_1327 : i32
        %parallel_loop3A_1329 = arith.constant 96 : i32
        %parallel_loop3A_1330 = arith.addi %parallel_loop3A_1328, %parallel_loop3A_1329 : i32
        %parallel_loop3A_1331 = arith.index_cast %parallel_loop3A_1330 : i32 to index
        %parallel_loop3A_1332 = tpu.vector_load %arg9[%parallel_loop3A_1331] {strides = array<i32>} : memref<40960xf32, #tpu.memory_space<vmem>>, vector<16xf32>,
        tpu.vector_store %arg9[%parallel_loop3A_1331], %parallel_loop3A_1326 {strides = array<i32>} : memref<40960xf32, #tpu.memory_space<vmem>>, vector<16xf32>,
        %parallel_loop3A_1333 = arith.mulf %parallel_loop3A_1325, %parallel_loop3A_1240 : vector<16xf32>
        %parallel_loop3A_1334 = arith.constant 640 : i32
        %parallel_loop3A_1335 = arith.addi %parallel_loop3A_394, %parallel_loop3A_1334 : i32
        %parallel_loop3A_1336 = arith.constant 96 : i32
        %parallel_loop3A_1337 = arith.addi %parallel_loop3A_1335, %parallel_loop3A_1336 : i32
        %parallel_loop3A_1338 = arith.index_cast %parallel_loop3A_1337 : i32 to index
        %parallel_loop3A_1339 = tpu.vector_load %arg9[%parallel_loop3A_1338] {strides = array<i32>} : memref<40960xf32, #tpu.memory_space<vmem>>, vector<16xf32>,
        tpu.vector_store %arg9[%parallel_loop3A_1338], %parallel_loop3A_1333 {strides = array<i32>} : memref<40960xf32, #tpu.memory_space<vmem>>, vector<16xf32>,
        %parallel_loop3A_1340 = arith.mulf %parallel_loop3A_1324, %parallel_loop3A_1270 : vector<16xf32>
        %parallel_loop3A_1341 = arith.constant 384 : i32
        %parallel_loop3A_1342 = arith.addi %parallel_loop3A_394, %parallel_loop3A_1341 : i32
        %parallel_loop3A_1343 = arith.constant 96 : i32
        %parallel_loop3A_1344 = arith.addi %parallel_loop3A_1342, %parallel_loop3A_1343 : i32
        %parallel_loop3A_1345 = arith.index_cast %parallel_loop3A_1344 : i32 to index
        %parallel_loop3A_1346 = tpu.vector_load %arg9[%parallel_loop3A_1345] {strides = array<i32>} : memref<40960xf32, #tpu.memory_space<vmem>>, vector<16xf32>,
        tpu.vector_store %arg9[%parallel_loop3A_1345], %parallel_loop3A_1340 {strides = array<i32>} : memref<40960xf32, #tpu.memory_space<vmem>>, vector<16xf32>,
        %parallel_loop3A_1347 = arith.mulf %parallel_loop3A_1325, %parallel_loop3A_1246 : vector<16xf32>
        %parallel_loop3A_1348 = arith.constant 768 : i32
        %parallel_loop3A_1349 = arith.addi %parallel_loop3A_394, %parallel_loop3A_1348 : i32
        %parallel_loop3A_1350 = arith.constant 96 : i32
        %parallel_loop3A_1351 = arith.addi %parallel_loop3A_1349, %parallel_loop3A_1350 : i32
        %parallel_loop3A_1352 = arith.index_cast %parallel_loop3A_1351 : i32 to index
        %parallel_loop3A_1353 = tpu.vector_load %arg9[%parallel_loop3A_1352] {strides = array<i32>} : memref<40960xf32, #tpu.memory_space<vmem>>, vector<16xf32>,
        tpu.vector_store %arg9[%parallel_loop3A_1352], %parallel_loop3A_1347 {strides = array<i32>} : memref<40960xf32, #tpu.memory_space<vmem>>, vector<16xf32>,
        %parallel_loop3A_1354 = arith.mulf %parallel_loop3A_1324, %parallel_loop3A_1276 : vector<16xf32>
        %parallel_loop3A_1355 = arith.constant 512 : i32
        %parallel_loop3A_1356 = arith.addi %parallel_loop3A_394, %parallel_loop3A_1355 : i32
        %parallel_loop3A_1357 = arith.constant 96 : i32
        %parallel_loop3A_1358 = arith.addi %parallel_loop3A_1356, %parallel_loop3A_1357 : i32
        %parallel_loop3A_1359 = arith.index_cast %parallel_loop3A_1358 : i32 to index
        %parallel_loop3A_1360 = tpu.vector_load %arg9[%parallel_loop3A_1359] {strides = array<i32>} : memref<40960xf32, #tpu.memory_space<vmem>>, vector<16xf32>,
        tpu.vector_store %arg9[%parallel_loop3A_1359], %parallel_loop3A_1354 {strides = array<i32>} : memref<40960xf32, #tpu.memory_space<vmem>>, vector<16xf32>,
        %parallel_loop3A_1361 = arith.mulf %parallel_loop3A_1325, %parallel_loop3A_1252 : vector<16xf32>
        %parallel_loop3A_1362 = arith.constant 896 : i32
        %parallel_loop3A_1363 = arith.addi %parallel_loop3A_394, %parallel_loop3A_1362 : i32
        %parallel_loop3A_1364 = arith.constant 96 : i32
        %parallel_loop3A_1365 = arith.addi %parallel_loop3A_1363, %parallel_loop3A_1364 : i32
        %parallel_loop3A_1366 = arith.index_cast %parallel_loop3A_1365 : i32 to index
        %parallel_loop3A_1367 = tpu.vector_load %arg9[%parallel_loop3A_1366] {strides = array<i32>} : memref<40960xf32, #tpu.memory_space<vmem>>, vector<16xf32>,
        tpu.vector_store %arg9[%parallel_loop3A_1366], %parallel_loop3A_1361 {strides = array<i32>} : memref<40960xf32, #tpu.memory_space<vmem>>, vector<16xf32>,
        %parallel_loop3A_1368 = arith.constant 0 : i32
        %parallel_loop3A_1369 = arith.addi %parallel_loop3A_384, %parallel_loop3A_1368 : i32
        %parallel_loop3A_1370 = arith.constant 112 : i32
        %parallel_loop3A_1371 = arith.addi %parallel_loop3A_1369, %parallel_loop3A_1370 : i32
        %parallel_loop3A_1372 = arith.index_cast %parallel_loop3A_1371 : i32 to index
        %parallel_loop3A_1373 = tpu.vector_load %arg6[%parallel_loop3A_1372] {strides = array<i32>} : memref<20480xf32, #tpu.memory_space<vmem>>, vector<16xf32>,
        %parallel_loop3A_1374 = arith.constant 2560 : i32
        %parallel_loop3A_1375 = arith.addi %parallel_loop3A_384, %parallel_loop3A_1374 : i32
        %parallel_loop3A_1376 = arith.constant 112 : i32
        %parallel_loop3A_1377 = arith.addi %parallel_loop3A_1375, %parallel_loop3A_1376 : i32
        %parallel_loop3A_1378 = arith.index_cast %parallel_loop3A_1377 : i32 to index
        %parallel_loop3A_1379 = tpu.vector_load %arg6[%parallel_loop3A_1378] {strides = array<i32>} : memref<20480xf32, #tpu.memory_space<vmem>>, vector<16xf32>,
        %parallel_loop3A_1380 = arith.constant 5120 : i32
        %parallel_loop3A_1381 = arith.addi %parallel_loop3A_384, %parallel_loop3A_1380 : i32
        %parallel_loop3A_1382 = arith.constant 112 : i32
        %parallel_loop3A_1383 = arith.addi %parallel_loop3A_1381, %parallel_loop3A_1382 : i32
        %parallel_loop3A_1384 = arith.index_cast %parallel_loop3A_1383 : i32 to index
        %parallel_loop3A_1385 = tpu.vector_load %arg6[%parallel_loop3A_1384] {strides = array<i32>} : memref<20480xf32, #tpu.memory_space<vmem>>, vector<16xf32>,
        %parallel_loop3A_1386 = arith.constant 7680 : i32
        %parallel_loop3A_1387 = arith.addi %parallel_loop3A_384, %parallel_loop3A_1386 : i32
        %parallel_loop3A_1388 = arith.constant 112 : i32
        %parallel_loop3A_1389 = arith.addi %parallel_loop3A_1387, %parallel_loop3A_1388 : i32
        %parallel_loop3A_1390 = arith.index_cast %parallel_loop3A_1389 : i32 to index
        %parallel_loop3A_1391 = tpu.vector_load %arg6[%parallel_loop3A_1390] {strides = array<i32>} : memref<20480xf32, #tpu.memory_space<vmem>>, vector<16xf32>,
        %parallel_loop3A_1392 = arith.constant 0 : i32
        %parallel_loop3A_1393 = arith.addi %parallel_loop3A_384, %parallel_loop3A_1392 : i32
        %parallel_loop3A_1394 = arith.constant 112 : i32
        %parallel_loop3A_1395 = arith.addi %parallel_loop3A_1393, %parallel_loop3A_1394 : i32
        %parallel_loop3A_1396 = arith.index_cast %parallel_loop3A_1395 : i32 to index
        %parallel_loop3A_1397 = tpu.vector_load %arg7[%parallel_loop3A_1396] {strides = array<i32>} : memref<20480xf32, #tpu.memory_space<vmem>>, vector<16xf32>,
        %parallel_loop3A_1398 = arith.constant 2560 : i32
        %parallel_loop3A_1399 = arith.addi %parallel_loop3A_384, %parallel_loop3A_1398 : i32
        %parallel_loop3A_1400 = arith.constant 112 : i32
        %parallel_loop3A_1401 = arith.addi %parallel_loop3A_1399, %parallel_loop3A_1400 : i32
        %parallel_loop3A_1402 = arith.index_cast %parallel_loop3A_1401 : i32 to index
        %parallel_loop3A_1403 = tpu.vector_load %arg7[%parallel_loop3A_1402] {strides = array<i32>} : memref<20480xf32, #tpu.memory_space<vmem>>, vector<16xf32>,
        %parallel_loop3A_1404 = arith.constant 5120 : i32
        %parallel_loop3A_1405 = arith.addi %parallel_loop3A_384, %parallel_loop3A_1404 : i32
        %parallel_loop3A_1406 = arith.constant 112 : i32
        %parallel_loop3A_1407 = arith.addi %parallel_loop3A_1405, %parallel_loop3A_1406 : i32
        %parallel_loop3A_1408 = arith.index_cast %parallel_loop3A_1407 : i32 to index
        %parallel_loop3A_1409 = tpu.vector_load %arg7[%parallel_loop3A_1408] {strides = array<i32>} : memref<20480xf32, #tpu.memory_space<vmem>>, vector<16xf32>,
        %parallel_loop3A_1410 = arith.constant 7680 : i32
        %parallel_loop3A_1411 = arith.addi %parallel_loop3A_384, %parallel_loop3A_1410 : i32
        %parallel_loop3A_1412 = arith.constant 112 : i32
        %parallel_loop3A_1413 = arith.addi %parallel_loop3A_1411, %parallel_loop3A_1412 : i32
        %parallel_loop3A_1414 = arith.index_cast %parallel_loop3A_1413 : i32 to index
        %parallel_loop3A_1415 = tpu.vector_load %arg7[%parallel_loop3A_1414] {strides = array<i32>} : memref<20480xf32, #tpu.memory_space<vmem>>, vector<16xf32>,
        %parallel_loop3A_1416 = arith.constant 0 : i32
        %parallel_loop3A_1417 = arith.addi %parallel_loop3A_388, %parallel_loop3A_1416 : i32
        %parallel_loop3A_1418 = arith.constant 112 : i32
        %parallel_loop3A_1419 = arith.addi %parallel_loop3A_1417, %parallel_loop3A_1418 : i32
        %parallel_loop3A_1420 = arith.index_cast %parallel_loop3A_1419 : i32 to index
        %parallel_loop3A_1421 = tpu.vector_load %arg8[%parallel_loop3A_1420] {strides = array<i32>} : memref<20480xf32, #tpu.memory_space<vmem>>, vector<16xf32>,
        %parallel_loop3A_1422 = arith.constant 128 : i32
        %parallel_loop3A_1423 = arith.addi %parallel_loop3A_388, %parallel_loop3A_1422 : i32
        %parallel_loop3A_1424 = arith.constant 112 : i32
        %parallel_loop3A_1425 = arith.addi %parallel_loop3A_1423, %parallel_loop3A_1424 : i32
        %parallel_loop3A_1426 = arith.index_cast %parallel_loop3A_1425 : i32 to index
        %parallel_loop3A_1427 = tpu.vector_load %arg8[%parallel_loop3A_1426] {strides = array<i32>} : memref<20480xf32, #tpu.memory_space<vmem>>, vector<16xf32>,
        %parallel_loop3A_1428 = arith.constant 256 : i32
        %parallel_loop3A_1429 = arith.addi %parallel_loop3A_388, %parallel_loop3A_1428 : i32
        %parallel_loop3A_1430 = arith.constant 112 : i32
        %parallel_loop3A_1431 = arith.addi %parallel_loop3A_1429, %parallel_loop3A_1430 : i32
        %parallel_loop3A_1432 = arith.index_cast %parallel_loop3A_1431 : i32 to index
        %parallel_loop3A_1433 = tpu.vector_load %arg8[%parallel_loop3A_1432] {strides = array<i32>} : memref<20480xf32, #tpu.memory_space<vmem>>, vector<16xf32>,
        %parallel_loop3A_1434 = arith.constant 384 : i32
        %parallel_loop3A_1435 = arith.addi %parallel_loop3A_388, %parallel_loop3A_1434 : i32
        %parallel_loop3A_1436 = arith.constant 112 : i32
        %parallel_loop3A_1437 = arith.addi %parallel_loop3A_1435, %parallel_loop3A_1436 : i32
        %parallel_loop3A_1438 = arith.index_cast %parallel_loop3A_1437 : i32 to index
        %parallel_loop3A_1439 = tpu.vector_load %arg8[%parallel_loop3A_1438] {strides = array<i32>} : memref<20480xf32, #tpu.memory_space<vmem>>, vector<16xf32>,
        %parallel_loop3A_1440 = arith.mulf %parallel_loop3A_1421, %parallel_loop3A_1373 : vector<16xf32>
        %parallel_loop3A_1441 = arith.mulf %parallel_loop3A_1440, %parallel_loop3A_1397 : vector<16xf32>
        %parallel_loop3A_1442 = arith.constant 0 : i32
        %parallel_loop3A_1443 = arith.addi %parallel_loop3A_394, %parallel_loop3A_1442 : i32
        %parallel_loop3A_1444 = arith.constant 112 : i32
        %parallel_loop3A_1445 = arith.addi %parallel_loop3A_1443, %parallel_loop3A_1444 : i32
        %parallel_loop3A_1446 = arith.index_cast %parallel_loop3A_1445 : i32 to index
        %parallel_loop3A_1447 = tpu.vector_load %arg9[%parallel_loop3A_1446] {strides = array<i32>} : memref<40960xf32, #tpu.memory_space<vmem>>, vector<16xf32>,
        tpu.vector_store %arg9[%parallel_loop3A_1446], %parallel_loop3A_1441 {strides = array<i32>} : memref<40960xf32, #tpu.memory_space<vmem>>, vector<16xf32>,
        %parallel_loop3A_1448 = arith.constant 0.577350259 : f32
        %parallel_loop3A_1449 = vector.broadcast %parallel_loop3A_1448 : f32 to vector<16xf32>
        %parallel_loop3A_1450 = arith.mulf %parallel_loop3A_1427, %parallel_loop3A_1449 : vector<16xf32>
        %parallel_loop3A_1451 = arith.mulf %parallel_loop3A_1379, %parallel_loop3A_1403 : vector<16xf32>
        %parallel_loop3A_1452 = arith.mulf %parallel_loop3A_1385, %parallel_loop3A_1409 : vector<16xf32>
        %parallel_loop3A_1453 = arith.addf %parallel_loop3A_1451, %parallel_loop3A_1452 : vector<16xf32>
        %parallel_loop3A_1454 = arith.mulf %parallel_loop3A_1391, %parallel_loop3A_1415 : vector<16xf32>
        %parallel_loop3A_1455 = arith.addf %parallel_loop3A_1453, %parallel_loop3A_1454 : vector<16xf32>
        %parallel_loop3A_1456 = arith.mulf %parallel_loop3A_1450, %parallel_loop3A_1455 : vector<16xf32>
        %parallel_loop3A_1457 = arith.constant 128 : i32
        %parallel_loop3A_1458 = arith.addi %parallel_loop3A_394, %parallel_loop3A_1457 : i32
        %parallel_loop3A_1459 = arith.constant 112 : i32
        %parallel_loop3A_1460 = arith.addi %parallel_loop3A_1458, %parallel_loop3A_1459 : i32
        %parallel_loop3A_1461 = arith.index_cast %parallel_loop3A_1460 : i32 to index
        %parallel_loop3A_1462 = tpu.vector_load %arg9[%parallel_loop3A_1461] {strides = array<i32>} : memref<40960xf32, #tpu.memory_space<vmem>>, vector<16xf32>,
        tpu.vector_store %arg9[%parallel_loop3A_1461], %parallel_loop3A_1456 {strides = array<i32>} : memref<40960xf32, #tpu.memory_space<vmem>>, vector<16xf32>,
        %parallel_loop3A_1463 = arith.mulf %parallel_loop3A_1433, %parallel_loop3A_1373 : vector<16xf32>
        %parallel_loop3A_1464 = arith.mulf %parallel_loop3A_1439, %parallel_loop3A_1397 : vector<16xf32>
        %parallel_loop3A_1465 = arith.mulf %parallel_loop3A_1463, %parallel_loop3A_1403 : vector<16xf32>
        %parallel_loop3A_1466 = arith.constant 256 : i32
        %parallel_loop3A_1467 = arith.addi %parallel_loop3A_394, %parallel_loop3A_1466 : i32
        %parallel_loop3A_1468 = arith.constant 112 : i32
        %parallel_loop3A_1469 = arith.addi %parallel_loop3A_1467, %parallel_loop3A_1468 : i32
        %parallel_loop3A_1470 = arith.index_cast %parallel_loop3A_1469 : i32 to index
        %parallel_loop3A_1471 = tpu.vector_load %arg9[%parallel_loop3A_1470] {strides = array<i32>} : memref<40960xf32, #tpu.memory_space<vmem>>, vector<16xf32>,
        tpu.vector_store %arg9[%parallel_loop3A_1470], %parallel_loop3A_1465 {strides = array<i32>} : memref<40960xf32, #tpu.memory_space<vmem>>, vector<16xf32>,
        %parallel_loop3A_1472 = arith.mulf %parallel_loop3A_1464, %parallel_loop3A_1379 : vector<16xf32>
        %parallel_loop3A_1473 = arith.constant 640 : i32
        %parallel_loop3A_1474 = arith.addi %parallel_loop3A_394, %parallel_loop3A_1473 : i32
        %parallel_loop3A_1475 = arith.constant 112 : i32
        %parallel_loop3A_1476 = arith.addi %parallel_loop3A_1474, %parallel_loop3A_1475 : i32
        %parallel_loop3A_1477 = arith.index_cast %parallel_loop3A_1476 : i32 to index
        %parallel_loop3A_1478 = tpu.vector_load %arg9[%parallel_loop3A_1477] {strides = array<i32>} : memref<40960xf32, #tpu.memory_space<vmem>>, vector<16xf32>,
        tpu.vector_store %arg9[%parallel_loop3A_1477], %parallel_loop3A_1472 {strides = array<i32>} : memref<40960xf32, #tpu.memory_space<vmem>>, vector<16xf32>,
        %parallel_loop3A_1479 = arith.mulf %parallel_loop3A_1463, %parallel_loop3A_1409 : vector<16xf32>
        %parallel_loop3A_1480 = arith.constant 384 : i32
        %parallel_loop3A_1481 = arith.addi %parallel_loop3A_394, %parallel_loop3A_1480 : i32
        %parallel_loop3A_1482 = arith.constant 112 : i32
        %parallel_loop3A_1483 = arith.addi %parallel_loop3A_1481, %parallel_loop3A_1482 : i32
        %parallel_loop3A_1484 = arith.index_cast %parallel_loop3A_1483 : i32 to index
        %parallel_loop3A_1485 = tpu.vector_load %arg9[%parallel_loop3A_1484] {strides = array<i32>} : memref<40960xf32, #tpu.memory_space<vmem>>, vector<16xf32>,
        tpu.vector_store %arg9[%parallel_loop3A_1484], %parallel_loop3A_1479 {strides = array<i32>} : memref<40960xf32, #tpu.memory_space<vmem>>, vector<16xf32>,
        %parallel_loop3A_1486 = arith.mulf %parallel_loop3A_1464, %parallel_loop3A_1385 : vector<16xf32>
        %parallel_loop3A_1487 = arith.constant 768 : i32
        %parallel_loop3A_1488 = arith.addi %parallel_loop3A_394, %parallel_loop3A_1487 : i32
        %parallel_loop3A_1489 = arith.constant 112 : i32
        %parallel_loop3A_1490 = arith.addi %parallel_loop3A_1488, %parallel_loop3A_1489 : i32
        %parallel_loop3A_1491 = arith.index_cast %parallel_loop3A_1490 : i32 to index
        %parallel_loop3A_1492 = tpu.vector_load %arg9[%parallel_loop3A_1491] {strides = array<i32>} : memref<40960xf32, #tpu.memory_space<vmem>>, vector<16xf32>,
        tpu.vector_store %arg9[%parallel_loop3A_1491], %parallel_loop3A_1486 {strides = array<i32>} : memref<40960xf32, #tpu.memory_space<vmem>>, vector<16xf32>,
        %parallel_loop3A_1493 = arith.mulf %parallel_loop3A_1463, %parallel_loop3A_1415 : vector<16xf32>
        %parallel_loop3A_1494 = arith.constant 512 : i32
        %parallel_loop3A_1495 = arith.addi %parallel_loop3A_394, %parallel_loop3A_1494 : i32
        %parallel_loop3A_1496 = arith.constant 112 : i32
        %parallel_loop3A_1497 = arith.addi %parallel_loop3A_1495, %parallel_loop3A_1496 : i32
        %parallel_loop3A_1498 = arith.index_cast %parallel_loop3A_1497 : i32 to index
        %parallel_loop3A_1499 = tpu.vector_load %arg9[%parallel_loop3A_1498] {strides = array<i32>} : memref<40960xf32, #tpu.memory_space<vmem>>, vector<16xf32>,
        tpu.vector_store %arg9[%parallel_loop3A_1498], %parallel_loop3A_1493 {strides = array<i32>} : memref<40960xf32, #tpu.memory_space<vmem>>, vector<16xf32>,
        %parallel_loop3A_1500 = arith.mulf %parallel_loop3A_1464, %parallel_loop3A_1391 : vector<16xf32>
        %parallel_loop3A_1501 = arith.constant 896 : i32
        %parallel_loop3A_1502 = arith.addi %parallel_loop3A_394, %parallel_loop3A_1501 : i32
        %parallel_loop3A_1503 = arith.constant 112 : i32
        %parallel_loop3A_1504 = arith.addi %parallel_loop3A_1502, %parallel_loop3A_1503 : i32
        %parallel_loop3A_1505 = arith.index_cast %parallel_loop3A_1504 : i32 to index
        %parallel_loop3A_1506 = tpu.vector_load %arg9[%parallel_loop3A_1505] {strides = array<i32>} : memref<40960xf32, #tpu.memory_space<vmem>>, vector<16xf32>,
        tpu.vector_store %arg9[%parallel_loop3A_1505], %parallel_loop3A_1500 {strides = array<i32>} : memref<40960xf32, #tpu.memory_space<vmem>>, vector<16xf32>,
      } {sc.loop_unroll_factor = 1 : i64, sc.parallel_access}
      %mul3A_259 = arith.constant 20 : i32
      %mul3A_260 = arith.muli %add3A_182, %mul3A_259 : i32
      %add3A_261 = arith.addi %mul3A_2, %mul3A_260 : i32
      %mul3A_262 = arith.constant 8 : i32
      %mul3A_263 = arith.muli %add3A_261, %mul3A_262 : i32
      %mul3A_264 = arith.constant 128 : i32
      %mul3A_265 = arith.muli %mul3A_263, %mul3A_264 : i32
      %dma_start3A_266 = arith.constant 0 : i32
      %dma_start3A_267 = tpu.memref_slice %arg9[%dma_start3A_266] : memref<40960xf32, #tpu.memory_space<vmem>> -> memref<20480xf32, #tpu.memory_space<vmem>>
      %dma_start3A_268 = tpu.memref_slice %arg5[%mul3A_265] : memref<163840000xf32, #tpu.memory_space<hbm>> -> memref<20480xf32, #tpu.memory_space<hbm>>
      %dma_start3A_269 = tpu.memref_slice %arg5[%mul3A_265] : memref<163840000xf32, #tpu.memory_space<hbm>> -> memref<20480xf32, #tpu.memory_space<hbm>>
      %dma_start3A_270 = arith.constant 0 : i32
      %dma_start3A_271 = tpu.memref_slice %arg9[%dma_start3A_270] : memref<40960xf32, #tpu.memory_space<vmem>> -> memref<20480xf32, #tpu.memory_space<vmem>>
      tpu.enqueue_dma source(%dma_start3A_271 : memref<20480xf32, #tpu.memory_space<vmem>>) target(%dma_start3A_269 : memref<20480xf32, #tpu.memory_space<hbm>>) target_semaphore(%arg12 : memref<!tpu.dma_semaphore, #tpu.memory_space<semaphore_mem>>)
      %add3A_272 = arith.constant 2 : i32
      %add3A_273 = arith.addi %add3A_182, %add3A_272 : i32
      %lt3A = arith.constant 250 : i32
      %lt3A_274 = arith.cmpi slt, %add3A_273, %lt3A : i32
      %convert_element_type3A_275 = arith.extui %lt3A_274 : i1 to i32
      %cond3A_276 = arith.constant 0 : i32
      %cond3A_277 = arith.cmpi ne, %convert_element_type3A_275, %cond3A_276 : i32
      scf.if %cond3A_277 {
        %add3A_380 = arith.constant 2 : i32
        %add3A_381 = arith.addi %add3A_182, %add3A_380 : i32
        %mul3A_382 = arith.constant 20 : i32
        %mul3A_383 = arith.muli %add3A_381, %mul3A_382 : i32
        %add3A_384 = arith.addi %mul3A_2, %mul3A_383 : i32
        %mul3A_385 = arith.constant 128 : i32
        %mul3A_386 = arith.muli %add3A_384, %mul3A_385 : i32
        %add3A_387 = arith.constant 0 : i32
        %add3A_388 = arith.addi %add3A_387, %mul3A_386 : i32
        %dma_start3A_389 = arith.constant 0 : i32
        %dma_start3A_390 = tpu.memref_slice %arg6[%dma_start3A_389] : memref<20480xf32, #tpu.memory_space<vmem>> -> memref<2560xf32, #tpu.memory_space<vmem>>
        %dma_start3A_391 = tpu.memref_slice %arg2[%add3A_388] : memref<81920000xf32, #tpu.memory_space<hbm>> -> memref<2560xf32, #tpu.memory_space<hbm>>
        %dma_start3A_392 = arith.constant 0 : i32
        %dma_start3A_393 = tpu.memref_slice %arg6[%dma_start3A_392] : memref<20480xf32, #tpu.memory_space<vmem>> -> memref<2560xf32, #tpu.memory_space<vmem>>
        %dma_start3A_394 = tpu.memref_slice %arg2[%add3A_388] : memref<81920000xf32, #tpu.memory_space<hbm>> -> memref<2560xf32, #tpu.memory_space<hbm>>
        tpu.enqueue_dma source(%dma_start3A_394 : memref<2560xf32, #tpu.memory_space<hbm>>) target(%dma_start3A_393 : memref<2560xf32, #tpu.memory_space<vmem>>) target_semaphore(%arg10 : memref<!tpu.dma_semaphore, #tpu.memory_space<semaphore_mem>>)
        %add3A_395 = arith.constant 0 : i32
        %add3A_396 = arith.addi %add3A_395, %mul3A_386 : i32
        %dma_start3A_397 = arith.constant 0 : i32
        %dma_start3A_398 = tpu.memref_slice %arg7[%dma_start3A_397] : memref<20480xf32, #tpu.memory_space<vmem>> -> memref<2560xf32, #tpu.memory_space<vmem>>
        %dma_start3A_399 = tpu.memref_slice %arg3[%add3A_396] : memref<81920000xf32, #tpu.memory_space<hbm>> -> memref<2560xf32, #tpu.memory_space<hbm>>
        %dma_start3A_400 = arith.constant 0 : i32
        %dma_start3A_401 = tpu.memref_slice %arg7[%dma_start3A_400] : memref<20480xf32, #tpu.memory_space<vmem>> -> memref<2560xf32, #tpu.memory_space<vmem>>
        %dma_start3A_402 = tpu.memref_slice %arg3[%add3A_396] : memref<81920000xf32, #tpu.memory_space<hbm>> -> memref<2560xf32, #tpu.memory_space<hbm>>
        tpu.enqueue_dma source(%dma_start3A_402 : memref<2560xf32, #tpu.memory_space<hbm>>) target(%dma_start3A_401 : memref<2560xf32, #tpu.memory_space<vmem>>) target_semaphore(%arg10 : memref<!tpu.dma_semaphore, #tpu.memory_space<semaphore_mem>>)
        %add3A_403 = arith.constant 20480000 : i32
        %add3A_404 = arith.addi %add3A_403, %mul3A_386 : i32
        %dma_start3A_405 = arith.constant 2560 : i32
        %dma_start3A_406 = tpu.memref_slice %arg6[%dma_start3A_405] : memref<20480xf32, #tpu.memory_space<vmem>> -> memref<2560xf32, #tpu.memory_space<vmem>>
        %dma_start3A_407 = tpu.memref_slice %arg2[%add3A_404] : memref<81920000xf32, #tpu.memory_space<hbm>> -> memref<2560xf32, #tpu.memory_space<hbm>>
        %dma_start3A_408 = arith.constant 2560 : i32
        %dma_start3A_409 = tpu.memref_slice %arg6[%dma_start3A_408] : memref<20480xf32, #tpu.memory_space<vmem>> -> memref<2560xf32, #tpu.memory_space<vmem>>
        %dma_start3A_410 = tpu.memref_slice %arg2[%add3A_404] : memref<81920000xf32, #tpu.memory_space<hbm>> -> memref<2560xf32, #tpu.memory_space<hbm>>
        tpu.enqueue_dma source(%dma_start3A_410 : memref<2560xf32, #tpu.memory_space<hbm>>) target(%dma_start3A_409 : memref<2560xf32, #tpu.memory_space<vmem>>) target_semaphore(%arg10 : memref<!tpu.dma_semaphore, #tpu.memory_space<semaphore_mem>>)
        %add3A_411 = arith.constant 20480000 : i32
        %add3A_412 = arith.addi %add3A_411, %mul3A_386 : i32
        %dma_start3A_413 = arith.constant 2560 : i32
        %dma_start3A_414 = tpu.memref_slice %arg7[%dma_start3A_413] : memref<20480xf32, #tpu.memory_space<vmem>> -> memref<2560xf32, #tpu.memory_space<vmem>>
        %dma_start3A_415 = tpu.memref_slice %arg3[%add3A_412] : memref<81920000xf32, #tpu.memory_space<hbm>> -> memref<2560xf32, #tpu.memory_space<hbm>>
        %dma_start3A_416 = arith.constant 2560 : i32
        %dma_start3A_417 = tpu.memref_slice %arg7[%dma_start3A_416] : memref<20480xf32, #tpu.memory_space<vmem>> -> memref<2560xf32, #tpu.memory_space<vmem>>
        %dma_start3A_418 = tpu.memref_slice %arg3[%add3A_412] : memref<81920000xf32, #tpu.memory_space<hbm>> -> memref<2560xf32, #tpu.memory_space<hbm>>
        tpu.enqueue_dma source(%dma_start3A_418 : memref<2560xf32, #tpu.memory_space<hbm>>) target(%dma_start3A_417 : memref<2560xf32, #tpu.memory_space<vmem>>) target_semaphore(%arg10 : memref<!tpu.dma_semaphore, #tpu.memory_space<semaphore_mem>>)
        %add3A_419 = arith.constant 40960000 : i32
        %add3A_420 = arith.addi %add3A_419, %mul3A_386 : i32
        %dma_start3A_421 = arith.constant 5120 : i32
        %dma_start3A_422 = tpu.memref_slice %arg6[%dma_start3A_421] : memref<20480xf32, #tpu.memory_space<vmem>> -> memref<2560xf32, #tpu.memory_space<vmem>>
        %dma_start3A_423 = tpu.memref_slice %arg2[%add3A_420] : memref<81920000xf32, #tpu.memory_space<hbm>> -> memref<2560xf32, #tpu.memory_space<hbm>>
        %dma_start3A_424 = arith.constant 5120 : i32
        %dma_start3A_425 = tpu.memref_slice %arg6[%dma_start3A_424] : memref<20480xf32, #tpu.memory_space<vmem>> -> memref<2560xf32, #tpu.memory_space<vmem>>
        %dma_start3A_426 = tpu.memref_slice %arg2[%add3A_420] : memref<81920000xf32, #tpu.memory_space<hbm>> -> memref<2560xf32, #tpu.memory_space<hbm>>
        tpu.enqueue_dma source(%dma_start3A_426 : memref<2560xf32, #tpu.memory_space<hbm>>) target(%dma_start3A_425 : memref<2560xf32, #tpu.memory_space<vmem>>) target_semaphore(%arg10 : memref<!tpu.dma_semaphore, #tpu.memory_space<semaphore_mem>>)
        %add3A_427 = arith.constant 40960000 : i32
        %add3A_428 = arith.addi %add3A_427, %mul3A_386 : i32
        %dma_start3A_429 = arith.constant 5120 : i32
        %dma_start3A_430 = tpu.memref_slice %arg7[%dma_start3A_429] : memref<20480xf32, #tpu.memory_space<vmem>> -> memref<2560xf32, #tpu.memory_space<vmem>>
        %dma_start3A_431 = tpu.memref_slice %arg3[%add3A_428] : memref<81920000xf32, #tpu.memory_space<hbm>> -> memref<2560xf32, #tpu.memory_space<hbm>>
        %dma_start3A_432 = arith.constant 5120 : i32
        %dma_start3A_433 = tpu.memref_slice %arg7[%dma_start3A_432] : memref<20480xf32, #tpu.memory_space<vmem>> -> memref<2560xf32, #tpu.memory_space<vmem>>
        %dma_start3A_434 = tpu.memref_slice %arg3[%add3A_428] : memref<81920000xf32, #tpu.memory_space<hbm>> -> memref<2560xf32, #tpu.memory_space<hbm>>
        tpu.enqueue_dma source(%dma_start3A_434 : memref<2560xf32, #tpu.memory_space<hbm>>) target(%dma_start3A_433 : memref<2560xf32, #tpu.memory_space<vmem>>) target_semaphore(%arg10 : memref<!tpu.dma_semaphore, #tpu.memory_space<semaphore_mem>>)
        %add3A_435 = arith.constant 61440000 : i32
        %add3A_436 = arith.addi %add3A_435, %mul3A_386 : i32
        %dma_start3A_437 = arith.constant 7680 : i32
        %dma_start3A_438 = tpu.memref_slice %arg6[%dma_start3A_437] : memref<20480xf32, #tpu.memory_space<vmem>> -> memref<2560xf32, #tpu.memory_space<vmem>>
        %dma_start3A_439 = tpu.memref_slice %arg2[%add3A_436] : memref<81920000xf32, #tpu.memory_space<hbm>> -> memref<2560xf32, #tpu.memory_space<hbm>>
        %dma_start3A_440 = arith.constant 7680 : i32
        %dma_start3A_441 = tpu.memref_slice %arg6[%dma_start3A_440] : memref<20480xf32, #tpu.memory_space<vmem>> -> memref<2560xf32, #tpu.memory_space<vmem>>
        %dma_start3A_442 = tpu.memref_slice %arg2[%add3A_436] : memref<81920000xf32, #tpu.memory_space<hbm>> -> memref<2560xf32, #tpu.memory_space<hbm>>
        tpu.enqueue_dma source(%dma_start3A_442 : memref<2560xf32, #tpu.memory_space<hbm>>) target(%dma_start3A_441 : memref<2560xf32, #tpu.memory_space<vmem>>) target_semaphore(%arg10 : memref<!tpu.dma_semaphore, #tpu.memory_space<semaphore_mem>>)
        %add3A_443 = arith.constant 61440000 : i32
        %add3A_444 = arith.addi %add3A_443, %mul3A_386 : i32
        %dma_start3A_445 = arith.constant 7680 : i32
        %dma_start3A_446 = tpu.memref_slice %arg7[%dma_start3A_445] : memref<20480xf32, #tpu.memory_space<vmem>> -> memref<2560xf32, #tpu.memory_space<vmem>>
        %dma_start3A_447 = tpu.memref_slice %arg3[%add3A_444] : memref<81920000xf32, #tpu.memory_space<hbm>> -> memref<2560xf32, #tpu.memory_space<hbm>>
        %dma_start3A_448 = arith.constant 7680 : i32
        %dma_start3A_449 = tpu.memref_slice %arg7[%dma_start3A_448] : memref<20480xf32, #tpu.memory_space<vmem>> -> memref<2560xf32, #tpu.memory_space<vmem>>
        %dma_start3A_450 = tpu.memref_slice %arg3[%add3A_444] : memref<81920000xf32, #tpu.memory_space<hbm>> -> memref<2560xf32, #tpu.memory_space<hbm>>
        tpu.enqueue_dma source(%dma_start3A_450 : memref<2560xf32, #tpu.memory_space<hbm>>) target(%dma_start3A_449 : memref<2560xf32, #tpu.memory_space<vmem>>) target_semaphore(%arg10 : memref<!tpu.dma_semaphore, #tpu.memory_space<semaphore_mem>>)
        %mul3A_451 = arith.constant 20 : i32
        %mul3A_452 = arith.muli %add3A_381, %mul3A_451 : i32
        %add3A_453 = arith.addi %mul3A_2, %mul3A_452 : i32
        %mul3A_454 = arith.constant 512 : i32
        %mul3A_455 = arith.muli %add3A_453, %mul3A_454 : i32
        %dma_start3A_456 = arith.constant 0 : i32
        %dma_start3A_457 = tpu.memref_slice %arg8[%dma_start3A_456] : memref<20480xf32, #tpu.memory_space<vmem>> -> memref<10240xf32, #tpu.memory_space<vmem>>
        %dma_start3A_458 = tpu.memref_slice %arg4[%mul3A_455] : memref<81920000xf32, #tpu.memory_space<hbm>> -> memref<10240xf32, #tpu.memory_space<hbm>>
        %dma_start3A_459 = arith.constant 0 : i32
        %dma_start3A_460 = tpu.memref_slice %arg8[%dma_start3A_459] : memref<20480xf32, #tpu.memory_space<vmem>> -> memref<10240xf32, #tpu.memory_space<vmem>>
        %dma_start3A_461 = tpu.memref_slice %arg4[%mul3A_455] : memref<81920000xf32, #tpu.memory_space<hbm>> -> memref<10240xf32, #tpu.memory_space<hbm>>
        tpu.enqueue_dma source(%dma_start3A_461 : memref<10240xf32, #tpu.memory_space<hbm>>) target(%dma_start3A_460 : memref<10240xf32, #tpu.memory_space<vmem>>) target_semaphore(%arg10 : memref<!tpu.dma_semaphore, #tpu.memory_space<semaphore_mem>>)
      } else {
      }
      %add3A_278 = arith.constant 1 : i32
      %add3A_279 = arith.addi %mul3A_180, %add3A_278 : i32
      %dma_wait3A_280 = arith.constant 10240 : i32
      %dma_wait3A_281 = tpu.memref_slice %arg6[%dma_wait3A_280] : memref<20480xf32, #tpu.memory_space<vmem>> -> memref<2560xf32, #tpu.memory_space<vmem>>
      %dma_wait3A_282 = arith.constant 0 : i32
      %dma_wait3A_283 = tpu.memref_slice %arg2[%dma_wait3A_282] : memref<81920000xf32, #tpu.memory_space<hbm>> -> memref<2560xf32, #tpu.memory_space<hbm>>
      %dma_wait3A_284 = arith.constant 10240 : i32
      %dma_wait3A_285 = tpu.memref_slice %arg6[%dma_wait3A_284] : memref<20480xf32, #tpu.memory_space<vmem>> -> memref<2560xf32, #tpu.memory_space<vmem>>
      %dma_wait3A_286 = arith.constant 0 : i32
      %dma_wait3A_287 = tpu.memref_slice %arg2[%dma_wait3A_286] : memref<81920000xf32, #tpu.memory_space<hbm>> -> memref<2560xf32, #tpu.memory_space<hbm>>
      tpu.wait_dma2 semaphore(%arg11 : memref<!tpu.dma_semaphore, #tpu.memory_space<semaphore_mem>>) src(%dma_wait3A_287 : memref<2560xf32, #tpu.memory_space<hbm>>) dst(%dma_wait3A_285 : memref<2560xf32, #tpu.memory_space<vmem>>)
      %dma_wait3A_288 = arith.constant 10240 : i32
      %dma_wait3A_289 = tpu.memref_slice %arg6[%dma_wait3A_288] : memref<20480xf32, #tpu.memory_space<vmem>> -> memref<2560xf32, #tpu.memory_space<vmem>>
      %dma_wait3A_290 = arith.constant 0 : i32
      %dma_wait3A_291 = tpu.memref_slice %arg2[%dma_wait3A_290] : memref<81920000xf32, #tpu.memory_space<hbm>> -> memref<2560xf32, #tpu.memory_space<hbm>>
      %dma_wait3A_292 = arith.constant 10240 : i32
      %dma_wait3A_293 = tpu.memref_slice %arg6[%dma_wait3A_292] : memref<20480xf32, #tpu.memory_space<vmem>> -> memref<2560xf32, #tpu.memory_space<vmem>>
      %dma_wait3A_294 = arith.constant 0 : i32
      %dma_wait3A_295 = tpu.memref_slice %arg2[%dma_wait3A_294] : memref<81920000xf32, #tpu.memory_space<hbm>> -> memref<2560xf32, #tpu.memory_space<hbm>>
      tpu.wait_dma2 semaphore(%arg11 : memref<!tpu.dma_semaphore, #tpu.memory_space<semaphore_mem>>) src(%dma_wait3A_295 : memref<2560xf32, #tpu.memory_space<hbm>>) dst(%dma_wait3A_293 : memref<2560xf32, #tpu.memory_space<vmem>>)
      %dma_wait3A_296 = arith.constant 10240 : i32
      %dma_wait3A_297 = tpu.memref_slice %arg6[%dma_wait3A_296] : memref<20480xf32, #tpu.memory_space<vmem>> -> memref<2560xf32, #tpu.memory_space<vmem>>
      %dma_wait3A_298 = arith.constant 0 : i32
      %dma_wait3A_299 = tpu.memref_slice %arg2[%dma_wait3A_298] : memref<81920000xf32, #tpu.memory_space<hbm>> -> memref<2560xf32, #tpu.memory_space<hbm>>
      %dma_wait3A_300 = arith.constant 10240 : i32
      %dma_wait3A_301 = tpu.memref_slice %arg6[%dma_wait3A_300] : memref<20480xf32, #tpu.memory_space<vmem>> -> memref<2560xf32, #tpu.memory_space<vmem>>
      %dma_wait3A_302 = arith.constant 0 : i32
      %dma_wait3A_303 = tpu.memref_slice %arg2[%dma_wait3A_302] : memref<81920000xf32, #tpu.memory_space<hbm>> -> memref<2560xf32, #tpu.memory_space<hbm>>
      tpu.wait_dma2 semaphore(%arg11 : memref<!tpu.dma_semaphore, #tpu.memory_space<semaphore_mem>>) src(%dma_wait3A_303 : memref<2560xf32, #tpu.memory_space<hbm>>) dst(%dma_wait3A_301 : memref<2560xf32, #tpu.memory_space<vmem>>)
      %dma_wait3A_304 = arith.constant 10240 : i32
      %dma_wait3A_305 = tpu.memref_slice %arg6[%dma_wait3A_304] : memref<20480xf32, #tpu.memory_space<vmem>> -> memref<2560xf32, #tpu.memory_space<vmem>>
      %dma_wait3A_306 = arith.constant 0 : i32
      %dma_wait3A_307 = tpu.memref_slice %arg2[%dma_wait3A_306] : memref<81920000xf32, #tpu.memory_space<hbm>> -> memref<2560xf32, #tpu.memory_space<hbm>>
      %dma_wait3A_308 = arith.constant 10240 : i32
      %dma_wait3A_309 = tpu.memref_slice %arg6[%dma_wait3A_308] : memref<20480xf32, #tpu.memory_space<vmem>> -> memref<2560xf32, #tpu.memory_space<vmem>>
      %dma_wait3A_310 = arith.constant 0 : i32
      %dma_wait3A_311 = tpu.memref_slice %arg2[%dma_wait3A_310] : memref<81920000xf32, #tpu.memory_space<hbm>> -> memref<2560xf32, #tpu.memory_space<hbm>>
      tpu.wait_dma2 semaphore(%arg11 : memref<!tpu.dma_semaphore, #tpu.memory_space<semaphore_mem>>) src(%dma_wait3A_311 : memref<2560xf32, #tpu.memory_space<hbm>>) dst(%dma_wait3A_309 : memref<2560xf32, #tpu.memory_space<vmem>>)
      %dma_wait3A_312 = arith.constant 10240 : i32
      %dma_wait3A_313 = tpu.memref_slice %arg6[%dma_wait3A_312] : memref<20480xf32, #tpu.memory_space<vmem>> -> memref<2560xf32, #tpu.memory_space<vmem>>
      %dma_wait3A_314 = arith.constant 0 : i32
      %dma_wait3A_315 = tpu.memref_slice %arg2[%dma_wait3A_314] : memref<81920000xf32, #tpu.memory_space<hbm>> -> memref<2560xf32, #tpu.memory_space<hbm>>
      %dma_wait3A_316 = arith.constant 10240 : i32
      %dma_wait3A_317 = tpu.memref_slice %arg6[%dma_wait3A_316] : memref<20480xf32, #tpu.memory_space<vmem>> -> memref<2560xf32, #tpu.memory_space<vmem>>
      %dma_wait3A_318 = arith.constant 0 : i32
      %dma_wait3A_319 = tpu.memref_slice %arg2[%dma_wait3A_318] : memref<81920000xf32, #tpu.memory_space<hbm>> -> memref<2560xf32, #tpu.memory_space<hbm>>
      tpu.wait_dma2 semaphore(%arg11 : memref<!tpu.dma_semaphore, #tpu.memory_space<semaphore_mem>>) src(%dma_wait3A_319 : memref<2560xf32, #tpu.memory_space<hbm>>) dst(%dma_wait3A_317 : memref<2560xf32, #tpu.memory_space<vmem>>)
      %dma_wait3A_320 = arith.constant 10240 : i32
      %dma_wait3A_321 = tpu.memref_slice %arg6[%dma_wait3A_320] : memref<20480xf32, #tpu.memory_space<vmem>> -> memref<2560xf32, #tpu.memory_space<vmem>>
      %dma_wait3A_322 = arith.constant 0 : i32
      %dma_wait3A_323 = tpu.memref_slice %arg2[%dma_wait3A_322] : memref<81920000xf32, #tpu.memory_space<hbm>> -> memref<2560xf32, #tpu.memory_space<hbm>>
      %dma_wait3A_324 = arith.constant 10240 : i32
      %dma_wait3A_325 = tpu.memref_slice %arg6[%dma_wait3A_324] : memref<20480xf32, #tpu.memory_space<vmem>> -> memref<2560xf32, #tpu.memory_space<vmem>>
      %dma_wait3A_326 = arith.constant 0 : i32
      %dma_wait3A_327 = tpu.memref_slice %arg2[%dma_wait3A_326] : memref<81920000xf32, #tpu.memory_space<hbm>> -> memref<2560xf32, #tpu.memory_space<hbm>>
      tpu.wait_dma2 semaphore(%arg11 : memref<!tpu.dma_semaphore, #tpu.memory_space<semaphore_mem>>) src(%dma_wait3A_327 : memref<2560xf32, #tpu.memory_space<hbm>>) dst(%dma_wait3A_325 : memref<2560xf32, #tpu.memory_space<vmem>>)
      %dma_wait3A_328 = arith.constant 10240 : i32
      %dma_wait3A_329 = tpu.memref_slice %arg6[%dma_wait3A_328] : memref<20480xf32, #tpu.memory_space<vmem>> -> memref<2560xf32, #tpu.memory_space<vmem>>
      %dma_wait3A_330 = arith.constant 0 : i32
      %dma_wait3A_331 = tpu.memref_slice %arg2[%dma_wait3A_330] : memref<81920000xf32, #tpu.memory_space<hbm>> -> memref<2560xf32, #tpu.memory_space<hbm>>
      %dma_wait3A_332 = arith.constant 10240 : i32
      %dma_wait3A_333 = tpu.memref_slice %arg6[%dma_wait3A_332] : memref<20480xf32, #tpu.memory_space<vmem>> -> memref<2560xf32, #tpu.memory_space<vmem>>
      %dma_wait3A_334 = arith.constant 0 : i32
      %dma_wait3A_335 = tpu.memref_slice %arg2[%dma_wait3A_334] : memref<81920000xf32, #tpu.memory_space<hbm>> -> memref<2560xf32, #tpu.memory_space<hbm>>
      tpu.wait_dma2 semaphore(%arg11 : memref<!tpu.dma_semaphore, #tpu.memory_space<semaphore_mem>>) src(%dma_wait3A_335 : memref<2560xf32, #tpu.memory_space<hbm>>) dst(%dma_wait3A_333 : memref<2560xf32, #tpu.memory_space<vmem>>)
      %dma_wait3A_336 = arith.constant 10240 : i32
      %dma_wait3A_337 = tpu.memref_slice %arg6[%dma_wait3A_336] : memref<20480xf32, #tpu.memory_space<vmem>> -> memref<2560xf32, #tpu.memory_space<vmem>>
      %dma_wait3A_338 = arith.constant 0 : i32
      %dma_wait3A_339 = tpu.memref_slice %arg2[%dma_wait3A_338] : memref<81920000xf32, #tpu.memory_space<hbm>> -> memref<2560xf32, #tpu.memory_space<hbm>>
      %dma_wait3A_340 = arith.constant 10240 : i32
      %dma_wait3A_341 = tpu.memref_slice %arg6[%dma_wait3A_340] : memref<20480xf32, #tpu.memory_space<vmem>> -> memref<2560xf32, #tpu.memory_space<vmem>>
      %dma_wait3A_342 = arith.constant 0 : i32
      %dma_wait3A_343 = tpu.memref_slice %arg2[%dma_wait3A_342] : memref<81920000xf32, #tpu.memory_space<hbm>> -> memref<2560xf32, #tpu.memory_space<hbm>>
      tpu.wait_dma2 semaphore(%arg11 : memref<!tpu.dma_semaphore, #tpu.memory_space<semaphore_mem>>) src(%dma_wait3A_343 : memref<2560xf32, #tpu.memory_space<hbm>>) dst(%dma_wait3A_341 : memref<2560xf32, #tpu.memory_space<vmem>>)
      %dma_wait3A_344 = arith.constant 10240 : i32
      %dma_wait3A_345 = tpu.memref_slice %arg8[%dma_wait3A_344] : memref<20480xf32, #tpu.memory_space<vmem>> -> memref<10240xf32, #tpu.memory_space<vmem>>
      %dma_wait3A_346 = arith.constant 0 : i32
      %dma_wait3A_347 = tpu.memref_slice %arg2[%dma_wait3A_346] : memref<81920000xf32, #tpu.memory_space<hbm>> -> memref<10240xf32, #tpu.memory_space<hbm>>
      %dma_wait3A_348 = arith.constant 10240 : i32
      %dma_wait3A_349 = tpu.memref_slice %arg8[%dma_wait3A_348] : memref<20480xf32, #tpu.memory_space<vmem>> -> memref<10240xf32, #tpu.memory_space<vmem>>
      %dma_wait3A_350 = arith.constant 0 : i32
      %dma_wait3A_351 = tpu.memref_slice %arg2[%dma_wait3A_350] : memref<81920000xf32, #tpu.memory_space<hbm>> -> memref<10240xf32, #tpu.memory_space<hbm>>
      tpu.wait_dma2 semaphore(%arg11 : memref<!tpu.dma_semaphore, #tpu.memory_space<semaphore_mem>>) src(%dma_wait3A_351 : memref<10240xf32, #tpu.memory_space<hbm>>) dst(%dma_wait3A_349 : memref<10240xf32, #tpu.memory_space<vmem>>)
      %ge3A_352 = arith.constant 2 : i32
      %ge3A_353 = arith.cmpi sge, %add3A_279, %ge3A_352 : i32
      %convert_element_type3A_354 = arith.extui %ge3A_353 : i1 to i32
      %cond3A_355 = arith.constant 0 : i32
      %cond3A_356 = arith.cmpi ne, %convert_element_type3A_354, %cond3A_355 : i32
      scf.if %cond3A_356 {
        %dma_wait3A_380 = arith.constant 20480 : i32
        %dma_wait3A_381 = tpu.memref_slice %arg9[%dma_wait3A_380] : memref<40960xf32, #tpu.memory_space<vmem>> -> memref<20480xf32, #tpu.memory_space<vmem>>
        %dma_wait3A_382 = arith.constant 0 : i32
        %dma_wait3A_383 = tpu.memref_slice %arg5[%dma_wait3A_382] : memref<163840000xf32, #tpu.memory_space<hbm>> -> memref<20480xf32, #tpu.memory_space<hbm>>
        %dma_wait3A_384 = arith.constant 0 : i32
        %dma_wait3A_385 = tpu.memref_slice %arg5[%dma_wait3A_384] : memref<163840000xf32, #tpu.memory_space<hbm>> -> memref<20480xf32, #tpu.memory_space<hbm>>
        %dma_wait3A_386 = arith.constant 20480 : i32
        %dma_wait3A_387 = tpu.memref_slice %arg9[%dma_wait3A_386] : memref<40960xf32, #tpu.memory_space<vmem>> -> memref<20480xf32, #tpu.memory_space<vmem>>
        tpu.wait_dma2 semaphore(%arg13 : memref<!tpu.dma_semaphore, #tpu.memory_space<semaphore_mem>>) src(%dma_wait3A_387 : memref<20480xf32, #tpu.memory_space<vmem>>) dst(%dma_wait3A_385 : memref<20480xf32, #tpu.memory_space<hbm>>)
      } else {
      }
      %parallel_loop3A_357 = arith.constant 0 : i32
      %parallel_loop3A_358 = arith.constant 20 : i32
      %parallel_loop3A_359 = arith.constant 1 : i32
      scf.for %parallel_loop3A_380 = %parallel_loop3A_357 to %parallel_loop3A_358 step %parallel_loop3A_359  : i32 {
        %parallel_loop3A_381 = arith.constant 128 : i32
        %parallel_loop3A_382 = arith.muli %parallel_loop3A_380, %parallel_loop3A_381 : i32
        %parallel_loop3A_383 = arith.constant 10240 : i32
        %parallel_loop3A_384 = arith.addi %parallel_loop3A_383, %parallel_loop3A_382 : i32
        %parallel_loop3A_385 = arith.constant 512 : i32
        %parallel_loop3A_386 = arith.muli %parallel_loop3A_380, %parallel_loop3A_385 : i32
        %parallel_loop3A_387 = arith.constant 10240 : i32
        %parallel_loop3A_388 = arith.addi %parallel_loop3A_387, %parallel_loop3A_386 : i32
        %parallel_loop3A_389 = arith.constant 8 : i32
        %parallel_loop3A_390 = arith.muli %parallel_loop3A_380, %parallel_loop3A_389 : i32
        %parallel_loop3A_391 = arith.constant 128 : i32
        %parallel_loop3A_392 = arith.muli %parallel_loop3A_390, %parallel_loop3A_391 : i32
        %parallel_loop3A_393 = arith.constant 20480 : i32
        %parallel_loop3A_394 = arith.addi %parallel_loop3A_393, %parallel_loop3A_392 : i32
        %parallel_loop3A_395 = arith.constant 0 : i32
        %parallel_loop3A_396 = arith.addi %parallel_loop3A_384, %parallel_loop3A_395 : i32
        %parallel_loop3A_397 = arith.constant 0 : i32
        %parallel_loop3A_398 = arith.addi %parallel_loop3A_396, %parallel_loop3A_397 : i32
        %parallel_loop3A_399 = arith.index_cast %parallel_loop3A_398 : i32 to index
        %parallel_loop3A_400 = tpu.vector_load %arg6[%parallel_loop3A_399] {strides = array<i32>} : memref<20480xf32, #tpu.memory_space<vmem>>, vector<16xf32>,
        %parallel_loop3A_401 = arith.constant 2560 : i32
        %parallel_loop3A_402 = arith.addi %parallel_loop3A_384, %parallel_loop3A_401 : i32
        %parallel_loop3A_403 = arith.constant 0 : i32
        %parallel_loop3A_404 = arith.addi %parallel_loop3A_402, %parallel_loop3A_403 : i32
        %parallel_loop3A_405 = arith.index_cast %parallel_loop3A_404 : i32 to index
        %parallel_loop3A_406 = tpu.vector_load %arg6[%parallel_loop3A_405] {strides = array<i32>} : memref<20480xf32, #tpu.memory_space<vmem>>, vector<16xf32>,
        %parallel_loop3A_407 = arith.constant 5120 : i32
        %parallel_loop3A_408 = arith.addi %parallel_loop3A_384, %parallel_loop3A_407 : i32
        %parallel_loop3A_409 = arith.constant 0 : i32
        %parallel_loop3A_410 = arith.addi %parallel_loop3A_408, %parallel_loop3A_409 : i32
        %parallel_loop3A_411 = arith.index_cast %parallel_loop3A_410 : i32 to index
        %parallel_loop3A_412 = tpu.vector_load %arg6[%parallel_loop3A_411] {strides = array<i32>} : memref<20480xf32, #tpu.memory_space<vmem>>, vector<16xf32>,
        %parallel_loop3A_413 = arith.constant 7680 : i32
        %parallel_loop3A_414 = arith.addi %parallel_loop3A_384, %parallel_loop3A_413 : i32
        %parallel_loop3A_415 = arith.constant 0 : i32
        %parallel_loop3A_416 = arith.addi %parallel_loop3A_414, %parallel_loop3A_415 : i32
        %parallel_loop3A_417 = arith.index_cast %parallel_loop3A_416 : i32 to index
        %parallel_loop3A_418 = tpu.vector_load %arg6[%parallel_loop3A_417] {strides = array<i32>} : memref<20480xf32, #tpu.memory_space<vmem>>, vector<16xf32>,
        %parallel_loop3A_419 = arith.constant 0 : i32
        %parallel_loop3A_420 = arith.addi %parallel_loop3A_384, %parallel_loop3A_419 : i32
        %parallel_loop3A_421 = arith.constant 0 : i32
        %parallel_loop3A_422 = arith.addi %parallel_loop3A_420, %parallel_loop3A_421 : i32
        %parallel_loop3A_423 = arith.index_cast %parallel_loop3A_422 : i32 to index
        %parallel_loop3A_424 = tpu.vector_load %arg7[%parallel_loop3A_423] {strides = array<i32>} : memref<20480xf32, #tpu.memory_space<vmem>>, vector<16xf32>,
        %parallel_loop3A_425 = arith.constant 2560 : i32
        %parallel_loop3A_426 = arith.addi %parallel_loop3A_384, %parallel_loop3A_425 : i32
        %parallel_loop3A_427 = arith.constant 0 : i32
        %parallel_loop3A_428 = arith.addi %parallel_loop3A_426, %parallel_loop3A_427 : i32
        %parallel_loop3A_429 = arith.index_cast %parallel_loop3A_428 : i32 to index
        %parallel_loop3A_430 = tpu.vector_load %arg7[%parallel_loop3A_429] {strides = array<i32>} : memref<20480xf32, #tpu.memory_space<vmem>>, vector<16xf32>,
        %parallel_loop3A_431 = arith.constant 5120 : i32
        %parallel_loop3A_432 = arith.addi %parallel_loop3A_384, %parallel_loop3A_431 : i32
        %parallel_loop3A_433 = arith.constant 0 : i32
        %parallel_loop3A_434 = arith.addi %parallel_loop3A_432, %parallel_loop3A_433 : i32
        %parallel_loop3A_435 = arith.index_cast %parallel_loop3A_434 : i32 to index
        %parallel_loop3A_436 = tpu.vector_load %arg7[%parallel_loop3A_435] {strides = array<i32>} : memref<20480xf32, #tpu.memory_space<vmem>>, vector<16xf32>,
        %parallel_loop3A_437 = arith.constant 7680 : i32
        %parallel_loop3A_438 = arith.addi %parallel_loop3A_384, %parallel_loop3A_437 : i32
        %parallel_loop3A_439 = arith.constant 0 : i32
        %parallel_loop3A_440 = arith.addi %parallel_loop3A_438, %parallel_loop3A_439 : i32
        %parallel_loop3A_441 = arith.index_cast %parallel_loop3A_440 : i32 to index
        %parallel_loop3A_442 = tpu.vector_load %arg7[%parallel_loop3A_441] {strides = array<i32>} : memref<20480xf32, #tpu.memory_space<vmem>>, vector<16xf32>,
        %parallel_loop3A_443 = arith.constant 0 : i32
        %parallel_loop3A_444 = arith.addi %parallel_loop3A_388, %parallel_loop3A_443 : i32
        %parallel_loop3A_445 = arith.constant 0 : i32
        %parallel_loop3A_446 = arith.addi %parallel_loop3A_444, %parallel_loop3A_445 : i32
        %parallel_loop3A_447 = arith.index_cast %parallel_loop3A_446 : i32 to index
        %parallel_loop3A_448 = tpu.vector_load %arg8[%parallel_loop3A_447] {strides = array<i32>} : memref<20480xf32, #tpu.memory_space<vmem>>, vector<16xf32>,
        %parallel_loop3A_449 = arith.constant 128 : i32
        %parallel_loop3A_450 = arith.addi %parallel_loop3A_388, %parallel_loop3A_449 : i32
        %parallel_loop3A_451 = arith.constant 0 : i32
        %parallel_loop3A_452 = arith.addi %parallel_loop3A_450, %parallel_loop3A_451 : i32
        %parallel_loop3A_453 = arith.index_cast %parallel_loop3A_452 : i32 to index
        %parallel_loop3A_454 = tpu.vector_load %arg8[%parallel_loop3A_453] {strides = array<i32>} : memref<20480xf32, #tpu.memory_space<vmem>>, vector<16xf32>,
        %parallel_loop3A_455 = arith.constant 256 : i32
        %parallel_loop3A_456 = arith.addi %parallel_loop3A_388, %parallel_loop3A_455 : i32
        %parallel_loop3A_457 = arith.constant 0 : i32
        %parallel_loop3A_458 = arith.addi %parallel_loop3A_456, %parallel_loop3A_457 : i32
        %parallel_loop3A_459 = arith.index_cast %parallel_loop3A_458 : i32 to index
        %parallel_loop3A_460 = tpu.vector_load %arg8[%parallel_loop3A_459] {strides = array<i32>} : memref<20480xf32, #tpu.memory_space<vmem>>, vector<16xf32>,
        %parallel_loop3A_461 = arith.constant 384 : i32
        %parallel_loop3A_462 = arith.addi %parallel_loop3A_388, %parallel_loop3A_461 : i32
        %parallel_loop3A_463 = arith.constant 0 : i32
        %parallel_loop3A_464 = arith.addi %parallel_loop3A_462, %parallel_loop3A_463 : i32
        %parallel_loop3A_465 = arith.index_cast %parallel_loop3A_464 : i32 to index
        %parallel_loop3A_466 = tpu.vector_load %arg8[%parallel_loop3A_465] {strides = array<i32>} : memref<20480xf32, #tpu.memory_space<vmem>>, vector<16xf32>,
        %parallel_loop3A_467 = arith.mulf %parallel_loop3A_448, %parallel_loop3A_400 : vector<16xf32>
        %parallel_loop3A_468 = arith.mulf %parallel_loop3A_467, %parallel_loop3A_424 : vector<16xf32>
        %parallel_loop3A_469 = arith.constant 0 : i32
        %parallel_loop3A_470 = arith.addi %parallel_loop3A_394, %parallel_loop3A_469 : i32
        %parallel_loop3A_471 = arith.constant 0 : i32
        %parallel_loop3A_472 = arith.addi %parallel_loop3A_470, %parallel_loop3A_471 : i32
        %parallel_loop3A_473 = arith.index_cast %parallel_loop3A_472 : i32 to index
        %parallel_loop3A_474 = tpu.vector_load %arg9[%parallel_loop3A_473] {strides = array<i32>} : memref<40960xf32, #tpu.memory_space<vmem>>, vector<16xf32>,
        tpu.vector_store %arg9[%parallel_loop3A_473], %parallel_loop3A_468 {strides = array<i32>} : memref<40960xf32, #tpu.memory_space<vmem>>, vector<16xf32>,
        %parallel_loop3A_475 = arith.constant 0.577350259 : f32
        %parallel_loop3A_476 = vector.broadcast %parallel_loop3A_475 : f32 to vector<16xf32>
        %parallel_loop3A_477 = arith.mulf %parallel_loop3A_454, %parallel_loop3A_476 : vector<16xf32>
        %parallel_loop3A_478 = arith.mulf %parallel_loop3A_406, %parallel_loop3A_430 : vector<16xf32>
        %parallel_loop3A_479 = arith.mulf %parallel_loop3A_412, %parallel_loop3A_436 : vector<16xf32>
        %parallel_loop3A_480 = arith.addf %parallel_loop3A_478, %parallel_loop3A_479 : vector<16xf32>
        %parallel_loop3A_481 = arith.mulf %parallel_loop3A_418, %parallel_loop3A_442 : vector<16xf32>
        %parallel_loop3A_482 = arith.addf %parallel_loop3A_480, %parallel_loop3A_481 : vector<16xf32>
        %parallel_loop3A_483 = arith.mulf %parallel_loop3A_477, %parallel_loop3A_482 : vector<16xf32>
        %parallel_loop3A_484 = arith.constant 128 : i32
        %parallel_loop3A_485 = arith.addi %parallel_loop3A_394, %parallel_loop3A_484 : i32
        %parallel_loop3A_486 = arith.constant 0 : i32
        %parallel_loop3A_487 = arith.addi %parallel_loop3A_485, %parallel_loop3A_486 : i32
        %parallel_loop3A_488 = arith.index_cast %parallel_loop3A_487 : i32 to index
        %parallel_loop3A_489 = tpu.vector_load %arg9[%parallel_loop3A_488] {strides = array<i32>} : memref<40960xf32, #tpu.memory_space<vmem>>, vector<16xf32>,
        tpu.vector_store %arg9[%parallel_loop3A_488], %parallel_loop3A_483 {strides = array<i32>} : memref<40960xf32, #tpu.memory_space<vmem>>, vector<16xf32>,
        %parallel_loop3A_490 = arith.mulf %parallel_loop3A_460, %parallel_loop3A_400 : vector<16xf32>
        %parallel_loop3A_491 = arith.mulf %parallel_loop3A_466, %parallel_loop3A_424 : vector<16xf32>
        %parallel_loop3A_492 = arith.mulf %parallel_loop3A_490, %parallel_loop3A_430 : vector<16xf32>
        %parallel_loop3A_493 = arith.constant 256 : i32
        %parallel_loop3A_494 = arith.addi %parallel_loop3A_394, %parallel_loop3A_493 : i32
        %parallel_loop3A_495 = arith.constant 0 : i32
        %parallel_loop3A_496 = arith.addi %parallel_loop3A_494, %parallel_loop3A_495 : i32
        %parallel_loop3A_497 = arith.index_cast %parallel_loop3A_496 : i32 to index
        %parallel_loop3A_498 = tpu.vector_load %arg9[%parallel_loop3A_497] {strides = array<i32>} : memref<40960xf32, #tpu.memory_space<vmem>>, vector<16xf32>,
        tpu.vector_store %arg9[%parallel_loop3A_497], %parallel_loop3A_492 {strides = array<i32>} : memref<40960xf32, #tpu.memory_space<vmem>>, vector<16xf32>,
        %parallel_loop3A_499 = arith.mulf %parallel_loop3A_491, %parallel_loop3A_406 : vector<16xf32>
        %parallel_loop3A_500 = arith.constant 640 : i32
        %parallel_loop3A_501 = arith.addi %parallel_loop3A_394, %parallel_loop3A_500 : i32
        %parallel_loop3A_502 = arith.constant 0 : i32
        %parallel_loop3A_503 = arith.addi %parallel_loop3A_501, %parallel_loop3A_502 : i32
        %parallel_loop3A_504 = arith.index_cast %parallel_loop3A_503 : i32 to index
        %parallel_loop3A_505 = tpu.vector_load %arg9[%parallel_loop3A_504] {strides = array<i32>} : memref<40960xf32, #tpu.memory_space<vmem>>, vector<16xf32>,
        tpu.vector_store %arg9[%parallel_loop3A_504], %parallel_loop3A_499 {strides = array<i32>} : memref<40960xf32, #tpu.memory_space<vmem>>, vector<16xf32>,
        %parallel_loop3A_506 = arith.mulf %parallel_loop3A_490, %parallel_loop3A_436 : vector<16xf32>
        %parallel_loop3A_507 = arith.constant 384 : i32
        %parallel_loop3A_508 = arith.addi %parallel_loop3A_394, %parallel_loop3A_507 : i32
        %parallel_loop3A_509 = arith.constant 0 : i32
        %parallel_loop3A_510 = arith.addi %parallel_loop3A_508, %parallel_loop3A_509 : i32
        %parallel_loop3A_511 = arith.index_cast %parallel_loop3A_510 : i32 to index
        %parallel_loop3A_512 = tpu.vector_load %arg9[%parallel_loop3A_511] {strides = array<i32>} : memref<40960xf32, #tpu.memory_space<vmem>>, vector<16xf32>,
        tpu.vector_store %arg9[%parallel_loop3A_511], %parallel_loop3A_506 {strides = array<i32>} : memref<40960xf32, #tpu.memory_space<vmem>>, vector<16xf32>,
        %parallel_loop3A_513 = arith.mulf %parallel_loop3A_491, %parallel_loop3A_412 : vector<16xf32>
        %parallel_loop3A_514 = arith.constant 768 : i32
        %parallel_loop3A_515 = arith.addi %parallel_loop3A_394, %parallel_loop3A_514 : i32
        %parallel_loop3A_516 = arith.constant 0 : i32
        %parallel_loop3A_517 = arith.addi %parallel_loop3A_515, %parallel_loop3A_516 : i32
        %parallel_loop3A_518 = arith.index_cast %parallel_loop3A_517 : i32 to index
        %parallel_loop3A_519 = tpu.vector_load %arg9[%parallel_loop3A_518] {strides = array<i32>} : memref<40960xf32, #tpu.memory_space<vmem>>, vector<16xf32>,
        tpu.vector_store %arg9[%parallel_loop3A_518], %parallel_loop3A_513 {strides = array<i32>} : memref<40960xf32, #tpu.memory_space<vmem>>, vector<16xf32>,
        %parallel_loop3A_520 = arith.mulf %parallel_loop3A_490, %parallel_loop3A_442 : vector<16xf32>
        %parallel_loop3A_521 = arith.constant 512 : i32
        %parallel_loop3A_522 = arith.addi %parallel_loop3A_394, %parallel_loop3A_521 : i32
        %parallel_loop3A_523 = arith.constant 0 : i32
        %parallel_loop3A_524 = arith.addi %parallel_loop3A_522, %parallel_loop3A_523 : i32
        %parallel_loop3A_525 = arith.index_cast %parallel_loop3A_524 : i32 to index
        %parallel_loop3A_526 = tpu.vector_load %arg9[%parallel_loop3A_525] {strides = array<i32>} : memref<40960xf32, #tpu.memory_space<vmem>>, vector<16xf32>,
        tpu.vector_store %arg9[%parallel_loop3A_525], %parallel_loop3A_520 {strides = array<i32>} : memref<40960xf32, #tpu.memory_space<vmem>>, vector<16xf32>,
        %parallel_loop3A_527 = arith.mulf %parallel_loop3A_491, %parallel_loop3A_418 : vector<16xf32>
        %parallel_loop3A_528 = arith.constant 896 : i32
        %parallel_loop3A_529 = arith.addi %parallel_loop3A_394, %parallel_loop3A_528 : i32
        %parallel_loop3A_530 = arith.constant 0 : i32
        %parallel_loop3A_531 = arith.addi %parallel_loop3A_529, %parallel_loop3A_530 : i32
        %parallel_loop3A_532 = arith.index_cast %parallel_loop3A_531 : i32 to index
        %parallel_loop3A_533 = tpu.vector_load %arg9[%parallel_loop3A_532] {strides = array<i32>} : memref<40960xf32, #tpu.memory_space<vmem>>, vector<16xf32>,
        tpu.vector_store %arg9[%parallel_loop3A_532], %parallel_loop3A_527 {strides = array<i32>} : memref<40960xf32, #tpu.memory_space<vmem>>, vector<16xf32>,
        %parallel_loop3A_534 = arith.constant 0 : i32
        %parallel_loop3A_535 = arith.addi %parallel_loop3A_384, %parallel_loop3A_534 : i32
        %parallel_loop3A_536 = arith.constant 16 : i32
        %parallel_loop3A_537 = arith.addi %parallel_loop3A_535, %parallel_loop3A_536 : i32
        %parallel_loop3A_538 = arith.index_cast %parallel_loop3A_537 : i32 to index
        %parallel_loop3A_539 = tpu.vector_load %arg6[%parallel_loop3A_538] {strides = array<i32>} : memref<20480xf32, #tpu.memory_space<vmem>>, vector<16xf32>,
        %parallel_loop3A_540 = arith.constant 2560 : i32
        %parallel_loop3A_541 = arith.addi %parallel_loop3A_384, %parallel_loop3A_540 : i32
        %parallel_loop3A_542 = arith.constant 16 : i32
        %parallel_loop3A_543 = arith.addi %parallel_loop3A_541, %parallel_loop3A_542 : i32
        %parallel_loop3A_544 = arith.index_cast %parallel_loop3A_543 : i32 to index
        %parallel_loop3A_545 = tpu.vector_load %arg6[%parallel_loop3A_544] {strides = array<i32>} : memref<20480xf32, #tpu.memory_space<vmem>>, vector<16xf32>,
        %parallel_loop3A_546 = arith.constant 5120 : i32
        %parallel_loop3A_547 = arith.addi %parallel_loop3A_384, %parallel_loop3A_546 : i32
        %parallel_loop3A_548 = arith.constant 16 : i32
        %parallel_loop3A_549 = arith.addi %parallel_loop3A_547, %parallel_loop3A_548 : i32
        %parallel_loop3A_550 = arith.index_cast %parallel_loop3A_549 : i32 to index
        %parallel_loop3A_551 = tpu.vector_load %arg6[%parallel_loop3A_550] {strides = array<i32>} : memref<20480xf32, #tpu.memory_space<vmem>>, vector<16xf32>,
        %parallel_loop3A_552 = arith.constant 7680 : i32
        %parallel_loop3A_553 = arith.addi %parallel_loop3A_384, %parallel_loop3A_552 : i32
        %parallel_loop3A_554 = arith.constant 16 : i32
        %parallel_loop3A_555 = arith.addi %parallel_loop3A_553, %parallel_loop3A_554 : i32
        %parallel_loop3A_556 = arith.index_cast %parallel_loop3A_555 : i32 to index
        %parallel_loop3A_557 = tpu.vector_load %arg6[%parallel_loop3A_556] {strides = array<i32>} : memref<20480xf32, #tpu.memory_space<vmem>>, vector<16xf32>,
        %parallel_loop3A_558 = arith.constant 0 : i32
        %parallel_loop3A_559 = arith.addi %parallel_loop3A_384, %parallel_loop3A_558 : i32
        %parallel_loop3A_560 = arith.constant 16 : i32
        %parallel_loop3A_561 = arith.addi %parallel_loop3A_559, %parallel_loop3A_560 : i32
        %parallel_loop3A_562 = arith.index_cast %parallel_loop3A_561 : i32 to index
        %parallel_loop3A_563 = tpu.vector_load %arg7[%parallel_loop3A_562] {strides = array<i32>} : memref<20480xf32, #tpu.memory_space<vmem>>, vector<16xf32>,
        %parallel_loop3A_564 = arith.constant 2560 : i32
        %parallel_loop3A_565 = arith.addi %parallel_loop3A_384, %parallel_loop3A_564 : i32
        %parallel_loop3A_566 = arith.constant 16 : i32
        %parallel_loop3A_567 = arith.addi %parallel_loop3A_565, %parallel_loop3A_566 : i32
        %parallel_loop3A_568 = arith.index_cast %parallel_loop3A_567 : i32 to index
        %parallel_loop3A_569 = tpu.vector_load %arg7[%parallel_loop3A_568] {strides = array<i32>} : memref<20480xf32, #tpu.memory_space<vmem>>, vector<16xf32>,
        %parallel_loop3A_570 = arith.constant 5120 : i32
        %parallel_loop3A_571 = arith.addi %parallel_loop3A_384, %parallel_loop3A_570 : i32
        %parallel_loop3A_572 = arith.constant 16 : i32
        %parallel_loop3A_573 = arith.addi %parallel_loop3A_571, %parallel_loop3A_572 : i32
        %parallel_loop3A_574 = arith.index_cast %parallel_loop3A_573 : i32 to index
        %parallel_loop3A_575 = tpu.vector_load %arg7[%parallel_loop3A_574] {strides = array<i32>} : memref<20480xf32, #tpu.memory_space<vmem>>, vector<16xf32>,
        %parallel_loop3A_576 = arith.constant 7680 : i32
        %parallel_loop3A_577 = arith.addi %parallel_loop3A_384, %parallel_loop3A_576 : i32
        %parallel_loop3A_578 = arith.constant 16 : i32
        %parallel_loop3A_579 = arith.addi %parallel_loop3A_577, %parallel_loop3A_578 : i32
        %parallel_loop3A_580 = arith.index_cast %parallel_loop3A_579 : i32 to index
        %parallel_loop3A_581 = tpu.vector_load %arg7[%parallel_loop3A_580] {strides = array<i32>} : memref<20480xf32, #tpu.memory_space<vmem>>, vector<16xf32>,
        %parallel_loop3A_582 = arith.constant 0 : i32
        %parallel_loop3A_583 = arith.addi %parallel_loop3A_388, %parallel_loop3A_582 : i32
        %parallel_loop3A_584 = arith.constant 16 : i32
        %parallel_loop3A_585 = arith.addi %parallel_loop3A_583, %parallel_loop3A_584 : i32
        %parallel_loop3A_586 = arith.index_cast %parallel_loop3A_585 : i32 to index
        %parallel_loop3A_587 = tpu.vector_load %arg8[%parallel_loop3A_586] {strides = array<i32>} : memref<20480xf32, #tpu.memory_space<vmem>>, vector<16xf32>,
        %parallel_loop3A_588 = arith.constant 128 : i32
        %parallel_loop3A_589 = arith.addi %parallel_loop3A_388, %parallel_loop3A_588 : i32
        %parallel_loop3A_590 = arith.constant 16 : i32
        %parallel_loop3A_591 = arith.addi %parallel_loop3A_589, %parallel_loop3A_590 : i32
        %parallel_loop3A_592 = arith.index_cast %parallel_loop3A_591 : i32 to index
        %parallel_loop3A_593 = tpu.vector_load %arg8[%parallel_loop3A_592] {strides = array<i32>} : memref<20480xf32, #tpu.memory_space<vmem>>, vector<16xf32>,
        %parallel_loop3A_594 = arith.constant 256 : i32
        %parallel_loop3A_595 = arith.addi %parallel_loop3A_388, %parallel_loop3A_594 : i32
        %parallel_loop3A_596 = arith.constant 16 : i32
        %parallel_loop3A_597 = arith.addi %parallel_loop3A_595, %parallel_loop3A_596 : i32
        %parallel_loop3A_598 = arith.index_cast %parallel_loop3A_597 : i32 to index
        %parallel_loop3A_599 = tpu.vector_load %arg8[%parallel_loop3A_598] {strides = array<i32>} : memref<20480xf32, #tpu.memory_space<vmem>>, vector<16xf32>,
        %parallel_loop3A_600 = arith.constant 384 : i32
        %parallel_loop3A_601 = arith.addi %parallel_loop3A_388, %parallel_loop3A_600 : i32
        %parallel_loop3A_602 = arith.constant 16 : i32
        %parallel_loop3A_603 = arith.addi %parallel_loop3A_601, %parallel_loop3A_602 : i32
        %parallel_loop3A_604 = arith.index_cast %parallel_loop3A_603 : i32 to index
        %parallel_loop3A_605 = tpu.vector_load %arg8[%parallel_loop3A_604] {strides = array<i32>} : memref<20480xf32, #tpu.memory_space<vmem>>, vector<16xf32>,
        %parallel_loop3A_606 = arith.mulf %parallel_loop3A_587, %parallel_loop3A_539 : vector<16xf32>
        %parallel_loop3A_607 = arith.mulf %parallel_loop3A_606, %parallel_loop3A_563 : vector<16xf32>
        %parallel_loop3A_608 = arith.constant 0 : i32
        %parallel_loop3A_609 = arith.addi %parallel_loop3A_394, %parallel_loop3A_608 : i32
        %parallel_loop3A_610 = arith.constant 16 : i32
        %parallel_loop3A_611 = arith.addi %parallel_loop3A_609, %parallel_loop3A_610 : i32
        %parallel_loop3A_612 = arith.index_cast %parallel_loop3A_611 : i32 to index
        %parallel_loop3A_613 = tpu.vector_load %arg9[%parallel_loop3A_612] {strides = array<i32>} : memref<40960xf32, #tpu.memory_space<vmem>>, vector<16xf32>,
        tpu.vector_store %arg9[%parallel_loop3A_612], %parallel_loop3A_607 {strides = array<i32>} : memref<40960xf32, #tpu.memory_space<vmem>>, vector<16xf32>,
        %parallel_loop3A_614 = arith.constant 0.577350259 : f32
        %parallel_loop3A_615 = vector.broadcast %parallel_loop3A_614 : f32 to vector<16xf32>
        %parallel_loop3A_616 = arith.mulf %parallel_loop3A_593, %parallel_loop3A_615 : vector<16xf32>
        %parallel_loop3A_617 = arith.mulf %parallel_loop3A_545, %parallel_loop3A_569 : vector<16xf32>
        %parallel_loop3A_618 = arith.mulf %parallel_loop3A_551, %parallel_loop3A_575 : vector<16xf32>
        %parallel_loop3A_619 = arith.addf %parallel_loop3A_617, %parallel_loop3A_618 : vector<16xf32>
        %parallel_loop3A_620 = arith.mulf %parallel_loop3A_557, %parallel_loop3A_581 : vector<16xf32>
        %parallel_loop3A_621 = arith.addf %parallel_loop3A_619, %parallel_loop3A_620 : vector<16xf32>
        %parallel_loop3A_622 = arith.mulf %parallel_loop3A_616, %parallel_loop3A_621 : vector<16xf32>
        %parallel_loop3A_623 = arith.constant 128 : i32
        %parallel_loop3A_624 = arith.addi %parallel_loop3A_394, %parallel_loop3A_623 : i32
        %parallel_loop3A_625 = arith.constant 16 : i32
        %parallel_loop3A_626 = arith.addi %parallel_loop3A_624, %parallel_loop3A_625 : i32
        %parallel_loop3A_627 = arith.index_cast %parallel_loop3A_626 : i32 to index
        %parallel_loop3A_628 = tpu.vector_load %arg9[%parallel_loop3A_627] {strides = array<i32>} : memref<40960xf32, #tpu.memory_space<vmem>>, vector<16xf32>,
        tpu.vector_store %arg9[%parallel_loop3A_627], %parallel_loop3A_622 {strides = array<i32>} : memref<40960xf32, #tpu.memory_space<vmem>>, vector<16xf32>,
        %parallel_loop3A_629 = arith.mulf %parallel_loop3A_599, %parallel_loop3A_539 : vector<16xf32>
        %parallel_loop3A_630 = arith.mulf %parallel_loop3A_605, %parallel_loop3A_563 : vector<16xf32>
        %parallel_loop3A_631 = arith.mulf %parallel_loop3A_629, %parallel_loop3A_569 : vector<16xf32>
        %parallel_loop3A_632 = arith.constant 256 : i32
        %parallel_loop3A_633 = arith.addi %parallel_loop3A_394, %parallel_loop3A_632 : i32
        %parallel_loop3A_634 = arith.constant 16 : i32
        %parallel_loop3A_635 = arith.addi %parallel_loop3A_633, %parallel_loop3A_634 : i32
        %parallel_loop3A_636 = arith.index_cast %parallel_loop3A_635 : i32 to index
        %parallel_loop3A_637 = tpu.vector_load %arg9[%parallel_loop3A_636] {strides = array<i32>} : memref<40960xf32, #tpu.memory_space<vmem>>, vector<16xf32>,
        tpu.vector_store %arg9[%parallel_loop3A_636], %parallel_loop3A_631 {strides = array<i32>} : memref<40960xf32, #tpu.memory_space<vmem>>, vector<16xf32>,
        %parallel_loop3A_638 = arith.mulf %parallel_loop3A_630, %parallel_loop3A_545 : vector<16xf32>
        %parallel_loop3A_639 = arith.constant 640 : i32
        %parallel_loop3A_640 = arith.addi %parallel_loop3A_394, %parallel_loop3A_639 : i32
        %parallel_loop3A_641 = arith.constant 16 : i32
        %parallel_loop3A_642 = arith.addi %parallel_loop3A_640, %parallel_loop3A_641 : i32
        %parallel_loop3A_643 = arith.index_cast %parallel_loop3A_642 : i32 to index
        %parallel_loop3A_644 = tpu.vector_load %arg9[%parallel_loop3A_643] {strides = array<i32>} : memref<40960xf32, #tpu.memory_space<vmem>>, vector<16xf32>,
        tpu.vector_store %arg9[%parallel_loop3A_643], %parallel_loop3A_638 {strides = array<i32>} : memref<40960xf32, #tpu.memory_space<vmem>>, vector<16xf32>,
        %parallel_loop3A_645 = arith.mulf %parallel_loop3A_629, %parallel_loop3A_575 : vector<16xf32>
        %parallel_loop3A_646 = arith.constant 384 : i32
        %parallel_loop3A_647 = arith.addi %parallel_loop3A_394, %parallel_loop3A_646 : i32
        %parallel_loop3A_648 = arith.constant 16 : i32
        %parallel_loop3A_649 = arith.addi %parallel_loop3A_647, %parallel_loop3A_648 : i32
        %parallel_loop3A_650 = arith.index_cast %parallel_loop3A_649 : i32 to index
        %parallel_loop3A_651 = tpu.vector_load %arg9[%parallel_loop3A_650] {strides = array<i32>} : memref<40960xf32, #tpu.memory_space<vmem>>, vector<16xf32>,
        tpu.vector_store %arg9[%parallel_loop3A_650], %parallel_loop3A_645 {strides = array<i32>} : memref<40960xf32, #tpu.memory_space<vmem>>, vector<16xf32>,
        %parallel_loop3A_652 = arith.mulf %parallel_loop3A_630, %parallel_loop3A_551 : vector<16xf32>
        %parallel_loop3A_653 = arith.constant 768 : i32
        %parallel_loop3A_654 = arith.addi %parallel_loop3A_394, %parallel_loop3A_653 : i32
        %parallel_loop3A_655 = arith.constant 16 : i32
        %parallel_loop3A_656 = arith.addi %parallel_loop3A_654, %parallel_loop3A_655 : i32
        %parallel_loop3A_657 = arith.index_cast %parallel_loop3A_656 : i32 to index
        %parallel_loop3A_658 = tpu.vector_load %arg9[%parallel_loop3A_657] {strides = array<i32>} : memref<40960xf32, #tpu.memory_space<vmem>>, vector<16xf32>,
        tpu.vector_store %arg9[%parallel_loop3A_657], %parallel_loop3A_652 {strides = array<i32>} : memref<40960xf32, #tpu.memory_space<vmem>>, vector<16xf32>,
        %parallel_loop3A_659 = arith.mulf %parallel_loop3A_629, %parallel_loop3A_581 : vector<16xf32>
        %parallel_loop3A_660 = arith.constant 512 : i32
        %parallel_loop3A_661 = arith.addi %parallel_loop3A_394, %parallel_loop3A_660 : i32
        %parallel_loop3A_662 = arith.constant 16 : i32
        %parallel_loop3A_663 = arith.addi %parallel_loop3A_661, %parallel_loop3A_662 : i32
        %parallel_loop3A_664 = arith.index_cast %parallel_loop3A_663 : i32 to index
        %parallel_loop3A_665 = tpu.vector_load %arg9[%parallel_loop3A_664] {strides = array<i32>} : memref<40960xf32, #tpu.memory_space<vmem>>, vector<16xf32>,
        tpu.vector_store %arg9[%parallel_loop3A_664], %parallel_loop3A_659 {strides = array<i32>} : memref<40960xf32, #tpu.memory_space<vmem>>, vector<16xf32>,
        %parallel_loop3A_666 = arith.mulf %parallel_loop3A_630, %parallel_loop3A_557 : vector<16xf32>
        %parallel_loop3A_667 = arith.constant 896 : i32
        %parallel_loop3A_668 = arith.addi %parallel_loop3A_394, %parallel_loop3A_667 : i32
        %parallel_loop3A_669 = arith.constant 16 : i32
        %parallel_loop3A_670 = arith.addi %parallel_loop3A_668, %parallel_loop3A_669 : i32
        %parallel_loop3A_671 = arith.index_cast %parallel_loop3A_670 : i32 to index
        %parallel_loop3A_672 = tpu.vector_load %arg9[%parallel_loop3A_671] {strides = array<i32>} : memref<40960xf32, #tpu.memory_space<vmem>>, vector<16xf32>,
        tpu.vector_store %arg9[%parallel_loop3A_671], %parallel_loop3A_666 {strides = array<i32>} : memref<40960xf32, #tpu.memory_space<vmem>>, vector<16xf32>,
        %parallel_loop3A_673 = arith.constant 0 : i32
        %parallel_loop3A_674 = arith.addi %parallel_loop3A_384, %parallel_loop3A_673 : i32
        %parallel_loop3A_675 = arith.constant 32 : i32
        %parallel_loop3A_676 = arith.addi %parallel_loop3A_674, %parallel_loop3A_675 : i32
        %parallel_loop3A_677 = arith.index_cast %parallel_loop3A_676 : i32 to index
        %parallel_loop3A_678 = tpu.vector_load %arg6[%parallel_loop3A_677] {strides = array<i32>} : memref<20480xf32, #tpu.memory_space<vmem>>, vector<16xf32>,
        %parallel_loop3A_679 = arith.constant 2560 : i32
        %parallel_loop3A_680 = arith.addi %parallel_loop3A_384, %parallel_loop3A_679 : i32
        %parallel_loop3A_681 = arith.constant 32 : i32
        %parallel_loop3A_682 = arith.addi %parallel_loop3A_680, %parallel_loop3A_681 : i32
        %parallel_loop3A_683 = arith.index_cast %parallel_loop3A_682 : i32 to index
        %parallel_loop3A_684 = tpu.vector_load %arg6[%parallel_loop3A_683] {strides = array<i32>} : memref<20480xf32, #tpu.memory_space<vmem>>, vector<16xf32>,
        %parallel_loop3A_685 = arith.constant 5120 : i32
        %parallel_loop3A_686 = arith.addi %parallel_loop3A_384, %parallel_loop3A_685 : i32
        %parallel_loop3A_687 = arith.constant 32 : i32
        %parallel_loop3A_688 = arith.addi %parallel_loop3A_686, %parallel_loop3A_687 : i32
        %parallel_loop3A_689 = arith.index_cast %parallel_loop3A_688 : i32 to index
        %parallel_loop3A_690 = tpu.vector_load %arg6[%parallel_loop3A_689] {strides = array<i32>} : memref<20480xf32, #tpu.memory_space<vmem>>, vector<16xf32>,
        %parallel_loop3A_691 = arith.constant 7680 : i32
        %parallel_loop3A_692 = arith.addi %parallel_loop3A_384, %parallel_loop3A_691 : i32
        %parallel_loop3A_693 = arith.constant 32 : i32
        %parallel_loop3A_694 = arith.addi %parallel_loop3A_692, %parallel_loop3A_693 : i32
        %parallel_loop3A_695 = arith.index_cast %parallel_loop3A_694 : i32 to index
        %parallel_loop3A_696 = tpu.vector_load %arg6[%parallel_loop3A_695] {strides = array<i32>} : memref<20480xf32, #tpu.memory_space<vmem>>, vector<16xf32>,
        %parallel_loop3A_697 = arith.constant 0 : i32
        %parallel_loop3A_698 = arith.addi %parallel_loop3A_384, %parallel_loop3A_697 : i32
        %parallel_loop3A_699 = arith.constant 32 : i32
        %parallel_loop3A_700 = arith.addi %parallel_loop3A_698, %parallel_loop3A_699 : i32
        %parallel_loop3A_701 = arith.index_cast %parallel_loop3A_700 : i32 to index
        %parallel_loop3A_702 = tpu.vector_load %arg7[%parallel_loop3A_701] {strides = array<i32>} : memref<20480xf32, #tpu.memory_space<vmem>>, vector<16xf32>,
        %parallel_loop3A_703 = arith.constant 2560 : i32
        %parallel_loop3A_704 = arith.addi %parallel_loop3A_384, %parallel_loop3A_703 : i32
        %parallel_loop3A_705 = arith.constant 32 : i32
        %parallel_loop3A_706 = arith.addi %parallel_loop3A_704, %parallel_loop3A_705 : i32
        %parallel_loop3A_707 = arith.index_cast %parallel_loop3A_706 : i32 to index
        %parallel_loop3A_708 = tpu.vector_load %arg7[%parallel_loop3A_707] {strides = array<i32>} : memref<20480xf32, #tpu.memory_space<vmem>>, vector<16xf32>,
        %parallel_loop3A_709 = arith.constant 5120 : i32
        %parallel_loop3A_710 = arith.addi %parallel_loop3A_384, %parallel_loop3A_709 : i32
        %parallel_loop3A_711 = arith.constant 32 : i32
        %parallel_loop3A_712 = arith.addi %parallel_loop3A_710, %parallel_loop3A_711 : i32
        %parallel_loop3A_713 = arith.index_cast %parallel_loop3A_712 : i32 to index
        %parallel_loop3A_714 = tpu.vector_load %arg7[%parallel_loop3A_713] {strides = array<i32>} : memref<20480xf32, #tpu.memory_space<vmem>>, vector<16xf32>,
        %parallel_loop3A_715 = arith.constant 7680 : i32
        %parallel_loop3A_716 = arith.addi %parallel_loop3A_384, %parallel_loop3A_715 : i32
        %parallel_loop3A_717 = arith.constant 32 : i32
        %parallel_loop3A_718 = arith.addi %parallel_loop3A_716, %parallel_loop3A_717 : i32
        %parallel_loop3A_719 = arith.index_cast %parallel_loop3A_718 : i32 to index
        %parallel_loop3A_720 = tpu.vector_load %arg7[%parallel_loop3A_719] {strides = array<i32>} : memref<20480xf32, #tpu.memory_space<vmem>>, vector<16xf32>,
        %parallel_loop3A_721 = arith.constant 0 : i32
        %parallel_loop3A_722 = arith.addi %parallel_loop3A_388, %parallel_loop3A_721 : i32
        %parallel_loop3A_723 = arith.constant 32 : i32
        %parallel_loop3A_724 = arith.addi %parallel_loop3A_722, %parallel_loop3A_723 : i32
        %parallel_loop3A_725 = arith.index_cast %parallel_loop3A_724 : i32 to index
        %parallel_loop3A_726 = tpu.vector_load %arg8[%parallel_loop3A_725] {strides = array<i32>} : memref<20480xf32, #tpu.memory_space<vmem>>, vector<16xf32>,
        %parallel_loop3A_727 = arith.constant 128 : i32
        %parallel_loop3A_728 = arith.addi %parallel_loop3A_388, %parallel_loop3A_727 : i32
        %parallel_loop3A_729 = arith.constant 32 : i32
        %parallel_loop3A_730 = arith.addi %parallel_loop3A_728, %parallel_loop3A_729 : i32
        %parallel_loop3A_731 = arith.index_cast %parallel_loop3A_730 : i32 to index
        %parallel_loop3A_732 = tpu.vector_load %arg8[%parallel_loop3A_731] {strides = array<i32>} : memref<20480xf32, #tpu.memory_space<vmem>>, vector<16xf32>,
        %parallel_loop3A_733 = arith.constant 256 : i32
        %parallel_loop3A_734 = arith.addi %parallel_loop3A_388, %parallel_loop3A_733 : i32
        %parallel_loop3A_735 = arith.constant 32 : i32
        %parallel_loop3A_736 = arith.addi %parallel_loop3A_734, %parallel_loop3A_735 : i32
        %parallel_loop3A_737 = arith.index_cast %parallel_loop3A_736 : i32 to index
        %parallel_loop3A_738 = tpu.vector_load %arg8[%parallel_loop3A_737] {strides = array<i32>} : memref<20480xf32, #tpu.memory_space<vmem>>, vector<16xf32>,
        %parallel_loop3A_739 = arith.constant 384 : i32
        %parallel_loop3A_740 = arith.addi %parallel_loop3A_388, %parallel_loop3A_739 : i32
        %parallel_loop3A_741 = arith.constant 32 : i32
        %parallel_loop3A_742 = arith.addi %parallel_loop3A_740, %parallel_loop3A_741 : i32
        %parallel_loop3A_743 = arith.index_cast %parallel_loop3A_742 : i32 to index
        %parallel_loop3A_744 = tpu.vector_load %arg8[%parallel_loop3A_743] {strides = array<i32>} : memref<20480xf32, #tpu.memory_space<vmem>>, vector<16xf32>,
        %parallel_loop3A_745 = arith.mulf %parallel_loop3A_726, %parallel_loop3A_678 : vector<16xf32>
        %parallel_loop3A_746 = arith.mulf %parallel_loop3A_745, %parallel_loop3A_702 : vector<16xf32>
        %parallel_loop3A_747 = arith.constant 0 : i32
        %parallel_loop3A_748 = arith.addi %parallel_loop3A_394, %parallel_loop3A_747 : i32
        %parallel_loop3A_749 = arith.constant 32 : i32
        %parallel_loop3A_750 = arith.addi %parallel_loop3A_748, %parallel_loop3A_749 : i32
        %parallel_loop3A_751 = arith.index_cast %parallel_loop3A_750 : i32 to index
        %parallel_loop3A_752 = tpu.vector_load %arg9[%parallel_loop3A_751] {strides = array<i32>} : memref<40960xf32, #tpu.memory_space<vmem>>, vector<16xf32>,
        tpu.vector_store %arg9[%parallel_loop3A_751], %parallel_loop3A_746 {strides = array<i32>} : memref<40960xf32, #tpu.memory_space<vmem>>, vector<16xf32>,
        %parallel_loop3A_753 = arith.constant 0.577350259 : f32
        %parallel_loop3A_754 = vector.broadcast %parallel_loop3A_753 : f32 to vector<16xf32>
        %parallel_loop3A_755 = arith.mulf %parallel_loop3A_732, %parallel_loop3A_754 : vector<16xf32>
        %parallel_loop3A_756 = arith.mulf %parallel_loop3A_684, %parallel_loop3A_708 : vector<16xf32>
        %parallel_loop3A_757 = arith.mulf %parallel_loop3A_690, %parallel_loop3A_714 : vector<16xf32>
        %parallel_loop3A_758 = arith.addf %parallel_loop3A_756, %parallel_loop3A_757 : vector<16xf32>
        %parallel_loop3A_759 = arith.mulf %parallel_loop3A_696, %parallel_loop3A_720 : vector<16xf32>
        %parallel_loop3A_760 = arith.addf %parallel_loop3A_758, %parallel_loop3A_759 : vector<16xf32>
        %parallel_loop3A_761 = arith.mulf %parallel_loop3A_755, %parallel_loop3A_760 : vector<16xf32>
        %parallel_loop3A_762 = arith.constant 128 : i32
        %parallel_loop3A_763 = arith.addi %parallel_loop3A_394, %parallel_loop3A_762 : i32
        %parallel_loop3A_764 = arith.constant 32 : i32
        %parallel_loop3A_765 = arith.addi %parallel_loop3A_763, %parallel_loop3A_764 : i32
        %parallel_loop3A_766 = arith.index_cast %parallel_loop3A_765 : i32 to index
        %parallel_loop3A_767 = tpu.vector_load %arg9[%parallel_loop3A_766] {strides = array<i32>} : memref<40960xf32, #tpu.memory_space<vmem>>, vector<16xf32>,
        tpu.vector_store %arg9[%parallel_loop3A_766], %parallel_loop3A_761 {strides = array<i32>} : memref<40960xf32, #tpu.memory_space<vmem>>, vector<16xf32>,
        %parallel_loop3A_768 = arith.mulf %parallel_loop3A_738, %parallel_loop3A_678 : vector<16xf32>
        %parallel_loop3A_769 = arith.mulf %parallel_loop3A_744, %parallel_loop3A_702 : vector<16xf32>
        %parallel_loop3A_770 = arith.mulf %parallel_loop3A_768, %parallel_loop3A_708 : vector<16xf32>
        %parallel_loop3A_771 = arith.constant 256 : i32
        %parallel_loop3A_772 = arith.addi %parallel_loop3A_394, %parallel_loop3A_771 : i32
        %parallel_loop3A_773 = arith.constant 32 : i32
        %parallel_loop3A_774 = arith.addi %parallel_loop3A_772, %parallel_loop3A_773 : i32
        %parallel_loop3A_775 = arith.index_cast %parallel_loop3A_774 : i32 to index
        %parallel_loop3A_776 = tpu.vector_load %arg9[%parallel_loop3A_775] {strides = array<i32>} : memref<40960xf32, #tpu.memory_space<vmem>>, vector<16xf32>,
        tpu.vector_store %arg9[%parallel_loop3A_775], %parallel_loop3A_770 {strides = array<i32>} : memref<40960xf32, #tpu.memory_space<vmem>>, vector<16xf32>,
        %parallel_loop3A_777 = arith.mulf %parallel_loop3A_769, %parallel_loop3A_684 : vector<16xf32>
        %parallel_loop3A_778 = arith.constant 640 : i32
        %parallel_loop3A_779 = arith.addi %parallel_loop3A_394, %parallel_loop3A_778 : i32
        %parallel_loop3A_780 = arith.constant 32 : i32
        %parallel_loop3A_781 = arith.addi %parallel_loop3A_779, %parallel_loop3A_780 : i32
        %parallel_loop3A_782 = arith.index_cast %parallel_loop3A_781 : i32 to index
        %parallel_loop3A_783 = tpu.vector_load %arg9[%parallel_loop3A_782] {strides = array<i32>} : memref<40960xf32, #tpu.memory_space<vmem>>, vector<16xf32>,
        tpu.vector_store %arg9[%parallel_loop3A_782], %parallel_loop3A_777 {strides = array<i32>} : memref<40960xf32, #tpu.memory_space<vmem>>, vector<16xf32>,
        %parallel_loop3A_784 = arith.mulf %parallel_loop3A_768, %parallel_loop3A_714 : vector<16xf32>
        %parallel_loop3A_785 = arith.constant 384 : i32
        %parallel_loop3A_786 = arith.addi %parallel_loop3A_394, %parallel_loop3A_785 : i32
        %parallel_loop3A_787 = arith.constant 32 : i32
        %parallel_loop3A_788 = arith.addi %parallel_loop3A_786, %parallel_loop3A_787 : i32
        %parallel_loop3A_789 = arith.index_cast %parallel_loop3A_788 : i32 to index
        %parallel_loop3A_790 = tpu.vector_load %arg9[%parallel_loop3A_789] {strides = array<i32>} : memref<40960xf32, #tpu.memory_space<vmem>>, vector<16xf32>,
        tpu.vector_store %arg9[%parallel_loop3A_789], %parallel_loop3A_784 {strides = array<i32>} : memref<40960xf32, #tpu.memory_space<vmem>>, vector<16xf32>,
        %parallel_loop3A_791 = arith.mulf %parallel_loop3A_769, %parallel_loop3A_690 : vector<16xf32>
        %parallel_loop3A_792 = arith.constant 768 : i32
        %parallel_loop3A_793 = arith.addi %parallel_loop3A_394, %parallel_loop3A_792 : i32
        %parallel_loop3A_794 = arith.constant 32 : i32
        %parallel_loop3A_795 = arith.addi %parallel_loop3A_793, %parallel_loop3A_794 : i32
        %parallel_loop3A_796 = arith.index_cast %parallel_loop3A_795 : i32 to index
        %parallel_loop3A_797 = tpu.vector_load %arg9[%parallel_loop3A_796] {strides = array<i32>} : memref<40960xf32, #tpu.memory_space<vmem>>, vector<16xf32>,
        tpu.vector_store %arg9[%parallel_loop3A_796], %parallel_loop3A_791 {strides = array<i32>} : memref<40960xf32, #tpu.memory_space<vmem>>, vector<16xf32>,
        %parallel_loop3A_798 = arith.mulf %parallel_loop3A_768, %parallel_loop3A_720 : vector<16xf32>
        %parallel_loop3A_799 = arith.constant 512 : i32
        %parallel_loop3A_800 = arith.addi %parallel_loop3A_394, %parallel_loop3A_799 : i32
        %parallel_loop3A_801 = arith.constant 32 : i32
        %parallel_loop3A_802 = arith.addi %parallel_loop3A_800, %parallel_loop3A_801 : i32
        %parallel_loop3A_803 = arith.index_cast %parallel_loop3A_802 : i32 to index
        %parallel_loop3A_804 = tpu.vector_load %arg9[%parallel_loop3A_803] {strides = array<i32>} : memref<40960xf32, #tpu.memory_space<vmem>>, vector<16xf32>,
        tpu.vector_store %arg9[%parallel_loop3A_803], %parallel_loop3A_798 {strides = array<i32>} : memref<40960xf32, #tpu.memory_space<vmem>>, vector<16xf32>,
        %parallel_loop3A_805 = arith.mulf %parallel_loop3A_769, %parallel_loop3A_696 : vector<16xf32>
        %parallel_loop3A_806 = arith.constant 896 : i32
        %parallel_loop3A_807 = arith.addi %parallel_loop3A_394, %parallel_loop3A_806 : i32
        %parallel_loop3A_808 = arith.constant 32 : i32
        %parallel_loop3A_809 = arith.addi %parallel_loop3A_807, %parallel_loop3A_808 : i32
        %parallel_loop3A_810 = arith.index_cast %parallel_loop3A_809 : i32 to index
        %parallel_loop3A_811 = tpu.vector_load %arg9[%parallel_loop3A_810] {strides = array<i32>} : memref<40960xf32, #tpu.memory_space<vmem>>, vector<16xf32>,
        tpu.vector_store %arg9[%parallel_loop3A_810], %parallel_loop3A_805 {strides = array<i32>} : memref<40960xf32, #tpu.memory_space<vmem>>, vector<16xf32>,
        %parallel_loop3A_812 = arith.constant 0 : i32
        %parallel_loop3A_813 = arith.addi %parallel_loop3A_384, %parallel_loop3A_812 : i32
        %parallel_loop3A_814 = arith.constant 48 : i32
        %parallel_loop3A_815 = arith.addi %parallel_loop3A_813, %parallel_loop3A_814 : i32
        %parallel_loop3A_816 = arith.index_cast %parallel_loop3A_815 : i32 to index
        %parallel_loop3A_817 = tpu.vector_load %arg6[%parallel_loop3A_816] {strides = array<i32>} : memref<20480xf32, #tpu.memory_space<vmem>>, vector<16xf32>,
        %parallel_loop3A_818 = arith.constant 2560 : i32
        %parallel_loop3A_819 = arith.addi %parallel_loop3A_384, %parallel_loop3A_818 : i32
        %parallel_loop3A_820 = arith.constant 48 : i32
        %parallel_loop3A_821 = arith.addi %parallel_loop3A_819, %parallel_loop3A_820 : i32
        %parallel_loop3A_822 = arith.index_cast %parallel_loop3A_821 : i32 to index
        %parallel_loop3A_823 = tpu.vector_load %arg6[%parallel_loop3A_822] {strides = array<i32>} : memref<20480xf32, #tpu.memory_space<vmem>>, vector<16xf32>,
        %parallel_loop3A_824 = arith.constant 5120 : i32
        %parallel_loop3A_825 = arith.addi %parallel_loop3A_384, %parallel_loop3A_824 : i32
        %parallel_loop3A_826 = arith.constant 48 : i32
        %parallel_loop3A_827 = arith.addi %parallel_loop3A_825, %parallel_loop3A_826 : i32
        %parallel_loop3A_828 = arith.index_cast %parallel_loop3A_827 : i32 to index
        %parallel_loop3A_829 = tpu.vector_load %arg6[%parallel_loop3A_828] {strides = array<i32>} : memref<20480xf32, #tpu.memory_space<vmem>>, vector<16xf32>,
        %parallel_loop3A_830 = arith.constant 7680 : i32
        %parallel_loop3A_831 = arith.addi %parallel_loop3A_384, %parallel_loop3A_830 : i32
        %parallel_loop3A_832 = arith.constant 48 : i32
        %parallel_loop3A_833 = arith.addi %parallel_loop3A_831, %parallel_loop3A_832 : i32
        %parallel_loop3A_834 = arith.index_cast %parallel_loop3A_833 : i32 to index
        %parallel_loop3A_835 = tpu.vector_load %arg6[%parallel_loop3A_834] {strides = array<i32>} : memref<20480xf32, #tpu.memory_space<vmem>>, vector<16xf32>,
        %parallel_loop3A_836 = arith.constant 0 : i32
        %parallel_loop3A_837 = arith.addi %parallel_loop3A_384, %parallel_loop3A_836 : i32
        %parallel_loop3A_838 = arith.constant 48 : i32
        %parallel_loop3A_839 = arith.addi %parallel_loop3A_837, %parallel_loop3A_838 : i32
        %parallel_loop3A_840 = arith.index_cast %parallel_loop3A_839 : i32 to index
        %parallel_loop3A_841 = tpu.vector_load %arg7[%parallel_loop3A_840] {strides = array<i32>} : memref<20480xf32, #tpu.memory_space<vmem>>, vector<16xf32>,
        %parallel_loop3A_842 = arith.constant 2560 : i32
        %parallel_loop3A_843 = arith.addi %parallel_loop3A_384, %parallel_loop3A_842 : i32
        %parallel_loop3A_844 = arith.constant 48 : i32
        %parallel_loop3A_845 = arith.addi %parallel_loop3A_843, %parallel_loop3A_844 : i32
        %parallel_loop3A_846 = arith.index_cast %parallel_loop3A_845 : i32 to index
        %parallel_loop3A_847 = tpu.vector_load %arg7[%parallel_loop3A_846] {strides = array<i32>} : memref<20480xf32, #tpu.memory_space<vmem>>, vector<16xf32>,
        %parallel_loop3A_848 = arith.constant 5120 : i32
        %parallel_loop3A_849 = arith.addi %parallel_loop3A_384, %parallel_loop3A_848 : i32
        %parallel_loop3A_850 = arith.constant 48 : i32
        %parallel_loop3A_851 = arith.addi %parallel_loop3A_849, %parallel_loop3A_850 : i32
        %parallel_loop3A_852 = arith.index_cast %parallel_loop3A_851 : i32 to index
        %parallel_loop3A_853 = tpu.vector_load %arg7[%parallel_loop3A_852] {strides = array<i32>} : memref<20480xf32, #tpu.memory_space<vmem>>, vector<16xf32>,
        %parallel_loop3A_854 = arith.constant 7680 : i32
        %parallel_loop3A_855 = arith.addi %parallel_loop3A_384, %parallel_loop3A_854 : i32
        %parallel_loop3A_856 = arith.constant 48 : i32
        %parallel_loop3A_857 = arith.addi %parallel_loop3A_855, %parallel_loop3A_856 : i32
        %parallel_loop3A_858 = arith.index_cast %parallel_loop3A_857 : i32 to index
        %parallel_loop3A_859 = tpu.vector_load %arg7[%parallel_loop3A_858] {strides = array<i32>} : memref<20480xf32, #tpu.memory_space<vmem>>, vector<16xf32>,
        %parallel_loop3A_860 = arith.constant 0 : i32
        %parallel_loop3A_861 = arith.addi %parallel_loop3A_388, %parallel_loop3A_860 : i32
        %parallel_loop3A_862 = arith.constant 48 : i32
        %parallel_loop3A_863 = arith.addi %parallel_loop3A_861, %parallel_loop3A_862 : i32
        %parallel_loop3A_864 = arith.index_cast %parallel_loop3A_863 : i32 to index
        %parallel_loop3A_865 = tpu.vector_load %arg8[%parallel_loop3A_864] {strides = array<i32>} : memref<20480xf32, #tpu.memory_space<vmem>>, vector<16xf32>,
        %parallel_loop3A_866 = arith.constant 128 : i32
        %parallel_loop3A_867 = arith.addi %parallel_loop3A_388, %parallel_loop3A_866 : i32
        %parallel_loop3A_868 = arith.constant 48 : i32
        %parallel_loop3A_869 = arith.addi %parallel_loop3A_867, %parallel_loop3A_868 : i32
        %parallel_loop3A_870 = arith.index_cast %parallel_loop3A_869 : i32 to index
        %parallel_loop3A_871 = tpu.vector_load %arg8[%parallel_loop3A_870] {strides = array<i32>} : memref<20480xf32, #tpu.memory_space<vmem>>, vector<16xf32>,
        %parallel_loop3A_872 = arith.constant 256 : i32
        %parallel_loop3A_873 = arith.addi %parallel_loop3A_388, %parallel_loop3A_872 : i32
        %parallel_loop3A_874 = arith.constant 48 : i32
        %parallel_loop3A_875 = arith.addi %parallel_loop3A_873, %parallel_loop3A_874 : i32
        %parallel_loop3A_876 = arith.index_cast %parallel_loop3A_875 : i32 to index
        %parallel_loop3A_877 = tpu.vector_load %arg8[%parallel_loop3A_876] {strides = array<i32>} : memref<20480xf32, #tpu.memory_space<vmem>>, vector<16xf32>,
        %parallel_loop3A_878 = arith.constant 384 : i32
        %parallel_loop3A_879 = arith.addi %parallel_loop3A_388, %parallel_loop3A_878 : i32
        %parallel_loop3A_880 = arith.constant 48 : i32
        %parallel_loop3A_881 = arith.addi %parallel_loop3A_879, %parallel_loop3A_880 : i32
        %parallel_loop3A_882 = arith.index_cast %parallel_loop3A_881 : i32 to index
        %parallel_loop3A_883 = tpu.vector_load %arg8[%parallel_loop3A_882] {strides = array<i32>} : memref<20480xf32, #tpu.memory_space<vmem>>, vector<16xf32>,
        %parallel_loop3A_884 = arith.mulf %parallel_loop3A_865, %parallel_loop3A_817 : vector<16xf32>
        %parallel_loop3A_885 = arith.mulf %parallel_loop3A_884, %parallel_loop3A_841 : vector<16xf32>
        %parallel_loop3A_886 = arith.constant 0 : i32
        %parallel_loop3A_887 = arith.addi %parallel_loop3A_394, %parallel_loop3A_886 : i32
        %parallel_loop3A_888 = arith.constant 48 : i32
        %parallel_loop3A_889 = arith.addi %parallel_loop3A_887, %parallel_loop3A_888 : i32
        %parallel_loop3A_890 = arith.index_cast %parallel_loop3A_889 : i32 to index
        %parallel_loop3A_891 = tpu.vector_load %arg9[%parallel_loop3A_890] {strides = array<i32>} : memref<40960xf32, #tpu.memory_space<vmem>>, vector<16xf32>,
        tpu.vector_store %arg9[%parallel_loop3A_890], %parallel_loop3A_885 {strides = array<i32>} : memref<40960xf32, #tpu.memory_space<vmem>>, vector<16xf32>,
        %parallel_loop3A_892 = arith.constant 0.577350259 : f32
        %parallel_loop3A_893 = vector.broadcast %parallel_loop3A_892 : f32 to vector<16xf32>
        %parallel_loop3A_894 = arith.mulf %parallel_loop3A_871, %parallel_loop3A_893 : vector<16xf32>
        %parallel_loop3A_895 = arith.mulf %parallel_loop3A_823, %parallel_loop3A_847 : vector<16xf32>
        %parallel_loop3A_896 = arith.mulf %parallel_loop3A_829, %parallel_loop3A_853 : vector<16xf32>
        %parallel_loop3A_897 = arith.addf %parallel_loop3A_895, %parallel_loop3A_896 : vector<16xf32>
        %parallel_loop3A_898 = arith.mulf %parallel_loop3A_835, %parallel_loop3A_859 : vector<16xf32>
        %parallel_loop3A_899 = arith.addf %parallel_loop3A_897, %parallel_loop3A_898 : vector<16xf32>
        %parallel_loop3A_900 = arith.mulf %parallel_loop3A_894, %parallel_loop3A_899 : vector<16xf32>
        %parallel_loop3A_901 = arith.constant 128 : i32
        %parallel_loop3A_902 = arith.addi %parallel_loop3A_394, %parallel_loop3A_901 : i32
        %parallel_loop3A_903 = arith.constant 48 : i32
        %parallel_loop3A_904 = arith.addi %parallel_loop3A_902, %parallel_loop3A_903 : i32
        %parallel_loop3A_905 = arith.index_cast %parallel_loop3A_904 : i32 to index
        %parallel_loop3A_906 = tpu.vector_load %arg9[%parallel_loop3A_905] {strides = array<i32>} : memref<40960xf32, #tpu.memory_space<vmem>>, vector<16xf32>,
        tpu.vector_store %arg9[%parallel_loop3A_905], %parallel_loop3A_900 {strides = array<i32>} : memref<40960xf32, #tpu.memory_space<vmem>>, vector<16xf32>,
        %parallel_loop3A_907 = arith.mulf %parallel_loop3A_877, %parallel_loop3A_817 : vector<16xf32>
        %parallel_loop3A_908 = arith.mulf %parallel_loop3A_883, %parallel_loop3A_841 : vector<16xf32>
        %parallel_loop3A_909 = arith.mulf %parallel_loop3A_907, %parallel_loop3A_847 : vector<16xf32>
        %parallel_loop3A_910 = arith.constant 256 : i32
        %parallel_loop3A_911 = arith.addi %parallel_loop3A_394, %parallel_loop3A_910 : i32
        %parallel_loop3A_912 = arith.constant 48 : i32
        %parallel_loop3A_913 = arith.addi %parallel_loop3A_911, %parallel_loop3A_912 : i32
        %parallel_loop3A_914 = arith.index_cast %parallel_loop3A_913 : i32 to index
        %parallel_loop3A_915 = tpu.vector_load %arg9[%parallel_loop3A_914] {strides = array<i32>} : memref<40960xf32, #tpu.memory_space<vmem>>, vector<16xf32>,
        tpu.vector_store %arg9[%parallel_loop3A_914], %parallel_loop3A_909 {strides = array<i32>} : memref<40960xf32, #tpu.memory_space<vmem>>, vector<16xf32>,
        %parallel_loop3A_916 = arith.mulf %parallel_loop3A_908, %parallel_loop3A_823 : vector<16xf32>
        %parallel_loop3A_917 = arith.constant 640 : i32
        %parallel_loop3A_918 = arith.addi %parallel_loop3A_394, %parallel_loop3A_917 : i32
        %parallel_loop3A_919 = arith.constant 48 : i32
        %parallel_loop3A_920 = arith.addi %parallel_loop3A_918, %parallel_loop3A_919 : i32
        %parallel_loop3A_921 = arith.index_cast %parallel_loop3A_920 : i32 to index
        %parallel_loop3A_922 = tpu.vector_load %arg9[%parallel_loop3A_921] {strides = array<i32>} : memref<40960xf32, #tpu.memory_space<vmem>>, vector<16xf32>,
        tpu.vector_store %arg9[%parallel_loop3A_921], %parallel_loop3A_916 {strides = array<i32>} : memref<40960xf32, #tpu.memory_space<vmem>>, vector<16xf32>,
        %parallel_loop3A_923 = arith.mulf %parallel_loop3A_907, %parallel_loop3A_853 : vector<16xf32>
        %parallel_loop3A_924 = arith.constant 384 : i32
        %parallel_loop3A_925 = arith.addi %parallel_loop3A_394, %parallel_loop3A_924 : i32
        %parallel_loop3A_926 = arith.constant 48 : i32
        %parallel_loop3A_927 = arith.addi %parallel_loop3A_925, %parallel_loop3A_926 : i32
        %parallel_loop3A_928 = arith.index_cast %parallel_loop3A_927 : i32 to index
        %parallel_loop3A_929 = tpu.vector_load %arg9[%parallel_loop3A_928] {strides = array<i32>} : memref<40960xf32, #tpu.memory_space<vmem>>, vector<16xf32>,
        tpu.vector_store %arg9[%parallel_loop3A_928], %parallel_loop3A_923 {strides = array<i32>} : memref<40960xf32, #tpu.memory_space<vmem>>, vector<16xf32>,
        %parallel_loop3A_930 = arith.mulf %parallel_loop3A_908, %parallel_loop3A_829 : vector<16xf32>
        %parallel_loop3A_931 = arith.constant 768 : i32
        %parallel_loop3A_932 = arith.addi %parallel_loop3A_394, %parallel_loop3A_931 : i32
        %parallel_loop3A_933 = arith.constant 48 : i32
        %parallel_loop3A_934 = arith.addi %parallel_loop3A_932, %parallel_loop3A_933 : i32
        %parallel_loop3A_935 = arith.index_cast %parallel_loop3A_934 : i32 to index
        %parallel_loop3A_936 = tpu.vector_load %arg9[%parallel_loop3A_935] {strides = array<i32>} : memref<40960xf32, #tpu.memory_space<vmem>>, vector<16xf32>,
        tpu.vector_store %arg9[%parallel_loop3A_935], %parallel_loop3A_930 {strides = array<i32>} : memref<40960xf32, #tpu.memory_space<vmem>>, vector<16xf32>,
        %parallel_loop3A_937 = arith.mulf %parallel_loop3A_907, %parallel_loop3A_859 : vector<16xf32>
        %parallel_loop3A_938 = arith.constant 512 : i32
        %parallel_loop3A_939 = arith.addi %parallel_loop3A_394, %parallel_loop3A_938 : i32
        %parallel_loop3A_940 = arith.constant 48 : i32
        %parallel_loop3A_941 = arith.addi %parallel_loop3A_939, %parallel_loop3A_940 : i32
        %parallel_loop3A_942 = arith.index_cast %parallel_loop3A_941 : i32 to index
        %parallel_loop3A_943 = tpu.vector_load %arg9[%parallel_loop3A_942] {strides = array<i32>} : memref<40960xf32, #tpu.memory_space<vmem>>, vector<16xf32>,
        tpu.vector_store %arg9[%parallel_loop3A_942], %parallel_loop3A_937 {strides = array<i32>} : memref<40960xf32, #tpu.memory_space<vmem>>, vector<16xf32>,
        %parallel_loop3A_944 = arith.mulf %parallel_loop3A_908, %parallel_loop3A_835 : vector<16xf32>
        %parallel_loop3A_945 = arith.constant 896 : i32
        %parallel_loop3A_946 = arith.addi %parallel_loop3A_394, %parallel_loop3A_945 : i32
        %parallel_loop3A_947 = arith.constant 48 : i32
        %parallel_loop3A_948 = arith.addi %parallel_loop3A_946, %parallel_loop3A_947 : i32
        %parallel_loop3A_949 = arith.index_cast %parallel_loop3A_948 : i32 to index
        %parallel_loop3A_950 = tpu.vector_load %arg9[%parallel_loop3A_949] {strides = array<i32>} : memref<40960xf32, #tpu.memory_space<vmem>>, vector<16xf32>,
        tpu.vector_store %arg9[%parallel_loop3A_949], %parallel_loop3A_944 {strides = array<i32>} : memref<40960xf32, #tpu.memory_space<vmem>>, vector<16xf32>,
        %parallel_loop3A_951 = arith.constant 0 : i32
        %parallel_loop3A_952 = arith.addi %parallel_loop3A_384, %parallel_loop3A_951 : i32
        %parallel_loop3A_953 = arith.constant 64 : i32
        %parallel_loop3A_954 = arith.addi %parallel_loop3A_952, %parallel_loop3A_953 : i32
        %parallel_loop3A_955 = arith.index_cast %parallel_loop3A_954 : i32 to index
        %parallel_loop3A_956 = tpu.vector_load %arg6[%parallel_loop3A_955] {strides = array<i32>} : memref<20480xf32, #tpu.memory_space<vmem>>, vector<16xf32>,
        %parallel_loop3A_957 = arith.constant 2560 : i32
        %parallel_loop3A_958 = arith.addi %parallel_loop3A_384, %parallel_loop3A_957 : i32
        %parallel_loop3A_959 = arith.constant 64 : i32
        %parallel_loop3A_960 = arith.addi %parallel_loop3A_958, %parallel_loop3A_959 : i32
        %parallel_loop3A_961 = arith.index_cast %parallel_loop3A_960 : i32 to index
        %parallel_loop3A_962 = tpu.vector_load %arg6[%parallel_loop3A_961] {strides = array<i32>} : memref<20480xf32, #tpu.memory_space<vmem>>, vector<16xf32>,
        %parallel_loop3A_963 = arith.constant 5120 : i32
        %parallel_loop3A_964 = arith.addi %parallel_loop3A_384, %parallel_loop3A_963 : i32
        %parallel_loop3A_965 = arith.constant 64 : i32
        %parallel_loop3A_966 = arith.addi %parallel_loop3A_964, %parallel_loop3A_965 : i32
        %parallel_loop3A_967 = arith.index_cast %parallel_loop3A_966 : i32 to index
        %parallel_loop3A_968 = tpu.vector_load %arg6[%parallel_loop3A_967] {strides = array<i32>} : memref<20480xf32, #tpu.memory_space<vmem>>, vector<16xf32>,
        %parallel_loop3A_969 = arith.constant 7680 : i32
        %parallel_loop3A_970 = arith.addi %parallel_loop3A_384, %parallel_loop3A_969 : i32
        %parallel_loop3A_971 = arith.constant 64 : i32
        %parallel_loop3A_972 = arith.addi %parallel_loop3A_970, %parallel_loop3A_971 : i32
        %parallel_loop3A_973 = arith.index_cast %parallel_loop3A_972 : i32 to index
        %parallel_loop3A_974 = tpu.vector_load %arg6[%parallel_loop3A_973] {strides = array<i32>} : memref<20480xf32, #tpu.memory_space<vmem>>, vector<16xf32>,
        %parallel_loop3A_975 = arith.constant 0 : i32
        %parallel_loop3A_976 = arith.addi %parallel_loop3A_384, %parallel_loop3A_975 : i32
        %parallel_loop3A_977 = arith.constant 64 : i32
        %parallel_loop3A_978 = arith.addi %parallel_loop3A_976, %parallel_loop3A_977 : i32
        %parallel_loop3A_979 = arith.index_cast %parallel_loop3A_978 : i32 to index
        %parallel_loop3A_980 = tpu.vector_load %arg7[%parallel_loop3A_979] {strides = array<i32>} : memref<20480xf32, #tpu.memory_space<vmem>>, vector<16xf32>,
        %parallel_loop3A_981 = arith.constant 2560 : i32
        %parallel_loop3A_982 = arith.addi %parallel_loop3A_384, %parallel_loop3A_981 : i32
        %parallel_loop3A_983 = arith.constant 64 : i32
        %parallel_loop3A_984 = arith.addi %parallel_loop3A_982, %parallel_loop3A_983 : i32
        %parallel_loop3A_985 = arith.index_cast %parallel_loop3A_984 : i32 to index
        %parallel_loop3A_986 = tpu.vector_load %arg7[%parallel_loop3A_985] {strides = array<i32>} : memref<20480xf32, #tpu.memory_space<vmem>>, vector<16xf32>,
        %parallel_loop3A_987 = arith.constant 5120 : i32
        %parallel_loop3A_988 = arith.addi %parallel_loop3A_384, %parallel_loop3A_987 : i32
        %parallel_loop3A_989 = arith.constant 64 : i32
        %parallel_loop3A_990 = arith.addi %parallel_loop3A_988, %parallel_loop3A_989 : i32
        %parallel_loop3A_991 = arith.index_cast %parallel_loop3A_990 : i32 to index
        %parallel_loop3A_992 = tpu.vector_load %arg7[%parallel_loop3A_991] {strides = array<i32>} : memref<20480xf32, #tpu.memory_space<vmem>>, vector<16xf32>,
        %parallel_loop3A_993 = arith.constant 7680 : i32
        %parallel_loop3A_994 = arith.addi %parallel_loop3A_384, %parallel_loop3A_993 : i32
        %parallel_loop3A_995 = arith.constant 64 : i32
        %parallel_loop3A_996 = arith.addi %parallel_loop3A_994, %parallel_loop3A_995 : i32
        %parallel_loop3A_997 = arith.index_cast %parallel_loop3A_996 : i32 to index
        %parallel_loop3A_998 = tpu.vector_load %arg7[%parallel_loop3A_997] {strides = array<i32>} : memref<20480xf32, #tpu.memory_space<vmem>>, vector<16xf32>,
        %parallel_loop3A_999 = arith.constant 0 : i32
        %parallel_loop3A_1000 = arith.addi %parallel_loop3A_388, %parallel_loop3A_999 : i32
        %parallel_loop3A_1001 = arith.constant 64 : i32
        %parallel_loop3A_1002 = arith.addi %parallel_loop3A_1000, %parallel_loop3A_1001 : i32
        %parallel_loop3A_1003 = arith.index_cast %parallel_loop3A_1002 : i32 to index
        %parallel_loop3A_1004 = tpu.vector_load %arg8[%parallel_loop3A_1003] {strides = array<i32>} : memref<20480xf32, #tpu.memory_space<vmem>>, vector<16xf32>,
        %parallel_loop3A_1005 = arith.constant 128 : i32
        %parallel_loop3A_1006 = arith.addi %parallel_loop3A_388, %parallel_loop3A_1005 : i32
        %parallel_loop3A_1007 = arith.constant 64 : i32
        %parallel_loop3A_1008 = arith.addi %parallel_loop3A_1006, %parallel_loop3A_1007 : i32
        %parallel_loop3A_1009 = arith.index_cast %parallel_loop3A_1008 : i32 to index
        %parallel_loop3A_1010 = tpu.vector_load %arg8[%parallel_loop3A_1009] {strides = array<i32>} : memref<20480xf32, #tpu.memory_space<vmem>>, vector<16xf32>,
        %parallel_loop3A_1011 = arith.constant 256 : i32
        %parallel_loop3A_1012 = arith.addi %parallel_loop3A_388, %parallel_loop3A_1011 : i32
        %parallel_loop3A_1013 = arith.constant 64 : i32
        %parallel_loop3A_1014 = arith.addi %parallel_loop3A_1012, %parallel_loop3A_1013 : i32
        %parallel_loop3A_1015 = arith.index_cast %parallel_loop3A_1014 : i32 to index
        %parallel_loop3A_1016 = tpu.vector_load %arg8[%parallel_loop3A_1015] {strides = array<i32>} : memref<20480xf32, #tpu.memory_space<vmem>>, vector<16xf32>,
        %parallel_loop3A_1017 = arith.constant 384 : i32
        %parallel_loop3A_1018 = arith.addi %parallel_loop3A_388, %parallel_loop3A_1017 : i32
        %parallel_loop3A_1019 = arith.constant 64 : i32
        %parallel_loop3A_1020 = arith.addi %parallel_loop3A_1018, %parallel_loop3A_1019 : i32
        %parallel_loop3A_1021 = arith.index_cast %parallel_loop3A_1020 : i32 to index
        %parallel_loop3A_1022 = tpu.vector_load %arg8[%parallel_loop3A_1021] {strides = array<i32>} : memref<20480xf32, #tpu.memory_space<vmem>>, vector<16xf32>,
        %parallel_loop3A_1023 = arith.mulf %parallel_loop3A_1004, %parallel_loop3A_956 : vector<16xf32>
        %parallel_loop3A_1024 = arith.mulf %parallel_loop3A_1023, %parallel_loop3A_980 : vector<16xf32>
        %parallel_loop3A_1025 = arith.constant 0 : i32
        %parallel_loop3A_1026 = arith.addi %parallel_loop3A_394, %parallel_loop3A_1025 : i32
        %parallel_loop3A_1027 = arith.constant 64 : i32
        %parallel_loop3A_1028 = arith.addi %parallel_loop3A_1026, %parallel_loop3A_1027 : i32
        %parallel_loop3A_1029 = arith.index_cast %parallel_loop3A_1028 : i32 to index
        %parallel_loop3A_1030 = tpu.vector_load %arg9[%parallel_loop3A_1029] {strides = array<i32>} : memref<40960xf32, #tpu.memory_space<vmem>>, vector<16xf32>,
        tpu.vector_store %arg9[%parallel_loop3A_1029], %parallel_loop3A_1024 {strides = array<i32>} : memref<40960xf32, #tpu.memory_space<vmem>>, vector<16xf32>,
        %parallel_loop3A_1031 = arith.constant 0.577350259 : f32
        %parallel_loop3A_1032 = vector.broadcast %parallel_loop3A_1031 : f32 to vector<16xf32>
        %parallel_loop3A_1033 = arith.mulf %parallel_loop3A_1010, %parallel_loop3A_1032 : vector<16xf32>
        %parallel_loop3A_1034 = arith.mulf %parallel_loop3A_962, %parallel_loop3A_986 : vector<16xf32>
        %parallel_loop3A_1035 = arith.mulf %parallel_loop3A_968, %parallel_loop3A_992 : vector<16xf32>
        %parallel_loop3A_1036 = arith.addf %parallel_loop3A_1034, %parallel_loop3A_1035 : vector<16xf32>
        %parallel_loop3A_1037 = arith.mulf %parallel_loop3A_974, %parallel_loop3A_998 : vector<16xf32>
        %parallel_loop3A_1038 = arith.addf %parallel_loop3A_1036, %parallel_loop3A_1037 : vector<16xf32>
        %parallel_loop3A_1039 = arith.mulf %parallel_loop3A_1033, %parallel_loop3A_1038 : vector<16xf32>
        %parallel_loop3A_1040 = arith.constant 128 : i32
        %parallel_loop3A_1041 = arith.addi %parallel_loop3A_394, %parallel_loop3A_1040 : i32
        %parallel_loop3A_1042 = arith.constant 64 : i32
        %parallel_loop3A_1043 = arith.addi %parallel_loop3A_1041, %parallel_loop3A_1042 : i32
        %parallel_loop3A_1044 = arith.index_cast %parallel_loop3A_1043 : i32 to index
        %parallel_loop3A_1045 = tpu.vector_load %arg9[%parallel_loop3A_1044] {strides = array<i32>} : memref<40960xf32, #tpu.memory_space<vmem>>, vector<16xf32>,
        tpu.vector_store %arg9[%parallel_loop3A_1044], %parallel_loop3A_1039 {strides = array<i32>} : memref<40960xf32, #tpu.memory_space<vmem>>, vector<16xf32>,
        %parallel_loop3A_1046 = arith.mulf %parallel_loop3A_1016, %parallel_loop3A_956 : vector<16xf32>
        %parallel_loop3A_1047 = arith.mulf %parallel_loop3A_1022, %parallel_loop3A_980 : vector<16xf32>
        %parallel_loop3A_1048 = arith.mulf %parallel_loop3A_1046, %parallel_loop3A_986 : vector<16xf32>
        %parallel_loop3A_1049 = arith.constant 256 : i32
        %parallel_loop3A_1050 = arith.addi %parallel_loop3A_394, %parallel_loop3A_1049 : i32
        %parallel_loop3A_1051 = arith.constant 64 : i32
        %parallel_loop3A_1052 = arith.addi %parallel_loop3A_1050, %parallel_loop3A_1051 : i32
        %parallel_loop3A_1053 = arith.index_cast %parallel_loop3A_1052 : i32 to index
        %parallel_loop3A_1054 = tpu.vector_load %arg9[%parallel_loop3A_1053] {strides = array<i32>} : memref<40960xf32, #tpu.memory_space<vmem>>, vector<16xf32>,
        tpu.vector_store %arg9[%parallel_loop3A_1053], %parallel_loop3A_1048 {strides = array<i32>} : memref<40960xf32, #tpu.memory_space<vmem>>, vector<16xf32>,
        %parallel_loop3A_1055 = arith.mulf %parallel_loop3A_1047, %parallel_loop3A_962 : vector<16xf32>
        %parallel_loop3A_1056 = arith.constant 640 : i32
        %parallel_loop3A_1057 = arith.addi %parallel_loop3A_394, %parallel_loop3A_1056 : i32
        %parallel_loop3A_1058 = arith.constant 64 : i32
        %parallel_loop3A_1059 = arith.addi %parallel_loop3A_1057, %parallel_loop3A_1058 : i32
        %parallel_loop3A_1060 = arith.index_cast %parallel_loop3A_1059 : i32 to index
        %parallel_loop3A_1061 = tpu.vector_load %arg9[%parallel_loop3A_1060] {strides = array<i32>} : memref<40960xf32, #tpu.memory_space<vmem>>, vector<16xf32>,
        tpu.vector_store %arg9[%parallel_loop3A_1060], %parallel_loop3A_1055 {strides = array<i32>} : memref<40960xf32, #tpu.memory_space<vmem>>, vector<16xf32>,
        %parallel_loop3A_1062 = arith.mulf %parallel_loop3A_1046, %parallel_loop3A_992 : vector<16xf32>
        %parallel_loop3A_1063 = arith.constant 384 : i32
        %parallel_loop3A_1064 = arith.addi %parallel_loop3A_394, %parallel_loop3A_1063 : i32
        %parallel_loop3A_1065 = arith.constant 64 : i32
        %parallel_loop3A_1066 = arith.addi %parallel_loop3A_1064, %parallel_loop3A_1065 : i32
        %parallel_loop3A_1067 = arith.index_cast %parallel_loop3A_1066 : i32 to index
        %parallel_loop3A_1068 = tpu.vector_load %arg9[%parallel_loop3A_1067] {strides = array<i32>} : memref<40960xf32, #tpu.memory_space<vmem>>, vector<16xf32>,
        tpu.vector_store %arg9[%parallel_loop3A_1067], %parallel_loop3A_1062 {strides = array<i32>} : memref<40960xf32, #tpu.memory_space<vmem>>, vector<16xf32>,
        %parallel_loop3A_1069 = arith.mulf %parallel_loop3A_1047, %parallel_loop3A_968 : vector<16xf32>
        %parallel_loop3A_1070 = arith.constant 768 : i32
        %parallel_loop3A_1071 = arith.addi %parallel_loop3A_394, %parallel_loop3A_1070 : i32
        %parallel_loop3A_1072 = arith.constant 64 : i32
        %parallel_loop3A_1073 = arith.addi %parallel_loop3A_1071, %parallel_loop3A_1072 : i32
        %parallel_loop3A_1074 = arith.index_cast %parallel_loop3A_1073 : i32 to index
        %parallel_loop3A_1075 = tpu.vector_load %arg9[%parallel_loop3A_1074] {strides = array<i32>} : memref<40960xf32, #tpu.memory_space<vmem>>, vector<16xf32>,
        tpu.vector_store %arg9[%parallel_loop3A_1074], %parallel_loop3A_1069 {strides = array<i32>} : memref<40960xf32, #tpu.memory_space<vmem>>, vector<16xf32>,
        %parallel_loop3A_1076 = arith.mulf %parallel_loop3A_1046, %parallel_loop3A_998 : vector<16xf32>
        %parallel_loop3A_1077 = arith.constant 512 : i32
        %parallel_loop3A_1078 = arith.addi %parallel_loop3A_394, %parallel_loop3A_1077 : i32
        %parallel_loop3A_1079 = arith.constant 64 : i32
        %parallel_loop3A_1080 = arith.addi %parallel_loop3A_1078, %parallel_loop3A_1079 : i32
        %parallel_loop3A_1081 = arith.index_cast %parallel_loop3A_1080 : i32 to index
        %parallel_loop3A_1082 = tpu.vector_load %arg9[%parallel_loop3A_1081] {strides = array<i32>} : memref<40960xf32, #tpu.memory_space<vmem>>, vector<16xf32>,
        tpu.vector_store %arg9[%parallel_loop3A_1081], %parallel_loop3A_1076 {strides = array<i32>} : memref<40960xf32, #tpu.memory_space<vmem>>, vector<16xf32>,
        %parallel_loop3A_1083 = arith.mulf %parallel_loop3A_1047, %parallel_loop3A_974 : vector<16xf32>
        %parallel_loop3A_1084 = arith.constant 896 : i32
        %parallel_loop3A_1085 = arith.addi %parallel_loop3A_394, %parallel_loop3A_1084 : i32
        %parallel_loop3A_1086 = arith.constant 64 : i32
        %parallel_loop3A_1087 = arith.addi %parallel_loop3A_1085, %parallel_loop3A_1086 : i32
        %parallel_loop3A_1088 = arith.index_cast %parallel_loop3A_1087 : i32 to index
        %parallel_loop3A_1089 = tpu.vector_load %arg9[%parallel_loop3A_1088] {strides = array<i32>} : memref<40960xf32, #tpu.memory_space<vmem>>, vector<16xf32>,
        tpu.vector_store %arg9[%parallel_loop3A_1088], %parallel_loop3A_1083 {strides = array<i32>} : memref<40960xf32, #tpu.memory_space<vmem>>, vector<16xf32>,
        %parallel_loop3A_1090 = arith.constant 0 : i32
        %parallel_loop3A_1091 = arith.addi %parallel_loop3A_384, %parallel_loop3A_1090 : i32
        %parallel_loop3A_1092 = arith.constant 80 : i32
        %parallel_loop3A_1093 = arith.addi %parallel_loop3A_1091, %parallel_loop3A_1092 : i32
        %parallel_loop3A_1094 = arith.index_cast %parallel_loop3A_1093 : i32 to index
        %parallel_loop3A_1095 = tpu.vector_load %arg6[%parallel_loop3A_1094] {strides = array<i32>} : memref<20480xf32, #tpu.memory_space<vmem>>, vector<16xf32>,
        %parallel_loop3A_1096 = arith.constant 2560 : i32
        %parallel_loop3A_1097 = arith.addi %parallel_loop3A_384, %parallel_loop3A_1096 : i32
        %parallel_loop3A_1098 = arith.constant 80 : i32
        %parallel_loop3A_1099 = arith.addi %parallel_loop3A_1097, %parallel_loop3A_1098 : i32
        %parallel_loop3A_1100 = arith.index_cast %parallel_loop3A_1099 : i32 to index
        %parallel_loop3A_1101 = tpu.vector_load %arg6[%parallel_loop3A_1100] {strides = array<i32>} : memref<20480xf32, #tpu.memory_space<vmem>>, vector<16xf32>,
        %parallel_loop3A_1102 = arith.constant 5120 : i32
        %parallel_loop3A_1103 = arith.addi %parallel_loop3A_384, %parallel_loop3A_1102 : i32
        %parallel_loop3A_1104 = arith.constant 80 : i32
        %parallel_loop3A_1105 = arith.addi %parallel_loop3A_1103, %parallel_loop3A_1104 : i32
        %parallel_loop3A_1106 = arith.index_cast %parallel_loop3A_1105 : i32 to index
        %parallel_loop3A_1107 = tpu.vector_load %arg6[%parallel_loop3A_1106] {strides = array<i32>} : memref<20480xf32, #tpu.memory_space<vmem>>, vector<16xf32>,
        %parallel_loop3A_1108 = arith.constant 7680 : i32
        %parallel_loop3A_1109 = arith.addi %parallel_loop3A_384, %parallel_loop3A_1108 : i32
        %parallel_loop3A_1110 = arith.constant 80 : i32
        %parallel_loop3A_1111 = arith.addi %parallel_loop3A_1109, %parallel_loop3A_1110 : i32
        %parallel_loop3A_1112 = arith.index_cast %parallel_loop3A_1111 : i32 to index
        %parallel_loop3A_1113 = tpu.vector_load %arg6[%parallel_loop3A_1112] {strides = array<i32>} : memref<20480xf32, #tpu.memory_space<vmem>>, vector<16xf32>,
        %parallel_loop3A_1114 = arith.constant 0 : i32
        %parallel_loop3A_1115 = arith.addi %parallel_loop3A_384, %parallel_loop3A_1114 : i32
        %parallel_loop3A_1116 = arith.constant 80 : i32
        %parallel_loop3A_1117 = arith.addi %parallel_loop3A_1115, %parallel_loop3A_1116 : i32
        %parallel_loop3A_1118 = arith.index_cast %parallel_loop3A_1117 : i32 to index
        %parallel_loop3A_1119 = tpu.vector_load %arg7[%parallel_loop3A_1118] {strides = array<i32>} : memref<20480xf32, #tpu.memory_space<vmem>>, vector<16xf32>,
        %parallel_loop3A_1120 = arith.constant 2560 : i32
        %parallel_loop3A_1121 = arith.addi %parallel_loop3A_384, %parallel_loop3A_1120 : i32
        %parallel_loop3A_1122 = arith.constant 80 : i32
        %parallel_loop3A_1123 = arith.addi %parallel_loop3A_1121, %parallel_loop3A_1122 : i32
        %parallel_loop3A_1124 = arith.index_cast %parallel_loop3A_1123 : i32 to index
        %parallel_loop3A_1125 = tpu.vector_load %arg7[%parallel_loop3A_1124] {strides = array<i32>} : memref<20480xf32, #tpu.memory_space<vmem>>, vector<16xf32>,
        %parallel_loop3A_1126 = arith.constant 5120 : i32
        %parallel_loop3A_1127 = arith.addi %parallel_loop3A_384, %parallel_loop3A_1126 : i32
        %parallel_loop3A_1128 = arith.constant 80 : i32
        %parallel_loop3A_1129 = arith.addi %parallel_loop3A_1127, %parallel_loop3A_1128 : i32
        %parallel_loop3A_1130 = arith.index_cast %parallel_loop3A_1129 : i32 to index
        %parallel_loop3A_1131 = tpu.vector_load %arg7[%parallel_loop3A_1130] {strides = array<i32>} : memref<20480xf32, #tpu.memory_space<vmem>>, vector<16xf32>,
        %parallel_loop3A_1132 = arith.constant 7680 : i32
        %parallel_loop3A_1133 = arith.addi %parallel_loop3A_384, %parallel_loop3A_1132 : i32
        %parallel_loop3A_1134 = arith.constant 80 : i32
        %parallel_loop3A_1135 = arith.addi %parallel_loop3A_1133, %parallel_loop3A_1134 : i32
        %parallel_loop3A_1136 = arith.index_cast %parallel_loop3A_1135 : i32 to index
        %parallel_loop3A_1137 = tpu.vector_load %arg7[%parallel_loop3A_1136] {strides = array<i32>} : memref<20480xf32, #tpu.memory_space<vmem>>, vector<16xf32>,
        %parallel_loop3A_1138 = arith.constant 0 : i32
        %parallel_loop3A_1139 = arith.addi %parallel_loop3A_388, %parallel_loop3A_1138 : i32
        %parallel_loop3A_1140 = arith.constant 80 : i32
        %parallel_loop3A_1141 = arith.addi %parallel_loop3A_1139, %parallel_loop3A_1140 : i32
        %parallel_loop3A_1142 = arith.index_cast %parallel_loop3A_1141 : i32 to index
        %parallel_loop3A_1143 = tpu.vector_load %arg8[%parallel_loop3A_1142] {strides = array<i32>} : memref<20480xf32, #tpu.memory_space<vmem>>, vector<16xf32>,
        %parallel_loop3A_1144 = arith.constant 128 : i32
        %parallel_loop3A_1145 = arith.addi %parallel_loop3A_388, %parallel_loop3A_1144 : i32
        %parallel_loop3A_1146 = arith.constant 80 : i32
        %parallel_loop3A_1147 = arith.addi %parallel_loop3A_1145, %parallel_loop3A_1146 : i32
        %parallel_loop3A_1148 = arith.index_cast %parallel_loop3A_1147 : i32 to index
        %parallel_loop3A_1149 = tpu.vector_load %arg8[%parallel_loop3A_1148] {strides = array<i32>} : memref<20480xf32, #tpu.memory_space<vmem>>, vector<16xf32>,
        %parallel_loop3A_1150 = arith.constant 256 : i32
        %parallel_loop3A_1151 = arith.addi %parallel_loop3A_388, %parallel_loop3A_1150 : i32
        %parallel_loop3A_1152 = arith.constant 80 : i32
        %parallel_loop3A_1153 = arith.addi %parallel_loop3A_1151, %parallel_loop3A_1152 : i32
        %parallel_loop3A_1154 = arith.index_cast %parallel_loop3A_1153 : i32 to index
        %parallel_loop3A_1155 = tpu.vector_load %arg8[%parallel_loop3A_1154] {strides = array<i32>} : memref<20480xf32, #tpu.memory_space<vmem>>, vector<16xf32>,
        %parallel_loop3A_1156 = arith.constant 384 : i32
        %parallel_loop3A_1157 = arith.addi %parallel_loop3A_388, %parallel_loop3A_1156 : i32
        %parallel_loop3A_1158 = arith.constant 80 : i32
        %parallel_loop3A_1159 = arith.addi %parallel_loop3A_1157, %parallel_loop3A_1158 : i32
        %parallel_loop3A_1160 = arith.index_cast %parallel_loop3A_1159 : i32 to index
        %parallel_loop3A_1161 = tpu.vector_load %arg8[%parallel_loop3A_1160] {strides = array<i32>} : memref<20480xf32, #tpu.memory_space<vmem>>, vector<16xf32>,
        %parallel_loop3A_1162 = arith.mulf %parallel_loop3A_1143, %parallel_loop3A_1095 : vector<16xf32>
        %parallel_loop3A_1163 = arith.mulf %parallel_loop3A_1162, %parallel_loop3A_1119 : vector<16xf32>
        %parallel_loop3A_1164 = arith.constant 0 : i32
        %parallel_loop3A_1165 = arith.addi %parallel_loop3A_394, %parallel_loop3A_1164 : i32
        %parallel_loop3A_1166 = arith.constant 80 : i32
        %parallel_loop3A_1167 = arith.addi %parallel_loop3A_1165, %parallel_loop3A_1166 : i32
        %parallel_loop3A_1168 = arith.index_cast %parallel_loop3A_1167 : i32 to index
        %parallel_loop3A_1169 = tpu.vector_load %arg9[%parallel_loop3A_1168] {strides = array<i32>} : memref<40960xf32, #tpu.memory_space<vmem>>, vector<16xf32>,
        tpu.vector_store %arg9[%parallel_loop3A_1168], %parallel_loop3A_1163 {strides = array<i32>} : memref<40960xf32, #tpu.memory_space<vmem>>, vector<16xf32>,
        %parallel_loop3A_1170 = arith.constant 0.577350259 : f32
        %parallel_loop3A_1171 = vector.broadcast %parallel_loop3A_1170 : f32 to vector<16xf32>
        %parallel_loop3A_1172 = arith.mulf %parallel_loop3A_1149, %parallel_loop3A_1171 : vector<16xf32>
        %parallel_loop3A_1173 = arith.mulf %parallel_loop3A_1101, %parallel_loop3A_1125 : vector<16xf32>
        %parallel_loop3A_1174 = arith.mulf %parallel_loop3A_1107, %parallel_loop3A_1131 : vector<16xf32>
        %parallel_loop3A_1175 = arith.addf %parallel_loop3A_1173, %parallel_loop3A_1174 : vector<16xf32>
        %parallel_loop3A_1176 = arith.mulf %parallel_loop3A_1113, %parallel_loop3A_1137 : vector<16xf32>
        %parallel_loop3A_1177 = arith.addf %parallel_loop3A_1175, %parallel_loop3A_1176 : vector<16xf32>
        %parallel_loop3A_1178 = arith.mulf %parallel_loop3A_1172, %parallel_loop3A_1177 : vector<16xf32>
        %parallel_loop3A_1179 = arith.constant 128 : i32
        %parallel_loop3A_1180 = arith.addi %parallel_loop3A_394, %parallel_loop3A_1179 : i32
        %parallel_loop3A_1181 = arith.constant 80 : i32
        %parallel_loop3A_1182 = arith.addi %parallel_loop3A_1180, %parallel_loop3A_1181 : i32
        %parallel_loop3A_1183 = arith.index_cast %parallel_loop3A_1182 : i32 to index
        %parallel_loop3A_1184 = tpu.vector_load %arg9[%parallel_loop3A_1183] {strides = array<i32>} : memref<40960xf32, #tpu.memory_space<vmem>>, vector<16xf32>,
        tpu.vector_store %arg9[%parallel_loop3A_1183], %parallel_loop3A_1178 {strides = array<i32>} : memref<40960xf32, #tpu.memory_space<vmem>>, vector<16xf32>,
        %parallel_loop3A_1185 = arith.mulf %parallel_loop3A_1155, %parallel_loop3A_1095 : vector<16xf32>
        %parallel_loop3A_1186 = arith.mulf %parallel_loop3A_1161, %parallel_loop3A_1119 : vector<16xf32>
        %parallel_loop3A_1187 = arith.mulf %parallel_loop3A_1185, %parallel_loop3A_1125 : vector<16xf32>
        %parallel_loop3A_1188 = arith.constant 256 : i32
        %parallel_loop3A_1189 = arith.addi %parallel_loop3A_394, %parallel_loop3A_1188 : i32
        %parallel_loop3A_1190 = arith.constant 80 : i32
        %parallel_loop3A_1191 = arith.addi %parallel_loop3A_1189, %parallel_loop3A_1190 : i32
        %parallel_loop3A_1192 = arith.index_cast %parallel_loop3A_1191 : i32 to index
        %parallel_loop3A_1193 = tpu.vector_load %arg9[%parallel_loop3A_1192] {strides = array<i32>} : memref<40960xf32, #tpu.memory_space<vmem>>, vector<16xf32>,
        tpu.vector_store %arg9[%parallel_loop3A_1192], %parallel_loop3A_1187 {strides = array<i32>} : memref<40960xf32, #tpu.memory_space<vmem>>, vector<16xf32>,
        %parallel_loop3A_1194 = arith.mulf %parallel_loop3A_1186, %parallel_loop3A_1101 : vector<16xf32>
        %parallel_loop3A_1195 = arith.constant 640 : i32
        %parallel_loop3A_1196 = arith.addi %parallel_loop3A_394, %parallel_loop3A_1195 : i32
        %parallel_loop3A_1197 = arith.constant 80 : i32
        %parallel_loop3A_1198 = arith.addi %parallel_loop3A_1196, %parallel_loop3A_1197 : i32
        %parallel_loop3A_1199 = arith.index_cast %parallel_loop3A_1198 : i32 to index
        %parallel_loop3A_1200 = tpu.vector_load %arg9[%parallel_loop3A_1199] {strides = array<i32>} : memref<40960xf32, #tpu.memory_space<vmem>>, vector<16xf32>,
        tpu.vector_store %arg9[%parallel_loop3A_1199], %parallel_loop3A_1194 {strides = array<i32>} : memref<40960xf32, #tpu.memory_space<vmem>>, vector<16xf32>,
        %parallel_loop3A_1201 = arith.mulf %parallel_loop3A_1185, %parallel_loop3A_1131 : vector<16xf32>
        %parallel_loop3A_1202 = arith.constant 384 : i32
        %parallel_loop3A_1203 = arith.addi %parallel_loop3A_394, %parallel_loop3A_1202 : i32
        %parallel_loop3A_1204 = arith.constant 80 : i32
        %parallel_loop3A_1205 = arith.addi %parallel_loop3A_1203, %parallel_loop3A_1204 : i32
        %parallel_loop3A_1206 = arith.index_cast %parallel_loop3A_1205 : i32 to index
        %parallel_loop3A_1207 = tpu.vector_load %arg9[%parallel_loop3A_1206] {strides = array<i32>} : memref<40960xf32, #tpu.memory_space<vmem>>, vector<16xf32>,
        tpu.vector_store %arg9[%parallel_loop3A_1206], %parallel_loop3A_1201 {strides = array<i32>} : memref<40960xf32, #tpu.memory_space<vmem>>, vector<16xf32>,
        %parallel_loop3A_1208 = arith.mulf %parallel_loop3A_1186, %parallel_loop3A_1107 : vector<16xf32>
        %parallel_loop3A_1209 = arith.constant 768 : i32
        %parallel_loop3A_1210 = arith.addi %parallel_loop3A_394, %parallel_loop3A_1209 : i32
        %parallel_loop3A_1211 = arith.constant 80 : i32
        %parallel_loop3A_1212 = arith.addi %parallel_loop3A_1210, %parallel_loop3A_1211 : i32
        %parallel_loop3A_1213 = arith.index_cast %parallel_loop3A_1212 : i32 to index
        %parallel_loop3A_1214 = tpu.vector_load %arg9[%parallel_loop3A_1213] {strides = array<i32>} : memref<40960xf32, #tpu.memory_space<vmem>>, vector<16xf32>,
        tpu.vector_store %arg9[%parallel_loop3A_1213], %parallel_loop3A_1208 {strides = array<i32>} : memref<40960xf32, #tpu.memory_space<vmem>>, vector<16xf32>,
        %parallel_loop3A_1215 = arith.mulf %parallel_loop3A_1185, %parallel_loop3A_1137 : vector<16xf32>
        %parallel_loop3A_1216 = arith.constant 512 : i32
        %parallel_loop3A_1217 = arith.addi %parallel_loop3A_394, %parallel_loop3A_1216 : i32
        %parallel_loop3A_1218 = arith.constant 80 : i32
        %parallel_loop3A_1219 = arith.addi %parallel_loop3A_1217, %parallel_loop3A_1218 : i32
        %parallel_loop3A_1220 = arith.index_cast %parallel_loop3A_1219 : i32 to index
        %parallel_loop3A_1221 = tpu.vector_load %arg9[%parallel_loop3A_1220] {strides = array<i32>} : memref<40960xf32, #tpu.memory_space<vmem>>, vector<16xf32>,
        tpu.vector_store %arg9[%parallel_loop3A_1220], %parallel_loop3A_1215 {strides = array<i32>} : memref<40960xf32, #tpu.memory_space<vmem>>, vector<16xf32>,
        %parallel_loop3A_1222 = arith.mulf %parallel_loop3A_1186, %parallel_loop3A_1113 : vector<16xf32>
        %parallel_loop3A_1223 = arith.constant 896 : i32
        %parallel_loop3A_1224 = arith.addi %parallel_loop3A_394, %parallel_loop3A_1223 : i32
        %parallel_loop3A_1225 = arith.constant 80 : i32
        %parallel_loop3A_1226 = arith.addi %parallel_loop3A_1224, %parallel_loop3A_1225 : i32
        %parallel_loop3A_1227 = arith.index_cast %parallel_loop3A_1226 : i32 to index
        %parallel_loop3A_1228 = tpu.vector_load %arg9[%parallel_loop3A_1227] {strides = array<i32>} : memref<40960xf32, #tpu.memory_space<vmem>>, vector<16xf32>,
        tpu.vector_store %arg9[%parallel_loop3A_1227], %parallel_loop3A_1222 {strides = array<i32>} : memref<40960xf32, #tpu.memory_space<vmem>>, vector<16xf32>,
        %parallel_loop3A_1229 = arith.constant 0 : i32
        %parallel_loop3A_1230 = arith.addi %parallel_loop3A_384, %parallel_loop3A_1229 : i32
        %parallel_loop3A_1231 = arith.constant 96 : i32
        %parallel_loop3A_1232 = arith.addi %parallel_loop3A_1230, %parallel_loop3A_1231 : i32
        %parallel_loop3A_1233 = arith.index_cast %parallel_loop3A_1232 : i32 to index
        %parallel_loop3A_1234 = tpu.vector_load %arg6[%parallel_loop3A_1233] {strides = array<i32>} : memref<20480xf32, #tpu.memory_space<vmem>>, vector<16xf32>,
        %parallel_loop3A_1235 = arith.constant 2560 : i32
        %parallel_loop3A_1236 = arith.addi %parallel_loop3A_384, %parallel_loop3A_1235 : i32
        %parallel_loop3A_1237 = arith.constant 96 : i32
        %parallel_loop3A_1238 = arith.addi %parallel_loop3A_1236, %parallel_loop3A_1237 : i32
        %parallel_loop3A_1239 = arith.index_cast %parallel_loop3A_1238 : i32 to index
        %parallel_loop3A_1240 = tpu.vector_load %arg6[%parallel_loop3A_1239] {strides = array<i32>} : memref<20480xf32, #tpu.memory_space<vmem>>, vector<16xf32>,
        %parallel_loop3A_1241 = arith.constant 5120 : i32
        %parallel_loop3A_1242 = arith.addi %parallel_loop3A_384, %parallel_loop3A_1241 : i32
        %parallel_loop3A_1243 = arith.constant 96 : i32
        %parallel_loop3A_1244 = arith.addi %parallel_loop3A_1242, %parallel_loop3A_1243 : i32
        %parallel_loop3A_1245 = arith.index_cast %parallel_loop3A_1244 : i32 to index
        %parallel_loop3A_1246 = tpu.vector_load %arg6[%parallel_loop3A_1245] {strides = array<i32>} : memref<20480xf32, #tpu.memory_space<vmem>>, vector<16xf32>,
        %parallel_loop3A_1247 = arith.constant 7680 : i32
        %parallel_loop3A_1248 = arith.addi %parallel_loop3A_384, %parallel_loop3A_1247 : i32
        %parallel_loop3A_1249 = arith.constant 96 : i32
        %parallel_loop3A_1250 = arith.addi %parallel_loop3A_1248, %parallel_loop3A_1249 : i32
        %parallel_loop3A_1251 = arith.index_cast %parallel_loop3A_1250 : i32 to index
        %parallel_loop3A_1252 = tpu.vector_load %arg6[%parallel_loop3A_1251] {strides = array<i32>} : memref<20480xf32, #tpu.memory_space<vmem>>, vector<16xf32>,
        %parallel_loop3A_1253 = arith.constant 0 : i32
        %parallel_loop3A_1254 = arith.addi %parallel_loop3A_384, %parallel_loop3A_1253 : i32
        %parallel_loop3A_1255 = arith.constant 96 : i32
        %parallel_loop3A_1256 = arith.addi %parallel_loop3A_1254, %parallel_loop3A_1255 : i32
        %parallel_loop3A_1257 = arith.index_cast %parallel_loop3A_1256 : i32 to index
        %parallel_loop3A_1258 = tpu.vector_load %arg7[%parallel_loop3A_1257] {strides = array<i32>} : memref<20480xf32, #tpu.memory_space<vmem>>, vector<16xf32>,
        %parallel_loop3A_1259 = arith.constant 2560 : i32
        %parallel_loop3A_1260 = arith.addi %parallel_loop3A_384, %parallel_loop3A_1259 : i32
        %parallel_loop3A_1261 = arith.constant 96 : i32
        %parallel_loop3A_1262 = arith.addi %parallel_loop3A_1260, %parallel_loop3A_1261 : i32
        %parallel_loop3A_1263 = arith.index_cast %parallel_loop3A_1262 : i32 to index
        %parallel_loop3A_1264 = tpu.vector_load %arg7[%parallel_loop3A_1263] {strides = array<i32>} : memref<20480xf32, #tpu.memory_space<vmem>>, vector<16xf32>,
        %parallel_loop3A_1265 = arith.constant 5120 : i32
        %parallel_loop3A_1266 = arith.addi %parallel_loop3A_384, %parallel_loop3A_1265 : i32
        %parallel_loop3A_1267 = arith.constant 96 : i32
        %parallel_loop3A_1268 = arith.addi %parallel_loop3A_1266, %parallel_loop3A_1267 : i32
        %parallel_loop3A_1269 = arith.index_cast %parallel_loop3A_1268 : i32 to index
        %parallel_loop3A_1270 = tpu.vector_load %arg7[%parallel_loop3A_1269] {strides = array<i32>} : memref<20480xf32, #tpu.memory_space<vmem>>, vector<16xf32>,
        %parallel_loop3A_1271 = arith.constant 7680 : i32
        %parallel_loop3A_1272 = arith.addi %parallel_loop3A_384, %parallel_loop3A_1271 : i32
        %parallel_loop3A_1273 = arith.constant 96 : i32
        %parallel_loop3A_1274 = arith.addi %parallel_loop3A_1272, %parallel_loop3A_1273 : i32
        %parallel_loop3A_1275 = arith.index_cast %parallel_loop3A_1274 : i32 to index
        %parallel_loop3A_1276 = tpu.vector_load %arg7[%parallel_loop3A_1275] {strides = array<i32>} : memref<20480xf32, #tpu.memory_space<vmem>>, vector<16xf32>,
        %parallel_loop3A_1277 = arith.constant 0 : i32
        %parallel_loop3A_1278 = arith.addi %parallel_loop3A_388, %parallel_loop3A_1277 : i32
        %parallel_loop3A_1279 = arith.constant 96 : i32
        %parallel_loop3A_1280 = arith.addi %parallel_loop3A_1278, %parallel_loop3A_1279 : i32
        %parallel_loop3A_1281 = arith.index_cast %parallel_loop3A_1280 : i32 to index
        %parallel_loop3A_1282 = tpu.vector_load %arg8[%parallel_loop3A_1281] {strides = array<i32>} : memref<20480xf32, #tpu.memory_space<vmem>>, vector<16xf32>,
        %parallel_loop3A_1283 = arith.constant 128 : i32
        %parallel_loop3A_1284 = arith.addi %parallel_loop3A_388, %parallel_loop3A_1283 : i32
        %parallel_loop3A_1285 = arith.constant 96 : i32
        %parallel_loop3A_1286 = arith.addi %parallel_loop3A_1284, %parallel_loop3A_1285 : i32
        %parallel_loop3A_1287 = arith.index_cast %parallel_loop3A_1286 : i32 to index
        %parallel_loop3A_1288 = tpu.vector_load %arg8[%parallel_loop3A_1287] {strides = array<i32>} : memref<20480xf32, #tpu.memory_space<vmem>>, vector<16xf32>,
        %parallel_loop3A_1289 = arith.constant 256 : i32
        %parallel_loop3A_1290 = arith.addi %parallel_loop3A_388, %parallel_loop3A_1289 : i32
        %parallel_loop3A_1291 = arith.constant 96 : i32
        %parallel_loop3A_1292 = arith.addi %parallel_loop3A_1290, %parallel_loop3A_1291 : i32
        %parallel_loop3A_1293 = arith.index_cast %parallel_loop3A_1292 : i32 to index
        %parallel_loop3A_1294 = tpu.vector_load %arg8[%parallel_loop3A_1293] {strides = array<i32>} : memref<20480xf32, #tpu.memory_space<vmem>>, vector<16xf32>,
        %parallel_loop3A_1295 = arith.constant 384 : i32
        %parallel_loop3A_1296 = arith.addi %parallel_loop3A_388, %parallel_loop3A_1295 : i32
        %parallel_loop3A_1297 = arith.constant 96 : i32
        %parallel_loop3A_1298 = arith.addi %parallel_loop3A_1296, %parallel_loop3A_1297 : i32
        %parallel_loop3A_1299 = arith.index_cast %parallel_loop3A_1298 : i32 to index
        %parallel_loop3A_1300 = tpu.vector_load %arg8[%parallel_loop3A_1299] {strides = array<i32>} : memref<20480xf32, #tpu.memory_space<vmem>>, vector<16xf32>,
        %parallel_loop3A_1301 = arith.mulf %parallel_loop3A_1282, %parallel_loop3A_1234 : vector<16xf32>
        %parallel_loop3A_1302 = arith.mulf %parallel_loop3A_1301, %parallel_loop3A_1258 : vector<16xf32>
        %parallel_loop3A_1303 = arith.constant 0 : i32
        %parallel_loop3A_1304 = arith.addi %parallel_loop3A_394, %parallel_loop3A_1303 : i32
        %parallel_loop3A_1305 = arith.constant 96 : i32
        %parallel_loop3A_1306 = arith.addi %parallel_loop3A_1304, %parallel_loop3A_1305 : i32
        %parallel_loop3A_1307 = arith.index_cast %parallel_loop3A_1306 : i32 to index
        %parallel_loop3A_1308 = tpu.vector_load %arg9[%parallel_loop3A_1307] {strides = array<i32>} : memref<40960xf32, #tpu.memory_space<vmem>>, vector<16xf32>,
        tpu.vector_store %arg9[%parallel_loop3A_1307], %parallel_loop3A_1302 {strides = array<i32>} : memref<40960xf32, #tpu.memory_space<vmem>>, vector<16xf32>,
        %parallel_loop3A_1309 = arith.constant 0.577350259 : f32
        %parallel_loop3A_1310 = vector.broadcast %parallel_loop3A_1309 : f32 to vector<16xf32>
        %parallel_loop3A_1311 = arith.mulf %parallel_loop3A_1288, %parallel_loop3A_1310 : vector<16xf32>
        %parallel_loop3A_1312 = arith.mulf %parallel_loop3A_1240, %parallel_loop3A_1264 : vector<16xf32>
        %parallel_loop3A_1313 = arith.mulf %parallel_loop3A_1246, %parallel_loop3A_1270 : vector<16xf32>
        %parallel_loop3A_1314 = arith.addf %parallel_loop3A_1312, %parallel_loop3A_1313 : vector<16xf32>
        %parallel_loop3A_1315 = arith.mulf %parallel_loop3A_1252, %parallel_loop3A_1276 : vector<16xf32>
        %parallel_loop3A_1316 = arith.addf %parallel_loop3A_1314, %parallel_loop3A_1315 : vector<16xf32>
        %parallel_loop3A_1317 = arith.mulf %parallel_loop3A_1311, %parallel_loop3A_1316 : vector<16xf32>
        %parallel_loop3A_1318 = arith.constant 128 : i32
        %parallel_loop3A_1319 = arith.addi %parallel_loop3A_394, %parallel_loop3A_1318 : i32
        %parallel_loop3A_1320 = arith.constant 96 : i32
        %parallel_loop3A_1321 = arith.addi %parallel_loop3A_1319, %parallel_loop3A_1320 : i32
        %parallel_loop3A_1322 = arith.index_cast %parallel_loop3A_1321 : i32 to index
        %parallel_loop3A_1323 = tpu.vector_load %arg9[%parallel_loop3A_1322] {strides = array<i32>} : memref<40960xf32, #tpu.memory_space<vmem>>, vector<16xf32>,
        tpu.vector_store %arg9[%parallel_loop3A_1322], %parallel_loop3A_1317 {strides = array<i32>} : memref<40960xf32, #tpu.memory_space<vmem>>, vector<16xf32>,
        %parallel_loop3A_1324 = arith.mulf %parallel_loop3A_1294, %parallel_loop3A_1234 : vector<16xf32>
        %parallel_loop3A_1325 = arith.mulf %parallel_loop3A_1300, %parallel_loop3A_1258 : vector<16xf32>
        %parallel_loop3A_1326 = arith.mulf %parallel_loop3A_1324, %parallel_loop3A_1264 : vector<16xf32>
        %parallel_loop3A_1327 = arith.constant 256 : i32
        %parallel_loop3A_1328 = arith.addi %parallel_loop3A_394, %parallel_loop3A_1327 : i32
        %parallel_loop3A_1329 = arith.constant 96 : i32
        %parallel_loop3A_1330 = arith.addi %parallel_loop3A_1328, %parallel_loop3A_1329 : i32
        %parallel_loop3A_1331 = arith.index_cast %parallel_loop3A_1330 : i32 to index
        %parallel_loop3A_1332 = tpu.vector_load %arg9[%parallel_loop3A_1331] {strides = array<i32>} : memref<40960xf32, #tpu.memory_space<vmem>>, vector<16xf32>,
        tpu.vector_store %arg9[%parallel_loop3A_1331], %parallel_loop3A_1326 {strides = array<i32>} : memref<40960xf32, #tpu.memory_space<vmem>>, vector<16xf32>,
        %parallel_loop3A_1333 = arith.mulf %parallel_loop3A_1325, %parallel_loop3A_1240 : vector<16xf32>
        %parallel_loop3A_1334 = arith.constant 640 : i32
        %parallel_loop3A_1335 = arith.addi %parallel_loop3A_394, %parallel_loop3A_1334 : i32
        %parallel_loop3A_1336 = arith.constant 96 : i32
        %parallel_loop3A_1337 = arith.addi %parallel_loop3A_1335, %parallel_loop3A_1336 : i32
        %parallel_loop3A_1338 = arith.index_cast %parallel_loop3A_1337 : i32 to index
        %parallel_loop3A_1339 = tpu.vector_load %arg9[%parallel_loop3A_1338] {strides = array<i32>} : memref<40960xf32, #tpu.memory_space<vmem>>, vector<16xf32>,
        tpu.vector_store %arg9[%parallel_loop3A_1338], %parallel_loop3A_1333 {strides = array<i32>} : memref<40960xf32, #tpu.memory_space<vmem>>, vector<16xf32>,
        %parallel_loop3A_1340 = arith.mulf %parallel_loop3A_1324, %parallel_loop3A_1270 : vector<16xf32>
        %parallel_loop3A_1341 = arith.constant 384 : i32
        %parallel_loop3A_1342 = arith.addi %parallel_loop3A_394, %parallel_loop3A_1341 : i32
        %parallel_loop3A_1343 = arith.constant 96 : i32
        %parallel_loop3A_1344 = arith.addi %parallel_loop3A_1342, %parallel_loop3A_1343 : i32
        %parallel_loop3A_1345 = arith.index_cast %parallel_loop3A_1344 : i32 to index
        %parallel_loop3A_1346 = tpu.vector_load %arg9[%parallel_loop3A_1345] {strides = array<i32>} : memref<40960xf32, #tpu.memory_space<vmem>>, vector<16xf32>,
        tpu.vector_store %arg9[%parallel_loop3A_1345], %parallel_loop3A_1340 {strides = array<i32>} : memref<40960xf32, #tpu.memory_space<vmem>>, vector<16xf32>,
        %parallel_loop3A_1347 = arith.mulf %parallel_loop3A_1325, %parallel_loop3A_1246 : vector<16xf32>
        %parallel_loop3A_1348 = arith.constant 768 : i32
        %parallel_loop3A_1349 = arith.addi %parallel_loop3A_394, %parallel_loop3A_1348 : i32
        %parallel_loop3A_1350 = arith.constant 96 : i32
        %parallel_loop3A_1351 = arith.addi %parallel_loop3A_1349, %parallel_loop3A_1350 : i32
        %parallel_loop3A_1352 = arith.index_cast %parallel_loop3A_1351 : i32 to index
        %parallel_loop3A_1353 = tpu.vector_load %arg9[%parallel_loop3A_1352] {strides = array<i32>} : memref<40960xf32, #tpu.memory_space<vmem>>, vector<16xf32>,
        tpu.vector_store %arg9[%parallel_loop3A_1352], %parallel_loop3A_1347 {strides = array<i32>} : memref<40960xf32, #tpu.memory_space<vmem>>, vector<16xf32>,
        %parallel_loop3A_1354 = arith.mulf %parallel_loop3A_1324, %parallel_loop3A_1276 : vector<16xf32>
        %parallel_loop3A_1355 = arith.constant 512 : i32
        %parallel_loop3A_1356 = arith.addi %parallel_loop3A_394, %parallel_loop3A_1355 : i32
        %parallel_loop3A_1357 = arith.constant 96 : i32
        %parallel_loop3A_1358 = arith.addi %parallel_loop3A_1356, %parallel_loop3A_1357 : i32
        %parallel_loop3A_1359 = arith.index_cast %parallel_loop3A_1358 : i32 to index
        %parallel_loop3A_1360 = tpu.vector_load %arg9[%parallel_loop3A_1359] {strides = array<i32>} : memref<40960xf32, #tpu.memory_space<vmem>>, vector<16xf32>,
        tpu.vector_store %arg9[%parallel_loop3A_1359], %parallel_loop3A_1354 {strides = array<i32>} : memref<40960xf32, #tpu.memory_space<vmem>>, vector<16xf32>,
        %parallel_loop3A_1361 = arith.mulf %parallel_loop3A_1325, %parallel_loop3A_1252 : vector<16xf32>
        %parallel_loop3A_1362 = arith.constant 896 : i32
        %parallel_loop3A_1363 = arith.addi %parallel_loop3A_394, %parallel_loop3A_1362 : i32
        %parallel_loop3A_1364 = arith.constant 96 : i32
        %parallel_loop3A_1365 = arith.addi %parallel_loop3A_1363, %parallel_loop3A_1364 : i32
        %parallel_loop3A_1366 = arith.index_cast %parallel_loop3A_1365 : i32 to index
        %parallel_loop3A_1367 = tpu.vector_load %arg9[%parallel_loop3A_1366] {strides = array<i32>} : memref<40960xf32, #tpu.memory_space<vmem>>, vector<16xf32>,
        tpu.vector_store %arg9[%parallel_loop3A_1366], %parallel_loop3A_1361 {strides = array<i32>} : memref<40960xf32, #tpu.memory_space<vmem>>, vector<16xf32>,
        %parallel_loop3A_1368 = arith.constant 0 : i32
        %parallel_loop3A_1369 = arith.addi %parallel_loop3A_384, %parallel_loop3A_1368 : i32
        %parallel_loop3A_1370 = arith.constant 112 : i32
        %parallel_loop3A_1371 = arith.addi %parallel_loop3A_1369, %parallel_loop3A_1370 : i32
        %parallel_loop3A_1372 = arith.index_cast %parallel_loop3A_1371 : i32 to index
        %parallel_loop3A_1373 = tpu.vector_load %arg6[%parallel_loop3A_1372] {strides = array<i32>} : memref<20480xf32, #tpu.memory_space<vmem>>, vector<16xf32>,
        %parallel_loop3A_1374 = arith.constant 2560 : i32
        %parallel_loop3A_1375 = arith.addi %parallel_loop3A_384, %parallel_loop3A_1374 : i32
        %parallel_loop3A_1376 = arith.constant 112 : i32
        %parallel_loop3A_1377 = arith.addi %parallel_loop3A_1375, %parallel_loop3A_1376 : i32
        %parallel_loop3A_1378 = arith.index_cast %parallel_loop3A_1377 : i32 to index
        %parallel_loop3A_1379 = tpu.vector_load %arg6[%parallel_loop3A_1378] {strides = array<i32>} : memref<20480xf32, #tpu.memory_space<vmem>>, vector<16xf32>,
        %parallel_loop3A_1380 = arith.constant 5120 : i32
        %parallel_loop3A_1381 = arith.addi %parallel_loop3A_384, %parallel_loop3A_1380 : i32
        %parallel_loop3A_1382 = arith.constant 112 : i32
        %parallel_loop3A_1383 = arith.addi %parallel_loop3A_1381, %parallel_loop3A_1382 : i32
        %parallel_loop3A_1384 = arith.index_cast %parallel_loop3A_1383 : i32 to index
        %parallel_loop3A_1385 = tpu.vector_load %arg6[%parallel_loop3A_1384] {strides = array<i32>} : memref<20480xf32, #tpu.memory_space<vmem>>, vector<16xf32>,
        %parallel_loop3A_1386 = arith.constant 7680 : i32
        %parallel_loop3A_1387 = arith.addi %parallel_loop3A_384, %parallel_loop3A_1386 : i32
        %parallel_loop3A_1388 = arith.constant 112 : i32
        %parallel_loop3A_1389 = arith.addi %parallel_loop3A_1387, %parallel_loop3A_1388 : i32
        %parallel_loop3A_1390 = arith.index_cast %parallel_loop3A_1389 : i32 to index
        %parallel_loop3A_1391 = tpu.vector_load %arg6[%parallel_loop3A_1390] {strides = array<i32>} : memref<20480xf32, #tpu.memory_space<vmem>>, vector<16xf32>,
        %parallel_loop3A_1392 = arith.constant 0 : i32
        %parallel_loop3A_1393 = arith.addi %parallel_loop3A_384, %parallel_loop3A_1392 : i32
        %parallel_loop3A_1394 = arith.constant 112 : i32
        %parallel_loop3A_1395 = arith.addi %parallel_loop3A_1393, %parallel_loop3A_1394 : i32
        %parallel_loop3A_1396 = arith.index_cast %parallel_loop3A_1395 : i32 to index
        %parallel_loop3A_1397 = tpu.vector_load %arg7[%parallel_loop3A_1396] {strides = array<i32>} : memref<20480xf32, #tpu.memory_space<vmem>>, vector<16xf32>,
        %parallel_loop3A_1398 = arith.constant 2560 : i32
        %parallel_loop3A_1399 = arith.addi %parallel_loop3A_384, %parallel_loop3A_1398 : i32
        %parallel_loop3A_1400 = arith.constant 112 : i32
        %parallel_loop3A_1401 = arith.addi %parallel_loop3A_1399, %parallel_loop3A_1400 : i32
        %parallel_loop3A_1402 = arith.index_cast %parallel_loop3A_1401 : i32 to index
        %parallel_loop3A_1403 = tpu.vector_load %arg7[%parallel_loop3A_1402] {strides = array<i32>} : memref<20480xf32, #tpu.memory_space<vmem>>, vector<16xf32>,
        %parallel_loop3A_1404 = arith.constant 5120 : i32
        %parallel_loop3A_1405 = arith.addi %parallel_loop3A_384, %parallel_loop3A_1404 : i32
        %parallel_loop3A_1406 = arith.constant 112 : i32
        %parallel_loop3A_1407 = arith.addi %parallel_loop3A_1405, %parallel_loop3A_1406 : i32
        %parallel_loop3A_1408 = arith.index_cast %parallel_loop3A_1407 : i32 to index
        %parallel_loop3A_1409 = tpu.vector_load %arg7[%parallel_loop3A_1408] {strides = array<i32>} : memref<20480xf32, #tpu.memory_space<vmem>>, vector<16xf32>,
        %parallel_loop3A_1410 = arith.constant 7680 : i32
        %parallel_loop3A_1411 = arith.addi %parallel_loop3A_384, %parallel_loop3A_1410 : i32
        %parallel_loop3A_1412 = arith.constant 112 : i32
        %parallel_loop3A_1413 = arith.addi %parallel_loop3A_1411, %parallel_loop3A_1412 : i32
        %parallel_loop3A_1414 = arith.index_cast %parallel_loop3A_1413 : i32 to index
        %parallel_loop3A_1415 = tpu.vector_load %arg7[%parallel_loop3A_1414] {strides = array<i32>} : memref<20480xf32, #tpu.memory_space<vmem>>, vector<16xf32>,
        %parallel_loop3A_1416 = arith.constant 0 : i32
        %parallel_loop3A_1417 = arith.addi %parallel_loop3A_388, %parallel_loop3A_1416 : i32
        %parallel_loop3A_1418 = arith.constant 112 : i32
        %parallel_loop3A_1419 = arith.addi %parallel_loop3A_1417, %parallel_loop3A_1418 : i32
        %parallel_loop3A_1420 = arith.index_cast %parallel_loop3A_1419 : i32 to index
        %parallel_loop3A_1421 = tpu.vector_load %arg8[%parallel_loop3A_1420] {strides = array<i32>} : memref<20480xf32, #tpu.memory_space<vmem>>, vector<16xf32>,
        %parallel_loop3A_1422 = arith.constant 128 : i32
        %parallel_loop3A_1423 = arith.addi %parallel_loop3A_388, %parallel_loop3A_1422 : i32
        %parallel_loop3A_1424 = arith.constant 112 : i32
        %parallel_loop3A_1425 = arith.addi %parallel_loop3A_1423, %parallel_loop3A_1424 : i32
        %parallel_loop3A_1426 = arith.index_cast %parallel_loop3A_1425 : i32 to index
        %parallel_loop3A_1427 = tpu.vector_load %arg8[%parallel_loop3A_1426] {strides = array<i32>} : memref<20480xf32, #tpu.memory_space<vmem>>, vector<16xf32>,
        %parallel_loop3A_1428 = arith.constant 256 : i32
        %parallel_loop3A_1429 = arith.addi %parallel_loop3A_388, %parallel_loop3A_1428 : i32
        %parallel_loop3A_1430 = arith.constant 112 : i32
        %parallel_loop3A_1431 = arith.addi %parallel_loop3A_1429, %parallel_loop3A_1430 : i32
        %parallel_loop3A_1432 = arith.index_cast %parallel_loop3A_1431 : i32 to index
        %parallel_loop3A_1433 = tpu.vector_load %arg8[%parallel_loop3A_1432] {strides = array<i32>} : memref<20480xf32, #tpu.memory_space<vmem>>, vector<16xf32>,
        %parallel_loop3A_1434 = arith.constant 384 : i32
        %parallel_loop3A_1435 = arith.addi %parallel_loop3A_388, %parallel_loop3A_1434 : i32
        %parallel_loop3A_1436 = arith.constant 112 : i32
        %parallel_loop3A_1437 = arith.addi %parallel_loop3A_1435, %parallel_loop3A_1436 : i32
        %parallel_loop3A_1438 = arith.index_cast %parallel_loop3A_1437 : i32 to index
        %parallel_loop3A_1439 = tpu.vector_load %arg8[%parallel_loop3A_1438] {strides = array<i32>} : memref<20480xf32, #tpu.memory_space<vmem>>, vector<16xf32>,
        %parallel_loop3A_1440 = arith.mulf %parallel_loop3A_1421, %parallel_loop3A_1373 : vector<16xf32>
        %parallel_loop3A_1441 = arith.mulf %parallel_loop3A_1440, %parallel_loop3A_1397 : vector<16xf32>
        %parallel_loop3A_1442 = arith.constant 0 : i32
        %parallel_loop3A_1443 = arith.addi %parallel_loop3A_394, %parallel_loop3A_1442 : i32
        %parallel_loop3A_1444 = arith.constant 112 : i32
        %parallel_loop3A_1445 = arith.addi %parallel_loop3A_1443, %parallel_loop3A_1444 : i32
        %parallel_loop3A_1446 = arith.index_cast %parallel_loop3A_1445 : i32 to index
        %parallel_loop3A_1447 = tpu.vector_load %arg9[%parallel_loop3A_1446] {strides = array<i32>} : memref<40960xf32, #tpu.memory_space<vmem>>, vector<16xf32>,
        tpu.vector_store %arg9[%parallel_loop3A_1446], %parallel_loop3A_1441 {strides = array<i32>} : memref<40960xf32, #tpu.memory_space<vmem>>, vector<16xf32>,
        %parallel_loop3A_1448 = arith.constant 0.577350259 : f32
        %parallel_loop3A_1449 = vector.broadcast %parallel_loop3A_1448 : f32 to vector<16xf32>
        %parallel_loop3A_1450 = arith.mulf %parallel_loop3A_1427, %parallel_loop3A_1449 : vector<16xf32>
        %parallel_loop3A_1451 = arith.mulf %parallel_loop3A_1379, %parallel_loop3A_1403 : vector<16xf32>
        %parallel_loop3A_1452 = arith.mulf %parallel_loop3A_1385, %parallel_loop3A_1409 : vector<16xf32>
        %parallel_loop3A_1453 = arith.addf %parallel_loop3A_1451, %parallel_loop3A_1452 : vector<16xf32>
        %parallel_loop3A_1454 = arith.mulf %parallel_loop3A_1391, %parallel_loop3A_1415 : vector<16xf32>
        %parallel_loop3A_1455 = arith.addf %parallel_loop3A_1453, %parallel_loop3A_1454 : vector<16xf32>
        %parallel_loop3A_1456 = arith.mulf %parallel_loop3A_1450, %parallel_loop3A_1455 : vector<16xf32>
        %parallel_loop3A_1457 = arith.constant 128 : i32
        %parallel_loop3A_1458 = arith.addi %parallel_loop3A_394, %parallel_loop3A_1457 : i32
        %parallel_loop3A_1459 = arith.constant 112 : i32
        %parallel_loop3A_1460 = arith.addi %parallel_loop3A_1458, %parallel_loop3A_1459 : i32
        %parallel_loop3A_1461 = arith.index_cast %parallel_loop3A_1460 : i32 to index
        %parallel_loop3A_1462 = tpu.vector_load %arg9[%parallel_loop3A_1461] {strides = array<i32>} : memref<40960xf32, #tpu.memory_space<vmem>>, vector<16xf32>,
        tpu.vector_store %arg9[%parallel_loop3A_1461], %parallel_loop3A_1456 {strides = array<i32>} : memref<40960xf32, #tpu.memory_space<vmem>>, vector<16xf32>,
        %parallel_loop3A_1463 = arith.mulf %parallel_loop3A_1433, %parallel_loop3A_1373 : vector<16xf32>
        %parallel_loop3A_1464 = arith.mulf %parallel_loop3A_1439, %parallel_loop3A_1397 : vector<16xf32>
        %parallel_loop3A_1465 = arith.mulf %parallel_loop3A_1463, %parallel_loop3A_1403 : vector<16xf32>
        %parallel_loop3A_1466 = arith.constant 256 : i32
        %parallel_loop3A_1467 = arith.addi %parallel_loop3A_394, %parallel_loop3A_1466 : i32
        %parallel_loop3A_1468 = arith.constant 112 : i32
        %parallel_loop3A_1469 = arith.addi %parallel_loop3A_1467, %parallel_loop3A_1468 : i32
        %parallel_loop3A_1470 = arith.index_cast %parallel_loop3A_1469 : i32 to index
        %parallel_loop3A_1471 = tpu.vector_load %arg9[%parallel_loop3A_1470] {strides = array<i32>} : memref<40960xf32, #tpu.memory_space<vmem>>, vector<16xf32>,
        tpu.vector_store %arg9[%parallel_loop3A_1470], %parallel_loop3A_1465 {strides = array<i32>} : memref<40960xf32, #tpu.memory_space<vmem>>, vector<16xf32>,
        %parallel_loop3A_1472 = arith.mulf %parallel_loop3A_1464, %parallel_loop3A_1379 : vector<16xf32>
        %parallel_loop3A_1473 = arith.constant 640 : i32
        %parallel_loop3A_1474 = arith.addi %parallel_loop3A_394, %parallel_loop3A_1473 : i32
        %parallel_loop3A_1475 = arith.constant 112 : i32
        %parallel_loop3A_1476 = arith.addi %parallel_loop3A_1474, %parallel_loop3A_1475 : i32
        %parallel_loop3A_1477 = arith.index_cast %parallel_loop3A_1476 : i32 to index
        %parallel_loop3A_1478 = tpu.vector_load %arg9[%parallel_loop3A_1477] {strides = array<i32>} : memref<40960xf32, #tpu.memory_space<vmem>>, vector<16xf32>,
        tpu.vector_store %arg9[%parallel_loop3A_1477], %parallel_loop3A_1472 {strides = array<i32>} : memref<40960xf32, #tpu.memory_space<vmem>>, vector<16xf32>,
        %parallel_loop3A_1479 = arith.mulf %parallel_loop3A_1463, %parallel_loop3A_1409 : vector<16xf32>
        %parallel_loop3A_1480 = arith.constant 384 : i32
        %parallel_loop3A_1481 = arith.addi %parallel_loop3A_394, %parallel_loop3A_1480 : i32
        %parallel_loop3A_1482 = arith.constant 112 : i32
        %parallel_loop3A_1483 = arith.addi %parallel_loop3A_1481, %parallel_loop3A_1482 : i32
        %parallel_loop3A_1484 = arith.index_cast %parallel_loop3A_1483 : i32 to index
        %parallel_loop3A_1485 = tpu.vector_load %arg9[%parallel_loop3A_1484] {strides = array<i32>} : memref<40960xf32, #tpu.memory_space<vmem>>, vector<16xf32>,
        tpu.vector_store %arg9[%parallel_loop3A_1484], %parallel_loop3A_1479 {strides = array<i32>} : memref<40960xf32, #tpu.memory_space<vmem>>, vector<16xf32>,
        %parallel_loop3A_1486 = arith.mulf %parallel_loop3A_1464, %parallel_loop3A_1385 : vector<16xf32>
        %parallel_loop3A_1487 = arith.constant 768 : i32
        %parallel_loop3A_1488 = arith.addi %parallel_loop3A_394, %parallel_loop3A_1487 : i32
        %parallel_loop3A_1489 = arith.constant 112 : i32
        %parallel_loop3A_1490 = arith.addi %parallel_loop3A_1488, %parallel_loop3A_1489 : i32
        %parallel_loop3A_1491 = arith.index_cast %parallel_loop3A_1490 : i32 to index
        %parallel_loop3A_1492 = tpu.vector_load %arg9[%parallel_loop3A_1491] {strides = array<i32>} : memref<40960xf32, #tpu.memory_space<vmem>>, vector<16xf32>,
        tpu.vector_store %arg9[%parallel_loop3A_1491], %parallel_loop3A_1486 {strides = array<i32>} : memref<40960xf32, #tpu.memory_space<vmem>>, vector<16xf32>,
        %parallel_loop3A_1493 = arith.mulf %parallel_loop3A_1463, %parallel_loop3A_1415 : vector<16xf32>
        %parallel_loop3A_1494 = arith.constant 512 : i32
        %parallel_loop3A_1495 = arith.addi %parallel_loop3A_394, %parallel_loop3A_1494 : i32
        %parallel_loop3A_1496 = arith.constant 112 : i32
        %parallel_loop3A_1497 = arith.addi %parallel_loop3A_1495, %parallel_loop3A_1496 : i32
        %parallel_loop3A_1498 = arith.index_cast %parallel_loop3A_1497 : i32 to index
        %parallel_loop3A_1499 = tpu.vector_load %arg9[%parallel_loop3A_1498] {strides = array<i32>} : memref<40960xf32, #tpu.memory_space<vmem>>, vector<16xf32>,
        tpu.vector_store %arg9[%parallel_loop3A_1498], %parallel_loop3A_1493 {strides = array<i32>} : memref<40960xf32, #tpu.memory_space<vmem>>, vector<16xf32>,
        %parallel_loop3A_1500 = arith.mulf %parallel_loop3A_1464, %parallel_loop3A_1391 : vector<16xf32>
        %parallel_loop3A_1501 = arith.constant 896 : i32
        %parallel_loop3A_1502 = arith.addi %parallel_loop3A_394, %parallel_loop3A_1501 : i32
        %parallel_loop3A_1503 = arith.constant 112 : i32
        %parallel_loop3A_1504 = arith.addi %parallel_loop3A_1502, %parallel_loop3A_1503 : i32
        %parallel_loop3A_1505 = arith.index_cast %parallel_loop3A_1504 : i32 to index
        %parallel_loop3A_1506 = tpu.vector_load %arg9[%parallel_loop3A_1505] {strides = array<i32>} : memref<40960xf32, #tpu.memory_space<vmem>>, vector<16xf32>,
        tpu.vector_store %arg9[%parallel_loop3A_1505], %parallel_loop3A_1500 {strides = array<i32>} : memref<40960xf32, #tpu.memory_space<vmem>>, vector<16xf32>,
      } {sc.loop_unroll_factor = 1 : i64, sc.parallel_access}
      %mul3A_360 = arith.constant 20 : i32
      %mul3A_361 = arith.muli %add3A_279, %mul3A_360 : i32
      %add3A_362 = arith.addi %mul3A_2, %mul3A_361 : i32
      %mul3A_363 = arith.constant 8 : i32
      %mul3A_364 = arith.muli %add3A_362, %mul3A_363 : i32
      %mul3A_365 = arith.constant 128 : i32
      %mul3A_366 = arith.muli %mul3A_364, %mul3A_365 : i32
      %dma_start3A_367 = arith.constant 20480 : i32
      %dma_start3A_368 = tpu.memref_slice %arg9[%dma_start3A_367] : memref<40960xf32, #tpu.memory_space<vmem>> -> memref<20480xf32, #tpu.memory_space<vmem>>
      %dma_start3A_369 = tpu.memref_slice %arg5[%mul3A_366] : memref<163840000xf32, #tpu.memory_space<hbm>> -> memref<20480xf32, #tpu.memory_space<hbm>>
      %dma_start3A_370 = tpu.memref_slice %arg5[%mul3A_366] : memref<163840000xf32, #tpu.memory_space<hbm>> -> memref<20480xf32, #tpu.memory_space<hbm>>
      %dma_start3A_371 = arith.constant 20480 : i32
      %dma_start3A_372 = tpu.memref_slice %arg9[%dma_start3A_371] : memref<40960xf32, #tpu.memory_space<vmem>> -> memref<20480xf32, #tpu.memory_space<vmem>>
      tpu.enqueue_dma source(%dma_start3A_372 : memref<20480xf32, #tpu.memory_space<vmem>>) target(%dma_start3A_370 : memref<20480xf32, #tpu.memory_space<hbm>>) target_semaphore(%arg13 : memref<!tpu.dma_semaphore, #tpu.memory_space<semaphore_mem>>)
      %add3A_373 = arith.constant 2 : i32
      %add3A_374 = arith.addi %add3A_279, %add3A_373 : i32
      %lt3A_375 = arith.constant 250 : i32
      %lt3A_376 = arith.cmpi slt, %add3A_374, %lt3A_375 : i32
      %convert_element_type3A_377 = arith.extui %lt3A_376 : i1 to i32
      %cond3A_378 = arith.constant 0 : i32
      %cond3A_379 = arith.cmpi ne, %convert_element_type3A_377, %cond3A_378 : i32
      scf.if %cond3A_379 {
        %add3A_380 = arith.constant 2 : i32
        %add3A_381 = arith.addi %add3A_279, %add3A_380 : i32
        %mul3A_382 = arith.constant 20 : i32
        %mul3A_383 = arith.muli %add3A_381, %mul3A_382 : i32
        %add3A_384 = arith.addi %mul3A_2, %mul3A_383 : i32
        %mul3A_385 = arith.constant 128 : i32
        %mul3A_386 = arith.muli %add3A_384, %mul3A_385 : i32
        %add3A_387 = arith.constant 0 : i32
        %add3A_388 = arith.addi %add3A_387, %mul3A_386 : i32
        %dma_start3A_389 = arith.constant 10240 : i32
        %dma_start3A_390 = tpu.memref_slice %arg6[%dma_start3A_389] : memref<20480xf32, #tpu.memory_space<vmem>> -> memref<2560xf32, #tpu.memory_space<vmem>>
        %dma_start3A_391 = tpu.memref_slice %arg2[%add3A_388] : memref<81920000xf32, #tpu.memory_space<hbm>> -> memref<2560xf32, #tpu.memory_space<hbm>>
        %dma_start3A_392 = arith.constant 10240 : i32
        %dma_start3A_393 = tpu.memref_slice %arg6[%dma_start3A_392] : memref<20480xf32, #tpu.memory_space<vmem>> -> memref<2560xf32, #tpu.memory_space<vmem>>
        %dma_start3A_394 = tpu.memref_slice %arg2[%add3A_388] : memref<81920000xf32, #tpu.memory_space<hbm>> -> memref<2560xf32, #tpu.memory_space<hbm>>
        tpu.enqueue_dma source(%dma_start3A_394 : memref<2560xf32, #tpu.memory_space<hbm>>) target(%dma_start3A_393 : memref<2560xf32, #tpu.memory_space<vmem>>) target_semaphore(%arg11 : memref<!tpu.dma_semaphore, #tpu.memory_space<semaphore_mem>>)
        %add3A_395 = arith.constant 0 : i32
        %add3A_396 = arith.addi %add3A_395, %mul3A_386 : i32
        %dma_start3A_397 = arith.constant 10240 : i32
        %dma_start3A_398 = tpu.memref_slice %arg7[%dma_start3A_397] : memref<20480xf32, #tpu.memory_space<vmem>> -> memref<2560xf32, #tpu.memory_space<vmem>>
        %dma_start3A_399 = tpu.memref_slice %arg3[%add3A_396] : memref<81920000xf32, #tpu.memory_space<hbm>> -> memref<2560xf32, #tpu.memory_space<hbm>>
        %dma_start3A_400 = arith.constant 10240 : i32
        %dma_start3A_401 = tpu.memref_slice %arg7[%dma_start3A_400] : memref<20480xf32, #tpu.memory_space<vmem>> -> memref<2560xf32, #tpu.memory_space<vmem>>
        %dma_start3A_402 = tpu.memref_slice %arg3[%add3A_396] : memref<81920000xf32, #tpu.memory_space<hbm>> -> memref<2560xf32, #tpu.memory_space<hbm>>
        tpu.enqueue_dma source(%dma_start3A_402 : memref<2560xf32, #tpu.memory_space<hbm>>) target(%dma_start3A_401 : memref<2560xf32, #tpu.memory_space<vmem>>) target_semaphore(%arg11 : memref<!tpu.dma_semaphore, #tpu.memory_space<semaphore_mem>>)
        %add3A_403 = arith.constant 20480000 : i32
        %add3A_404 = arith.addi %add3A_403, %mul3A_386 : i32
        %dma_start3A_405 = arith.constant 12800 : i32
        %dma_start3A_406 = tpu.memref_slice %arg6[%dma_start3A_405] : memref<20480xf32, #tpu.memory_space<vmem>> -> memref<2560xf32, #tpu.memory_space<vmem>>
        %dma_start3A_407 = tpu.memref_slice %arg2[%add3A_404] : memref<81920000xf32, #tpu.memory_space<hbm>> -> memref<2560xf32, #tpu.memory_space<hbm>>
        %dma_start3A_408 = arith.constant 12800 : i32
        %dma_start3A_409 = tpu.memref_slice %arg6[%dma_start3A_408] : memref<20480xf32, #tpu.memory_space<vmem>> -> memref<2560xf32, #tpu.memory_space<vmem>>
        %dma_start3A_410 = tpu.memref_slice %arg2[%add3A_404] : memref<81920000xf32, #tpu.memory_space<hbm>> -> memref<2560xf32, #tpu.memory_space<hbm>>
        tpu.enqueue_dma source(%dma_start3A_410 : memref<2560xf32, #tpu.memory_space<hbm>>) target(%dma_start3A_409 : memref<2560xf32, #tpu.memory_space<vmem>>) target_semaphore(%arg11 : memref<!tpu.dma_semaphore, #tpu.memory_space<semaphore_mem>>)
        %add3A_411 = arith.constant 20480000 : i32
        %add3A_412 = arith.addi %add3A_411, %mul3A_386 : i32
        %dma_start3A_413 = arith.constant 12800 : i32
        %dma_start3A_414 = tpu.memref_slice %arg7[%dma_start3A_413] : memref<20480xf32, #tpu.memory_space<vmem>> -> memref<2560xf32, #tpu.memory_space<vmem>>
        %dma_start3A_415 = tpu.memref_slice %arg3[%add3A_412] : memref<81920000xf32, #tpu.memory_space<hbm>> -> memref<2560xf32, #tpu.memory_space<hbm>>
        %dma_start3A_416 = arith.constant 12800 : i32
        %dma_start3A_417 = tpu.memref_slice %arg7[%dma_start3A_416] : memref<20480xf32, #tpu.memory_space<vmem>> -> memref<2560xf32, #tpu.memory_space<vmem>>
        %dma_start3A_418 = tpu.memref_slice %arg3[%add3A_412] : memref<81920000xf32, #tpu.memory_space<hbm>> -> memref<2560xf32, #tpu.memory_space<hbm>>
        tpu.enqueue_dma source(%dma_start3A_418 : memref<2560xf32, #tpu.memory_space<hbm>>) target(%dma_start3A_417 : memref<2560xf32, #tpu.memory_space<vmem>>) target_semaphore(%arg11 : memref<!tpu.dma_semaphore, #tpu.memory_space<semaphore_mem>>)
        %add3A_419 = arith.constant 40960000 : i32
        %add3A_420 = arith.addi %add3A_419, %mul3A_386 : i32
        %dma_start3A_421 = arith.constant 15360 : i32
        %dma_start3A_422 = tpu.memref_slice %arg6[%dma_start3A_421] : memref<20480xf32, #tpu.memory_space<vmem>> -> memref<2560xf32, #tpu.memory_space<vmem>>
        %dma_start3A_423 = tpu.memref_slice %arg2[%add3A_420] : memref<81920000xf32, #tpu.memory_space<hbm>> -> memref<2560xf32, #tpu.memory_space<hbm>>
        %dma_start3A_424 = arith.constant 15360 : i32
        %dma_start3A_425 = tpu.memref_slice %arg6[%dma_start3A_424] : memref<20480xf32, #tpu.memory_space<vmem>> -> memref<2560xf32, #tpu.memory_space<vmem>>
        %dma_start3A_426 = tpu.memref_slice %arg2[%add3A_420] : memref<81920000xf32, #tpu.memory_space<hbm>> -> memref<2560xf32, #tpu.memory_space<hbm>>
        tpu.enqueue_dma source(%dma_start3A_426 : memref<2560xf32, #tpu.memory_space<hbm>>) target(%dma_start3A_425 : memref<2560xf32, #tpu.memory_space<vmem>>) target_semaphore(%arg11 : memref<!tpu.dma_semaphore, #tpu.memory_space<semaphore_mem>>)
        %add3A_427 = arith.constant 40960000 : i32
        %add3A_428 = arith.addi %add3A_427, %mul3A_386 : i32
        %dma_start3A_429 = arith.constant 15360 : i32
        %dma_start3A_430 = tpu.memref_slice %arg7[%dma_start3A_429] : memref<20480xf32, #tpu.memory_space<vmem>> -> memref<2560xf32, #tpu.memory_space<vmem>>
        %dma_start3A_431 = tpu.memref_slice %arg3[%add3A_428] : memref<81920000xf32, #tpu.memory_space<hbm>> -> memref<2560xf32, #tpu.memory_space<hbm>>
        %dma_start3A_432 = arith.constant 15360 : i32
        %dma_start3A_433 = tpu.memref_slice %arg7[%dma_start3A_432] : memref<20480xf32, #tpu.memory_space<vmem>> -> memref<2560xf32, #tpu.memory_space<vmem>>
        %dma_start3A_434 = tpu.memref_slice %arg3[%add3A_428] : memref<81920000xf32, #tpu.memory_space<hbm>> -> memref<2560xf32, #tpu.memory_space<hbm>>
        tpu.enqueue_dma source(%dma_start3A_434 : memref<2560xf32, #tpu.memory_space<hbm>>) target(%dma_start3A_433 : memref<2560xf32, #tpu.memory_space<vmem>>) target_semaphore(%arg11 : memref<!tpu.dma_semaphore, #tpu.memory_space<semaphore_mem>>)
        %add3A_435 = arith.constant 61440000 : i32
        %add3A_436 = arith.addi %add3A_435, %mul3A_386 : i32
        %dma_start3A_437 = arith.constant 17920 : i32
        %dma_start3A_438 = tpu.memref_slice %arg6[%dma_start3A_437] : memref<20480xf32, #tpu.memory_space<vmem>> -> memref<2560xf32, #tpu.memory_space<vmem>>
        %dma_start3A_439 = tpu.memref_slice %arg2[%add3A_436] : memref<81920000xf32, #tpu.memory_space<hbm>> -> memref<2560xf32, #tpu.memory_space<hbm>>
        %dma_start3A_440 = arith.constant 17920 : i32
        %dma_start3A_441 = tpu.memref_slice %arg6[%dma_start3A_440] : memref<20480xf32, #tpu.memory_space<vmem>> -> memref<2560xf32, #tpu.memory_space<vmem>>
        %dma_start3A_442 = tpu.memref_slice %arg2[%add3A_436] : memref<81920000xf32, #tpu.memory_space<hbm>> -> memref<2560xf32, #tpu.memory_space<hbm>>
        tpu.enqueue_dma source(%dma_start3A_442 : memref<2560xf32, #tpu.memory_space<hbm>>) target(%dma_start3A_441 : memref<2560xf32, #tpu.memory_space<vmem>>) target_semaphore(%arg11 : memref<!tpu.dma_semaphore, #tpu.memory_space<semaphore_mem>>)
        %add3A_443 = arith.constant 61440000 : i32
        %add3A_444 = arith.addi %add3A_443, %mul3A_386 : i32
        %dma_start3A_445 = arith.constant 17920 : i32
        %dma_start3A_446 = tpu.memref_slice %arg7[%dma_start3A_445] : memref<20480xf32, #tpu.memory_space<vmem>> -> memref<2560xf32, #tpu.memory_space<vmem>>
        %dma_start3A_447 = tpu.memref_slice %arg3[%add3A_444] : memref<81920000xf32, #tpu.memory_space<hbm>> -> memref<2560xf32, #tpu.memory_space<hbm>>
        %dma_start3A_448 = arith.constant 17920 : i32
        %dma_start3A_449 = tpu.memref_slice %arg7[%dma_start3A_448] : memref<20480xf32, #tpu.memory_space<vmem>> -> memref<2560xf32, #tpu.memory_space<vmem>>
        %dma_start3A_450 = tpu.memref_slice %arg3[%add3A_444] : memref<81920000xf32, #tpu.memory_space<hbm>> -> memref<2560xf32, #tpu.memory_space<hbm>>
        tpu.enqueue_dma source(%dma_start3A_450 : memref<2560xf32, #tpu.memory_space<hbm>>) target(%dma_start3A_449 : memref<2560xf32, #tpu.memory_space<vmem>>) target_semaphore(%arg11 : memref<!tpu.dma_semaphore, #tpu.memory_space<semaphore_mem>>)
        %mul3A_451 = arith.constant 20 : i32
        %mul3A_452 = arith.muli %add3A_381, %mul3A_451 : i32
        %add3A_453 = arith.addi %mul3A_2, %mul3A_452 : i32
        %mul3A_454 = arith.constant 512 : i32
        %mul3A_455 = arith.muli %add3A_453, %mul3A_454 : i32
        %dma_start3A_456 = arith.constant 10240 : i32
        %dma_start3A_457 = tpu.memref_slice %arg8[%dma_start3A_456] : memref<20480xf32, #tpu.memory_space<vmem>> -> memref<10240xf32, #tpu.memory_space<vmem>>
        %dma_start3A_458 = tpu.memref_slice %arg4[%mul3A_455] : memref<81920000xf32, #tpu.memory_space<hbm>> -> memref<10240xf32, #tpu.memory_space<hbm>>
        %dma_start3A_459 = arith.constant 10240 : i32
        %dma_start3A_460 = tpu.memref_slice %arg8[%dma_start3A_459] : memref<20480xf32, #tpu.memory_space<vmem>> -> memref<10240xf32, #tpu.memory_space<vmem>>
        %dma_start3A_461 = tpu.memref_slice %arg4[%mul3A_455] : memref<81920000xf32, #tpu.memory_space<hbm>> -> memref<10240xf32, #tpu.memory_space<hbm>>
        tpu.enqueue_dma source(%dma_start3A_461 : memref<10240xf32, #tpu.memory_space<hbm>>) target(%dma_start3A_460 : memref<10240xf32, #tpu.memory_space<vmem>>) target_semaphore(%arg11 : memref<!tpu.dma_semaphore, #tpu.memory_space<semaphore_mem>>)
      } else {
      }
    }
    %scan3A_162 = arith.constant 125 : i32
    %dma_wait3A = arith.constant 0 : i32
    %dma_wait3A_163 = tpu.memref_slice %arg9[%dma_wait3A] : memref<40960xf32, #tpu.memory_space<vmem>> -> memref<20480xf32, #tpu.memory_space<vmem>>
    %dma_wait3A_164 = arith.constant 0 : i32
    %dma_wait3A_165 = tpu.memref_slice %arg5[%dma_wait3A_164] : memref<163840000xf32, #tpu.memory_space<hbm>> -> memref<20480xf32, #tpu.memory_space<hbm>>
    %dma_wait3A_166 = arith.constant 0 : i32
    %dma_wait3A_167 = tpu.memref_slice %arg5[%dma_wait3A_166] : memref<163840000xf32, #tpu.memory_space<hbm>> -> memref<20480xf32, #tpu.memory_space<hbm>>
    %dma_wait3A_168 = arith.constant 0 : i32
    %dma_wait3A_169 = tpu.memref_slice %arg9[%dma_wait3A_168] : memref<40960xf32, #tpu.memory_space<vmem>> -> memref<20480xf32, #tpu.memory_space<vmem>>
    tpu.wait_dma2 semaphore(%arg12 : memref<!tpu.dma_semaphore, #tpu.memory_space<semaphore_mem>>) src(%dma_wait3A_169 : memref<20480xf32, #tpu.memory_space<vmem>>) dst(%dma_wait3A_167 : memref<20480xf32, #tpu.memory_space<hbm>>)
    %dma_wait3A_170 = arith.constant 20480 : i32
    %dma_wait3A_171 = tpu.memref_slice %arg9[%dma_wait3A_170] : memref<40960xf32, #tpu.memory_space<vmem>> -> memref<20480xf32, #tpu.memory_space<vmem>>
    %dma_wait3A_172 = arith.constant 0 : i32
    %dma_wait3A_173 = tpu.memref_slice %arg5[%dma_wait3A_172] : memref<163840000xf32, #tpu.memory_space<hbm>> -> memref<20480xf32, #tpu.memory_space<hbm>>
    %dma_wait3A_174 = arith.constant 0 : i32
    %dma_wait3A_175 = tpu.memref_slice %arg5[%dma_wait3A_174] : memref<163840000xf32, #tpu.memory_space<hbm>> -> memref<20480xf32, #tpu.memory_space<hbm>>
    %dma_wait3A_176 = arith.constant 20480 : i32
    %dma_wait3A_177 = tpu.memref_slice %arg9[%dma_wait3A_176] : memref<40960xf32, #tpu.memory_space<vmem>> -> memref<20480xf32, #tpu.memory_space<vmem>>
    tpu.wait_dma2 semaphore(%arg13 : memref<!tpu.dma_semaphore, #tpu.memory_space<semaphore_mem>>) src(%dma_wait3A_177 : memref<20480xf32, #tpu.memory_space<vmem>>) dst(%dma_wait3A_175 : memref<20480xf32, #tpu.memory_space<hbm>>)
    return
  }
}

</mosaic_0001>

<sc_bundles>
// kernel: _tp_sc.3.cloned.1.call-start
scs
__scs_entry_jumppad:
0x0: {  	(pc) =	sbr.rel $0x88, $3  }
0x1: {  	(tag) =	ssettag $0x0;
	lr =	simm.s32 $0x1  }
0x2: {  	[smem:$0x3F9E] =	sst lr;
	_ =	strace $0xD0000000  }
0x3: {  	_ = 	snop  }
0x4: {  	_ = 	snop  }
0x5: {  	_ = 	snop  }
0x6: {  	_ = 	snop  }
0x7: {  	_ = 	snop  }
__scs_overlays_trampoline_lowered:
0x8: {  	[smem:$0x3FAD] =	sst s0  }
0x9: {  	[smem:$0x3FAE] =	sst s1  }
0xa: {  	[smem:$0x3FAF] =	sst s2  }
0xb: {  	[smem:$0x3FB0] =	sst s3  }
0xc: {  	[smem:$0x3FB1] =	sst s4  }
0xd: {  	[smem:$0x3FB2] =	sst s5  }
0xe: {  	[smem:$0x3FB3] =	sst s6  }
0xf: {  	[smem:$0x3FB4] =	sst s7  }
0x10: {  	[smem:$0x3FB5] =	sst s8  }
0x11: {  	[smem:$0x3FB6] =	sst s9;
	s0 =	simm.s32 @!p0 $0x0  }
0x12: {  	s1 =	sld [smem:$0x3F9C];
	s0 =	simm.s32 @p0 $0x1  }
0x13: {  	[smem:$0x3FB7] =	sst s0;
	s0 =	simm.s32 @!p1 $0x0  }
0x14: {  	s2 =	sld [smem:$0x3F9B];
	s0 =	simm.s32 @p1 $0x1  }
0x15: {  	[smem:$0x3FB8] =	sst s0;
	s0 =	simm.s32 @!p2 $0x0  }
0x16: {  	s3 =	sld [smem:$0x3FDB];
	s0 =	simm.s32 @p2 $0x1  }
0x17: {  	s4 =	simm.s32 $0x1BF5;
	[smem:$0x3FBA] =	sst s0  }
0x18: {  	s0 =	sld [smem:$0x3F9D];
	_ =	swait.ge [sflag:s4], $0x0  }
0x19: {  	s7 =	sld [smem:$0x3F9E]  }
0x1a: {  	s8 =	sadd.s32 $0xFFFFE003, lr  }
0x1b: {  	s9 =	sadd.s32 $0xFFFFFEF7, lr;
	s5 =	simm.s32 $0xFFFFFFFF;
	p2 =	slt.u32 s8, $0xFFFFF086  }
0x1c: {  	p1 =	slt.u32 s9, $0xF7A;
	s5 =	simm.s32 @!p2 $0x0  }
0x1d: {  	s5 =	simm.s32 @p1 $0x1;
	p0 =	seq.s32 s7, s2  }
0x1e: {  	s7 =	smul.u32 @!p0 $0xF7A, s2;
	p2 =	seq.s32 @!p0 s5, $0x0  }
0x1f: {  	s9 =	smul.u32 $0xF7A, s1;
	s8 =	simm.s32 @!p0 $0x1BF5;
	p2 =	por !p2, p0  }
0x20: {  	[sflag:s8] =	ssyncset.s32 @!p0 $0xFFFFF086;
	s6 =	sadd.s32 @!p0 s3, s7;
	s7 =	simm.s32 @!p0 $0x108  }
0x21: {  	s3 =	sadd.s32 s3, s9;
	s6 =	sadd.s32 @!p0 $0x88, s6;
	s7 =	simm.s32 @p2 $0x1082  }
0x22: {  	[simem:s7], [sflag:s8] =	dma.local @!p0 [hbm:s6], $0xF7A  }
0x23: {  	s9 =	sor.u32 $0xD0000000, s2;
	s6 =	simm.s32 $0x108;
	_ =	swait.ge @!p0 [sflag:s8], $0x0  }
0x24: {  	s3 =	sadd.s32 $0x88, s3;
	s6 =	simm.s32 @!p1 $0x1082;
	[sflag:s4] =	ssyncset.s32 $0xFFFFF086  }
0x25: {  	[simem:s6], [sflag:s4] =	dma.local [hbm:s3], $0xF7A  }
0x26: {  	[smem:$0x3F9E] =	sst s1;
	(tag) =	ssettag s2;
	_ =	strace s9  }
0x27: {  	s1 =	sld [smem:$0x3FAE]  }
0x28: {  	s2 =	sld [smem:$0x3FAF]  }
0x29: {  	s4 =	sld [smem:$0x3FB1]  }
0x2a: {  	p0 =	seq.s32 s5, $0x0;
	s5 =	sld [smem:$0x3FB2]  }
0x2b: {  	s6 =	sld [smem:$0x3FB3]  }
0x2c: {  	s7 =	sld [smem:$0x3FB4]  }
0x2d: {  	s3 =	simm.s32 $0x108;
	s8 =	sld [smem:$0x3FB5]  }
0x2e: {  	s3 =	simm.s32 @!p0 $0x1082;
	s9 =	sld [smem:$0x3FB6]  }
0x2f: {  	lr =	sadd.s32 s0, s3;
	s0 =	sld [smem:$0x3FAD]  }
0x30: {  	s3 =	sld [smem:$0x3FB0]  }
0x31: {  	[smem:$0x3FB9] =	sst s10  }
0x32: {  	s10 =	sld [smem:$0x3FB7];
	_ =	sdelay $0x3  }
0x33: {  	p0 =	seq.s32 s10, $0x1;
	s10 =	sld [smem:$0x3FB9];
	_ =	sdelay $0x3  }
0x34: {  	[smem:$0x3FB9] =	sst s10  }
0x35: {  	s10 =	sld [smem:$0x3FB8];
	_ =	sdelay $0x3  }
0x36: {  	p1 =	seq.s32 s10, $0x1;
	s10 =	sld [smem:$0x3FB9];
	_ =	sdelay $0x3  }
0x37: {  	[smem:$0x3FB9] =	sst s10  }
0x38: {  	s10 =	sld [smem:$0x3FBA]  }
0x39: {  	_ = 	snop;
	(pc) =	sbr.ind lr, $3  }
0x3a: {  	_ = 	snop  }
0x3b: {  	_ = 	snop  }
0x3c: {  	p2 =	seq.s32 s10, $0x1;
	s10 =	sld [smem:$0x3FB9]  }
0x3d: {  	_ =	shalt  }
0x3e: {  	_ =	shalt  }
0x3f: {  	_ =	shalt  }
0x40: {  	_ =	shalt  }
0x41: {  	_ =	shalt  }
0x42: {  	_ =	shalt  }
0x43: {  	_ =	shalt  }
0x44: {  	_ =	shalt  }
0x45: {  	_ =	shalt  }
0x46: {  	_ =	shalt  }
0x47: {  	_ =	shalt  }
0x48: {  	_ =	shalt  }
0x49: {  	_ =	shalt  }
0x4a: {  	_ =	shalt  }
0x4b: {  	_ =	shalt  }
0x4c: {  	_ =	shalt  }
0x4d: {  	_ =	shalt  }
0x4e: {  	_ =	shalt  }
0x4f: {  	_ =	shalt  }
0x50: {  	_ =	shalt  }
0x51: {  	_ =	shalt  }
0x52: {  	_ =	shalt  }
0x53: {  	_ =	shalt  }
0x54: {  	_ =	shalt  }
0x55: {  	_ =	shalt  }
0x56: {  	_ =	shalt  }
0x57: {  	_ =	shalt  }
0x58: {  	_ =	shalt  }
0x59: {  	_ =	shalt  }
0x5a: {  	_ =	shalt  }
0x5b: {  	_ =	shalt  }
0x5c: {  	_ =	shalt  }
0x5d: {  	_ =	shalt  }
0x5e: {  	_ =	shalt  }
0x5f: {  	_ =	shalt  }
0x60: {  	_ =	shalt  }
0x61: {  	_ =	shalt  }
0x62: {  	_ =	shalt  }
0x63: {  	_ =	shalt  }
0x64: {  	_ =	shalt  }
0x65: {  	_ =	shalt  }
0x66: {  	_ =	shalt  }
0x67: {  	_ =	shalt  }
0x68: {  	_ =	shalt  }
0x69: {  	_ =	shalt  }
0x6a: {  	_ =	shalt  }
0x6b: {  	_ =	shalt  }
0x6c: {  	_ =	shalt  }
0x6d: {  	_ =	shalt  }
0x6e: {  	_ =	shalt  }
0x6f: {  	_ =	shalt  }
0x70: {  	_ =	shalt  }
0x71: {  	_ =	shalt  }
0x72: {  	_ =	shalt  }
0x73: {  	_ =	shalt  }
0x74: {  	_ =	shalt  }
0x75: {  	_ =	shalt  }
0x76: {  	_ =	shalt  }
0x77: {  	_ =	shalt  }
0x78: {  	_ =	shalt  }
0x79: {  	_ =	shalt  }
0x7a: {  	_ =	shalt  }
0x7b: {  	_ =	shalt  }
0x7c: {  	_ =	shalt  }
0x7d: {  	_ =	shalt  }
0x7e: {  	_ =	shalt  }
0x7f: {  	_ =	shalt  }
0x80: {  	_ =	shalt  }
0x81: {  	_ =	shalt  }
0x82: {  	_ =	shalt  }
0x83: {  	_ =	shalt  }
0x84: {  	_ =	shalt  }
0x85: {  	_ =	shalt  }
0x86: {  	_ =	shalt  }
0x87: {  	_ =	shalt  }
.Lfunc_end0:
.L_simem_size_0:
called_computation_lowered:
.L_overlay_start_0:
0x88: {  	s2 =	sld [smem:$0x3FD9]  }
0x89: {  	s3 =	sld [smem:$0x3FFE];
	_ =	sdelay $0x1  }
0x8a: {  	s1 =	srdreg.scid  }
0x8b: {  	s0 =	sand.u32 $0x1, s1  }
0x8c: {  	s18 =	sshll.u32 s0, $0xA;
	s2 =	sadd.s32 s3, s2  }
0x8d: {  	s2 =	sadd.s32 s2, s18  }
0x8e: {  	[smem:$0x3FC5] =	sst s2  }
0x8f: {  	_ = 	snop  }
0x90: {  	s2 =	sld [smem:$0x3FC9]  }
0x91: {  	s19 =	sld [smem:$0x3FC8]  }
0x92: {  	s4 =	sld [smem:$0x3FC7]  }
0x93: {  	s5 =	sld [smem:$0x3FD0];
	(tm) =	ssettm $0x1  }
0x94: {  	s6 =	sld [smem:$0x3FFB];
	_ =	sdelay $0x3  }
0x95: {  	_ =	strace s6  }
0x96: {  	s6 =	sld [smem:$0x3FFC];
	_ =	sdelay $0x3  }
0x97: {  	_ =	strace s6  }
0x98: {  	s6 =	sld [smem:$0x3FFD];
	_ =	sdelay $0x3  }
0x99: {  	_ =	strace s6  }
0x9a: {  	_ =	strace $0x8FFFFFFF  }
0x9b: {  	s20 =	sld [smem:$0x3FDB];
	_ =	sdelay $0x1  }
0x9c: {  	s7 =	simm.s32 $_scs_section_size  }
0x9d: {  	s8 =	simm.s32 $_size__tile_overlayer_lowered;
	s9 =	simm.s32 $_tile_overlayer_lowered  }
0x9e: {  	s23 =	simm.s32 $0x1BFF;
	s22 =	sshll.u32 s9, $0x1;
	s6 =	sadd.s32 s7, s20  }
0x9f: {  	s10 =	simm.s32 $0x0;
	s21 =	sshll.u32 s8, $0x1;
	s8 =	sadd.s32 s22, s6  }
0xa0: {  	[timem:s10], [sflag:s23] =	dma.local [hbm:s8], s21  }
0xa1: {  	_ =	swait.ge [sflag:s23], s21  }
0xa2: {  	s7 =	ssub.s32 $0x0, s21;
	[sflag:s23] =	ssyncset.done $0x0  }
0xa3: {  	[sflag:s23] =	ssyncadd.s32 s7;
	_ =	sdelay $0x1  }
0xa4: {  	s24 =	simm.s32 $0x1B8B  }
0xa5: {  	_ =	swait.ge [sflag:s24], $0x1  }
0xa6: {  	[sflag:s24] =	ssyncset.done $0x0  }
0xa7: {  	s25 =	simm.s32 $0x1B8E;
	[sflag:s24] =	ssyncadd.s32 $0xFFFFFFFF  }
0xa8: {  	s26 =	simm.s32 $execute0_lowered;
	[smem:$0x3FD2] =	sst s25  }
0xa9: {  	s7 =	sshll.u32 s26, $0x1;
	_ =	strace $0x80000046;
	[dreg:$0x1] =	wrdreg $0xFFFFFFFF  }
0xaa: {  	s28 =	simm.s32 $_size_execute0_lowered;
	s6 =	sadd.s32 s6, s7;
	[dreg:$0x0] =	wrdreg $0x0  }
0xab: {  	s7 =	sshll.u32 s28, $0x1;
	[dreg:$0x2] =	wrdreg s6  }
0xac: {  	[dreg:$0x3] =	wrdreg s7  }
0xad: {  	[dreg:$0x4] =	wrdreg $0xC0  }
0xae: {  	_ =	task [dreg:s10], $0x5FFFF  }
0xaf: {  	[dreg:$0x1] =	wrdreg $0xFFFFFFFF  }
0xb0: {  	[dreg:$0x0] =	wrdreg $0x60  }
0xb1: {  	[dreg:$0x2] =	wrdreg s2  }
0xb2: {  	[dreg:$0x3] =	wrdreg s19  }
0xb3: {  	[dreg:$0x4] =	wrdreg s4  }
0xb4: {  	[dreg:$0x5] =	wrdreg s5  }
0xb5: {  	[dreg:$0x6] =	wrdreg $0x9  }
0xb6: {  	_ =	task.clear_ibuf [dreg:s10], $0x7FFFF;
	_ =	strace $0x90000046  }
0xb7: {  	s29 =	simm.s32 $0x9;
	_ =	strace $0x80000048  }
0xb8: {  	_ =	swait.ge [sflag:s29], $0x1  }
0xb9: {  	[sflag:s29] =	ssyncadd.s32 $0xFFFFFFFF  }
0xba: {  	_ =	strace $0x90000048  }
0xbb: {  	_ =	sfence  }
0xbc: {  	s30 =	sld [smem:$0x0];
	_ =	sdelay $0x2  }
0xbd: {  	s31 =	sshll.u32 s1, $0xD;
	s1 =	sshrl.u32 s1, $0x2  }
0xbe: {  	s3 =	sand.u32 $0x4000, s31;
	s1 =	sadd.s32 s1, s30  }
0xbf: {  	s0 =	sor.u32 s3, s0;
	s1 =	sshll.u32 s1, $0x11  }
0xc0: {  	s0 =	sor.u32 s1, s0  }
0xc1: {  	s0 =	sadd.s32 $0x8F2B, s0  }
0xc2: {  	[sflag:s0] =	ssyncadd.remote.s32 $0x1  }
0xc3: {  	_ =	sfence.sel $0xFFFF  }
0xc4: {  	[dreg:$0x0] =	wrdreg $0xFFFFFFFF;
	(pc) =	sbr.abs _section_cstart, $3  }
0xc5: {  	[dreg:$0x1] =	wrdreg $0xFFFFFFFF  }
0xc6: {  	_ =	task.clear_ibuf [dreg:s10], $0x2FFFF;
	_ =	strace $0x9FFFFFFF  }
0xc7: {  	(tm) =	ssettm $0x7FFFFFFF  }
tec
execute0_lowered:
.L_overlay_start_1:
0x0: {  	(tag) =	ssettag $0x1  }
0x1: {  	s1 =	rddreg [dreg:$0x0]  }
0x2: {  	s0 =	srdreg.scid;
	s3 =	stileid.u32  }
0x3: {  	s2 =	rddreg [dreg:$0x1];
	s0 =	sand.u32 $0x1, s0;
	s3 =	sshll.u32 s3, $0x1  }
0x4: {  	s4 =	rddreg [dreg:$0x2];
	s6 =	simm.s32 $0x0;
	s3 =	sor.u32 s0, s3  }
0x5: {  	[smem:$0x7FF] =	sst s6;
	s0 =	ssub.s32 $0x2, s0;
	s7 =	smul.u32 $0x9C400, s3  }
0x6: {  	s5 =	rddreg [dreg:$0x3];
	_ =	strace $0x80000047;
	s8 =	sshrl.u32 s0, $0x1  }
0x7: {  	s0 =	ssub.s32 s0, s8;
	s9 =	sshrl.u32 s7, $0x3;
	s7 =	smul.u32 $0x1388, s3  }
0x8: {  	s3 =	smul.u32 $0x4E200, s3;
	s0 =	smax.u32 s0, $0x1;
	s11 =	sadd.s32 s1, s9  }
0x9: {  	s12 =	sadd.s32 s2, s9;
	s13 =	sadd.s32 $0x271000, s9;
	[dreg:$0x17] =	wrdreg s0  }
0xa: {  	s10 =	sadd.s32 $0x4E2000, s9;
	s15 =	sadd.s32 $0x753000, s9;
	[dreg:$0x5] =	wrdreg s11  }
0xb: {  	[dreg:$0x6] =	wrdreg s12;
	s11 =	sadd.s32 s1, s13;
	s8 =	sadd.s32 s2, s13  }
0xc: {  	s14 =	sadd.s32 s1, s10;
	s13 =	sadd.s32 $0x14, s7;
	[dreg:$0x7] =	wrdreg s11  }
0xd: {  	s16 =	sadd.s32 s2, s10;
	s17 =	sadd.s32 s1, s15;
	[dreg:$0x8] =	wrdreg s8  }
0xe: {  	s3 =	sadd.s32 s4, s3;
	s29 =	sadd.s32 $0x28, s7;
	[dreg:$0x9] =	wrdreg s14  }
0xf: {  	s30 =	sadd.s32 $0x3C, s7;
	s10 =	simm.s32 $0x8C00;
	[dreg:$0xa] =	wrdreg s16  }
0x10: {  	s12 =	simm.s32 $0x9600;
	[dreg:$0xb] =	wrdreg s17;
	s18 =	sshll.u32 s13, $0x4  }
0x11: {  	s8 =	sadd.s32 s2, s15;
	[dreg:$0xd] =	wrdreg s3;
	s28 =	sshll.u32 s13, $0x6  }
0x12: {  	s11 =	simm.s32 $0x4600;
	s14 =	simm.s32 $0xC800;
	s15 =	simm.s32 $0x1  }
0x13: {  	s16 =	simm.s32 $0xF000;
	[dreg:$0xc] =	wrdreg s8;
	s19 =	sadd.s32 s1, s18  }
0x14: {  	s17 =	simm.s32 $0x2;
	s20 =	sadd.s32 s2, s18;
	[dreg:$0xe] =	wrdreg s19  }
0x15: {  	s21 =	sadd.s32 $0x271000, s18;
	s31 =	sadd.s32 s4, s28;
	[dreg:$0xf] =	wrdreg s20  }
0x16: {  	s22 =	sadd.s32 $0x4E2000, s18;
	s23 =	sadd.s32 s1, s21;
	[dreg:$0x16] =	wrdreg s31  }
0x17: {  	s26 =	sadd.s32 $0x753000, s18;
	s3 =	sadd.s32 s2, s21;
	[dreg:$0x10] =	wrdreg s23  }
.Ltmp0:
0x18: {  	s24 =	sadd.s32 s1, s22;
	[dreg:$0x11] =	wrdreg s3;
	(pc) =	sbr.rel .LBB2_1-.Ltmp0, $4  }
0x19: {  	s8 =	simm.s32 $0x8200;
	s25 =	sadd.s32 s2, s22;
	[dreg:$0x12] =	wrdreg s24  }
0x1a: {  	s18 =	simm.s32 $0x14000;
	s9 =	sadd.s32 s1, s26;
	[dreg:$0x13] =	wrdreg s25  }
0x1b: {  	s20 =	simm.s32 $0x0;
	[dreg:$0x14] =	wrdreg s9;
	s3 =	sadd.s32 s2, s26  }
0x1c: {  	s9 =	simm.s32 $0x3C00;
	[dreg:$0x15] =	wrdreg s3;
	s3 =	simm.s32 $0x3200  }
.LBB2_8:
0x1d: {  	s0 =	simm.s32 $0x3  }
0x1e: {  	_ =	swait.ge [sflag:s0], $0x5000  }
0x1f: {  	[sflag:s0] =	ssyncset.done $0x0  }
0x20: {  	s19 =	simm.s32 $0x4;
	[sflag:s0] =	ssyncadd.s32 $0xFFFFB000  }
0x21: {  	_ =	swait.ge [sflag:s19], $0x5000  }
0x22: {  	s20 =	rddreg [dreg:$0x18]  }
0x23: {  	s31 =	rddreg [dreg:$0x17];
	s20 =	sadd.s32 $0x1, s20  }
0x24: {  	p0 =	sne.s32 s20, s31  }
.Ltmp1:
0x25: {  	_ = 	snop;
	(pc) =	sbr.rel @!p0 .LBB2_9-.Ltmp1, $3  }
0x26: {  	_ =	sdelay $0x1  }
0x27: {  	[sflag:s19] =	ssyncset.done $0x0  }
0x28: {  	[sflag:s19] =	ssyncadd.s32 $0xFFFFB000  }
.LBB2_1:
0x29: {  	[dreg:$0x18] =	wrdreg s20  }
0x2a: {  	s0 =	rddreg [dreg:$0x5]  }
0x2b: {  	[tilespmem:s6], [sflag:$0x1] =	stream.linear.gather [hbm4b:s0+s6], $0xA00, $0x38;
	[tilespmem:$0x19000] =	vst v63  }
0x2c: {  	s22 =	rddreg [dreg:$0x6];
	s19 =	simm.s32 $0x5000  }
0x2d: {  	[tilespmem:s19], [sflag:$0x1] =	stream.linear.gather [hbm4b:s22+s6], $0xA00, $0x38;
	[tilespmem:$0x19000] =	vst v63  }
0x2e: {  	s23 =	rddreg [dreg:$0x7];
	s24 =	simm.s32 $0xA00  }
0x2f: {  	[tilespmem:s24], [sflag:$0x1] =	stream.linear.gather [hbm4b:s23+s6], $0xA00, $0x38;
	[tilespmem:$0x19000] =	vst v63  }
0x30: {  	s25 =	rddreg [dreg:$0x8];
	s26 =	simm.s32 $0x5A00  }
0x31: {  	[tilespmem:s26], [sflag:$0x1] =	stream.linear.gather [hbm4b:s25+s6], $0xA00, $0x38;
	[tilespmem:$0x19000] =	vst v63  }
0x32: {  	s28 =	rddreg [dreg:$0x9];
	s31 =	simm.s32 $0x1400  }
0x33: {  	[tilespmem:s31], [sflag:$0x1] =	stream.linear.gather [hbm4b:s28+s6], $0xA00, $0x38;
	[tilespmem:$0x19000] =	vst v63  }
0x34: {  	s20 =	simm.s32 $0x6400;
	s19 =	rddreg [dreg:$0xa]  }
0x35: {  	[tilespmem:s20], [sflag:$0x1] =	stream.linear.gather [hbm4b:s19+s6], $0xA00, $0x38;
	[tilespmem:$0x19000] =	vst v63  }
0x36: {  	s21 =	rddreg [dreg:$0xb];
	s22 =	simm.s32 $0x1E00  }
0x37: {  	[tilespmem:s22], [sflag:$0x1] =	stream.linear.gather [hbm4b:s21+s6], $0xA00, $0x38;
	[tilespmem:$0x19000] =	vst v63  }
0x38: {  	s23 =	rddreg [dreg:$0xc];
	s24 =	simm.s32 $0x6E00  }
0x39: {  	[tilespmem:s24], [sflag:$0x1] =	stream.linear.gather [hbm4b:s23+s6], $0xA00, $0x38;
	[tilespmem:$0x19000] =	vst v63  }
0x3a: {  	s25 =	rddreg [dreg:$0xd];
	s26 =	simm.s32 $0xA000  }
0x3b: {  	[tilespmem:s26], [sflag:$0x1] =	stream.linear.gather [hbm4b:s25+s6], $0x2800, $0x38;
	[tilespmem:$0x19000] =	vst v63  }
0x3c: {  	s28 =	rddreg [dreg:$0xe];
	s31 =	simm.s32 $0x2800  }
0x3d: {  	[tilespmem:s31], [sflag:$0x2] =	stream.linear.gather [hbm4b:s28+s6], $0xA00, $0x38;
	[tilespmem:$0x19000] =	vst v63  }
0x3e: {  	s20 =	rddreg [dreg:$0xf];
	s21 =	simm.s32 $0x7800  }
0x3f: {  	[tilespmem:s21], [sflag:$0x2] =	stream.linear.gather [hbm4b:s20+s6], $0xA00, $0x38;
	[tilespmem:$0x19000] =	vst v63  }
0x40: {  	s22 =	rddreg [dreg:$0x10]  }
0x41: {  	[tilespmem:s3], [sflag:$0x2] =	stream.linear.gather [hbm4b:s22+s6], $0xA00, $0x38;
	[tilespmem:$0x19000] =	vst v63  }
0x42: {  	s23 =	rddreg [dreg:$0x11]  }
0x43: {  	[tilespmem:s8], [sflag:$0x2] =	stream.linear.gather [hbm4b:s23+s6], $0xA00, $0x38;
	[tilespmem:$0x19000] =	vst v63  }
0x44: {  	s24 =	rddreg [dreg:$0x12]  }
0x45: {  	[tilespmem:s9], [sflag:$0x2] =	stream.linear.gather [hbm4b:s24+s6], $0xA00, $0x38;
	[tilespmem:$0x19000] =	vst v63  }
0x46: {  	s25 =	rddreg [dreg:$0x13]  }
0x47: {  	[tilespmem:s10], [sflag:$0x2] =	stream.linear.gather [hbm4b:s25+s6], $0xA00, $0x38;
	[tilespmem:$0x19000] =	vst v63  }
0x48: {  	s26 =	rddreg [dreg:$0x14]  }
0x49: {  	[tilespmem:s11], [sflag:$0x2] =	stream.linear.gather [hbm4b:s26+s6], $0xA00, $0x38;
	[tilespmem:$0x19000] =	vst v63  }
0x4a: {  	s28 =	rddreg [dreg:$0x15]  }
0x4b: {  	[tilespmem:s12], [sflag:$0x2] =	stream.linear.gather [hbm4b:s28+s6], $0xA00, $0x38;
	[tilespmem:$0x19000] =	vst v63  }
0x4c: {  	s31 =	rddreg [dreg:$0x16];
	s22 =	simm.s32 $0x0  }
0x4d: {  	[tilespmem:s14], [sflag:$0x2] =	stream.linear.gather [hbm4b:s31+s6], $0x2800, $0x38;
	[tilespmem:$0x19000] =	vst v63  }
.LBB2_2:
0x4e: {  	_ =	swait.ge [sflag:s15], $0xA00  }
0x4f: {  	[sflag:s15] =	ssyncset.done $0x0  }
0x50: {  	[sflag:s15] =	ssyncadd.s32 $0xFFFFF600  }
0x51: {  	_ =	swait.ge [sflag:s15], $0xA00  }
0x52: {  	[sflag:s15] =	ssyncset.done $0x0  }
0x53: {  	[sflag:s15] =	ssyncadd.s32 $0xFFFFF600  }
0x54: {  	_ =	swait.ge [sflag:s15], $0xA00  }
0x55: {  	[sflag:s15] =	ssyncset.done $0x0  }
0x56: {  	[sflag:s15] =	ssyncadd.s32 $0xFFFFF600  }
0x57: {  	_ =	swait.ge [sflag:s15], $0xA00  }
0x58: {  	[sflag:s15] =	ssyncset.done $0x0  }
0x59: {  	[sflag:s15] =	ssyncadd.s32 $0xFFFFF600  }
0x5a: {  	_ =	swait.ge [sflag:s15], $0xA00  }
0x5b: {  	[sflag:s15] =	ssyncset.done $0x0  }
0x5c: {  	[sflag:s15] =	ssyncadd.s32 $0xFFFFF600  }
0x5d: {  	_ =	swait.ge [sflag:s15], $0xA00  }
0x5e: {  	[sflag:s15] =	ssyncset.done $0x0  }
0x5f: {  	[sflag:s15] =	ssyncadd.s32 $0xFFFFF600  }
0x60: {  	_ =	swait.ge [sflag:s15], $0xA00  }
0x61: {  	[sflag:s15] =	ssyncset.done $0x0  }
0x62: {  	[sflag:s15] =	ssyncadd.s32 $0xFFFFF600  }
0x63: {  	_ =	swait.ge [sflag:s15], $0xA00  }
0x64: {  	[sflag:s15] =	ssyncset.done $0x0  }
0x65: {  	[sflag:s15] =	ssyncadd.s32 $0xFFFFF600  }
0x66: {  	_ =	swait.ge [sflag:s15], $0x2800  }
0x67: {  	p0 =	seq.s32 s22, $0x0;
	[sflag:s15] =	ssyncset.done $0x0  }
0x68: {  	s0 =	simm.s32 @!p0 $0x3;
	[sflag:s15] =	ssyncadd.s32 $0xFFFFD800  }
0x69: {  	_ =	swait.ge @!p0 [sflag:s0], $0x5000  }
0x6a: {  	[sflag:s0] =	ssyncset.done @!p0 $0x0  }
0x6b: {  	s24 =	simm.s32 $0xA100;
	[sflag:s0] =	ssyncadd.s32 @!p0 $0xFFFFB000  }
0x6c: {  	v0 =	vld [tilespmem:s24+$0xFFFFFF00]  }
0x6d: {  	v1 =	vld [tilespmem:s24+$0x0]  }
0x6e: {  	s25 =	simm.s32 $0xA40;
	v2 =	vld [tilespmem:s24+$0x80]  }
0x6f: {  	v3 =	vld [tilespmem:s25+$0xFFFFF5C0]  }
0x70: {  	v4 =	vld [tilespmem:s25+$0x45C0]  }
0x71: {  	v5 =	vld [tilespmem:s25+$0xFFFFFFC0]  }
0x72: {  	v6 =	vld [tilespmem:s25+$0x4FC0]  }
0x73: {  	v7 =	vld [tilespmem:s25+$0x9C0]  }
0x74: {  	v8 =	vld [tilespmem:s25+$0x59C0]  }
0x75: {  	v9 =	vld [tilespmem:s25+$0x13C0]  }
0x76: {  	v10 =	vld [tilespmem:s25+$0x63C0];
	v0 =	vmul.f32 v0, v3  }
0x77: {  	v1 =	vmul.f32 v1, v3;
	v3 =	vmul.f32 v6, v5  }
0x78: {  	v11 =	vld [tilespmem:s24+$0xFFFFFF80];
	v2 =	vmul.f32 v2, v4;
	v0 =	vmul.f32 v0, v4  }
0x79: {  	s23 =	simm.s32 $0xF200;
	v4 =	vmul.f32 v8, v7;
	v6 =	vmul.f32 v1, v6  }
0x7a: {  	[tilespmem:s23+$0xFFFFFE00] =	vst v0;
	v0 =	vmul.f32 v2, v5  }
0x7b: {  	v3 =	vadd.f32 v4, v3;
	v4 =	vmul.f32 v10, v9;
	[tilespmem:s23+$0xFFFFFF00] =	vst v6;
	v5 =	vmul.f32 v1, v8  }
0x7c: {  	v1 =	vmul.f32 v1, v10;
	[tilespmem:s23+$0x80] =	vst v0  }
0x7d: {  	v6 =	vmul.f32 $5.773502590e-01, v11;
	v0 =	vmul.f32 v2, v7;
	v3 =	vadd.f32 v4, v3;
	[tilespmem:s23+$0xFFFFFF80] =	vst v5  }
0x7e: {  	v2 =	vmul.f32 v2, v9;
	[tilespmem:s23+$0x0] =	vst v1  }
0x7f: {  	[tilespmem:s23+$0x100] =	vst v0;
	v0 =	vmul.f32 v6, v3  }
0x80: {  	[tilespmem:s23+$0x180] =	vst v2  }
0x81: {  	[tilespmem:s23+$0xFFFFFE80] =	vst v0  }
0x82: {  	v0 =	vld [tilespmem:s25+$0xFFFFF5D0]  }
0x83: {  	v1 =	vld [tilespmem:s25+$0x45D0]  }
0x84: {  	v2 =	vld [tilespmem:s24+$0xFFFFFF10]  }
0x85: {  	v3 =	vld [tilespmem:s24+$0x10]  }
0x86: {  	v4 =	vld [tilespmem:s24+$0x90]  }
0x87: {  	v5 =	vld [tilespmem:s25+$0xFFFFFFD0]  }
0x88: {  	v6 =	vld [tilespmem:s25+$0x9D0]  }
0x89: {  	v8 =	vld [tilespmem:s25+$0x59D0]  }
0x8a: {  	v7 =	vld [tilespmem:s25+$0x4FD0]  }
0x8b: {  	v9 =	vld [tilespmem:s25+$0x13D0]  }
0x8c: {  	v10 =	vld [tilespmem:s25+$0x63D0];
	v2 =	vmul.f32 v2, v0  }
0x8d: {  	v0 =	vmul.f32 v3, v0;
	v3 =	vmul.f32 v4, v1  }
0x8e: {  	v4 =	vld [tilespmem:s24+$0xFFFFFF90];
	v11 =	vmul.f32 v8, v6;
	v1 =	vmul.f32 v2, v1  }
0x8f: {  	v2 =	vmul.f32 v7, v5;
	v7 =	vmul.f32 v0, v7  }
0x90: {  	[tilespmem:s23+$0xFFFFFE10] =	vst v1;
	v1 =	vmul.f32 v3, v5  }
0x91: {  	v2 =	vadd.f32 v11, v2;
	v5 =	vmul.f32 v10, v9;
	[tilespmem:s23+$0xFFFFFF10] =	vst v7;
	v7 =	vmul.f32 v0, v8  }
0x92: {  	[tilespmem:s23+$0x90] =	vst v1;
	v1 =	vmul.f32 v3, v6  }
0x93: {  	v0 =	vmul.f32 v0, v10;
	v4 =	vmul.f32 $5.773502590e-01, v4;
	v2 =	vadd.f32 v5, v2;
	[tilespmem:s23+$0xFFFFFF90] =	vst v7  }
0x94: {  	[tilespmem:s23+$0x110] =	vst v1;
	v1 =	vmul.f32 v3, v9  }
0x95: {  	[tilespmem:s23+$0x10] =	vst v0;
	v2 =	vmul.f32 v4, v2  }
0x96: {  	[tilespmem:s23+$0x190] =	vst v1  }
0x97: {  	[tilespmem:s23+$0xFFFFFE90] =	vst v2  }
0x98: {  	v0 =	vld [tilespmem:s25+$0xFFFFF5E0]  }
0x99: {  	v1 =	vld [tilespmem:s25+$0x45E0]  }
0x9a: {  	v2 =	vld [tilespmem:s24+$0xFFFFFF20]  }
0x9b: {  	v3 =	vld [tilespmem:s24+$0x20]  }
0x9c: {  	v4 =	vld [tilespmem:s24+$0xA0]  }
0x9d: {  	v5 =	vld [tilespmem:s25+$0xFFFFFFE0]  }
0x9e: {  	v6 =	vld [tilespmem:s25+$0x4FE0]  }
0x9f: {  	v7 =	vld [tilespmem:s25+$0x9E0]  }
0xa0: {  	v8 =	vld [tilespmem:s25+$0x59E0]  }
0xa1: {  	v9 =	vld [tilespmem:s25+$0x13E0]  }
0xa2: {  	v10 =	vld [tilespmem:s25+$0x63E0];
	v2 =	vmul.f32 v2, v0  }
0xa3: {  	v0 =	vmul.f32 v3, v0;
	v3 =	vmul.f32 v6, v5  }
0xa4: {  	v4 =	vmul.f32 v4, v1;
	v1 =	vmul.f32 v2, v1;
	v2 =	vld [tilespmem:s24+$0xFFFFFFA0]  }
0xa5: {  	v11 =	vmul.f32 v8, v7;
	v6 =	vmul.f32 v0, v6  }
0xa6: {  	[tilespmem:s23+$0xFFFFFE20] =	vst v1;
	v1 =	vmul.f32 v4, v5  }
0xa7: {  	v3 =	vadd.f32 v11, v3;
	[tilespmem:s23+$0xFFFFFF20] =	vst v6;
	v5 =	vmul.f32 v0, v8;
	v6 =	vmul.f32 v10, v9  }
0xa8: {  	[tilespmem:s23+$0xA0] =	vst v1;
	v1 =	vmul.f32 v4, v7  }
0xa9: {  	v0 =	vmul.f32 v0, v10;
	[tilespmem:s23+$0xFFFFFFA0] =	vst v5;
	v3 =	vadd.f32 v6, v3;
	v2 =	vmul.f32 $5.773502590e-01, v2  }
0xaa: {  	[tilespmem:s23+$0x120] =	vst v1;
	v1 =	vmul.f32 v4, v9  }
0xab: {  	s26 =	simm.s32 $0xA300;
	[tilespmem:s23+$0x20] =	vst v0;
	v0 =	vmul.f32 v2, v3  }
0xac: {  	v13 =	vld [tilespmem:s26+$0x0];
	[tilespmem:s23+$0x1A0] =	vst v1  }
0xad: {  	v14 =	vld [tilespmem:s26+$0x80];
	[tilespmem:s23+$0xFFFFFEA0] =	vst v0  }
0xae: {  	v0 =	vld [tilespmem:s25+$0xFFFFF5F0]  }
0xaf: {  	v3 =	vld [tilespmem:s25+$0x45F0]  }
0xb0: {  	v4 =	vld [tilespmem:s24+$0xFFFFFF30]  }
0xb1: {  	v5 =	vld [tilespmem:s24+$0x30]  }
0xb2: {  	v6 =	vld [tilespmem:s24+$0xB0]  }
0xb3: {  	v7 =	vld [tilespmem:s25+$0xFFFFFFF0]  }
0xb4: {  	v8 =	vld [tilespmem:s25+$0x9F0]  }
0xb5: {  	v10 =	vld [tilespmem:s25+$0x59F0]  }
0xb6: {  	v9 =	vld [tilespmem:s25+$0x4FF0]  }
0xb7: {  	v11 =	vld [tilespmem:s25+$0x13F0]  }
0xb8: {  	s19 =	simm.s32 $0xAC0;
	v12 =	vld [tilespmem:s25+$0x63F0];
	v4 =	vmul.f32 v4, v0  }
0xb9: {  	v16 =	vld [tilespmem:s19+$0xFFFFF5C0];
	v0 =	vmul.f32 v5, v0;
	v5 =	vmul.f32 v6, v3  }
0xba: {  	v6 =	vld [tilespmem:s24+$0xFFFFFFB0];
	v15 =	vmul.f32 v10, v8;
	v3 =	vmul.f32 v4, v3  }
0xbb: {  	v2 =	vld [tilespmem:s26+$0xFFFFFF00];
	v4 =	vmul.f32 v9, v7;
	v9 =	vmul.f32 v0, v9  }
0xbc: {  	v1 =	vld [tilespmem:s26+$0xFFFFFF80];
	[tilespmem:s23+$0xFFFFFE30] =	vst v3;
	v3 =	vmul.f32 v5, v7  }
0xbd: {  	v7 =	vld [tilespmem:s19+$0x45C0];
	v4 =	vadd.f32 v15, v4;
	v15 =	vmul.f32 v12, v11;
	[tilespmem:s23+$0xFFFFFF30] =	vst v9;
	v9 =	vmul.f32 v0, v10  }
0xbe: {  	v10 =	vld [tilespmem:s19+$0x13C0];
	[tilespmem:s23+$0xB0] =	vst v3;
	v3 =	vmul.f32 v5, v8  }
0xbf: {  	v0 =	vmul.f32 v0, v12;
	v6 =	vmul.f32 $5.773502590e-01, v6;
	v8 =	vld [tilespmem:s19+$0x63C0];
	v4 =	vadd.f32 v15, v4;
	[tilespmem:s23+$0xFFFFFFB0] =	vst v9  }
0xc0: {  	v9 =	vld [tilespmem:s19+$0xFFFFFFC0];
	[tilespmem:s23+$0x130] =	vst v3;
	v3 =	vmul.f32 v5, v11  }
0xc1: {  	[tilespmem:s23+$0x30] =	vst v0;
	v0 =	vld [tilespmem:s19+$0x4FC0];
	v4 =	vmul.f32 v6, v4  }
0xc2: {  	v5 =	vld [tilespmem:s19+$0x9C0];
	[tilespmem:s23+$0x1B0] =	vst v3  }
0xc3: {  	v3 =	vld [tilespmem:s19+$0x59C0];
	[tilespmem:s23+$0xFFFFFEB0] =	vst v4  }
0xc4: {  	v4 =	vld [tilespmem:s25+$0xFFFFF600]  }
0xc5: {  	v11 =	vmul.f32 v13, v16;
	v6 =	vld [tilespmem:s25+$0x4600]  }
0xc6: {  	v2 =	vmul.f32 v2, v16;
	v14 =	vmul.f32 v14, v7;
	v12 =	vld [tilespmem:s24+$0xFFFFFF40]  }
0xc7: {  	v13 =	vmul.f32 v0, v9;
	v15 =	vld [tilespmem:s24+$0x40];
	v0 =	vmul.f32 v11, v0  }
0xc8: {  	s28 =	simm.s32 $0xF600;
	v2 =	vmul.f32 v2, v7;
	v16 =	vld [tilespmem:s24+$0xC0];
	v7 =	vmul.f32 v3, v5  }
0xc9: {  	v17 =	vld [tilespmem:s25+$0x0];
	[tilespmem:s28+$0xFFFFFF00] =	vst v0;
	v0 =	vmul.f32 v11, v3  }
0xca: {  	[tilespmem:s28+$0xFFFFFE00] =	vst v2;
	v3 =	vld [tilespmem:s25+$0x5000];
	v5 =	vmul.f32 v14, v5;
	v2 =	vadd.f32 v7, v13;
	v7 =	vmul.f32 v8, v10  }
0xcb: {  	v1 =	vmul.f32 $5.773502590e-01, v1;
	v9 =	vmul.f32 v14, v9;
	v13 =	vld [tilespmem:s25+$0xA00];
	[tilespmem:s28+$0xFFFFFF80] =	vst v0  }
0xcc: {  	v0 =	vmul.f32 v11, v8;
	[tilespmem:s28+$0x100] =	vst v5;
	v5 =	vmul.f32 v12, v4;
	v2 =	vadd.f32 v7, v2;
	v7 =	vld [tilespmem:s25+$0x5A00]  }
0xcd: {  	[tilespmem:s28+$0x80] =	vst v9;
	v9 =	vld [tilespmem:s25+$0x1400];
	v8 =	vmul.f32 v14, v10  }
0xce: {  	[tilespmem:s28+$0x0] =	vst v0;
	v5 =	vmul.f32 v5, v6;
	v1 =	vmul.f32 v1, v2;
	v2 =	vld [tilespmem:s25+$0x6400]  }
0xcf: {  	v0 =	vmul.f32 v15, v4;
	v4 =	vmul.f32 v16, v6;
	[tilespmem:s28+$0x180] =	vst v8  }
0xd0: {  	v8 =	vld [tilespmem:s24+$0xFFFFFFC0];
	v6 =	vmul.f32 v3, v17;
	[tilespmem:s23+$0xFFFFFE40] =	vst v5  }
0xd1: {  	v5 =	vmul.f32 v4, v17;
	[tilespmem:s28+$0xFFFFFE80] =	vst v1;
	v1 =	vmul.f32 v7, v13  }
0xd2: {  	v3 =	vmul.f32 v0, v3  }
0xd3: {  	[tilespmem:s23+$0xC0] =	vst v5;
	v5 =	vmul.f32 v4, v13;
	v1 =	vadd.f32 v1, v6;
	v6 =	vmul.f32 v2, v9  }
0xd4: {  	[tilespmem:s23+$0xFFFFFF40] =	vst v3;
	v3 =	vmul.f32 v0, v7  }
0xd5: {  	v7 =	vmul.f32 $5.773502590e-01, v8;
	[tilespmem:s23+$0x140] =	vst v5;
	v0 =	vmul.f32 v0, v2;
	v1 =	vadd.f32 v6, v1  }
0xd6: {  	[tilespmem:s23+$0xFFFFFFC0] =	vst v3;
	v2 =	vmul.f32 v4, v9  }
0xd7: {  	[tilespmem:s23+$0x40] =	vst v0;
	v1 =	vmul.f32 v7, v1  }
0xd8: {  	v13 =	vld [tilespmem:s26+$0xFFFFFF10];
	[tilespmem:s23+$0x1C0] =	vst v2  }
0xd9: {  	v14 =	vld [tilespmem:s26+$0xFFFFFF90];
	[tilespmem:s23+$0xFFFFFEC0] =	vst v1  }
0xda: {  	v1 =	vld [tilespmem:s25+$0xFFFFF610]  }
0xdb: {  	v3 =	vld [tilespmem:s25+$0x4610]  }
0xdc: {  	v4 =	vld [tilespmem:s24+$0xFFFFFF50]  }
0xdd: {  	v5 =	vld [tilespmem:s24+$0x50]  }
0xde: {  	v6 =	vld [tilespmem:s24+$0xD0]  }
0xdf: {  	v7 =	vld [tilespmem:s25+$0x10]  }
0xe0: {  	v8 =	vld [tilespmem:s25+$0xA10]  }
0xe1: {  	v10 =	vld [tilespmem:s25+$0x5A10]  }
0xe2: {  	v9 =	vld [tilespmem:s25+$0x5010]  }
0xe3: {  	v11 =	vld [tilespmem:s25+$0x1410]  }
0xe4: {  	v12 =	vld [tilespmem:s25+$0x6410];
	v4 =	vmul.f32 v4, v1  }
0xe5: {  	v16 =	vld [tilespmem:s26+$0x10];
	v1 =	vmul.f32 v5, v1;
	v5 =	vmul.f32 v6, v3  }
0xe6: {  	v6 =	vld [tilespmem:s24+$0xFFFFFFD0];
	v15 =	vmul.f32 v10, v8;
	v3 =	vmul.f32 v4, v3  }
0xe7: {  	v0 =	vld [tilespmem:s19+$0xFFFFF5D0];
	v4 =	vmul.f32 v9, v7;
	v9 =	vmul.f32 v1, v9  }
0xe8: {  	v2 =	vld [tilespmem:s19+$0x45D0];
	[tilespmem:s23+$0xFFFFFE50] =	vst v3;
	v3 =	vmul.f32 v5, v7  }
0xe9: {  	v7 =	vld [tilespmem:s26+$0x90];
	v4 =	vadd.f32 v15, v4;
	v15 =	vmul.f32 v12, v11;
	[tilespmem:s23+$0xFFFFFF50] =	vst v9;
	v9 =	vmul.f32 v1, v10  }
0xea: {  	v10 =	vld [tilespmem:s19+$0xFFFFFFD0];
	[tilespmem:s23+$0xD0] =	vst v3;
	v3 =	vmul.f32 v5, v8  }
0xeb: {  	v1 =	vmul.f32 v1, v12;
	v6 =	vmul.f32 $5.773502590e-01, v6;
	v8 =	vld [tilespmem:s19+$0x9D0];
	v4 =	vadd.f32 v15, v4;
	[tilespmem:s23+$0xFFFFFFD0] =	vst v9  }
0xec: {  	v9 =	vld [tilespmem:s19+$0x4FD0];
	[tilespmem:s23+$0x150] =	vst v3;
	v3 =	vmul.f32 v5, v11  }
0xed: {  	[tilespmem:s23+$0x50] =	vst v1;
	v1 =	vld [tilespmem:s19+$0x13D0];
	v4 =	vmul.f32 v6, v4  }
0xee: {  	v5 =	vld [tilespmem:s19+$0x59D0];
	[tilespmem:s23+$0x1D0] =	vst v3  }
0xef: {  	v3 =	vld [tilespmem:s19+$0x63D0];
	[tilespmem:s23+$0xFFFFFED0] =	vst v4  }
0xf0: {  	v6 =	vmul.f32 v13, v0;
	v4 =	vld [tilespmem:s25+$0xFFFFF620]  }
0xf1: {  	v0 =	vmul.f32 v16, v0;
	v7 =	vmul.f32 v7, v2;
	v11 =	vld [tilespmem:s25+$0x4620]  }
0xf2: {  	v2 =	vmul.f32 v6, v2;
	v12 =	vld [tilespmem:s24+$0xFFFFFF60];
	v6 =	vmul.f32 v9, v10  }
0xf3: {  	v13 =	vld [tilespmem:s24+$0x60];
	v9 =	vmul.f32 v0, v9;
	v15 =	vmul.f32 v5, v8  }
0xf4: {  	v16 =	vld [tilespmem:s24+$0xE0];
	[tilespmem:s28+$0xFFFFFE10] =	vst v2;
	v2 =	vmul.f32 v7, v10  }
0xf5: {  	v10 =	vld [tilespmem:s25+$0x20];
	[tilespmem:s28+$0xFFFFFF10] =	vst v9;
	v5 =	vmul.f32 v0, v5;
	v6 =	vadd.f32 v15, v6;
	v15 =	vmul.f32 v3, v1  }
0xf6: {  	[tilespmem:s28+$0x90] =	vst v2;
	v2 =	vmul.f32 v7, v8;
	v8 =	vld [tilespmem:s25+$0x5020]  }
0xf7: {  	v14 =	vmul.f32 $5.773502590e-01, v14;
	v9 =	vld [tilespmem:s25+$0xA20];
	[tilespmem:s28+$0xFFFFFF90] =	vst v5;
	v0 =	vmul.f32 v0, v3;
	v6 =	vadd.f32 v15, v6  }
0xf8: {  	v3 =	vld [tilespmem:s25+$0x5A20];
	v1 =	vmul.f32 v7, v1;
	[tilespmem:s28+$0x110] =	vst v2  }
0xf9: {  	v2 =	vld [tilespmem:s25+$0x1420];
	[tilespmem:s28+$0x10] =	vst v0;
	v5 =	vmul.f32 v14, v6  }
0xfa: {  	v0 =	vld [tilespmem:s25+$0x6420];
	[tilespmem:s28+$0x190] =	vst v1;
	v1 =	vmul.f32 v13, v4;
	v6 =	vmul.f32 v12, v4  }
0xfb: {  	v4 =	vmul.f32 v16, v11;
	v7 =	vmul.f32 v8, v10;
	[tilespmem:s28+$0xFFFFFE90] =	vst v5;
	v5 =	vld [tilespmem:s24+$0xFFFFFFE0]  }
0xfc: {  	v8 =	vmul.f32 v1, v8;
	v6 =	vmul.f32 v6, v11;
	v11 =	vld [tilespmem:s19+$0xFFFFF5E0]  }
0xfd: {  	v12 =	vmul.f32 v3, v9;
	v14 =	vld [tilespmem:s19+$0x45E0]  }
0xfe: {  	v3 =	vmul.f32 v1, v3;
	[tilespmem:s23+$0xFFFFFF60] =	vst v8;
	v13 =	vld [tilespmem:s26+$0xFFFFFF20]  }
0xff: {  	v7 =	vadd.f32 v12, v7;
	v8 =	vld [tilespmem:s26+$0x20];
	[tilespmem:s23+$0xFFFFFE60] =	vst v6;
	v6 =	vmul.f32 v4, v10;
	v10 =	vmul.f32 v0, v2  }
0x100: {  	v16 =	vld [tilespmem:s26+$0xA0];
	[tilespmem:s23+$0xFFFFFFE0] =	vst v3;
	v0 =	vmul.f32 v1, v0  }
0x101: {  	v17 =	vld [tilespmem:s19+$0xFFFFFFE0];
	v1 =	vmul.f32 v4, v2;
	[tilespmem:s23+$0xE0] =	vst v6;
	v7 =	vadd.f32 v10, v7;
	v5 =	vmul.f32 $5.773502590e-01, v5  }
0x102: {  	v6 =	vmul.f32 v4, v9;
	v10 =	vld [tilespmem:s19+$0x9E0];
	[tilespmem:s23+$0x60] =	vst v0  }
0x103: {  	[tilespmem:s23+$0x1E0] =	vst v1;
	v9 =	vld [tilespmem:s19+$0x13E0];
	v2 =	vmul.f32 v5, v7  }
0x104: {  	[tilespmem:s23+$0x160] =	vst v6;
	v6 =	vld [tilespmem:s19+$0x4FE0]  }
0x105: {  	v7 =	vld [tilespmem:s19+$0x59E0];
	[tilespmem:s23+$0xFFFFFEE0] =	vst v2  }
0x106: {  	v2 =	vld [tilespmem:s25+$0x30]  }
0x107: {  	v1 =	vld [tilespmem:s25+$0xA30]  }
0x108: {  	v5 =	vld [tilespmem:s25+$0x5030]  }
0x109: {  	v4 =	vld [tilespmem:s25+$0x5A30]  }
0x10a: {  	v18 =	vmul.f32 v13, v11;
	v0 =	vld [tilespmem:s25+$0x1430]  }
0x10b: {  	v12 =	vmul.f32 v8, v11;
	v3 =	vld [tilespmem:s25+$0x6430]  }
0x10c: {  	v11 =	vmul.f32 v16, v14;
	v13 =	vld [tilespmem:s19+$0x63E0];
	v8 =	vmul.f32 v18, v14  }
0x10d: {  	v15 =	vmul.f32 v6, v17;
	v19 =	vmul.f32 v12, v6;
	v6 =	vld [tilespmem:s24+$0xFFFFFFF0]  }
0x10e: {  	v14 =	vld [tilespmem:s26+$0xFFFFFFA0];
	v20 =	vmul.f32 v5, v2;
	v21 =	vmul.f32 v4, v1  }
0x10f: {  	v16 =	vmul.f32 v11, v17;
	[tilespmem:s28+$0xFFFFFE20] =	vst v8;
	v18 =	vmul.f32 v7, v10  }
0x110: {  	s20 =	simm.s32 $0x2D00;
	s0 =	simm.s32 $0xA500;
	v17 =	vmul.f32 v12, v7;
	[tilespmem:s28+$0xFFFFFF20] =	vst v19;
	v8 =	vmul.f32 v3, v0;
	v7 =	vadd.f32 v21, v20  }
.LBB2_3:
0x111: {  	v19 =	vld [tilespmem:s0+$0xFFFFFF00];
	p1 =	sne.s32 s20, $0x4F00;
	v15 =	vadd.f32 v18, v15;
	v18 =	vmul.f32 v13, v9;
	[tilespmem:s28+$0xA0] =	vst v16;
	v10 =	vmul.f32 v11, v10  }
0x112: {  	v12 =	vmul.f32 v12, v13;
	[tilespmem:s28+$0xFFFFFFA0] =	vst v17;
	v13 =	vld [tilespmem:s25+$0xFFFFF630];
	v6 =	vmul.f32 $5.773502590e-01, v6;
	v7 =	vadd.f32 v8, v7  }
0x113: {  	v9 =	vmul.f32 v11, v9;
	v8 =	vmul.f32 $5.773502590e-01, v14;
	v14 =	vadd.f32 v18, v15;
	[tilespmem:s28+$0x120] =	vst v10;
	v10 =	vld [tilespmem:s25+$0x4630];
	s25 =	smov.u32 s19  }
0x114: {  	[tilespmem:s28+$0x20] =	vst v12;
	v11 =	vld [tilespmem:s24+$0xFFFFFF70];
	v6 =	vmul.f32 v6, v7  }
0x115: {  	v7 =	vmul.f32 v8, v14;
	[tilespmem:s28+$0x1A0] =	vst v9;
	v8 =	vld [tilespmem:s24+$0x70]  }
0x116: {  	v9 =	vld [tilespmem:s24+$0xF0];
	[tilespmem:s23+$0xFFFFFEF0] =	vst v6;
	s24 =	smov.u32 s26;
	s26 =	smov.u32 s0  }
0x117: {  	v6 =	vld [tilespmem:s0+$0xFFFFFF80];
	[tilespmem:s28+$0xFFFFFEA0] =	vst v7  }
0x118: {  	v7 =	vld [tilespmem:s25+$0xFFFFF5F0]  }
0x119: {  	v12 =	vld [tilespmem:s25+$0x45F0];
	v11 =	vmul.f32 v11, v13  }
0x11a: {  	v14 =	vld [tilespmem:s24+$0xFFFFFF30];
	v8 =	vmul.f32 v8, v13  }
0x11b: {  	v13 =	vld [tilespmem:s24+$0x30];
	v11 =	vmul.f32 v11, v10;
	v9 =	vmul.f32 v9, v10  }
0x11c: {  	v10 =	vld [tilespmem:s24+$0xB0];
	v5 =	vmul.f32 v8, v5;
	v4 =	vmul.f32 v8, v4  }
0x11d: {  	v15 =	vld [tilespmem:s25+$0xFFFFFFF0];
	[tilespmem:s23+$0xFFFFFE70] =	vst v11;
	v2 =	vmul.f32 v9, v2;
	v1 =	vmul.f32 v9, v1  }
0x11e: {  	v3 =	vmul.f32 v8, v3;
	v0 =	vmul.f32 v9, v0;
	v11 =	vld [tilespmem:s25+$0x9F0];
	[tilespmem:s23+$0xFFFFFF70] =	vst v5  }
0x11f: {  	v5 =	vld [tilespmem:s25+$0x4FF0];
	[tilespmem:s23+$0xF0] =	vst v2  }
0x120: {  	v2 =	vld [tilespmem:s25+$0x59F0];
	[tilespmem:s23+$0xFFFFFFF0] =	vst v4  }
0x121: {  	v4 =	vld [tilespmem:s25+$0x13F0];
	[tilespmem:s23+$0x170] =	vst v1  }
0x122: {  	v8 =	vmul.f32 v14, v7;
	v1 =	vld [tilespmem:s25+$0x63F0];
	[tilespmem:s23+$0x70] =	vst v3  }
0x123: {  	v7 =	vmul.f32 v13, v7;
	v9 =	vmul.f32 v10, v12;
	v3 =	vld [tilespmem:s0+$0x0];
	[tilespmem:s23+$0x1F0] =	vst v0;
	s23 =	smov.u32 s28  }
0x124: {  	v8 =	vmul.f32 v8, v12;
	v0 =	vld [tilespmem:s24+$0xFFFFFFB0];
	v10 =	vmul.f32 v5, v15  }
0x125: {  	s19 =	sshra.s32 s20, $0x2;
	v5 =	vmul.f32 v7, v5;
	v12 =	vld [tilespmem:s0+$0x80];
	v13 =	vmul.f32 v2, v11  }
0x126: {  	v14 =	vld [tilespmem:s19+$0xFFFFF5C0];
	[tilespmem:s28+$0xFFFFFE30] =	vst v8;
	v8 =	vmul.f32 v9, v15  }
0x127: {  	v2 =	vmul.f32 v7, v2;
	v15 =	vld [tilespmem:s19+$0x45C0];
	v10 =	vadd.f32 v13, v10;
	v13 =	vmul.f32 v1, v4;
	[tilespmem:s28+$0xFFFFFF30] =	vst v5  }
0x128: {  	v5 =	vld [tilespmem:s19+$0x13C0];
	[tilespmem:s28+$0xB0] =	vst v8;
	v8 =	vmul.f32 v9, v11  }
0x129: {  	v1 =	vmul.f32 v7, v1;
	v11 =	vld [tilespmem:s19+$0x63C0];
	v0 =	vmul.f32 $5.773502590e-01, v0;
	v10 =	vadd.f32 v13, v10;
	[tilespmem:s28+$0xFFFFFFB0] =	vst v2  }
0x12a: {  	v4 =	vmul.f32 v9, v4;
	v2 =	vld [tilespmem:s19+$0xFFFFFFC0];
	[tilespmem:s28+$0x130] =	vst v8  }
0x12b: {  	v7 =	vld [tilespmem:s19+$0x9C0];
	v0 =	vmul.f32 v0, v10;
	[tilespmem:s28+$0x30] =	vst v1  }
0x12c: {  	v1 =	vld [tilespmem:s19+$0x4FC0];
	[tilespmem:s28+$0x1B0] =	vst v4  }
0x12d: {  	v4 =	vld [tilespmem:s19+$0x59C0];
	[tilespmem:s28+$0xFFFFFEB0] =	vst v0  }
0x12e: {  	v0 =	vld [tilespmem:s25+$0xFFFFF600]  }
0x12f: {  	v8 =	vld [tilespmem:s25+$0x4600]  }
0x130: {  	v9 =	vmul.f32 v19, v14;
	v3 =	vmul.f32 v3, v14;
	v10 =	vld [tilespmem:s24+$0xFFFFFF40]  }
0x131: {  	v12 =	vmul.f32 v12, v15;
	v13 =	vmul.f32 v1, v2;
	v14 =	vld [tilespmem:s24+$0x40]  }
0x132: {  	v9 =	vmul.f32 v9, v15;
	v15 =	vmul.f32 v4, v7;
	v16 =	vld [tilespmem:s24+$0xC0]  }
0x133: {  	s28 =	sadd.s32 $0x400, s28;
	v1 =	vmul.f32 v3, v1;
	v17 =	vld [tilespmem:s25+$0x0]  }
0x134: {  	v2 =	vmul.f32 v12, v2;
	[tilespmem:s28+$0xFFFFFE00] =	vst v9;
	v9 =	vadd.f32 v15, v13;
	v13 =	vmul.f32 v11, v5;
	v15 =	vld [tilespmem:s25+$0xA00]  }
0x135: {  	[tilespmem:s28+$0xFFFFFF00] =	vst v1;
	v1 =	vmul.f32 v3, v4;
	v4 =	vld [tilespmem:s25+$0x5000]  }
0x136: {  	v6 =	vmul.f32 $5.773502590e-01, v6;
	v9 =	vadd.f32 v13, v9;
	[tilespmem:s28+$0x80] =	vst v2;
	v2 =	vmul.f32 v12, v7;
	v7 =	vld [tilespmem:s25+$0x5A00]  }
0x137: {  	[tilespmem:s28+$0xFFFFFF80] =	vst v1;
	v1 =	vmul.f32 v3, v11;
	v3 =	vmul.f32 v12, v5;
	v5 =	vld [tilespmem:s25+$0x1400]  }
0x138: {  	v6 =	vmul.f32 v6, v9;
	[tilespmem:s28+$0x100] =	vst v2;
	v2 =	vld [tilespmem:s25+$0x6400];
	v9 =	vmul.f32 v10, v0  }
0x139: {  	v0 =	vmul.f32 v14, v0;
	[tilespmem:s28+$0x0] =	vst v1;
	v1 =	vmul.f32 v16, v8  }
0x13a: {  	[tilespmem:s28+$0x180] =	vst v3;
	v3 =	vld [tilespmem:s24+$0xFFFFFFC0];
	v8 =	vmul.f32 v9, v8;
	v9 =	vmul.f32 v4, v17  }
0x13b: {  	v4 =	vmul.f32 v0, v4;
	[tilespmem:s28+$0xFFFFFE80] =	vst v6;
	v6 =	vmul.f32 v7, v15  }
0x13c: {  	[tilespmem:s23+$0xFFFFFE40] =	vst v8;
	v8 =	vmul.f32 v1, v17  }
0x13d: {  	v6 =	vadd.f32 v6, v9;
	v9 =	vmul.f32 v2, v5;
	[tilespmem:s23+$0xFFFFFF40] =	vst v4;
	v4 =	vmul.f32 v0, v7  }
0x13e: {  	v7 =	vmul.f32 v1, v15;
	[tilespmem:s23+$0xC0] =	vst v8  }
0x13f: {  	v0 =	vmul.f32 v0, v2;
	v3 =	vmul.f32 $5.773502590e-01, v3;
	v6 =	vadd.f32 v9, v6;
	[tilespmem:s23+$0xFFFFFFC0] =	vst v4  }
0x140: {  	v1 =	vmul.f32 v1, v5;
	[tilespmem:s23+$0x140] =	vst v7  }
0x141: {  	v2 =	vmul.f32 v3, v6;
	[tilespmem:s23+$0x40] =	vst v0  }
0x142: {  	v0 =	vld [tilespmem:s19+$0xFFFFF5D0];
	[tilespmem:s23+$0x1C0] =	vst v1  }
0x143: {  	v1 =	vld [tilespmem:s19+$0x45D0];
	[tilespmem:s23+$0xFFFFFEC0] =	vst v2  }
0x144: {  	v2 =	vld [tilespmem:s25+$0xFFFFF610]  }
0x145: {  	v3 =	vld [tilespmem:s25+$0x4610]  }
0x146: {  	v4 =	vld [tilespmem:s24+$0xFFFFFF50]  }
0x147: {  	v5 =	vld [tilespmem:s24+$0x50]  }
0x148: {  	v6 =	vld [tilespmem:s24+$0xD0]  }
0x149: {  	v7 =	vld [tilespmem:s25+$0x10]  }
0x14a: {  	v8 =	vld [tilespmem:s25+$0xA10]  }
0x14b: {  	v9 =	vld [tilespmem:s25+$0x5010]  }
0x14c: {  	v10 =	vld [tilespmem:s25+$0x5A10]  }
0x14d: {  	v11 =	vld [tilespmem:s25+$0x1410]  }
0x14e: {  	v4 =	vmul.f32 v4, v2;
	v12 =	vld [tilespmem:s25+$0x6410]  }
0x14f: {  	v2 =	vmul.f32 v5, v2;
	v5 =	vmul.f32 v6, v3;
	v13 =	vld [tilespmem:s0+$0xFFFFFF10]  }
0x150: {  	v3 =	vmul.f32 v4, v3;
	v6 =	vld [tilespmem:s24+$0xFFFFFFD0];
	v4 =	vmul.f32 v9, v7  }
0x151: {  	v9 =	vmul.f32 v2, v9;
	v14 =	vld [tilespmem:s0+$0xFFFFFF90];
	v15 =	vmul.f32 v10, v8  }
0x152: {  	v16 =	vld [tilespmem:s0+$0x10];
	[tilespmem:s23+$0xFFFFFE50] =	vst v3;
	v3 =	vmul.f32 v5, v7  }
0x153: {  	v7 =	vld [tilespmem:s0+$0x90];
	v4 =	vadd.f32 v15, v4;
	v15 =	vmul.f32 v12, v11;
	[tilespmem:s23+$0xFFFFFF50] =	vst v9;
	v9 =	vmul.f32 v2, v10  }
0x154: {  	v10 =	vld [tilespmem:s19+$0xFFFFFFD0];
	[tilespmem:s23+$0xD0] =	vst v3;
	v3 =	vmul.f32 v5, v8  }
0x155: {  	v2 =	vmul.f32 v2, v12;
	v8 =	vld [tilespmem:s19+$0x9D0];
	v6 =	vmul.f32 $5.773502590e-01, v6;
	v4 =	vadd.f32 v15, v4;
	[tilespmem:s23+$0xFFFFFFD0] =	vst v9  }
0x156: {  	v9 =	vld [tilespmem:s19+$0x4FD0];
	[tilespmem:s23+$0x150] =	vst v3;
	v3 =	vmul.f32 v5, v11  }
0x157: {  	v5 =	vld [tilespmem:s19+$0x59D0];
	v4 =	vmul.f32 v6, v4;
	[tilespmem:s23+$0x50] =	vst v2  }
0x158: {  	v2 =	vld [tilespmem:s19+$0x13D0];
	[tilespmem:s23+$0x1D0] =	vst v3  }
0x159: {  	v6 =	vmul.f32 v13, v0;
	v3 =	vld [tilespmem:s19+$0x63D0];
	[tilespmem:s23+$0xFFFFFED0] =	vst v4  }
0x15a: {  	v0 =	vmul.f32 v16, v0;
	v4 =	vmul.f32 v7, v1;
	v7 =	vld [tilespmem:s25+$0xFFFFF620]  }
0x15b: {  	v1 =	vmul.f32 v6, v1;
	v6 =	vmul.f32 v9, v10;
	v11 =	vld [tilespmem:s25+$0x4620]  }
0x15c: {  	v9 =	vmul.f32 v0, v9;
	v12 =	vmul.f32 v5, v8;
	v13 =	vld [tilespmem:s24+$0xFFFFFF60]  }
0x15d: {  	[tilespmem:s28+$0xFFFFFE10] =	vst v1;
	v1 =	vmul.f32 v4, v10;
	v10 =	vld [tilespmem:s24+$0x60]  }
0x15e: {  	v5 =	vmul.f32 v0, v5;
	v6 =	vadd.f32 v12, v6;
	v12 =	vmul.f32 v3, v2;
	[tilespmem:s28+$0xFFFFFF10] =	vst v9;
	v9 =	vld [tilespmem:s24+$0xE0]  }
0x15f: {  	[tilespmem:s28+$0x90] =	vst v1;
	v1 =	vmul.f32 v4, v8;
	v8 =	vld [tilespmem:s25+$0x20]  }
0x160: {  	v14 =	vmul.f32 $5.773502590e-01, v14;
	v0 =	vmul.f32 v0, v3;
	v6 =	vadd.f32 v12, v6;
	[tilespmem:s28+$0xFFFFFF90] =	vst v5;
	v3 =	vld [tilespmem:s25+$0xA20]  }
0x161: {  	[tilespmem:s28+$0x110] =	vst v1;
	v1 =	vmul.f32 v4, v2;
	v2 =	vld [tilespmem:s25+$0x5020]  }
0x162: {  	v4 =	vmul.f32 v14, v6;
	[tilespmem:s28+$0x10] =	vst v0;
	v0 =	vld [tilespmem:s25+$0x5A20]  }
0x163: {  	[tilespmem:s28+$0x190] =	vst v1;
	v1 =	vld [tilespmem:s25+$0x1420]  }
0x164: {  	v5 =	vmul.f32 v13, v7;
	[tilespmem:s28+$0xFFFFFE90] =	vst v4;
	v4 =	vld [tilespmem:s25+$0x6420]  }
0x165: {  	v7 =	vmul.f32 v10, v7;
	v10 =	vmul.f32 v9, v11;
	v6 =	vld [tilespmem:s19+$0xFFFFF5E0]  }
0x166: {  	v5 =	vmul.f32 v5, v11;
	v12 =	vld [tilespmem:s24+$0xFFFFFFE0];
	v9 =	vmul.f32 v2, v8  }
0x167: {  	v2 =	vmul.f32 v7, v2;
	v14 =	vld [tilespmem:s19+$0x45E0];
	v11 =	vmul.f32 v0, v3  }
0x168: {  	v13 =	vld [tilespmem:s0+$0xFFFFFF20];
	[tilespmem:s23+$0xFFFFFE60] =	vst v5;
	v5 =	vmul.f32 v10, v8  }
0x169: {  	v0 =	vmul.f32 v7, v0;
	v8 =	vld [tilespmem:s0+$0x20];
	v11 =	vadd.f32 v11, v9;
	v15 =	vmul.f32 v4, v1;
	[tilespmem:s23+$0xFFFFFF60] =	vst v2  }
0x16a: {  	v2 =	vmul.f32 v10, v3;
	v16 =	vld [tilespmem:s0+$0xA0];
	[tilespmem:s23+$0xE0] =	vst v5  }
0x16b: {  	v9 =	vld [tilespmem:s19+$0x13E0];
	v3 =	vmul.f32 $5.773502590e-01, v12;
	v5 =	vadd.f32 v15, v11;
	[tilespmem:s23+$0xFFFFFFE0] =	vst v0;
	v0 =	vmul.f32 v7, v4  }
0x16c: {  	v1 =	vmul.f32 v10, v1;
	v7 =	vld [tilespmem:s19+$0xFFFFFFE0];
	[tilespmem:s23+$0x160] =	vst v2  }
0x16d: {  	v10 =	vld [tilespmem:s19+$0x9E0];
	v2 =	vmul.f32 v3, v5;
	[tilespmem:s23+$0x60] =	vst v0  }
0x16e: {  	v17 =	vld [tilespmem:s19+$0x4FE0];
	[tilespmem:s23+$0x1E0] =	vst v1  }
0x16f: {  	v19 =	vld [tilespmem:s19+$0x59E0];
	[tilespmem:s23+$0xFFFFFEE0] =	vst v2  }
0x170: {  	v2 =	vld [tilespmem:s25+$0x30]  }
0x171: {  	v1 =	vld [tilespmem:s25+$0xA30]  }
0x172: {  	v5 =	vld [tilespmem:s25+$0x5030]  }
0x173: {  	v4 =	vld [tilespmem:s25+$0x5A30]  }
0x174: {  	v0 =	vld [tilespmem:s25+$0x1430]  }
0x175: {  	v18 =	vmul.f32 v13, v6;
	v12 =	vmul.f32 v8, v6;
	v3 =	vld [tilespmem:s25+$0x6430]  }
.Ltmp2:
0x176: {  	v11 =	vmul.f32 v16, v14;
	v15 =	vmul.f32 v17, v7;
	v13 =	vld [tilespmem:s19+$0x63E0];
	(pc) =	sbr.rel @p1 .LBB2_3-.Ltmp2, $4  }
0x177: {  	v8 =	vmul.f32 v18, v14;
	v17 =	vmul.f32 v12, v17;
	v6 =	vld [tilespmem:s24+$0xFFFFFFF0]  }
0x178: {  	v20 =	vmul.f32 v5, v2;
	v14 =	vld [tilespmem:s0+$0xFFFFFFA0];
	v21 =	vmul.f32 v4, v1  }
0x179: {  	v16 =	vmul.f32 v11, v7;
	v18 =	vmul.f32 v19, v10;
	[tilespmem:s28+$0xFFFFFE20] =	vst v8  }
0x17a: {  	s20 =	sadd.s32 $0x200, s20;
	s0 =	sadd.s32 $0x200, s0;
	[tilespmem:s28+$0xFFFFFF20] =	vst v17;
	v17 =	vmul.f32 v12, v19;
	v7 =	vadd.f32 v21, v20;
	v8 =	vmul.f32 v3, v0  }
0x17b: {  	v15 =	vadd.f32 v18, v15;
	v18 =	vmul.f32 v13, v9  }
0x17c: {  	[tilespmem:s28+$0xA0] =	vst v16;
	v10 =	vmul.f32 v11, v10  }
0x17d: {  	v12 =	vmul.f32 v12, v13;
	[tilespmem:s28+$0xFFFFFFA0] =	vst v17;
	v13 =	vmul.f32 $5.773502590e-01, v14;
	v14 =	vadd.f32 v18, v15  }
0x17e: {  	v9 =	vmul.f32 v11, v9;
	[tilespmem:s28+$0x120] =	vst v10  }
0x17f: {  	[tilespmem:s28+$0x20] =	vst v12;
	v10 =	vmul.f32 v13, v14  }
0x180: {  	[tilespmem:s28+$0x1A0] =	vst v9  }
0x181: {  	[tilespmem:s28+$0xFFFFFEA0] =	vst v10  }
0x182: {  	v9 =	vld [tilespmem:s19+$0xFFFFF5F0]  }
0x183: {  	v10 =	vld [tilespmem:s19+$0x45F0]  }
0x184: {  	v11 =	vld [tilespmem:s26+$0xFFFFFF30]  }
0x185: {  	v12 =	vld [tilespmem:s26+$0x30]  }
0x186: {  	v13 =	vld [tilespmem:s26+$0xB0]  }
0x187: {  	v14 =	vld [tilespmem:s19+$0xFFFFFFF0]  }
0x188: {  	v15 =	vld [tilespmem:s19+$0x9F0]  }
0x189: {  	v17 =	vld [tilespmem:s19+$0x59F0]  }
0x18a: {  	v16 =	vld [tilespmem:s19+$0x4FF0]  }
0x18b: {  	v18 =	vld [tilespmem:s19+$0x13F0]  }
0x18c: {  	v19 =	vld [tilespmem:s19+$0x63F0];
	v11 =	vmul.f32 v11, v9  }
0x18d: {  	v9 =	vmul.f32 v12, v9;
	v12 =	vmul.f32 v13, v10  }
0x18e: {  	v13 =	vld [tilespmem:s26+$0xFFFFFFB0];
	v20 =	vmul.f32 v17, v15;
	v10 =	vmul.f32 v11, v10  }
0x18f: {  	v11 =	vmul.f32 v16, v14;
	v16 =	vmul.f32 v9, v16  }
0x190: {  	[tilespmem:s28+$0xFFFFFE30] =	vst v10;
	v10 =	vmul.f32 v12, v14  }
0x191: {  	v11 =	vadd.f32 v20, v11;
	v14 =	vmul.f32 v19, v18;
	[tilespmem:s28+$0xFFFFFF30] =	vst v16;
	v16 =	vmul.f32 v9, v17  }
0x192: {  	[tilespmem:s28+$0xB0] =	vst v10;
	v10 =	vmul.f32 v12, v15  }
0x193: {  	v9 =	vmul.f32 v9, v19;
	v13 =	vmul.f32 $5.773502590e-01, v13;
	v11 =	vadd.f32 v14, v11;
	[tilespmem:s28+$0xFFFFFFB0] =	vst v16  }
0x194: {  	[tilespmem:s28+$0x130] =	vst v10;
	v10 =	vmul.f32 v12, v18  }
0x195: {  	[tilespmem:s28+$0x30] =	vst v9;
	v11 =	vmul.f32 v13, v11  }
0x196: {  	[tilespmem:s28+$0x1B0] =	vst v10  }
0x197: {  	[tilespmem:s28+$0xFFFFFEB0] =	vst v11  }
0x198: {  	v9 =	vld [tilespmem:s19+$0xFFFFF600]  }
0x199: {  	v10 =	vld [tilespmem:s19+$0x4600]  }
0x19a: {  	v11 =	vld [tilespmem:s26+$0xFFFFFF40]  }
0x19b: {  	v12 =	vld [tilespmem:s26+$0x40]  }
0x19c: {  	v13 =	vld [tilespmem:s26+$0xC0]  }
0x19d: {  	v14 =	vld [tilespmem:s19+$0x0]  }
0x19e: {  	v15 =	vld [tilespmem:s19+$0xA00]  }
0x19f: {  	v17 =	vld [tilespmem:s19+$0x5A00]  }
0x1a0: {  	v16 =	vld [tilespmem:s19+$0x5000]  }
0x1a1: {  	v18 =	vld [tilespmem:s19+$0x1400]  }
0x1a2: {  	v19 =	vld [tilespmem:s19+$0x6400];
	v11 =	vmul.f32 v11, v9  }
0x1a3: {  	v9 =	vmul.f32 v12, v9;
	v12 =	vmul.f32 v13, v10  }
0x1a4: {  	v13 =	vld [tilespmem:s26+$0xFFFFFFC0];
	v20 =	vmul.f32 v17, v15;
	v10 =	vmul.f32 v11, v10  }
0x1a5: {  	v11 =	vmul.f32 v16, v14;
	v16 =	vmul.f32 v9, v16  }
0x1a6: {  	[tilespmem:s28+$0xFFFFFE40] =	vst v10;
	v10 =	vmul.f32 v12, v14  }
0x1a7: {  	v11 =	vadd.f32 v20, v11;
	v14 =	vmul.f32 v19, v18;
	[tilespmem:s28+$0xFFFFFF40] =	vst v16;
	v16 =	vmul.f32 v9, v17  }
0x1a8: {  	[tilespmem:s28+$0xC0] =	vst v10;
	v10 =	vmul.f32 v12, v15  }
0x1a9: {  	v9 =	vmul.f32 v9, v19;
	v13 =	vmul.f32 $5.773502590e-01, v13;
	v11 =	vadd.f32 v14, v11;
	[tilespmem:s28+$0xFFFFFFC0] =	vst v16  }
0x1aa: {  	[tilespmem:s28+$0x140] =	vst v10;
	v10 =	vmul.f32 v12, v18  }
0x1ab: {  	[tilespmem:s28+$0x40] =	vst v9;
	v11 =	vmul.f32 v13, v11  }
0x1ac: {  	[tilespmem:s28+$0x1C0] =	vst v10  }
0x1ad: {  	[tilespmem:s28+$0xFFFFFEC0] =	vst v11  }
0x1ae: {  	v9 =	vld [tilespmem:s19+$0xFFFFF610]  }
0x1af: {  	v10 =	vld [tilespmem:s19+$0x4610]  }
0x1b0: {  	v11 =	vld [tilespmem:s26+$0xFFFFFF50]  }
0x1b1: {  	v12 =	vld [tilespmem:s26+$0x50]  }
0x1b2: {  	v13 =	vld [tilespmem:s26+$0xD0]  }
0x1b3: {  	v14 =	vld [tilespmem:s19+$0x10]  }
0x1b4: {  	v15 =	vld [tilespmem:s19+$0xA10]  }
0x1b5: {  	v17 =	vld [tilespmem:s19+$0x5A10]  }
0x1b6: {  	v16 =	vld [tilespmem:s19+$0x5010]  }
0x1b7: {  	v18 =	vld [tilespmem:s19+$0x1410]  }
0x1b8: {  	v19 =	vld [tilespmem:s19+$0x6410];
	v11 =	vmul.f32 v11, v9  }
0x1b9: {  	v9 =	vmul.f32 v12, v9;
	v12 =	vmul.f32 v13, v10  }
0x1ba: {  	v13 =	vld [tilespmem:s26+$0xFFFFFFD0];
	v20 =	vmul.f32 v17, v15;
	v10 =	vmul.f32 v11, v10  }
0x1bb: {  	v11 =	vmul.f32 v16, v14;
	v16 =	vmul.f32 v9, v16  }
0x1bc: {  	[tilespmem:s28+$0xFFFFFE50] =	vst v10;
	v10 =	vmul.f32 v12, v14  }
0x1bd: {  	v11 =	vadd.f32 v20, v11;
	v14 =	vmul.f32 v19, v18;
	[tilespmem:s28+$0xFFFFFF50] =	vst v16;
	v16 =	vmul.f32 v9, v17  }
0x1be: {  	[tilespmem:s28+$0xD0] =	vst v10;
	v10 =	vmul.f32 v12, v15  }
0x1bf: {  	v9 =	vmul.f32 v9, v19;
	v13 =	vmul.f32 $5.773502590e-01, v13;
	v11 =	vadd.f32 v14, v11;
	[tilespmem:s28+$0xFFFFFFD0] =	vst v16  }
0x1c0: {  	[tilespmem:s28+$0x150] =	vst v10;
	v10 =	vmul.f32 v12, v18  }
0x1c1: {  	[tilespmem:s28+$0x50] =	vst v9;
	v11 =	vmul.f32 v13, v11  }
0x1c2: {  	[tilespmem:s28+$0x1D0] =	vst v10  }
0x1c3: {  	[tilespmem:s28+$0xFFFFFED0] =	vst v11  }
0x1c4: {  	v9 =	vld [tilespmem:s19+$0xFFFFF620]  }
0x1c5: {  	v10 =	vld [tilespmem:s19+$0x4620]  }
0x1c6: {  	v11 =	vld [tilespmem:s26+$0xFFFFFF60]  }
0x1c7: {  	v12 =	vld [tilespmem:s26+$0x60]  }
0x1c8: {  	v13 =	vld [tilespmem:s26+$0xE0]  }
0x1c9: {  	v14 =	vld [tilespmem:s19+$0x20]  }
0x1ca: {  	v15 =	vld [tilespmem:s19+$0xA20]  }
0x1cb: {  	v17 =	vld [tilespmem:s19+$0x5A20]  }
0x1cc: {  	v16 =	vld [tilespmem:s19+$0x5020]  }
0x1cd: {  	v18 =	vld [tilespmem:s19+$0x1420]  }
0x1ce: {  	v19 =	vld [tilespmem:s19+$0x6420];
	v11 =	vmul.f32 v11, v9  }
0x1cf: {  	v9 =	vmul.f32 v12, v9;
	v12 =	vmul.f32 v13, v10  }
0x1d0: {  	v13 =	vld [tilespmem:s26+$0xFFFFFFE0];
	v20 =	vmul.f32 v17, v15;
	v10 =	vmul.f32 v11, v10  }
0x1d1: {  	v11 =	vmul.f32 v16, v14;
	v16 =	vmul.f32 v9, v16  }
0x1d2: {  	[tilespmem:s28+$0xFFFFFE60] =	vst v10;
	v10 =	vmul.f32 v12, v14  }
0x1d3: {  	v11 =	vadd.f32 v20, v11;
	v14 =	vmul.f32 v19, v18;
	[tilespmem:s28+$0xFFFFFF60] =	vst v16;
	v16 =	vmul.f32 v9, v17  }
0x1d4: {  	[tilespmem:s28+$0xE0] =	vst v10;
	v10 =	vmul.f32 v12, v15  }
0x1d5: {  	v9 =	vmul.f32 v9, v19;
	v13 =	vmul.f32 $5.773502590e-01, v13;
	v15 =	vld [tilespmem:s25+$0xFFFFF630];
	v11 =	vadd.f32 v14, v11;
	[tilespmem:s28+$0xFFFFFFE0] =	vst v16  }
0x1d6: {  	v14 =	vld [tilespmem:s25+$0x4630];
	[tilespmem:s28+$0x160] =	vst v10;
	v10 =	vmul.f32 v12, v18  }
0x1d7: {  	[tilespmem:s28+$0x60] =	vst v9;
	v9 =	vld [tilespmem:s24+$0x70];
	v11 =	vmul.f32 v13, v11  }
0x1d8: {  	v12 =	vld [tilespmem:s24+$0xFFFFFF70];
	[tilespmem:s28+$0x1E0] =	vst v10  }
0x1d9: {  	v10 =	vld [tilespmem:s24+$0xF0];
	[tilespmem:s28+$0xFFFFFEE0] =	vst v11  }
0x1da: {  	v11 =	vld [tilespmem:s19+$0x30]  }
0x1db: {  	v13 =	vld [tilespmem:s19+$0xA30]  }
0x1dc: {  	v16 =	vld [tilespmem:s19+$0x5030]  }
0x1dd: {  	v17 =	vld [tilespmem:s19+$0x5A30]  }
0x1de: {  	v6 =	vmul.f32 $5.773502590e-01, v6;
	v7 =	vadd.f32 v8, v7;
	v18 =	vld [tilespmem:s19+$0x1430];
	v9 =	vmul.f32 v9, v15  }
0x1df: {  	v8 =	vmul.f32 v12, v15;
	v12 =	vld [tilespmem:s19+$0x6430]  }
0x1e0: {  	v6 =	vmul.f32 v6, v7;
	v20 =	vld [tilespmem:s26+$0xFFFFFF70];
	v5 =	vmul.f32 v9, v5  }
0x1e1: {  	v15 =	vld [tilespmem:s26+$0xFFFFFFF0];
	v7 =	vmul.f32 v8, v14;
	v10 =	vmul.f32 v10, v14  }
0x1e2: {  	[tilespmem:s23+$0xFFFFFEF0] =	vst v6;
	v8 =	vld [tilespmem:s19+$0xFFFFF630];
	v6 =	vmul.f32 v16, v11;
	v19 =	vmul.f32 v17, v13  }
0x1e3: {  	v4 =	vmul.f32 v9, v4;
	[tilespmem:s23+$0xFFFFFE70] =	vst v7;
	v7 =	vld [tilespmem:s26+$0x70]  }
0x1e4: {  	v14 =	vld [tilespmem:s19+$0x4630];
	[tilespmem:s23+$0xFFFFFF70] =	vst v5;
	v2 =	vmul.f32 v10, v2;
	v5 =	vadd.f32 v19, v6;
	v6 =	vmul.f32 v12, v18  }
0x1e5: {  	[tilespmem:s23+$0xFFFFFFF0] =	vst v4;
	v1 =	vmul.f32 v10, v1;
	v19 =	vld [tilespmem:s26+$0xF0]  }
0x1e6: {  	[tilespmem:s23+$0xF0] =	vst v2;
	v2 =	vmul.f32 v9, v3;
	v3 =	vmul.f32 $5.773502590e-01, v15;
	v4 =	vadd.f32 v6, v5  }
0x1e7: {  	v0 =	vmul.f32 v10, v0;
	[tilespmem:s23+$0x170] =	vst v1;
	v1 =	vmul.f32 v20, v8  }
0x1e8: {  	[tilespmem:s23+$0x70] =	vst v2;
	v2 =	vmul.f32 v3, v4;
	v3 =	vmul.f32 v7, v8  }
0x1e9: {  	[tilespmem:s23+$0x1F0] =	vst v0;
	v0 =	vmul.f32 v1, v14  }
0x1ea: {  	v1 =	vmul.f32 v19, v14;
	[tilespmem:s28+$0xFFFFFEF0] =	vst v2;
	v2 =	vmul.f32 v3, v16  }
0x1eb: {  	[tilespmem:s28+$0xFFFFFE70] =	vst v0;
	v4 =	vmul.f32 v3, v17  }
0x1ec: {  	v0 =	vmul.f32 v1, v11;
	[tilespmem:s28+$0xFFFFFF70] =	vst v2  }
0x1ed: {  	s23 =	smul.u32 $0x28, s22;
	v2 =	vmul.f32 v1, v13;
	[tilespmem:s28+$0xFFFFFFF0] =	vst v4  }
0x1ee: {  	v1 =	vmul.f32 v1, v18;
	[tilespmem:s28+$0xF0] =	vst v0  }
0x1ef: {  	s0 =	sadd.s32 s7, s23;
	v0 =	vmul.f32 v3, v12;
	[tilespmem:s28+$0x170] =	vst v2  }
0x1f0: {  	s0 =	sshll.u32 s0, $0x7;
	[tilespmem:s28+$0x1F0] =	vst v1  }
0x1f1: {  	p1 =	seq.s32 s22, $0x7C;
	s0 =	sadd.s32 s5, s0;
	[tilespmem:s28+$0x70] =	vst v0  }
0x1f2: {  	[hbm4b:s0+s6] =	stream.linear.scatter [tilespmem:s16], [sflag:$0x3], $0x5000, $0x38;
	[tilespmem:$0x19000] =	vst v63  }
0x1f3: {  	s0 =	sadd.s32 @!p1 s23, s29  }
0x1f4: {  	s19 =	sshll.u32 @!p1 s0, $0x4  }
0x1f5: {  	s20 =	sand.u32 @!p1 $0x1FFFFF80, s19  }
0x1f6: {  	s24 =	simm.s32 @!p1 $0x0;
	s21 =	sadd.s32 @!p1 s1, s20  }
0x1f7: {  	[tilespmem:s24], [sflag:$0x1] =	stream.linear.gather @!p1 [hbm4b:s21+s24], $0xA00, $0x38;
	[tilespmem:$0x19000] =	vst v63  }
0x1f8: {  	s19 =	sand.u32 @!p1 $0x1FFFFFF0, s19;
	s20 =	sadd.s32 @!p1 s2, s20;
	s21 =	simm.s32 @!p1 $0x5000  }
0x1f9: {  	[tilespmem:s21], [sflag:$0x1] =	stream.linear.gather @!p1 [hbm4b:s20+s24], $0xA00, $0x38;
	[tilespmem:$0x19000] =	vst v63  }
0x1fa: {  	s20 =	sadd.s32 @!p1 $0x271000, s19  }
0x1fb: {  	s25 =	simm.s32 @!p1 $0xA00;
	s21 =	sadd.s32 @!p1 s1, s20  }
0x1fc: {  	[tilespmem:s25], [sflag:$0x1] =	stream.linear.gather @!p1 [hbm4b:s21+s24], $0xA00, $0x38;
	[tilespmem:$0x19000] =	vst v63  }
0x1fd: {  	s20 =	sadd.s32 @!p1 s2, s20;
	s21 =	simm.s32 @!p1 $0x5A00  }
0x1fe: {  	[tilespmem:s21], [sflag:$0x1] =	stream.linear.gather @!p1 [hbm4b:s20+s24], $0xA00, $0x38;
	[tilespmem:$0x19000] =	vst v63  }
0x1ff: {  	s20 =	sadd.s32 @!p1 $0x4E2000, s19  }
0x200: {  	s25 =	simm.s32 @!p1 $0x1400;
	s21 =	sadd.s32 @!p1 s1, s20  }
0x201: {  	[tilespmem:s25], [sflag:$0x1] =	stream.linear.gather @!p1 [hbm4b:s21+s24], $0xA00, $0x38;
	[tilespmem:$0x19000] =	vst v63  }
0x202: {  	s19 =	sadd.s32 @!p1 $0x753000, s19;
	s20 =	sadd.s32 @!p1 s2, s20;
	s21 =	simm.s32 @!p1 $0x6400  }
0x203: {  	[tilespmem:s21], [sflag:$0x1] =	stream.linear.gather @!p1 [hbm4b:s20+s24], $0xA00, $0x38;
	[tilespmem:$0x19000] =	vst v63  }
0x204: {  	s0 =	sshll.u32 @!p1 s0, $0x6;
	s20 =	sadd.s32 @!p1 s1, s19;
	s21 =	simm.s32 @!p1 $0x1E00  }
0x205: {  	[tilespmem:s21], [sflag:$0x1] =	stream.linear.gather @!p1 [hbm4b:s20+s24], $0xA00, $0x38;
	[tilespmem:$0x19000] =	vst v63  }
0x206: {  	s0 =	sand.u32 @!p1 $0x1FFFFE00, s0;
	s19 =	sadd.s32 @!p1 s2, s19;
	s20 =	simm.s32 @!p1 $0x6E00  }
0x207: {  	[tilespmem:s20], [sflag:$0x1] =	stream.linear.gather @!p1 [hbm4b:s19+s24], $0xA00, $0x38;
	[tilespmem:$0x19000] =	vst v63  }
0x208: {  	s0 =	sadd.s32 @!p1 s4, s0;
	s19 =	simm.s32 @!p1 $0xA000  }
0x209: {  	[tilespmem:s19], [sflag:$0x1] =	stream.linear.gather @!p1 [hbm4b:s0+s24], $0x2800, $0x38;
	[tilespmem:$0x19000] =	vst v63  }
0x20a: {  	_ =	swait.ge [sflag:s17], $0xA00  }
0x20b: {  	[sflag:s17] =	ssyncset.done $0x0  }
0x20c: {  	[sflag:s17] =	ssyncadd.s32 $0xFFFFF600  }
0x20d: {  	_ =	swait.ge [sflag:s17], $0xA00  }
0x20e: {  	[sflag:s17] =	ssyncset.done $0x0  }
0x20f: {  	[sflag:s17] =	ssyncadd.s32 $0xFFFFF600  }
0x210: {  	_ =	swait.ge [sflag:s17], $0xA00  }
0x211: {  	[sflag:s17] =	ssyncset.done $0x0  }
0x212: {  	[sflag:s17] =	ssyncadd.s32 $0xFFFFF600  }
0x213: {  	_ =	swait.ge [sflag:s17], $0xA00  }
0x214: {  	[sflag:s17] =	ssyncset.done $0x0  }
0x215: {  	[sflag:s17] =	ssyncadd.s32 $0xFFFFF600  }
0x216: {  	_ =	swait.ge [sflag:s17], $0xA00  }
0x217: {  	[sflag:s17] =	ssyncset.done $0x0  }
0x218: {  	[sflag:s17] =	ssyncadd.s32 $0xFFFFF600  }
0x219: {  	_ =	swait.ge [sflag:s17], $0xA00  }
0x21a: {  	[sflag:s17] =	ssyncset.done $0x0  }
0x21b: {  	[sflag:s17] =	ssyncadd.s32 $0xFFFFF600  }
0x21c: {  	_ =	swait.ge [sflag:s17], $0xA00  }
0x21d: {  	[sflag:s17] =	ssyncset.done $0x0  }
0x21e: {  	[sflag:s17] =	ssyncadd.s32 $0xFFFFF600  }
0x21f: {  	_ =	swait.ge [sflag:s17], $0xA00  }
0x220: {  	[sflag:s17] =	ssyncset.done $0x0  }
0x221: {  	[sflag:s17] =	ssyncadd.s32 $0xFFFFF600  }
0x222: {  	_ =	swait.ge [sflag:s17], $0x2800  }
0x223: {  	[sflag:s17] =	ssyncset.done $0x0  }
0x224: {  	s0 =	simm.s32 @!p0 $0x4;
	[sflag:s17] =	ssyncadd.s32 $0xFFFFD800  }
0x225: {  	_ =	swait.ge @!p0 [sflag:s0], $0x5000  }
0x226: {  	[sflag:s0] =	ssyncset.done @!p0 $0x0  }
0x227: {  	s24 =	simm.s32 $0xC9F0;
	[sflag:s0] =	ssyncadd.s32 @!p0 $0xFFFFB000  }
0x228: {  	v0 =	vld [tilespmem:s24+$0xFFFFFE10]  }
0x229: {  	v1 =	vld [tilespmem:s24+$0xFFFFFF10]  }
0x22a: {  	s25 =	simm.s32 $0x0;
	v2 =	vld [tilespmem:s24+$0xFFFFFF90]  }
0x22b: {  	v3 =	vld [tilespmem:s25+$0x2800]  }
0x22c: {  	v4 =	vld [tilespmem:s25+$0x7800]  }
0x22d: {  	v5 =	vld [tilespmem:s25+$0x3200]  }
0x22e: {  	v6 =	vld [tilespmem:s25+$0x8200]  }
0x22f: {  	v7 =	vld [tilespmem:s25+$0x3C00]  }
0x230: {  	v8 =	vld [tilespmem:s25+$0x8C00]  }
0x231: {  	v9 =	vld [tilespmem:s25+$0x4600]  }
0x232: {  	v10 =	vld [tilespmem:s25+$0x9600];
	v0 =	vmul.f32 v0, v3  }
0x233: {  	v1 =	vmul.f32 v1, v3;
	v3 =	vmul.f32 v6, v5  }
0x234: {  	v11 =	vld [tilespmem:s24+$0xFFFFFE90];
	v2 =	vmul.f32 v2, v4;
	v0 =	vmul.f32 v0, v4  }
0x235: {  	v4 =	vmul.f32 v8, v7;
	v6 =	vmul.f32 v1, v6  }
0x236: {  	[tilespmem:s25+$0x14000] =	vst v0;
	v0 =	vmul.f32 v2, v5  }
0x237: {  	v3 =	vadd.f32 v4, v3;
	v4 =	vmul.f32 v10, v9;
	[tilespmem:s25+$0x14100] =	vst v6;
	v5 =	vmul.f32 v1, v8  }
0x238: {  	v1 =	vmul.f32 v1, v10;
	v8 =	vld [tilespmem:s25+$0x8C10];
	[tilespmem:s25+$0x14280] =	vst v0  }
0x239: {  	v6 =	vmul.f32 $5.773502590e-01, v11;
	v10 =	vld [tilespmem:s25+$0x9610];
	v0 =	vmul.f32 v2, v7;
	v3 =	vadd.f32 v4, v3;
	[tilespmem:s25+$0x14180] =	vst v5  }
0x23a: {  	v2 =	vmul.f32 v2, v9;
	[tilespmem:s25+$0x14200] =	vst v1;
	v1 =	vld [tilespmem:s25+$0x7810]  }
0x23b: {  	v5 =	vld [tilespmem:s25+$0x3210];
	[tilespmem:s25+$0x14300] =	vst v0;
	v0 =	vmul.f32 v6, v3  }
0x23c: {  	[tilespmem:s25+$0x14380] =	vst v2;
	v6 =	vld [tilespmem:s25+$0x3C10]  }
0x23d: {  	[tilespmem:s25+$0x14080] =	vst v0;
	v0 =	vld [tilespmem:s25+$0x2810]  }
0x23e: {  	v2 =	vld [tilespmem:s24+$0xFFFFFE20]  }
0x23f: {  	v3 =	vld [tilespmem:s24+$0xFFFFFF20]  }
0x240: {  	v4 =	vld [tilespmem:s24+$0xFFFFFFA0]  }
0x241: {  	v7 =	vld [tilespmem:s25+$0x8210]  }
0x242: {  	v9 =	vld [tilespmem:s25+$0x4610]  }
0x243: {  	v2 =	vmul.f32 v2, v0  }
0x244: {  	v11 =	vmul.f32 v8, v6;
	v0 =	vmul.f32 v3, v0  }
0x245: {  	v3 =	vmul.f32 v4, v1;
	v4 =	vld [tilespmem:s24+$0xFFFFFEA0];
	v1 =	vmul.f32 v2, v1  }
0x246: {  	v2 =	vmul.f32 v7, v5;
	v7 =	vmul.f32 v0, v7  }
0x247: {  	[tilespmem:s25+$0x14010] =	vst v1;
	v1 =	vmul.f32 v3, v5;
	v5 =	vmul.f32 v10, v9  }
0x248: {  	v2 =	vadd.f32 v11, v2;
	[tilespmem:s25+$0x14110] =	vst v7;
	v7 =	vmul.f32 v0, v8;
	v0 =	vmul.f32 v0, v10  }
0x249: {  	[tilespmem:s25+$0x14290] =	vst v1;
	v1 =	vmul.f32 v3, v6  }
0x24a: {  	v8 =	vld [tilespmem:s25+$0x8C20];
	v4 =	vmul.f32 $5.773502590e-01, v4;
	v2 =	vadd.f32 v5, v2;
	[tilespmem:s25+$0x14210] =	vst v0  }
0x24b: {  	v0 =	vld [tilespmem:s25+$0x2820];
	[tilespmem:s25+$0x14310] =	vst v1;
	v1 =	vmul.f32 v3, v9  }
0x24c: {  	[tilespmem:s25+$0x14190] =	vst v7;
	v5 =	vld [tilespmem:s25+$0x3220];
	v2 =	vmul.f32 v4, v2  }
0x24d: {  	v7 =	vld [tilespmem:s25+$0x3C20];
	[tilespmem:s25+$0x14390] =	vst v1  }
0x24e: {  	[tilespmem:s25+$0x14090] =	vst v2;
	v1 =	vld [tilespmem:s25+$0x7820]  }
0x24f: {  	v2 =	vld [tilespmem:s24+$0xFFFFFE30]  }
0x250: {  	v3 =	vld [tilespmem:s24+$0xFFFFFF30]  }
0x251: {  	v4 =	vld [tilespmem:s24+$0xFFFFFFB0]  }
0x252: {  	v6 =	vld [tilespmem:s25+$0x8220]  }
0x253: {  	v10 =	vld [tilespmem:s25+$0x9620]  }
0x254: {  	v9 =	vld [tilespmem:s25+$0x4620];
	v2 =	vmul.f32 v2, v0  }
0x255: {  	v11 =	vmul.f32 v8, v7;
	v0 =	vmul.f32 v3, v0  }
0x256: {  	v4 =	vmul.f32 v4, v1;
	v1 =	vmul.f32 v2, v1;
	v2 =	vld [tilespmem:s24+$0xFFFFFEB0]  }
0x257: {  	v3 =	vmul.f32 v6, v5;
	v6 =	vmul.f32 v0, v6  }
0x258: {  	[tilespmem:s25+$0x14020] =	vst v1;
	v1 =	vmul.f32 v4, v5  }
0x259: {  	s26 =	simm.s32 $0xCBF0;
	v12 =	vld [tilespmem:s25+$0x9630];
	v3 =	vadd.f32 v11, v3;
	[tilespmem:s25+$0x14120] =	vst v6;
	v5 =	vmul.f32 v0, v8;
	v6 =	vmul.f32 v10, v9  }
0x25a: {  	v13 =	vld [tilespmem:s26+$0xFFFFFF10];
	[tilespmem:s25+$0x142A0] =	vst v1;
	v1 =	vmul.f32 v4, v7  }
0x25b: {  	s19 =	simm.s32 $0x80;
	v14 =	vld [tilespmem:s26+$0xFFFFFF90];
	v0 =	vmul.f32 v0, v10;
	[tilespmem:s25+$0x141A0] =	vst v5;
	v3 =	vadd.f32 v6, v3;
	v2 =	vmul.f32 $5.773502590e-01, v2  }
0x25c: {  	v16 =	vld [tilespmem:s19+$0x2800];
	[tilespmem:s25+$0x14320] =	vst v1;
	v1 =	vmul.f32 v4, v9  }
0x25d: {  	[tilespmem:s25+$0x14220] =	vst v0;
	v7 =	vld [tilespmem:s25+$0x3230];
	v0 =	vmul.f32 v2, v3  }
0x25e: {  	v3 =	vld [tilespmem:s25+$0x7830];
	[tilespmem:s25+$0x143A0] =	vst v1  }
0x25f: {  	[tilespmem:s25+$0x140A0] =	vst v0;
	v0 =	vld [tilespmem:s25+$0x2830]  }
0x260: {  	v4 =	vld [tilespmem:s24+$0xFFFFFE40]  }
0x261: {  	v5 =	vld [tilespmem:s24+$0xFFFFFF40]  }
0x262: {  	v6 =	vld [tilespmem:s24+$0xFFFFFFC0]  }
0x263: {  	v9 =	vld [tilespmem:s25+$0x8230]  }
0x264: {  	v17 =	vld [tilespmem:s25+$0x3240]  }
0x265: {  	v10 =	vld [tilespmem:s25+$0x8C30];
	v4 =	vmul.f32 v4, v0  }
0x266: {  	v8 =	vld [tilespmem:s25+$0x3C30];
	v0 =	vmul.f32 v5, v0  }
0x267: {  	v11 =	vld [tilespmem:s25+$0x4630];
	v5 =	vmul.f32 v6, v3;
	v3 =	vmul.f32 v4, v3  }
0x268: {  	v2 =	vld [tilespmem:s26+$0xFFFFFE10];
	v4 =	vmul.f32 v9, v7;
	v9 =	vmul.f32 v0, v9  }
0x269: {  	v6 =	vld [tilespmem:s24+$0xFFFFFEC0];
	[tilespmem:s25+$0x14030] =	vst v3;
	v3 =	vmul.f32 v5, v7  }
0x26a: {  	v1 =	vld [tilespmem:s26+$0xFFFFFE90];
	[tilespmem:s25+$0x14130] =	vst v9;
	v9 =	vmul.f32 v0, v10  }
0x26b: {  	v15 =	vmul.f32 v10, v8;
	v7 =	vld [tilespmem:s19+$0x7800];
	v0 =	vmul.f32 v0, v12;
	[tilespmem:s25+$0x142B0] =	vst v3  }
0x26c: {  	v10 =	vld [tilespmem:s19+$0x4600];
	v3 =	vmul.f32 v5, v8;
	[tilespmem:s25+$0x141B0] =	vst v9  }
0x26d: {  	v4 =	vadd.f32 v15, v4;
	v15 =	vmul.f32 v12, v11;
	v9 =	vld [tilespmem:s19+$0x3200];
	[tilespmem:s25+$0x14230] =	vst v0  }
0x26e: {  	v0 =	vld [tilespmem:s19+$0x8200];
	[tilespmem:s25+$0x14330] =	vst v3;
	v3 =	vmul.f32 v5, v11  }
0x26f: {  	v6 =	vmul.f32 $5.773502590e-01, v6;
	v4 =	vadd.f32 v15, v4;
	v5 =	vld [tilespmem:s19+$0x3C00]  }
0x270: {  	[tilespmem:s25+$0x143B0] =	vst v3;
	v3 =	vld [tilespmem:s19+$0x8C00]  }
0x271: {  	v8 =	vld [tilespmem:s19+$0x9600];
	v4 =	vmul.f32 v6, v4  }
0x272: {  	v6 =	vld [tilespmem:s25+$0x7840];
	v11 =	vmul.f32 v13, v16  }
0x273: {  	v2 =	vmul.f32 v2, v16;
	v14 =	vmul.f32 v14, v7;
	[tilespmem:s25+$0x140B0] =	vst v4;
	v4 =	vld [tilespmem:s25+$0x2840]  }
0x274: {  	v12 =	vld [tilespmem:s24+$0xFFFFFE50];
	v13 =	vmul.f32 v0, v9;
	v0 =	vmul.f32 v11, v0  }
0x275: {  	s28 =	simm.s32 $0x400;
	v2 =	vmul.f32 v2, v7;
	v15 =	vld [tilespmem:s24+$0xFFFFFF50];
	v7 =	vmul.f32 v3, v5  }
0x276: {  	v16 =	vld [tilespmem:s24+$0xFFFFFFD0];
	[tilespmem:s28+$0x14100] =	vst v0;
	v0 =	vmul.f32 v11, v3  }
0x277: {  	[tilespmem:s28+$0x14000] =	vst v2;
	v3 =	vld [tilespmem:s25+$0x8240];
	v5 =	vmul.f32 v14, v5;
	v2 =	vadd.f32 v7, v13;
	v7 =	vmul.f32 v8, v10  }
0x278: {  	v1 =	vmul.f32 $5.773502590e-01, v1;
	v9 =	vmul.f32 v14, v9;
	v13 =	vld [tilespmem:s25+$0x3C40];
	[tilespmem:s28+$0x14180] =	vst v0  }
0x279: {  	v0 =	vmul.f32 v11, v8;
	[tilespmem:s28+$0x14300] =	vst v5;
	v5 =	vmul.f32 v12, v4;
	v2 =	vadd.f32 v7, v2;
	v7 =	vld [tilespmem:s25+$0x8C40]  }
0x27a: {  	[tilespmem:s28+$0x14280] =	vst v9;
	v9 =	vld [tilespmem:s25+$0x4640];
	v8 =	vmul.f32 v14, v10  }
0x27b: {  	[tilespmem:s28+$0x14200] =	vst v0;
	v5 =	vmul.f32 v5, v6;
	v1 =	vmul.f32 v1, v2;
	v2 =	vld [tilespmem:s25+$0x9640]  }
0x27c: {  	v0 =	vmul.f32 v15, v4;
	v4 =	vmul.f32 v16, v6;
	[tilespmem:s28+$0x14380] =	vst v8  }
0x27d: {  	v8 =	vld [tilespmem:s24+$0xFFFFFED0];
	v6 =	vmul.f32 v3, v17;
	[tilespmem:s25+$0x14040] =	vst v5  }
0x27e: {  	v5 =	vmul.f32 v4, v17;
	[tilespmem:s28+$0x14080] =	vst v1;
	v1 =	vmul.f32 v7, v13  }
0x27f: {  	v10 =	vld [tilespmem:s25+$0x8C50];
	v3 =	vmul.f32 v0, v3  }
0x280: {  	v11 =	vld [tilespmem:s25+$0x4650];
	[tilespmem:s25+$0x142C0] =	vst v5;
	v5 =	vmul.f32 v4, v13;
	v1 =	vadd.f32 v1, v6;
	v6 =	vmul.f32 v2, v9  }
0x281: {  	v12 =	vld [tilespmem:s25+$0x9650];
	[tilespmem:s25+$0x14140] =	vst v3;
	v3 =	vmul.f32 v0, v7  }
0x282: {  	v7 =	vmul.f32 $5.773502590e-01, v8;
	v8 =	vld [tilespmem:s25+$0x3C50];
	[tilespmem:s25+$0x14340] =	vst v5;
	v0 =	vmul.f32 v0, v2;
	v1 =	vadd.f32 v6, v1  }
0x283: {  	v13 =	vld [tilespmem:s26+$0xFFFFFE20];
	[tilespmem:s25+$0x141C0] =	vst v3;
	v2 =	vmul.f32 v4, v9  }
0x284: {  	v3 =	vld [tilespmem:s25+$0x7850];
	[tilespmem:s25+$0x14240] =	vst v0;
	v1 =	vmul.f32 v7, v1  }
0x285: {  	v9 =	vld [tilespmem:s25+$0x8250];
	[tilespmem:s25+$0x143C0] =	vst v2  }
0x286: {  	[tilespmem:s25+$0x140C0] =	vst v1;
	v1 =	vld [tilespmem:s25+$0x2850]  }
0x287: {  	v4 =	vld [tilespmem:s24+$0xFFFFFE60]  }
0x288: {  	v5 =	vld [tilespmem:s24+$0xFFFFFF60]  }
0x289: {  	v6 =	vld [tilespmem:s24+$0xFFFFFFE0]  }
0x28a: {  	v7 =	vld [tilespmem:s25+$0x3250]  }
0x28b: {  	v14 =	vld [tilespmem:s26+$0xFFFFFEA0]  }
0x28c: {  	v16 =	vld [tilespmem:s26+$0xFFFFFF20];
	v4 =	vmul.f32 v4, v1  }
0x28d: {  	v0 =	vld [tilespmem:s19+$0x2810];
	v15 =	vmul.f32 v10, v8;
	v1 =	vmul.f32 v5, v1  }
0x28e: {  	v2 =	vld [tilespmem:s19+$0x7810];
	v5 =	vmul.f32 v6, v3;
	v3 =	vmul.f32 v4, v3  }
0x28f: {  	v6 =	vld [tilespmem:s24+$0xFFFFFEE0];
	v4 =	vmul.f32 v9, v7;
	v9 =	vmul.f32 v1, v9  }
0x290: {  	[tilespmem:s25+$0x14050] =	vst v3;
	v3 =	vmul.f32 v5, v7;
	v7 =	vld [tilespmem:s26+$0xFFFFFFA0]  }
0x291: {  	v4 =	vadd.f32 v15, v4;
	v15 =	vmul.f32 v12, v11;
	[tilespmem:s25+$0x14150] =	vst v9;
	v9 =	vmul.f32 v1, v10;
	v10 =	vld [tilespmem:s19+$0x3210]  }
0x292: {  	v1 =	vmul.f32 v1, v12;
	[tilespmem:s25+$0x142D0] =	vst v3;
	v3 =	vmul.f32 v5, v8;
	v8 =	vld [tilespmem:s19+$0x3C10]  }
0x293: {  	[tilespmem:s25+$0x141D0] =	vst v9;
	v9 =	vld [tilespmem:s19+$0x8210]  }
0x294: {  	v6 =	vmul.f32 $5.773502590e-01, v6;
	v4 =	vadd.f32 v15, v4;
	[tilespmem:s25+$0x14250] =	vst v1;
	v1 =	vld [tilespmem:s19+$0x4610]  }
0x295: {  	[tilespmem:s25+$0x14350] =	vst v3;
	v3 =	vmul.f32 v5, v11;
	v5 =	vld [tilespmem:s19+$0x8C10]  }
0x296: {  	v4 =	vmul.f32 v6, v4;
	v11 =	vld [tilespmem:s25+$0x7860]  }
0x297: {  	v6 =	vmul.f32 v13, v0;
	[tilespmem:s25+$0x143D0] =	vst v3;
	v3 =	vld [tilespmem:s19+$0x9610]  }
0x298: {  	v0 =	vmul.f32 v16, v0;
	v7 =	vmul.f32 v7, v2;
	[tilespmem:s25+$0x140D0] =	vst v4;
	v4 =	vld [tilespmem:s25+$0x2860]  }
0x299: {  	v2 =	vmul.f32 v6, v2;
	v12 =	vld [tilespmem:s24+$0xFFFFFE70];
	v6 =	vmul.f32 v9, v10  }
0x29a: {  	v13 =	vld [tilespmem:s24+$0xFFFFFF70];
	v9 =	vmul.f32 v0, v9;
	v15 =	vmul.f32 v5, v8  }
0x29b: {  	v16 =	vld [tilespmem:s24+$0xFFFFFFF0];
	[tilespmem:s28+$0x14010] =	vst v2;
	v2 =	vmul.f32 v7, v10  }
0x29c: {  	v10 =	vld [tilespmem:s25+$0x3260];
	[tilespmem:s28+$0x14110] =	vst v9;
	v5 =	vmul.f32 v0, v5;
	v6 =	vadd.f32 v15, v6;
	v15 =	vmul.f32 v3, v1  }
0x29d: {  	v9 =	vld [tilespmem:s25+$0x3C60];
	[tilespmem:s28+$0x14290] =	vst v2;
	v2 =	vmul.f32 v7, v8  }
0x29e: {  	v14 =	vmul.f32 $5.773502590e-01, v14;
	v8 =	vld [tilespmem:s25+$0x8260];
	[tilespmem:s28+$0x14190] =	vst v5;
	v0 =	vmul.f32 v0, v3;
	v6 =	vadd.f32 v15, v6  }
0x29f: {  	v3 =	vld [tilespmem:s25+$0x8C60];
	v1 =	vmul.f32 v7, v1;
	[tilespmem:s28+$0x14310] =	vst v2  }
0x2a0: {  	v2 =	vld [tilespmem:s25+$0x4660];
	[tilespmem:s28+$0x14210] =	vst v0;
	v5 =	vmul.f32 v14, v6  }
0x2a1: {  	v0 =	vld [tilespmem:s25+$0x9660];
	[tilespmem:s28+$0x14390] =	vst v1;
	v1 =	vmul.f32 v13, v4  }
0x2a2: {  	v6 =	vmul.f32 v12, v4;
	[tilespmem:s28+$0x14090] =	vst v5;
	v5 =	vld [tilespmem:s24+$0xFFFFFEF0]  }
0x2a3: {  	v7 =	vmul.f32 v8, v10;
	v8 =	vmul.f32 v1, v8;
	v12 =	vld [tilespmem:s19+$0x2820]  }
0x2a4: {  	v15 =	vld [tilespmem:s19+$0x7820]  }
0x2a5: {  	[tilespmem:s25+$0x14160] =	vst v8;
	v8 =	vld [tilespmem:s26+$0xFFFFFF30]  }
0x2a6: {  	v4 =	vmul.f32 v16, v11;
	v6 =	vmul.f32 v6, v11;
	v17 =	vld [tilespmem:s19+$0x3220]  }
0x2a7: {  	v11 =	vmul.f32 v3, v9;
	v3 =	vmul.f32 v1, v3;
	v14 =	vld [tilespmem:s19+$0x9620]  }
0x2a8: {  	[tilespmem:s25+$0x14060] =	vst v6;
	v6 =	vmul.f32 v4, v10;
	v10 =	vld [tilespmem:s26+$0xFFFFFE30]  }
0x2a9: {  	v7 =	vadd.f32 v11, v7;
	v11 =	vmul.f32 v0, v2;
	[tilespmem:s25+$0x141E0] =	vst v3;
	v0 =	vmul.f32 v1, v0;
	v3 =	vld [tilespmem:s25+$0x9670]  }
0x2aa: {  	v1 =	vmul.f32 v4, v2;
	[tilespmem:s25+$0x142E0] =	vst v6;
	v6 =	vmul.f32 v4, v9;
	v9 =	vld [tilespmem:s26+$0xFFFFFFB0]  }
0x2ab: {  	v7 =	vadd.f32 v11, v7;
	v11 =	vld [tilespmem:s19+$0x3C20]  }
0x2ac: {  	[tilespmem:s25+$0x143E0] =	vst v1;
	v1 =	vld [tilespmem:s25+$0x3C70];
	v5 =	vmul.f32 $5.773502590e-01, v5  }
0x2ad: {  	v4 =	vld [tilespmem:s25+$0x8C70]  }
0x2ae: {  	[tilespmem:s25+$0x14360] =	vst v6;
	v6 =	vld [tilespmem:s19+$0x8220];
	v2 =	vmul.f32 v5, v7  }
0x2af: {  	v5 =	vld [tilespmem:s25+$0x8270]  }
0x2b0: {  	[tilespmem:s25+$0x140E0] =	vst v2;
	v2 =	vld [tilespmem:s25+$0x3270]  }
0x2b1: {  	v7 =	vld [tilespmem:s19+$0x8C20];
	v18 =	vmul.f32 v10, v12  }
0x2b2: {  	[tilespmem:s25+$0x14260] =	vst v0;
	v0 =	vld [tilespmem:s25+$0x4670];
	v13 =	vmul.f32 v8, v12  }
0x2b3: {  	v10 =	vld [tilespmem:s19+$0x4620];
	v12 =	vmul.f32 v9, v15;
	v8 =	vmul.f32 v18, v15  }
0x2b4: {  	v16 =	vmul.f32 v6, v17;
	v9 =	vmul.f32 v13, v6;
	v6 =	vld [tilespmem:s24+$0xFFFFFF00]  }
0x2b5: {  	v15 =	vld [tilespmem:s26+$0xFFFFFEB0];
	v21 =	vmul.f32 v4, v1;
	v20 =	vmul.f32 v5, v2  }
0x2b6: {  	s31 =	simm.s32 $0x2000;
	[tilespmem:s28+$0x14020] =	vst v8;
	v17 =	vmul.f32 v12, v17;
	v19 =	vmul.f32 v7, v11  }
0x2b7: {  	s21 =	simm.s32 $0x200;
	s20 =	simm.s32 $0x0;
	s0 =	simm.s32 $0xCDF0;
	v8 =	vmul.f32 v3, v0;
	v18 =	vmul.f32 v13, v7;
	[tilespmem:s28+$0x14120] =	vst v9;
	v7 =	vadd.f32 v21, v20  }
.LBB2_5:
0x2b8: {  	v9 =	vld [tilespmem:s0+$0xFFFFFE10];
	p0 =	sne.s32 s31, $0x13000;
	v16 =	vadd.f32 v19, v16;
	v19 =	vmul.f32 v14, v10;
	[tilespmem:s28+$0x142A0] =	vst v17;
	v11 =	vmul.f32 v12, v11  }
0x2b9: {  	v13 =	vmul.f32 v13, v14;
	[tilespmem:s28+$0x141A0] =	vst v18;
	v14 =	vld [tilespmem:s25+$0x2870];
	v6 =	vmul.f32 $5.773502590e-01, v6;
	v7 =	vadd.f32 v8, v7  }
0x2ba: {  	v10 =	vmul.f32 v12, v10;
	v8 =	vmul.f32 $5.773502590e-01, v15;
	v15 =	vadd.f32 v19, v16;
	[tilespmem:s28+$0x14320] =	vst v11;
	v11 =	vld [tilespmem:s25+$0x7870];
	s25 =	smov.u32 s19  }
0x2bb: {  	[tilespmem:s28+$0x14220] =	vst v13;
	v12 =	vld [tilespmem:s24+$0xFFFFFE80];
	v6 =	vmul.f32 v6, v7  }
0x2bc: {  	v7 =	vmul.f32 v8, v15;
	[tilespmem:s28+$0x143A0] =	vst v10;
	v8 =	vld [tilespmem:s24+$0xFFFFFF80]  }
0x2bd: {  	v10 =	vld [tilespmem:s24+$0x0];
	[tilespmem:s20+$0x140F0] =	vst v6;
	s24 =	smov.u32 s26;
	s26 =	smov.u32 s0  }
0x2be: {  	v6 =	vld [tilespmem:s0+$0xFFFFFE90];
	[tilespmem:s28+$0x140A0] =	vst v7  }
0x2bf: {  	v7 =	vld [tilespmem:s25+$0x2830]  }
0x2c0: {  	v13 =	vld [tilespmem:s25+$0x7830];
	v12 =	vmul.f32 v12, v14  }
0x2c1: {  	v15 =	vld [tilespmem:s24+$0xFFFFFE40];
	v8 =	vmul.f32 v8, v14  }
0x2c2: {  	v14 =	vld [tilespmem:s24+$0xFFFFFF40];
	v12 =	vmul.f32 v12, v11;
	v10 =	vmul.f32 v10, v11  }
0x2c3: {  	v11 =	vld [tilespmem:s24+$0xFFFFFFC0];
	v5 =	vmul.f32 v8, v5;
	v4 =	vmul.f32 v8, v4  }
0x2c4: {  	v16 =	vld [tilespmem:s25+$0x3230];
	[tilespmem:s20+$0x14070] =	vst v12;
	v2 =	vmul.f32 v10, v2;
	v1 =	vmul.f32 v10, v1  }
0x2c5: {  	v3 =	vmul.f32 v8, v3;
	v0 =	vmul.f32 v10, v0;
	v12 =	vld [tilespmem:s25+$0x3C30];
	[tilespmem:s20+$0x14170] =	vst v5  }
0x2c6: {  	v5 =	vld [tilespmem:s25+$0x8230];
	[tilespmem:s20+$0x142F0] =	vst v2  }
0x2c7: {  	v2 =	vld [tilespmem:s25+$0x8C30];
	[tilespmem:s20+$0x141F0] =	vst v4  }
0x2c8: {  	v4 =	vld [tilespmem:s25+$0x4630];
	[tilespmem:s20+$0x14370] =	vst v1  }
0x2c9: {  	v8 =	vmul.f32 v15, v7;
	v1 =	vld [tilespmem:s25+$0x9630];
	[tilespmem:s20+$0x14270] =	vst v3  }
0x2ca: {  	v7 =	vmul.f32 v14, v7;
	v10 =	vmul.f32 v11, v13;
	v3 =	vld [tilespmem:s0+$0xFFFFFF10];
	[tilespmem:s20+$0x143F0] =	vst v0;
	s20 =	smov.u32 s28  }
0x2cb: {  	s21 =	sadd.s32 $0x200, s21;
	v8 =	vmul.f32 v8, v13;
	v0 =	vld [tilespmem:s24+$0xFFFFFEC0];
	v11 =	vmul.f32 v5, v16  }
0x2cc: {  	s19 =	sshra.s32 s21, $0x2;
	v5 =	vmul.f32 v7, v5;
	v13 =	vld [tilespmem:s0+$0xFFFFFF90];
	v14 =	vmul.f32 v2, v12  }
0x2cd: {  	v15 =	vld [tilespmem:s19+$0x2800];
	[tilespmem:s20+$0x14030] =	vst v8;
	v8 =	vmul.f32 v10, v16  }
0x2ce: {  	v2 =	vmul.f32 v7, v2;
	v16 =	vld [tilespmem:s19+$0x7800];
	v11 =	vadd.f32 v14, v11;
	v14 =	vmul.f32 v1, v4;
	[tilespmem:s20+$0x14130] =	vst v5  }
0x2cf: {  	v5 =	vld [tilespmem:s19+$0x4600];
	[tilespmem:s20+$0x142B0] =	vst v8;
	v8 =	vmul.f32 v10, v12  }
0x2d0: {  	v1 =	vmul.f32 v7, v1;
	v12 =	vld [tilespmem:s19+$0x9600];
	v0 =	vmul.f32 $5.773502590e-01, v0;
	v11 =	vadd.f32 v14, v11;
	[tilespmem:s20+$0x141B0] =	vst v2  }
0x2d1: {  	v4 =	vmul.f32 v10, v4;
	v2 =	vld [tilespmem:s19+$0x3200];
	[tilespmem:s20+$0x14330] =	vst v8  }
0x2d2: {  	v7 =	vld [tilespmem:s19+$0x3C00];
	v0 =	vmul.f32 v0, v11;
	[tilespmem:s20+$0x14230] =	vst v1  }
0x2d3: {  	v1 =	vld [tilespmem:s19+$0x8200];
	[tilespmem:s20+$0x143B0] =	vst v4  }
0x2d4: {  	v4 =	vld [tilespmem:s19+$0x8C00];
	[tilespmem:s20+$0x140B0] =	vst v0  }
0x2d5: {  	v0 =	vld [tilespmem:s25+$0x2840]  }
0x2d6: {  	v8 =	vld [tilespmem:s25+$0x7840]  }
0x2d7: {  	v9 =	vmul.f32 v9, v15;
	v3 =	vmul.f32 v3, v15;
	v10 =	vld [tilespmem:s24+$0xFFFFFE50]  }
0x2d8: {  	v13 =	vmul.f32 v13, v16;
	v11 =	vmul.f32 v1, v2;
	v14 =	vld [tilespmem:s24+$0xFFFFFF50]  }
0x2d9: {  	v9 =	vmul.f32 v9, v16;
	v15 =	vmul.f32 v4, v7;
	v16 =	vld [tilespmem:s24+$0xFFFFFFD0]  }
0x2da: {  	s28 =	sshra.s32 s31, $0x2;
	v1 =	vmul.f32 v3, v1;
	v17 =	vld [tilespmem:s25+$0x3240]  }
0x2db: {  	v2 =	vmul.f32 v13, v2;
	[tilespmem:s28+$0x14000] =	vst v9;
	v9 =	vadd.f32 v15, v11;
	v11 =	vmul.f32 v12, v5;
	v15 =	vld [tilespmem:s25+$0x3C40]  }
0x2dc: {  	[tilespmem:s28+$0x14100] =	vst v1;
	v1 =	vmul.f32 v3, v4;
	v4 =	vld [tilespmem:s25+$0x8240]  }
0x2dd: {  	v6 =	vmul.f32 $5.773502590e-01, v6;
	v9 =	vadd.f32 v11, v9;
	[tilespmem:s28+$0x14280] =	vst v2;
	v2 =	vmul.f32 v13, v7;
	v7 =	vld [tilespmem:s25+$0x8C40]  }
0x2de: {  	[tilespmem:s28+$0x14180] =	vst v1;
	v1 =	vmul.f32 v3, v12;
	v3 =	vmul.f32 v13, v5;
	v5 =	vld [tilespmem:s25+$0x4640]  }
0x2df: {  	v6 =	vmul.f32 v6, v9;
	[tilespmem:s28+$0x14300] =	vst v2;
	v2 =	vld [tilespmem:s25+$0x9640];
	v9 =	vmul.f32 v10, v0  }
0x2e0: {  	v0 =	vmul.f32 v14, v0;
	[tilespmem:s28+$0x14200] =	vst v1;
	v1 =	vmul.f32 v16, v8  }
0x2e1: {  	[tilespmem:s28+$0x14380] =	vst v3;
	v3 =	vld [tilespmem:s24+$0xFFFFFED0];
	v8 =	vmul.f32 v9, v8;
	v9 =	vmul.f32 v4, v17  }
0x2e2: {  	v4 =	vmul.f32 v0, v4;
	[tilespmem:s28+$0x14080] =	vst v6;
	v6 =	vmul.f32 v7, v15  }
0x2e3: {  	[tilespmem:s20+$0x14040] =	vst v8;
	v8 =	vmul.f32 v1, v17  }
0x2e4: {  	v6 =	vadd.f32 v6, v9;
	v9 =	vmul.f32 v2, v5;
	[tilespmem:s20+$0x14140] =	vst v4;
	v4 =	vmul.f32 v0, v7  }
0x2e5: {  	v7 =	vmul.f32 v1, v15;
	[tilespmem:s20+$0x142C0] =	vst v8  }
0x2e6: {  	v0 =	vmul.f32 v0, v2;
	v3 =	vmul.f32 $5.773502590e-01, v3;
	v6 =	vadd.f32 v9, v6;
	[tilespmem:s20+$0x141C0] =	vst v4  }
0x2e7: {  	v1 =	vmul.f32 v1, v5;
	[tilespmem:s20+$0x14340] =	vst v7  }
0x2e8: {  	v2 =	vmul.f32 v3, v6;
	[tilespmem:s20+$0x14240] =	vst v0  }
0x2e9: {  	v0 =	vld [tilespmem:s19+$0x2810];
	[tilespmem:s20+$0x143C0] =	vst v1  }
0x2ea: {  	v1 =	vld [tilespmem:s19+$0x7810];
	[tilespmem:s20+$0x140C0] =	vst v2  }
0x2eb: {  	v2 =	vld [tilespmem:s25+$0x2850]  }
0x2ec: {  	v3 =	vld [tilespmem:s25+$0x7850]  }
0x2ed: {  	v4 =	vld [tilespmem:s24+$0xFFFFFE60]  }
0x2ee: {  	v5 =	vld [tilespmem:s24+$0xFFFFFF60]  }
0x2ef: {  	v6 =	vld [tilespmem:s24+$0xFFFFFFE0]  }
0x2f0: {  	v7 =	vld [tilespmem:s25+$0x3250]  }
0x2f1: {  	v8 =	vld [tilespmem:s25+$0x3C50]  }
0x2f2: {  	v9 =	vld [tilespmem:s25+$0x8250]  }
0x2f3: {  	v10 =	vld [tilespmem:s25+$0x8C50]  }
0x2f4: {  	v11 =	vld [tilespmem:s25+$0x4650]  }
0x2f5: {  	v4 =	vmul.f32 v4, v2;
	v12 =	vld [tilespmem:s25+$0x9650]  }
0x2f6: {  	v2 =	vmul.f32 v5, v2;
	v5 =	vmul.f32 v6, v3;
	v13 =	vld [tilespmem:s0+$0xFFFFFE20]  }
0x2f7: {  	v3 =	vmul.f32 v4, v3;
	v6 =	vld [tilespmem:s24+$0xFFFFFEE0];
	v4 =	vmul.f32 v9, v7  }
0x2f8: {  	v9 =	vmul.f32 v2, v9;
	v14 =	vld [tilespmem:s0+$0xFFFFFEA0];
	v15 =	vmul.f32 v10, v8  }
0x2f9: {  	v16 =	vld [tilespmem:s0+$0xFFFFFF20];
	[tilespmem:s20+$0x14050] =	vst v3;
	v3 =	vmul.f32 v5, v7  }
0x2fa: {  	v7 =	vld [tilespmem:s0+$0xFFFFFFA0];
	v4 =	vadd.f32 v15, v4;
	v15 =	vmul.f32 v12, v11;
	[tilespmem:s20+$0x14150] =	vst v9;
	v9 =	vmul.f32 v2, v10  }
0x2fb: {  	v10 =	vld [tilespmem:s19+$0x3210];
	[tilespmem:s20+$0x142D0] =	vst v3;
	v3 =	vmul.f32 v5, v8  }
0x2fc: {  	v2 =	vmul.f32 v2, v12;
	v8 =	vld [tilespmem:s19+$0x3C10];
	v6 =	vmul.f32 $5.773502590e-01, v6;
	v4 =	vadd.f32 v15, v4;
	[tilespmem:s20+$0x141D0] =	vst v9  }
0x2fd: {  	v9 =	vld [tilespmem:s19+$0x8210];
	[tilespmem:s20+$0x14350] =	vst v3;
	v3 =	vmul.f32 v5, v11  }
0x2fe: {  	v5 =	vld [tilespmem:s19+$0x8C10];
	v4 =	vmul.f32 v6, v4;
	[tilespmem:s20+$0x14250] =	vst v2  }
0x2ff: {  	v2 =	vld [tilespmem:s19+$0x4610];
	[tilespmem:s20+$0x143D0] =	vst v3  }
0x300: {  	v6 =	vmul.f32 v13, v0;
	v3 =	vld [tilespmem:s19+$0x9610];
	[tilespmem:s20+$0x140D0] =	vst v4  }
0x301: {  	v0 =	vmul.f32 v16, v0;
	v4 =	vmul.f32 v7, v1;
	v7 =	vld [tilespmem:s25+$0x2860]  }
0x302: {  	v1 =	vmul.f32 v6, v1;
	v6 =	vmul.f32 v9, v10;
	v11 =	vld [tilespmem:s25+$0x7860]  }
0x303: {  	v9 =	vmul.f32 v0, v9;
	v12 =	vmul.f32 v5, v8;
	v13 =	vld [tilespmem:s24+$0xFFFFFE70]  }
0x304: {  	[tilespmem:s28+$0x14010] =	vst v1;
	v1 =	vmul.f32 v4, v10;
	v10 =	vld [tilespmem:s24+$0xFFFFFF70]  }
0x305: {  	v5 =	vmul.f32 v0, v5;
	v6 =	vadd.f32 v12, v6;
	v12 =	vmul.f32 v3, v2;
	[tilespmem:s28+$0x14110] =	vst v9;
	v9 =	vld [tilespmem:s24+$0xFFFFFFF0]  }
0x306: {  	[tilespmem:s28+$0x14290] =	vst v1;
	v1 =	vmul.f32 v4, v8;
	v8 =	vld [tilespmem:s25+$0x3260]  }
0x307: {  	v14 =	vmul.f32 $5.773502590e-01, v14;
	v0 =	vmul.f32 v0, v3;
	v6 =	vadd.f32 v12, v6;
	[tilespmem:s28+$0x14190] =	vst v5;
	v3 =	vld [tilespmem:s25+$0x3C60]  }
0x308: {  	[tilespmem:s28+$0x14310] =	vst v1;
	v1 =	vmul.f32 v4, v2;
	v2 =	vld [tilespmem:s25+$0x8260]  }
0x309: {  	v4 =	vmul.f32 v14, v6;
	[tilespmem:s28+$0x14210] =	vst v0;
	v0 =	vld [tilespmem:s25+$0x8C60]  }
0x30a: {  	[tilespmem:s28+$0x14390] =	vst v1;
	v1 =	vld [tilespmem:s25+$0x4660]  }
0x30b: {  	v5 =	vmul.f32 v13, v7;
	[tilespmem:s28+$0x14090] =	vst v4;
	v4 =	vld [tilespmem:s25+$0x9660]  }
0x30c: {  	v7 =	vmul.f32 v10, v7;
	v9 =	vmul.f32 v9, v11;
	v6 =	vld [tilespmem:s19+$0x2820]  }
0x30d: {  	v5 =	vmul.f32 v5, v11;
	v12 =	vld [tilespmem:s24+$0xFFFFFEF0];
	v10 =	vmul.f32 v2, v8  }
0x30e: {  	v2 =	vmul.f32 v7, v2;
	v15 =	vld [tilespmem:s19+$0x7820];
	v11 =	vmul.f32 v0, v3  }
0x30f: {  	v13 =	vld [tilespmem:s0+$0xFFFFFE30];
	[tilespmem:s20+$0x14060] =	vst v5;
	v5 =	vmul.f32 v9, v8  }
0x310: {  	v0 =	vmul.f32 v7, v0;
	v8 =	vld [tilespmem:s0+$0xFFFFFF30];
	v11 =	vadd.f32 v11, v10;
	v14 =	vmul.f32 v4, v1;
	[tilespmem:s20+$0x14160] =	vst v2  }
0x311: {  	v2 =	vmul.f32 v9, v3;
	v17 =	vld [tilespmem:s0+$0xFFFFFFB0];
	[tilespmem:s20+$0x142E0] =	vst v5  }
0x312: {  	v10 =	vld [tilespmem:s19+$0x4620];
	v3 =	vmul.f32 $5.773502590e-01, v12;
	v5 =	vadd.f32 v14, v11;
	[tilespmem:s20+$0x141E0] =	vst v0;
	v0 =	vmul.f32 v7, v4  }
0x313: {  	v1 =	vmul.f32 v9, v1;
	v7 =	vld [tilespmem:s19+$0x3220];
	[tilespmem:s20+$0x14360] =	vst v2  }
0x314: {  	v11 =	vld [tilespmem:s19+$0x3C20];
	v2 =	vmul.f32 v3, v5;
	[tilespmem:s20+$0x14260] =	vst v0  }
0x315: {  	v9 =	vld [tilespmem:s19+$0x8220];
	[tilespmem:s20+$0x143E0] =	vst v1  }
0x316: {  	v18 =	vld [tilespmem:s19+$0x8C20];
	[tilespmem:s20+$0x140E0] =	vst v2  }
0x317: {  	v2 =	vld [tilespmem:s25+$0x3270]  }
0x318: {  	v1 =	vld [tilespmem:s25+$0x3C70]  }
0x319: {  	v5 =	vld [tilespmem:s25+$0x8270]  }
0x31a: {  	v4 =	vld [tilespmem:s25+$0x8C70]  }
0x31b: {  	v0 =	vld [tilespmem:s25+$0x4670]  }
0x31c: {  	v19 =	vmul.f32 v13, v6;
	v13 =	vmul.f32 v8, v6;
	v3 =	vld [tilespmem:s25+$0x9670]  }
.Ltmp3:
0x31d: {  	v12 =	vmul.f32 v17, v15;
	v16 =	vmul.f32 v9, v7;
	v14 =	vld [tilespmem:s19+$0x9620];
	(pc) =	sbr.rel @p0 .LBB2_5-.Ltmp3, $4  }
0x31e: {  	v8 =	vmul.f32 v19, v15;
	v9 =	vmul.f32 v13, v9;
	v6 =	vld [tilespmem:s24+$0xFFFFFF00]  }
0x31f: {  	v20 =	vmul.f32 v5, v2;
	v15 =	vld [tilespmem:s0+$0xFFFFFEB0];
	v21 =	vmul.f32 v4, v1  }
0x320: {  	v17 =	vmul.f32 v12, v7;
	v19 =	vmul.f32 v18, v11;
	[tilespmem:s28+$0x14020] =	vst v8  }
0x321: {  	s31 =	sadd.s32 $0x1000, s31;
	v18 =	vmul.f32 v13, v18;
	s0 =	sadd.s32 $0x200, s0;
	[tilespmem:s28+$0x14120] =	vst v9;
	v7 =	vadd.f32 v21, v20;
	v8 =	vmul.f32 v3, v0  }
0x322: {  	v9 =	vadd.f32 v19, v16;
	v50 =	vmul.f32 v14, v10  }
0x323: {  	[tilespmem:s28+$0x142A0] =	vst v17;
	v11 =	vmul.f32 v12, v11  }
0x324: {  	v13 =	vmul.f32 v13, v14;
	[tilespmem:s28+$0x141A0] =	vst v18;
	v51 =	vmul.f32 $5.773502590e-01, v15;
	v9 =	vadd.f32 v50, v9  }
0x325: {  	v52 =	vmul.f32 v12, v10;
	[tilespmem:s28+$0x14320] =	vst v11  }
0x326: {  	[tilespmem:s28+$0x14220] =	vst v13;
	v9 =	vmul.f32 v51, v9  }
0x327: {  	[tilespmem:s28+$0x143A0] =	vst v52  }
0x328: {  	[tilespmem:s28+$0x140A0] =	vst v9  }
0x329: {  	v9 =	vld [tilespmem:s19+$0x2830]  }
0x32a: {  	v10 =	vld [tilespmem:s19+$0x7830]  }
0x32b: {  	v11 =	vld [tilespmem:s26+$0xFFFFFE40]  }
0x32c: {  	v53 =	vld [tilespmem:s26+$0xFFFFFF40]  }
0x32d: {  	v13 =	vld [tilespmem:s26+$0xFFFFFFC0]  }
0x32e: {  	v54 =	vld [tilespmem:s19+$0x3230]  }
0x32f: {  	v55 =	vld [tilespmem:s19+$0x3C30]  }
0x330: {  	v56 =	vld [tilespmem:s19+$0x8230]  }
0x331: {  	v17 =	vld [tilespmem:s19+$0x8C30]  }
0x332: {  	v18 =	vld [tilespmem:s19+$0x4630]  }
0x333: {  	v57 =	vld [tilespmem:s19+$0x9630];
	v11 =	vmul.f32 v11, v9  }
0x334: {  	v9 =	vmul.f32 v53, v9;
	v58 =	vmul.f32 v13, v10  }
0x335: {  	v59 =	vld [tilespmem:s26+$0xFFFFFEC0];
	v60 =	vmul.f32 v56, v54;
	v10 =	vmul.f32 v11, v10  }
0x336: {  	v20 =	vmul.f32 v17, v55;
	v16 =	vmul.f32 v9, v56  }
0x337: {  	v61 =	vmul.f32 v58, v54;
	[tilespmem:s28+$0x14030] =	vst v10  }
0x338: {  	v62 =	vmul.f32 v57, v18;
	v11 =	vadd.f32 v20, v60;
	v63 =	vmul.f32 v9, v17;
	[tilespmem:s28+$0x14130] =	vst v16  }
0x339: {  	v20 =	vmul.f32 v58, v55;
	[tilespmem:s28+$0x142B0] =	vst v61  }
0x33a: {  	v13 =	vmul.f32 $5.773502590e-01, v59;
	v9 =	vmul.f32 v9, v57;
	v11 =	vadd.f32 v62, v11;
	[tilespmem:s28+$0x141B0] =	vst v63  }
0x33b: {  	v21 =	vmul.f32 v58, v18;
	[tilespmem:s28+$0x14330] =	vst v20  }
0x33c: {  	[tilespmem:s28+$0x14230] =	vst v9;
	v11 =	vmul.f32 v13, v11  }
0x33d: {  	[tilespmem:s28+$0x143B0] =	vst v21  }
0x33e: {  	[tilespmem:s28+$0x140B0] =	vst v11  }
0x33f: {  	v9 =	vld [tilespmem:s19+$0x2840]  }
0x340: {  	v10 =	vld [tilespmem:s19+$0x7840]  }
0x341: {  	v11 =	vld [tilespmem:s26+$0xFFFFFE50]  }
0x342: {  	v22 =	vld [tilespmem:s26+$0xFFFFFF50]  }
0x343: {  	v23 =	vld [tilespmem:s26+$0xFFFFFFD0]  }
0x344: {  	v24 =	vld [tilespmem:s19+$0x3240]  }
0x345: {  	v25 =	vld [tilespmem:s19+$0x3C40]  }
0x346: {  	v16 =	vld [tilespmem:s19+$0x8240]  }
0x347: {  	v26 =	vld [tilespmem:s19+$0x8C40]  }
0x348: {  	v27 =	vld [tilespmem:s19+$0x4640]  }
0x349: {  	v28 =	vld [tilespmem:s19+$0x9640];
	v11 =	vmul.f32 v11, v9  }
0x34a: {  	v9 =	vmul.f32 v22, v9;
	v29 =	vmul.f32 v23, v10  }
0x34b: {  	v30 =	vld [tilespmem:s26+$0xFFFFFED0];
	v31 =	vmul.f32 v16, v24;
	v10 =	vmul.f32 v11, v10  }
0x34c: {  	v32 =	vmul.f32 v26, v25;
	v16 =	vmul.f32 v9, v16  }
0x34d: {  	v33 =	vmul.f32 v29, v24;
	[tilespmem:s28+$0x14040] =	vst v10  }
0x34e: {  	v34 =	vmul.f32 v28, v27;
	v11 =	vadd.f32 v32, v31;
	v35 =	vmul.f32 v9, v26;
	[tilespmem:s28+$0x14140] =	vst v16  }
0x34f: {  	v36 =	vmul.f32 v29, v25;
	[tilespmem:s28+$0x142C0] =	vst v33  }
0x350: {  	v13 =	vmul.f32 $5.773502590e-01, v30;
	v9 =	vmul.f32 v9, v28;
	v11 =	vadd.f32 v34, v11;
	[tilespmem:s28+$0x141C0] =	vst v35  }
0x351: {  	v37 =	vmul.f32 v29, v27;
	[tilespmem:s28+$0x14340] =	vst v36  }
0x352: {  	[tilespmem:s28+$0x14240] =	vst v9;
	v11 =	vmul.f32 v13, v11  }
0x353: {  	[tilespmem:s28+$0x143C0] =	vst v37  }
0x354: {  	[tilespmem:s28+$0x140C0] =	vst v11  }
0x355: {  	v9 =	vld [tilespmem:s19+$0x2850]  }
0x356: {  	v10 =	vld [tilespmem:s19+$0x7850]  }
0x357: {  	v11 =	vld [tilespmem:s26+$0xFFFFFE60]  }
0x358: {  	v38 =	vld [tilespmem:s26+$0xFFFFFF60]  }
0x359: {  	v39 =	vld [tilespmem:s26+$0xFFFFFFE0]  }
0x35a: {  	v40 =	vld [tilespmem:s19+$0x3250]  }
0x35b: {  	v41 =	vld [tilespmem:s19+$0x3C50]  }
0x35c: {  	v16 =	vld [tilespmem:s19+$0x8250]  }
0x35d: {  	v42 =	vld [tilespmem:s19+$0x8C50]  }
0x35e: {  	v43 =	vld [tilespmem:s19+$0x4650]  }
0x35f: {  	v44 =	vld [tilespmem:s19+$0x9650];
	v11 =	vmul.f32 v11, v9  }
0x360: {  	v9 =	vmul.f32 v38, v9;
	v45 =	vmul.f32 v39, v10  }
0x361: {  	v46 =	vld [tilespmem:s26+$0xFFFFFEE0];
	v47 =	vmul.f32 v16, v40;
	v10 =	vmul.f32 v11, v10  }
0x362: {  	v48 =	vmul.f32 v42, v41;
	v16 =	vmul.f32 v9, v16  }
0x363: {  	v49 =	vmul.f32 v45, v40;
	[tilespmem:s28+$0x14050] =	vst v10  }
0x364: {  	v50 =	vmul.f32 v44, v43;
	v11 =	vadd.f32 v48, v47;
	v51 =	vmul.f32 v9, v42;
	[tilespmem:s28+$0x14150] =	vst v16  }
0x365: {  	v52 =	vmul.f32 v45, v41;
	[tilespmem:s28+$0x142D0] =	vst v49  }
0x366: {  	v13 =	vmul.f32 $5.773502590e-01, v46;
	v9 =	vmul.f32 v9, v44;
	v11 =	vadd.f32 v50, v11;
	[tilespmem:s28+$0x141D0] =	vst v51  }
0x367: {  	v53 =	vmul.f32 v45, v43;
	[tilespmem:s28+$0x14350] =	vst v52  }
0x368: {  	[tilespmem:s28+$0x14250] =	vst v9;
	v11 =	vmul.f32 v13, v11  }
0x369: {  	[tilespmem:s28+$0x143D0] =	vst v53  }
0x36a: {  	[tilespmem:s28+$0x140D0] =	vst v11  }
0x36b: {  	v9 =	vld [tilespmem:s19+$0x2860]  }
0x36c: {  	v10 =	vld [tilespmem:s19+$0x7860]  }
0x36d: {  	v11 =	vld [tilespmem:s26+$0xFFFFFE70]  }
0x36e: {  	v54 =	vld [tilespmem:s26+$0xFFFFFF70]  }
0x36f: {  	v55 =	vld [tilespmem:s26+$0xFFFFFFF0]  }
0x370: {  	v56 =	vld [tilespmem:s19+$0x3260]  }
0x371: {  	v57 =	vld [tilespmem:s19+$0x3C60]  }
0x372: {  	v16 =	vld [tilespmem:s19+$0x8260]  }
0x373: {  	v58 =	vld [tilespmem:s19+$0x8C60]  }
0x374: {  	v59 =	vld [tilespmem:s19+$0x4660]  }
0x375: {  	v60 =	vld [tilespmem:s19+$0x9660];
	v11 =	vmul.f32 v11, v9  }
0x376: {  	v9 =	vmul.f32 v54, v9;
	v61 =	vmul.f32 v55, v10  }
0x377: {  	v62 =	vld [tilespmem:s26+$0xFFFFFEF0];
	v63 =	vmul.f32 v16, v56;
	v10 =	vmul.f32 v11, v10  }
0x378: {  	v24 =	vmul.f32 v58, v57;
	v16 =	vmul.f32 v9, v16  }
0x379: {  	v25 =	vmul.f32 v61, v56;
	[tilespmem:s28+$0x14060] =	vst v10  }
0x37a: {  	v26 =	vmul.f32 v60, v59;
	v11 =	vadd.f32 v24, v63;
	v27 =	vmul.f32 v9, v58;
	[tilespmem:s28+$0x14160] =	vst v16  }
0x37b: {  	v28 =	vmul.f32 v61, v57;
	[tilespmem:s28+$0x142E0] =	vst v25  }
0x37c: {  	v30 =	vld [tilespmem:s25+$0x7870];
	v13 =	vmul.f32 $5.773502590e-01, v62;
	v9 =	vmul.f32 v9, v60;
	v11 =	vadd.f32 v26, v11;
	[tilespmem:s28+$0x141E0] =	vst v27  }
0x37d: {  	v29 =	vld [tilespmem:s25+$0x2870];
	v31 =	vmul.f32 v61, v59;
	[tilespmem:s28+$0x14360] =	vst v28  }
0x37e: {  	v32 =	vld [tilespmem:s24+$0xFFFFFE80];
	[tilespmem:s28+$0x14260] =	vst v9;
	v11 =	vmul.f32 v13, v11  }
0x37f: {  	v33 =	vld [tilespmem:s24+$0xFFFFFF80];
	[tilespmem:s28+$0x143E0] =	vst v31  }
0x380: {  	v34 =	vld [tilespmem:s24+$0x0];
	[tilespmem:s28+$0x140E0] =	vst v11  }
0x381: {  	v11 =	vld [tilespmem:s19+$0x3270]  }
0x382: {  	v35 =	vld [tilespmem:s19+$0x3C70]  }
0x383: {  	v6 =	vmul.f32 $5.773502590e-01, v6;
	v7 =	vadd.f32 v8, v7;
	v16 =	vld [tilespmem:s19+$0x8270]  }
0x384: {  	v38 =	vmul.f32 v32, v29;
	v42 =	vld [tilespmem:s19+$0x2870]  }
0x385: {  	v6 =	vmul.f32 v6, v7;
	v9 =	vmul.f32 v33, v29;
	v43 =	vld [tilespmem:s19+$0x7870]  }
0x386: {  	v41 =	vmul.f32 v38, v30;
	v10 =	vmul.f32 v34, v30;
	v46 =	vld [tilespmem:s26+$0xFFFFFE80]  }
0x387: {  	[tilespmem:s20+$0x140F0] =	vst v6;
	v5 =	vmul.f32 v9, v5;
	v47 =	vld [tilespmem:s26+$0xFFFFFF80]  }
0x388: {  	[tilespmem:s20+$0x14070] =	vst v41;
	v2 =	vmul.f32 v10, v2;
	v50 =	vld [tilespmem:s26+$0x0]  }
0x389: {  	v4 =	vmul.f32 v9, v4;
	[tilespmem:s20+$0x14170] =	vst v5;
	v36 =	vld [tilespmem:s19+$0x8C70]  }
0x38a: {  	v1 =	vmul.f32 v10, v1;
	v51 =	vmul.f32 v9, v3;
	[tilespmem:s20+$0x142F0] =	vst v2;
	v37 =	vld [tilespmem:s19+$0x4670]  }
0x38b: {  	v0 =	vmul.f32 v10, v0;
	[tilespmem:s20+$0x141F0] =	vst v4;
	v39 =	vld [tilespmem:s19+$0x9670];
	v54 =	vmul.f32 v46, v42  }
0x38c: {  	[tilespmem:s20+$0x14370] =	vst v1;
	v44 =	vmul.f32 v16, v11;
	v56 =	vmul.f32 v47, v42  }
0x38d: {  	[tilespmem:s20+$0x14270] =	vst v51;
	v40 =	vld [tilespmem:s26+$0xFFFFFF00];
	v58 =	vmul.f32 v50, v43;
	v57 =	vmul.f32 v54, v43  }
0x38e: {  	[tilespmem:s20+$0x143F0] =	vst v0;
	v45 =	vmul.f32 v36, v35;
	v59 =	vmul.f32 v56, v16  }
0x38f: {  	v60 =	vmul.f32 v58, v11;
	[tilespmem:s28+$0x14070] =	vst v57  }
0x390: {  	v49 =	vmul.f32 v39, v37;
	v48 =	vadd.f32 v45, v44;
	v61 =	vmul.f32 v56, v36;
	[tilespmem:s28+$0x14170] =	vst v59  }
0x391: {  	v62 =	vmul.f32 v58, v35;
	[tilespmem:s28+$0x142F0] =	vst v60  }
0x392: {  	v52 =	vmul.f32 $5.773502590e-01, v40;
	v63 =	vmul.f32 v56, v39;
	v53 =	vadd.f32 v49, v48;
	[tilespmem:s28+$0x141F0] =	vst v61  }
.Ltmp4:
0x393: {  	s0 =	sadd.s32 s23, s13;
	v1 =	vmul.f32 v58, v37;
	[tilespmem:s28+$0x14370] =	vst v62;
	(pc) =	sbr.rel @p1 .LBB2_8-.Ltmp4, $4  }
0x394: {  	s0 =	sshll.u32 s0, $0x7;
	[tilespmem:s28+$0x14270] =	vst v63;
	v55 =	vmul.f32 v52, v53  }
0x395: {  	s0 =	sand.u32 $0x1FFFFE00, s0;
	[tilespmem:s28+$0x143F0] =	vst v1  }
0x396: {  	s0 =	sadd.s32 s5, s0;
	[tilespmem:s28+$0x140F0] =	vst v55  }
0x397: {  	[hbm4b:s0+s6] =	stream.linear.scatter [tilespmem:s18], [sflag:$0x4], $0x5000, $0x38;
	[tilespmem:$0x19000] =	vst v63  }
0x398: {  	s0 =	sadd.s32 s23, s30  }
0x399: {  	s19 =	sshll.u32 s0, $0x4  }
0x39a: {  	s20 =	sand.u32 $0x1FFFFFC0, s19  }
0x39b: {  	s31 =	simm.s32 $0x2800;
	s19 =	sand.u32 $0x1FFFFFF0, s19;
	s21 =	sadd.s32 s1, s20  }
0x39c: {  	[tilespmem:s31], [sflag:$0x2] =	stream.linear.gather [hbm4b:s21+s6], $0xA00, $0x38;
	[tilespmem:$0x19000] =	vst v63  }
0x39d: {  	s23 =	simm.s32 $0x7800;
	s20 =	sadd.s32 s2, s20;
	s24 =	sadd.s32 $0x271000, s19  }
0x39e: {  	[tilespmem:s23], [sflag:$0x2] =	stream.linear.gather [hbm4b:s20+s6], $0xA00, $0x38;
	[tilespmem:$0x19000] =	vst v63  }
0x39f: {  	s25 =	sadd.s32 s1, s24  }
0x3a0: {  	[tilespmem:s3], [sflag:$0x2] =	stream.linear.gather [hbm4b:s25+s6], $0xA00, $0x38;
	[tilespmem:$0x19000] =	vst v63  }
0x3a1: {  	s26 =	sadd.s32 $0x4E2000, s19;
	s20 =	sadd.s32 s2, s24  }
0x3a2: {  	[tilespmem:s8], [sflag:$0x2] =	stream.linear.gather [hbm4b:s20+s6], $0xA00, $0x38;
	[tilespmem:$0x19000] =	vst v63  }
0x3a3: {  	s28 =	sadd.s32 s1, s26  }
0x3a4: {  	[tilespmem:s9], [sflag:$0x2] =	stream.linear.gather [hbm4b:s28+s6], $0xA00, $0x38;
	[tilespmem:$0x19000] =	vst v63  }
0x3a5: {  	s19 =	sadd.s32 $0x753000, s19;
	s20 =	sadd.s32 s2, s26  }
0x3a6: {  	[tilespmem:s10], [sflag:$0x2] =	stream.linear.gather [hbm4b:s20+s6], $0xA00, $0x38;
	[tilespmem:$0x19000] =	vst v63  }
0x3a7: {  	s31 =	sadd.s32 s1, s19  }
0x3a8: {  	[tilespmem:s11], [sflag:$0x2] =	stream.linear.gather [hbm4b:s31+s6], $0xA00, $0x38;
	[tilespmem:$0x19000] =	vst v63  }
.Ltmp5:
0x3a9: {  	s0 =	sshll.u32 s0, $0x6;
	(pc) =	sbr.rel .LBB2_2-.Ltmp5, $4  }
0x3aa: {  	s0 =	sand.u32 $0x1FFFFF00, s0;
	s19 =	sadd.s32 s2, s19  }
0x3ab: {  	[tilespmem:s12], [sflag:$0x2] =	stream.linear.gather [hbm4b:s19+s6], $0xA00, $0x38;
	[tilespmem:$0x19000] =	vst v63  }
0x3ac: {  	s22 =	sadd.s32 $0x1, s22;
	s0 =	sadd.s32 s4, s0  }
0x3ad: {  	[tilespmem:s14], [sflag:$0x2] =	stream.linear.gather [hbm4b:s0+s6], $0x2800, $0x38;
	[tilespmem:$0x19000] =	vst v63  }
.LBB2_9:
0x3ae: {  	_ =	sfence.sel $0x180000  }
0x3af: {  	[bflag:$0x0] =	sbarrier.arrive $0xFFFF  }
0x3b0: {  	_ =	strace $0x90000047  }
0x3b1: {  	s0 =	stileid.u32;
	[bflag:$0x2] =	sbarrier.arrive $0xFFFF  }
0x3b2: {  	p0 =	sne.s32 s0, $0x0;
	s0 =	rddreg [dreg:$0x4]  }
0x3b3: {  	s0 =	sadd.s32 @!p0 $0x100000, s0  }
0x3b4: {  	[sflag:s0] =	ssyncadd.tile.s32 @!p0 $0x1;
	_ =	shalt  }
.Lfunc_end2:
_tile_overlayer_lowered:
.L_overlay_start_2:
0x3b5: {  	(tag) =	ssettag $0x2  }
0x3b6: {  	s0 =	rddreg [dreg:$0x0];
	s2 =	stileid.u32  }
0x3b7: {  	s1 =	rddreg [dreg:$0x1];
	p0 =	sne.s32 s2, $0x0  }
0x3b8: {  	s3 =	rddreg [dreg:$0x2];
	[bflag:$0x3] =	sbarrier.arrive $0xFFFF;
	s2 =	simm.s32 @!p0 $0x1C05  }
0x3b9: {  	[timem:s3], [sflag:s2] =	dma.local @!p0 [hbm:s0], s1  }
0x3ba: {  	s0 =	simm.s32 @!p0 $0x5  }
0x3bb: {  	_ =	swait.ge @!p0 [sflag:s0], s1  }
0x3bc: {  	s1 =	ssub.s32 @!p0 $0x0, s1;
	[sflag:s0] =	ssyncset.done @!p0 $0x0  }
0x3bd: {  	[sflag:s0] =	ssyncadd.s32 @!p0 s1  }
0x3be: {  	[bflag:$0x3] =	sbarrier.arrive $0xFFFF  }
0x3bf: {  	_ =	shalt  }

</sc_bundles>
